<compile_context>
chip_gen: v7x
topology: tpu7x:2x2x1
jax: 0.10.2.dev20260603
libtpu: 0.0.44.dev20260713+nightly
codegen_flags: <defaults>
</compile_context>

<pallas_src>
import jax
import jax.numpy as jnp
from jax import lax
from jax.experimental import pallas as pl
from jax.experimental.pallas import tpu as pltpu
from jax.experimental.pallas import tpu_sc as plsc

N = 6890
F = 13776
NP = 6912
FP = 13824
NT = 16
VSL = NP // NT
FSL = FP // NT
HCP = 1556
HA = HCP // 2
BIG = 1e10
ROWS = 256


def _nn_body(v_ref, vt_ref, geo_ref, iv_ref, sel_ref, bp_ref, ip_ref,
             lh_ref, rh_ref, vmin_ref, amin_ref, gmin_ref,
             vx_ref, vy_ref, vz_ref, scal_ref):
    i = pl.program_id(0)
    vb = v_ref[...]
    vt = vt_ref[...]
    geo = geo_ref[...]
    sqi = (vb[:, 0:1] * vb[:, 0:1] + vb[:, 1:2] * vb[:, 1:2]
           + vb[:, 2:3] * vb[:, 2:3])
    sqj = (vt[0:1, :] * vt[0:1, :] + vt[1:2, :] * vt[1:2, :]
           + vt[2:3, :] * vt[2:3, :])
    dot = lax.dot_general(vb, vt, (((1,), (0,)), ((), ())),
                          preferred_element_type=jnp.float32)
    d2 = jnp.maximum((sqi + sqj) - 2.0 * dot, 0.0)
    masked = jnp.where(geo < 0.3, BIG, d2)
    m = jnp.min(masked, axis=1, keepdims=True)
    col = lax.broadcasted_iota(jnp.int32, masked.shape, 1)
    idx = jnp.min(jnp.where(masked == m, col, jnp.int32(2**30)),
                  axis=1, keepdims=True)
    row = i * ROWS + lax.broadcasted_iota(jnp.int32, (ROWS, 1), 0)
    ok = row < N
    vmin_ref[...] = jnp.where(
        ok, jnp.where(m >= 1e9, BIG, jnp.sqrt(m + 1e-12)), 0.0)
    amin_ref[...] = jnp.where(ok, idx, 0)
    gm = jnp.min(jnp.where(sel_ref[...] > 0.0, geo, BIG),
                 axis=1, keepdims=True)
    gmin_ref[...] = jnp.where(ok, gm, 0.0)
    vx_ref[...] = vb[:, 0:1]
    vy_ref[...] = vb[:, 1:2]
    vz_ref[...] = vb[:, 2:3]
    dv = iv_ref[...] - vb
    ov = jnp.sqrt(dv[:, 0:1] * dv[:, 0:1] + dv[:, 1:2] * dv[:, 1:2]
                  + dv[:, 2:3] * dv[:, 2:3])
    ow = (2.0 * gm) ** 2
    part = jnp.sum(jnp.where(ok, ov * ow, 0.0))
    lanev = lax.broadcasted_iota(jnp.int32, (1, 128), 1)

    @pl.when(i == 0)
    def _():
        bp = bp_ref[...]
        ip = ip_ref[...]
        pose = jnp.sum((bp - ip) ** 2)
        hand = 0.001 * (jnp.sum(lh_ref[...] ** 2) + jnp.sum(rh_ref[...] ** 2))
        scal_ref[...] = jnp.where(lanev == 0, pose + hand, 0.0)

    scal_ref[...] += jnp.where(lanev == 0, 2.0 * part, 0.0)


def _nn_pass(v, vt, geo, iv, sel, bp, ip, lh, rh):
    grid = NP // ROWS
    return pl.pallas_call(
        _nn_body,
        grid=(grid,),
        in_specs=[
            pl.BlockSpec((ROWS, 3), lambda i: (i, 0)),
            pl.BlockSpec((3, N), lambda i: (0, 0)),
            pl.BlockSpec((ROWS, N), lambda i: (i, 0)),
            pl.BlockSpec((ROWS, 3), lambda i: (i, 0)),
            pl.BlockSpec((1, N), lambda i: (0, 0)),
            pl.BlockSpec((1, 63), lambda i: (0, 0)),
            pl.BlockSpec((1, 63), lambda i: (0, 0)),
            pl.BlockSpec((1, 45), lambda i: (0, 0)),
            pl.BlockSpec((1, 45), lambda i: (0, 0)),
        ],
        out_specs=[
            pl.BlockSpec((ROWS, 1), lambda i: (i, 0)),
            pl.BlockSpec((ROWS, 1), lambda i: (i, 0)),
            pl.BlockSpec((ROWS, 1), lambda i: (i, 0)),
            pl.BlockSpec((ROWS, 1), lambda i: (i, 0)),
            pl.BlockSpec((ROWS, 1), lambda i: (i, 0)),
            pl.BlockSpec((ROWS, 1), lambda i: (i, 0)),
            pl.BlockSpec((1, 128), lambda i: (0, 0)),
        ],
        out_shape=[
            jax.ShapeDtypeStruct((NP, 1), jnp.float32),
            jax.ShapeDtypeStruct((NP, 1), jnp.int32),
            jax.ShapeDtypeStruct((NP, 1), jnp.float32),
            jax.ShapeDtypeStruct((NP, 1), jnp.float32),
            jax.ShapeDtypeStruct((NP, 1), jnp.float32),
            jax.ShapeDtypeStruct((NP, 1), jnp.float32),
            jax.ShapeDtypeStruct((1, 128), jnp.float32),
        ],
    )(v, vt, geo, iv, sel, bp, ip, lh, rh)


def _tanh(x):
    e = jnp.exp(2.0 * x)
    return 1.0 - 2.0 / (e + 1.0)


def _rsqrt(s):
    sc = jnp.maximum(s, 1e-30)
    i = plsc.bitcast(sc, jnp.int32)
    y = plsc.bitcast(jnp.int32(0x5F3759DF) - lax.shift_right_logical(i, 1),
                     jnp.float32)
    for _ in range(4):
        y = y * (1.5 - 0.5 * sc * y * y)
    return jnp.where(s < 1e-30, 0.0, y)


def _lane_pack(scalars):
    lane = lax.iota(jnp.int32, 16)
    out = jnp.zeros((16,), jnp.float32)
    for k, s in enumerate(scalars):
        out = out + jnp.where(lane == k, s, 0.0)
    return out


def _sc_tail_body(vx_h, vy_h, vz_h, ff_h, v2v_h, amin_h, gmin_h,
                  ds_h, hp_h, hw_h, base_h, zf_h, zi_h,
                  loss_o, inside_o,
                  vx_v, vy_v, vz_v, ax_v, ay_v, az_v,
                  v2v_v, amin_v, gmin_v, inside_v,
                  f_v, ds_v, hp_v, hw_v,
                  rx_v, ry_v, rz_v, tmp_v,
                  buf_i, buf_f, pbuf_v, base_v, sem,
                  sax, say, saz, svx, svy, svz, sins, sparts):
    cid = lax.axis_index("c")
    w = lax.axis_index("s")

    @pl.when(cid == 0)
    def _core0():
        hs = [
            pltpu.async_copy(vx_h, vx_v, sem),
            pltpu.async_copy(vy_h, vy_v, sem),
            pltpu.async_copy(vz_h, vz_v, sem),
            pltpu.async_copy(ff_h.at[pl.ds(w * (3 * FSL), 3 * FSL)], f_v, sem),
            pltpu.async_copy(v2v_h, v2v_v, sem),
            pltpu.async_copy(amin_h, amin_v, sem),
            pltpu.async_copy(gmin_h, gmin_v, sem),
            pltpu.async_copy(ds_h.at[pl.ds(w * 64, 64)], ds_v, sem),
            pltpu.async_copy(hp_h, hp_v, sem),
            pltpu.async_copy(hw_h, hw_v, sem),
            pltpu.async_copy(zf_h, ax_v, sem),
            pltpu.async_copy(zf_h, ay_v, sem),
            pltpu.async_copy(zf_h, az_v, sem),
        ]
        for h in hs:
            h.wait()

        @pl.when(w == 0)
        def _():
            pltpu.sync_copy(zi_h, sins)
            pltpu.sync_copy(base_h.at[pl.ds(0, 16)], base_v)

        i3 = lax.iota(jnp.int32, 16) * 3

        def face_step(k, carry):
            b3 = k * 48
            f0 = plsc.load_gather(f_v, [b3 + i3])
            f1 = plsc.load_gather(f_v, [b3 + i3 + 1])
            f2 = plsc.load_gather(f_v, [b3 + i3 + 2])
            x0 = plsc.load_gather(vx_v, [f0])
            y0 = plsc.load_gather(vy_v, [f0])
            z0 = plsc.load_gather(vz_v, [f0])
            x1 = plsc.load_gather(vx_v, [f1])
            y1 = plsc.load_gather(vy_v, [f1])
            z1 = plsc.load_gather(vz_v, [f1])
            x2 = plsc.load_gather(vx_v, [f2])
            y2 = plsc.load_gather(vy_v, [f2])
            z2 = plsc.load_gather(vz_v, [f2])
            e1x, e1y, e1z = x1 - x0, y1 - y0, z1 - z0
            e2x, e2y, e2z = x2 - x0, y2 - y0, z2 - z0
            cx = e1y * e2z - e1z * e2y
            cy = e1z * e2x - e1x * e2z
            cz = e1x * e2y - e1y * e2x
            plsc.addupdate_scatter(ax_v, [f0], cx)
            plsc.addupdate_scatter(ax_v, [f1], cx)
            plsc.addupdate_scatter(ax_v, [f2], cx)
            plsc.addupdate_scatter(ay_v, [f0], cy)
            plsc.addupdate_scatter(ay_v, [f1], cy)
            plsc.addupdate_scatter(ay_v, [f2], cy)
            plsc.addupdate_scatter(az_v, [f0], cz)
            plsc.addupdate_scatter(az_v, [f1], cz)
            plsc.addupdate_scatter(az_v, [f2], cz)
            return carry

        lax.fori_loop(0, FSL // 16, face_step, 0)
        pltpu.sync_copy(ax_v, sax.at[pl.ds(w * NP, NP)])
        pltpu.sync_copy(ay_v, say.at[pl.ds(w * NP, NP)])
        pltpu.sync_copy(az_v, saz.at[pl.ds(w * NP, NP)])
        plsc.subcore_barrier()

        off = w * VSL
        for comp, (src, dst) in enumerate(
                ((sax, rx_v), (say, ry_v), (saz, rz_v))):
            hs = [pltpu.async_copy(src.at[pl.ds(r * NP + off, VSL)],
                                   tmp_v.at[pl.ds(r * VSL, VSL)], sem)
                  for r in range(NT)]
            for h in hs:
                h.wait()

            def red_step(k, carry, dst=dst):
                b = k * 16
                acc = tmp_v[pl.ds(b, 16)]
                for r in range(1, NT):
                    acc = acc + tmp_v[pl.ds(r * VSL + b, 16)]
                dst[pl.ds(b, 16)] = acc
                return carry

            lax.fori_loop(0, VSL // 16, red_step, 0)

        def norm_step(k, carry):
            b = k * 16
            x = rx_v[pl.ds(b, 16)]
            y = ry_v[pl.ds(b, 16)]
            z = rz_v[pl.ds(b, 16)]
            s = x * x + y * y + z * z
            r = _rsqrt(s)
            inv = 1.0 / (s * r + 1e-12)
            rx_v[pl.ds(b, 16)] = x * inv
            ry_v[pl.ds(b, 16)] = y * inv
            rz_v[pl.ds(b, 16)] = z * inv
            return carry

        lax.fori_loop(0, VSL // 16, norm_step, 0)
        hs = [pltpu.async_copy(rx_v, svx.at[pl.ds(off, VSL)], sem),
              pltpu.async_copy(ry_v, svy.at[pl.ds(off, VSL)], sem),
              pltpu.async_copy(rz_v, svz.at[pl.ds(off, VSL)], sem)]
        for h in hs:
            h.wait()
        plsc.subcore_barrier()
        hs = [pltpu.async_copy(svx, ax_v, sem),
              pltpu.async_copy(svy, ay_v, sem),
              pltpu.async_copy(svz, az_v, sem)]
        for h in hs:
            h.wait()

        def ds_step(k, carry):
            cnum, cden = carry
            b = k * 16
            dsi = ds_v[pl.ds(b, 16)]
            j = plsc.load_gather(amin_v, [dsi])
            nx = plsc.load_gather(ax_v, [j])
            ny = plsc.load_gather(ay_v, [j])
            nz = plsc.load_gather(az_v, [j])
            dx = plsc.load_gather(vx_v, [dsi]) - plsc.load_gather(vx_v, [j])
            dy = plsc.load_gather(vy_v, [dsi]) - plsc.load_gather(vy_v, [j])
            dz = plsc.load_gather(vz_v, [dsi]) - plsc.load_gather(vz_v, [j])
            ext = nx * dx + ny * dy + nz * dz >= 0.0
            ins = jnp.where(ext, 0, 1).astype(jnp.int32)
            buf_i[...] = ins
            pltpu.sync_copy(buf_i, sins.at[dsi])
            insf = ins.astype(jnp.float32)
            v2vd = plsc.load_gather(v2v_v, [dsi])
            gmd = plsc.load_gather(gmin_v, [dsi])
            val = 0.04 * (1.0 / (5.0 * gmd + 1.0)) * _tanh(v2vd / 0.04)
            cnum = cnum + val * (1.0 - insf)
            cden = cden + (1.0 - insf)
            return cnum, cden

        z16 = jnp.zeros((16,), jnp.float32)
        cnum, cden = lax.fori_loop(0, 4, ds_step, (z16, z16))
        plsc.subcore_barrier()
        pltpu.sync_copy(sins, inside_v)

        def slice_step(k, carry):
            inum, iden, anum, aden = carry
            b = w * VSL + k * 16
            pos = b + lax.iota(jnp.int32, 16)
            valid = pos < N
            insf = inside_v[pl.ds(b, 16)].astype(jnp.float32)
            v2vc = v2v_v[pl.ds(b, 16)]
            inum = inum + insf * _tanh(v2vc / 0.06)
            iden = iden + insf
            j = amin_v[pl.ds(b, 16)]
            dotn = (ax_v[pl.ds(b, 16)] * plsc.load_gather(ax_v, [j])
                    + ay_v[pl.ds(b, 16)] * plsc.load_gather(ay_v, [j])
                    + az_v[pl.ds(b, 16)] * plsc.load_gather(az_v, [j]))
            amask = (v2vc < 0.01) & valid
            anum = anum + jnp.where(amask, 1.0 + dotn, 0.0)
            aden = aden + jnp.where(amask, 1.0, 0.0)
            return inum, iden, anum, aden

        inum, iden, anum, aden = lax.fori_loop(
            0, VSL // 16, slice_step, (z16, z16, z16, z16))

        def hand_step(k, carry):
            lin, lid, lon, lod, rin, rid, ron, rod = carry
            pos = w * 64 + k * 16 + lax.iota(jnp.int32, 16)
            ok = jnp.where(pos < HA, 1.0, 0.0)
            posc = jnp.minimum(pos, HA - 1)
            li = plsc.load_gather(hp_v, [posc])
            ri = plsc.load_gather(hp_v, [posc + HA])
            lhv = plsc.load_gather(inside_v, [li]).astype(jnp.float32)
            rhv = plsc.load_gather(inside_v, [ri]).astype(jnp.float32)
            lv = plsc.load_gather(v2v_v, [li])
            rv = plsc.load_gather(v2v_v, [ri])
            lwc = 0.1 * (1.0 - plsc.load_gather(hw_v, [posc])) + 0.9
            rwc = 0.1 * (1.0 - plsc.load_gather(hw_v, [posc + HA])) + 0.9
            lin = lin + ok * lhv * _tanh(lv / 0.02)
            lid = lid + ok * lhv
            lon = lon + ok * (1.0 - lhv) * lwc * _tanh(lv / 0.01)
            lod = lod + ok * (1.0 - lhv)
            rin = rin + ok * rhv * _tanh(rv / 0.02)
            rid = rid + ok * rhv
            ron = ron + ok * (1.0 - rhv) * rwc * _tanh(rv / 0.01)
            rod = rod + ok * (1.0 - rhv)
            return lin, lid, lon, lod, rin, rid, ron, rod

        hand = lax.fori_loop(0, 4, hand_step, (z16,) * 8)

        lin, lid, lon, lod, rin, rid, ron, rod = hand
        nums = _lane_pack([jnp.sum(x) for x in
                           (inum, anum, cnum, lin, rin, lon, ron)])
        dens = _lane_pack([jnp.sum(x) for x in
                           (iden, aden, cden, lid, rid, lod, rod)])
        buf_f[...] = nums
        pltpu.sync_copy(buf_f, sparts.at[pl.ds(w * 32, 16)])
        buf_f[...] = dens
        pltpu.sync_copy(buf_f, sparts.at[pl.ds(w * 32 + 16, 16)])
        plsc.subcore_barrier()

        @pl.when(w == 0)
        def _final():
            pltpu.sync_copy(sparts, pbuf_v)
            numv = jnp.zeros((16,), jnp.float32)
            denv = jnp.zeros((16,), jnp.float32)
            for r in range(NT):
                numv = numv + pbuf_v[pl.ds(r * 32, 16)]
                denv = denv + pbuf_v[pl.ds(r * 32 + 16, 16)]
            quot = numv / jnp.maximum(denv, 1.0)
            coef = _lane_pack([0.5 * 0.07, 0.001, 5.0,
                               0.2 * 0.5 * 0.023, 0.2 * 0.5 * 0.023,
                               0.2 * 0.5 * 0.01, 0.2 * 0.5 * 0.01])
            loss = jnp.sum(coef * quot) + jnp.sum(base_v[...])
            lane = lax.iota(jnp.int32, 16)
            buf_f[...] = jnp.where(lane == 0, loss, 0.0)
            pltpu.sync_copy(buf_f, loss_o)
            pltpu.sync_copy(sins, inside_o)


def _sc_tail(vx, vy, vz, ff, v2v, amin, gmin, ds, hp, hw, base128, zf, zi):
    mesh = plsc.VectorSubcoreMesh(core_axis_name="c", subcore_axis_name="s")
    fn = pl.kernel(
        _sc_tail_body, mesh=mesh,
        compiler_params=pltpu.CompilerParams(needs_layout_passes=False),
        out_type=[jax.ShapeDtypeStruct((16,), jnp.float32),
                  jax.ShapeDtypeStruct((NP,), jnp.int32)],
        scratch_types=[
            pltpu.VMEM((NP,), jnp.float32),
            pltpu.VMEM((NP,), jnp.float32),
            pltpu.VMEM((NP,), jnp.float32),
            pltpu.VMEM((NP,), jnp.float32),
            pltpu.VMEM((NP,), jnp.float32),
            pltpu.VMEM((NP,), jnp.float32),
            pltpu.VMEM((NP,), jnp.float32),
            pltpu.VMEM((NP,), jnp.int32),
            pltpu.VMEM((NP,), jnp.float32),
            pltpu.VMEM((NP,), jnp.int32),
            pltpu.VMEM((3 * FSL,), jnp.int32),
            pltpu.VMEM((64,), jnp.int32),
            pltpu.VMEM((1600,), jnp.int32),
            pltpu.VMEM((1600,), jnp.float32),
            pltpu.VMEM((VSL,), jnp.float32),
            pltpu.VMEM((VSL,), jnp.float32),
            pltpu.VMEM((VSL,), jnp.float32),
            pltpu.VMEM((NT * VSL,), jnp.float32),
            pltpu.VMEM((16,), jnp.int32),
            pltpu.VMEM((16,), jnp.float32),
            pltpu.VMEM((NT * 32,), jnp.float32),
            pltpu.VMEM((16,), jnp.float32),
            pltpu.SemaphoreType.DMA,
            pltpu.VMEM_SHARED((NT * NP,), jnp.float32),
            pltpu.VMEM_SHARED((NT * NP,), jnp.float32),
            pltpu.VMEM_SHARED((NT * NP,), jnp.float32),
            pltpu.VMEM_SHARED((NP,), jnp.float32),
            pltpu.VMEM_SHARED((NP,), jnp.float32),
            pltpu.VMEM_SHARED((NP,), jnp.float32),
            pltpu.VMEM_SHARED((NP,), jnp.int32),
            pltpu.VMEM_SHARED((NT * 32,), jnp.float32),
        ],
    )
    return fn(vx, vy, vz, ff, v2v, amin, gmin, ds, hp, hw, base128, zf, zi)


def kernel(vertices, init_verts, body_pose, init_pose, left_hand_pose,
           right_hand_pose, geodist, hand_contact_prior_weights,
           ds, hand_contact_prior, faces, init_verts_in_contact):
    v = vertices[0]
    iv = init_verts[0]
    sel = jnp.zeros((1, N), jnp.float32).at[0, init_verts_in_contact].set(1.0)
    vmin, amin, gmin, vx, vy, vz, scal = _nn_pass(
        v, v.T, geodist, iv, sel, body_pose, init_pose,
        left_hand_pose, right_hand_pose)

    ff = jnp.zeros((3 * FP,), jnp.int32).at[:3 * F].set(faces.reshape(-1))
    hp = jnp.zeros((1600,), jnp.int32).at[:HCP].set(hand_contact_prior)
    hw = jnp.zeros((1600,), jnp.float32).at[:HCP].set(
        hand_contact_prior_weights)
    zf = jnp.zeros((NP,), jnp.float32)
    zi = jnp.zeros((NP,), jnp.int32)

    loss16, inside_np = _sc_tail(
        vx.reshape(NP), vy.reshape(NP), vz.reshape(NP), ff,
        vmin.reshape(NP), amin.reshape(NP), gmin.reshape(NP),
        ds.astype(jnp.int32), hp, hw, scal.reshape(128), zf, zi)
    return (loss16[0], inside_np[:N].astype(bool))

# --- scband reference (transcript-rebuilt; emitter-appended) ---
"""Pipeline reference for scband-self-contact-opti-loss-74715251081533 (READ-ONLY COPY).

The authoritative reference and input builder live on the scoring server;
editing this copy changes nothing except your own understanding.
"""

import jax, jax.numpy as jnp
import numpy as np

N_VERTS = 6890
N_FACES = 13776


def _masked_mean(vals, mask):
    m = mask.astype(vals.dtype)
    return jnp.sum(vals * m) / jnp.maximum(jnp.sum(m), 1.0)


def _vertex_normals(v, faces):
    tri = v[faces]
    fn = jnp.cross(tri[:, 1] - tri[:, 0], tri[:, 2] - tri[:, 0])
    vn = jnp.zeros_like(v)
    vn = vn.at[faces[:, 0]].add(fn)
    vn = vn.at[faces[:, 1]].add(fn)
    vn = vn.at[faces[:, 2]].add(fn)
    return vn / (jnp.linalg.norm(vn, axis=1, keepdims=True) + 1e-12)


def setup_inputs(seed: int = 0):
    key = jax.random.key(seed)
    ks = jax.random.split(key, 12)
    N, F = N_VERTS, N_FACES
    return {
        "vertices": jax.random.normal(ks[0], (1, N, 3), jnp.float32),
        "init_verts": jax.random.normal(ks[1], (1, N, 3), jnp.float32),
        "body_pose": jax.random.normal(ks[2], (1, 63), jnp.float32),
        "init_pose": jax.random.normal(ks[3], (1, 63), jnp.float32),
        "left_hand_pose": jax.random.normal(ks[4], (1, 45), jnp.float32),
        "right_hand_pose": jax.random.normal(ks[5], (1, 45), jnp.float32),
        "geodist": jax.random.uniform(ks[6], (N, N), jnp.float32),
        "hand_contact_prior_weights": jax.random.uniform(ks[7], (1556,), jnp.float32),
        "ds": jax.random.randint(ks[8], (1024,), 0, N),
        "hand_contact_prior": jax.random.randint(ks[9], (1556,), 0, N),
        "faces": jax.random.randint(ks[10], (F, 3), 0, N),
        "init_verts_in_contact": jax.random.randint(ks[11], (200,), 0, N),
    }


def _forward(vertices, init_verts, body_pose, init_pose, left_hand_pose,
             right_hand_pose, geodist, hand_contact_prior_weights,
             ds, hand_contact_prior, faces, init_verts_in_contact):
    inside_w, outside_w, contact_w, hc_w = 1.0, 2.0, 10.0, 1.0
    v = vertices[0]
    N = v.shape[0]
    # segment_vertices: masked pairwise self-distance (geodesic-neighborhood excluded)
    sq = jnp.sum(v * v, axis=1)
    d2 = jnp.maximum(sq[:, None] + sq[None, :] - 2.0 * (v @ v.T), 0.0)
    dist = jnp.sqrt(d2 + 1e-12)
    BIG = 1e10
    dmask = jnp.where(geodist < 0.3, BIG, dist)
    v2v_min = jnp.min(dmask, axis=1)
    v2v_min_idx = jnp.argmin(dmask, axis=1)
    vn = _vertex_normals(v, faces)
    exterior = jnp.sum(vn[v2v_min_idx] * (v - v[v2v_min_idx]), axis=1) >= 0.0
    # inside[:, ds[~exterior[0, ds]]] = True
    inside = jnp.zeros((N,), dtype=bool).at[ds].set(~exterior[ds])
    # inside (pushing-out) loss
    insideloss = 0.5 * inside_w * _masked_mean(0.07 * jnp.tanh(v2v_min / 0.06), inside)
    # contact (attraction) loss on downsampled outside verts
    weights_outside = 1.0 / (5.0 * jnp.min(geodist[:, init_verts_in_contact], axis=1) + 1.0)
    v2voutside = 0.04 * weights_outside[ds] * jnp.tanh(v2v_min[ds] / 0.04)
    contactloss = 0.5 * contact_w * _masked_mean(v2voutside, ~inside[ds])
    # hand contact prior losses
    ha = hand_contact_prior.shape[0] // 2
    hvi = inside[hand_contact_prior]
    l_idx = hand_contact_prior[:ha]
    r_idx = hand_contact_prior[ha:]
    hc_in = (_masked_mean(0.023 * jnp.tanh(v2v_min[l_idx] / 0.02), hvi[:ha])
             + _masked_mean(0.023 * jnp.tanh(v2v_min[r_idx] / 0.02), hvi[ha:]))
    lw = 0.1 * (-1.0 * hand_contact_prior_weights[:ha] + 1.0) + 0.9
    rw = 0.1 * (-1.0 * hand_contact_prior_weights[ha:] + 1.0) + 0.9
    hc_out = (_masked_mean(lw * 0.01 * jnp.tanh(v2v_min[l_idx] / 0.01), ~hvi[:ha])
              + _masked_mean(rw * 0.01 * jnp.tanh(v2v_min[r_idx] / 0.01), ~hvi[ha:]))
    hand_contact_loss = 0.2 * hc_w * (0.5 * hc_in + 0.5 * hc_out)
    # normal-alignment (angle) loss for near-contact verts
    normalsgather = jnp.sum(vn * vn[v2v_min_idx], axis=1)
    angle_loss = 0.001 * _masked_mean(1.0 + normalsgather, v2v_min < 0.01)
    # pose priors
    pose_prior_loss = jnp.sum((body_pose - init_pose) ** 2)
    hand_pose_prior_loss = 0.001 * (jnp.sum(left_hand_pose ** 2) + jnp.sum(right_hand_pose ** 2))
    # outside (stay near init) loss, geodesic-weighted
    ov = jnp.linalg.norm(init_verts - vertices, axis=2)
    ow = (2.0 * jnp.min(geodist[:, init_verts_in_contact], axis=1).reshape(vertices.shape[0], -1)) ** 2
    outsideloss = outside_w * jnp.sum(ov * ow)
    loss = (contactloss + insideloss + outsideloss + angle_loss
            + pose_prior_loss + hand_pose_prior_loss + hand_contact_loss)
    return loss, inside


def reference(vertices, init_verts, body_pose, init_pose, left_hand_pose,
              right_hand_pose, geodist, hand_contact_prior_weights,
              ds, hand_contact_prior, faces, init_verts_in_contact):
    loss, inside = _forward(vertices, init_verts, body_pose, init_pose,
                            left_hand_pose, right_hand_pose, geodist,
                            hand_contact_prior_weights, ds, hand_contact_prior,
                            faces, init_verts_in_contact)
    return (loss, inside)

if __name__ == "__main__":
    import jax
    _d = setup_inputs()
    print(jax.jit(kernel)(*tuple(_d.values())))

</pallas_src>

<mosaic_0001>
#map = affine_map<(d0, d1) -> (0)>
module attributes {stable_mosaic.version = 14 : i64} {
  func.func @_sc_tail_body(%arg0: i32, %arg1: i32, %arg2: memref<6912xf32, #tpu.memory_space<hbm>>, %arg3: memref<6912xf32, #tpu.memory_space<hbm>>, %arg4: memref<6912xf32, #tpu.memory_space<hbm>>, %arg5: memref<41472xi32, #tpu.memory_space<hbm>>, %arg6: memref<6912xf32, #tpu.memory_space<hbm>>, %arg7: memref<6912xi32, #tpu.memory_space<hbm>>, %arg8: memref<6912xf32, #tpu.memory_space<hbm>>, %arg9: memref<1024xi32, #tpu.memory_space<hbm>>, %arg10: memref<1600xi32, #tpu.memory_space<hbm>>, %arg11: memref<1600xf32, #tpu.memory_space<hbm>>, %arg12: memref<128xf32, #tpu.memory_space<hbm>>, %arg13: memref<6912xf32, #tpu.memory_space<hbm>>, %arg14: memref<6912xi32, #tpu.memory_space<hbm>>, %arg15: memref<16xf32, #tpu.memory_space<hbm>>, %arg16: memref<6912xi32, #tpu.memory_space<hbm>>, %arg17: memref<6912xf32, #tpu.memory_space<vmem>>, %arg18: memref<6912xf32, #tpu.memory_space<vmem>>, %arg19: memref<6912xf32, #tpu.memory_space<vmem>>, %arg20: memref<6912xf32, #tpu.memory_space<vmem>>, %arg21: memref<6912xf32, #tpu.memory_space<vmem>>, %arg22: memref<6912xf32, #tpu.memory_space<vmem>>, %arg23: memref<6912xf32, #tpu.memory_space<vmem>>, %arg24: memref<6912xi32, #tpu.memory_space<vmem>>, %arg25: memref<6912xf32, #tpu.memory_space<vmem>>, %arg26: memref<6912xi32, #tpu.memory_space<vmem>>, %arg27: memref<2592xi32, #tpu.memory_space<vmem>>, %arg28: memref<64xi32, #tpu.memory_space<vmem>>, %arg29: memref<1600xi32, #tpu.memory_space<vmem>>, %arg30: memref<1600xf32, #tpu.memory_space<vmem>>, %arg31: memref<432xf32, #tpu.memory_space<vmem>>, %arg32: memref<432xf32, #tpu.memory_space<vmem>>, %arg33: memref<432xf32, #tpu.memory_space<vmem>>, %arg34: memref<6912xf32, #tpu.memory_space<vmem>>, %arg35: memref<16xi32, #tpu.memory_space<vmem>>, %arg36: memref<16xf32, #tpu.memory_space<vmem>>, %arg37: memref<512xf32, #tpu.memory_space<vmem>>, %arg38: memref<16xf32, #tpu.memory_space<vmem>>, %arg39: memref<!tpu.dma_semaphore, #tpu.memory_space<semaphore_mem>>, %arg40: memref<110592xf32, #tpu.memory_space<vmem_shared>>, %arg41: memref<110592xf32, #tpu.memory_space<vmem_shared>>, %arg42: memref<110592xf32, #tpu.memory_space<vmem_shared>>, %arg43: memref<6912xf32, #tpu.memory_space<vmem_shared>>, %arg44: memref<6912xf32, #tpu.memory_space<vmem_shared>>, %arg45: memref<6912xf32, #tpu.memory_space<vmem_shared>>, %arg46: memref<6912xi32, #tpu.memory_space<vmem_shared>>, %arg47: memref<512xf32, #tpu.memory_space<vmem_shared>>) attributes {dimension_semantics = [#tpu.dimension_semantics<core_parallel>, #tpu.dimension_semantics<subcore_parallel>], iteration_bounds = array<i64: 2, 16>, scalar_prefetch = 0 : i64, scratch_operands = 31 : i64, tpu.core_type = #tpu.core_type<sc_vector_subcore>, window_params = [{transform_indices = #map}, {transform_indices = #map}, {transform_indices = #map}, {transform_indices = #map}, {transform_indices = #map}, {transform_indices = #map}, {transform_indices = #map}, {transform_indices = #map}, {transform_indices = #map}, {transform_indices = #map}, {transform_indices = #map}, {transform_indices = #map}, {transform_indices = #map}, {transform_indices = #map}, {transform_indices = #map}]} {
    %eq3A = arith.constant 0 : i32
    %eq3A_0 = arith.cmpi eq, %arg0, %eq3A : i32
    %convert_element_type3A = arith.extui %eq3A_0 : i1 to i32
    %cond3A = arith.constant 0 : i32
    %cond3A_1 = arith.cmpi ne, %convert_element_type3A, %cond3A : i32
    scf.if %cond3A_1 {
      tpu.enqueue_dma source(%arg2 : memref<6912xf32, #tpu.memory_space<hbm>>) target(%arg17 : memref<6912xf32, #tpu.memory_space<vmem>>) target_semaphore(%arg39 : memref<!tpu.dma_semaphore, #tpu.memory_space<semaphore_mem>>)
      tpu.enqueue_dma source(%arg3 : memref<6912xf32, #tpu.memory_space<hbm>>) target(%arg18 : memref<6912xf32, #tpu.memory_space<vmem>>) target_semaphore(%arg39 : memref<!tpu.dma_semaphore, #tpu.memory_space<semaphore_mem>>)
      tpu.enqueue_dma source(%arg4 : memref<6912xf32, #tpu.memory_space<hbm>>) target(%arg19 : memref<6912xf32, #tpu.memory_space<vmem>>) target_semaphore(%arg39 : memref<!tpu.dma_semaphore, #tpu.memory_space<semaphore_mem>>)
      %mul3A = arith.constant 2592 : i32
      %mul3A_2 = arith.muli %arg1, %mul3A : i32
      %dma_start3A = tpu.memref_slice %arg5[%mul3A_2] : memref<41472xi32, #tpu.memory_space<hbm>> -> memref<2592xi32, #tpu.memory_space<hbm>>
      %dma_start3A_3 = tpu.memref_slice %arg5[%mul3A_2] : memref<41472xi32, #tpu.memory_space<hbm>> -> memref<2592xi32, #tpu.memory_space<hbm>>
      tpu.enqueue_dma source(%dma_start3A_3 : memref<2592xi32, #tpu.memory_space<hbm>>) target(%arg27 : memref<2592xi32, #tpu.memory_space<vmem>>) target_semaphore(%arg39 : memref<!tpu.dma_semaphore, #tpu.memory_space<semaphore_mem>>)
      tpu.enqueue_dma source(%arg6 : memref<6912xf32, #tpu.memory_space<hbm>>) target(%arg23 : memref<6912xf32, #tpu.memory_space<vmem>>) target_semaphore(%arg39 : memref<!tpu.dma_semaphore, #tpu.memory_space<semaphore_mem>>)
      tpu.enqueue_dma source(%arg7 : memref<6912xi32, #tpu.memory_space<hbm>>) target(%arg24 : memref<6912xi32, #tpu.memory_space<vmem>>) target_semaphore(%arg39 : memref<!tpu.dma_semaphore, #tpu.memory_space<semaphore_mem>>)
      tpu.enqueue_dma source(%arg8 : memref<6912xf32, #tpu.memory_space<hbm>>) target(%arg25 : memref<6912xf32, #tpu.memory_space<vmem>>) target_semaphore(%arg39 : memref<!tpu.dma_semaphore, #tpu.memory_space<semaphore_mem>>)
      %mul3A_4 = arith.constant 64 : i32
      %mul3A_5 = arith.muli %arg1, %mul3A_4 : i32
      %dma_start3A_6 = tpu.memref_slice %arg9[%mul3A_5] : memref<1024xi32, #tpu.memory_space<hbm>> -> memref<64xi32, #tpu.memory_space<hbm>>
      %dma_start3A_7 = tpu.memref_slice %arg9[%mul3A_5] : memref<1024xi32, #tpu.memory_space<hbm>> -> memref<64xi32, #tpu.memory_space<hbm>>
      tpu.enqueue_dma source(%dma_start3A_7 : memref<64xi32, #tpu.memory_space<hbm>>) target(%arg28 : memref<64xi32, #tpu.memory_space<vmem>>) target_semaphore(%arg39 : memref<!tpu.dma_semaphore, #tpu.memory_space<semaphore_mem>>)
      tpu.enqueue_dma source(%arg10 : memref<1600xi32, #tpu.memory_space<hbm>>) target(%arg29 : memref<1600xi32, #tpu.memory_space<vmem>>) target_semaphore(%arg39 : memref<!tpu.dma_semaphore, #tpu.memory_space<semaphore_mem>>)
      tpu.enqueue_dma source(%arg11 : memref<1600xf32, #tpu.memory_space<hbm>>) target(%arg30 : memref<1600xf32, #tpu.memory_space<vmem>>) target_semaphore(%arg39 : memref<!tpu.dma_semaphore, #tpu.memory_space<semaphore_mem>>)
      tpu.enqueue_dma source(%arg13 : memref<6912xf32, #tpu.memory_space<hbm>>) target(%arg20 : memref<6912xf32, #tpu.memory_space<vmem>>) target_semaphore(%arg39 : memref<!tpu.dma_semaphore, #tpu.memory_space<semaphore_mem>>)
      tpu.enqueue_dma source(%arg13 : memref<6912xf32, #tpu.memory_space<hbm>>) target(%arg21 : memref<6912xf32, #tpu.memory_space<vmem>>) target_semaphore(%arg39 : memref<!tpu.dma_semaphore, #tpu.memory_space<semaphore_mem>>)
      tpu.enqueue_dma source(%arg13 : memref<6912xf32, #tpu.memory_space<hbm>>) target(%arg22 : memref<6912xf32, #tpu.memory_space<vmem>>) target_semaphore(%arg39 : memref<!tpu.dma_semaphore, #tpu.memory_space<semaphore_mem>>)
      tpu.wait_dma2 semaphore(%arg39 : memref<!tpu.dma_semaphore, #tpu.memory_space<semaphore_mem>>) src(%arg2 : memref<6912xf32, #tpu.memory_space<hbm>>) dst(%arg17 : memref<6912xf32, #tpu.memory_space<vmem>>)
      tpu.wait_dma2 semaphore(%arg39 : memref<!tpu.dma_semaphore, #tpu.memory_space<semaphore_mem>>) src(%arg3 : memref<6912xf32, #tpu.memory_space<hbm>>) dst(%arg18 : memref<6912xf32, #tpu.memory_space<vmem>>)
      tpu.wait_dma2 semaphore(%arg39 : memref<!tpu.dma_semaphore, #tpu.memory_space<semaphore_mem>>) src(%arg4 : memref<6912xf32, #tpu.memory_space<hbm>>) dst(%arg19 : memref<6912xf32, #tpu.memory_space<vmem>>)
      %dma_wait3A = tpu.memref_slice %arg5[%mul3A_2] : memref<41472xi32, #tpu.memory_space<hbm>> -> memref<2592xi32, #tpu.memory_space<hbm>>
      %dma_wait3A_8 = tpu.memref_slice %arg5[%mul3A_2] : memref<41472xi32, #tpu.memory_space<hbm>> -> memref<2592xi32, #tpu.memory_space<hbm>>
      tpu.wait_dma2 semaphore(%arg39 : memref<!tpu.dma_semaphore, #tpu.memory_space<semaphore_mem>>) src(%dma_wait3A_8 : memref<2592xi32, #tpu.memory_space<hbm>>) dst(%arg27 : memref<2592xi32, #tpu.memory_space<vmem>>)
      tpu.wait_dma2 semaphore(%arg39 : memref<!tpu.dma_semaphore, #tpu.memory_space<semaphore_mem>>) src(%arg6 : memref<6912xf32, #tpu.memory_space<hbm>>) dst(%arg23 : memref<6912xf32, #tpu.memory_space<vmem>>)
      tpu.wait_dma2 semaphore(%arg39 : memref<!tpu.dma_semaphore, #tpu.memory_space<semaphore_mem>>) src(%arg7 : memref<6912xi32, #tpu.memory_space<hbm>>) dst(%arg24 : memref<6912xi32, #tpu.memory_space<vmem>>)
      tpu.wait_dma2 semaphore(%arg39 : memref<!tpu.dma_semaphore, #tpu.memory_space<semaphore_mem>>) src(%arg8 : memref<6912xf32, #tpu.memory_space<hbm>>) dst(%arg25 : memref<6912xf32, #tpu.memory_space<vmem>>)
      %dma_wait3A_9 = tpu.memref_slice %arg9[%mul3A_5] : memref<1024xi32, #tpu.memory_space<hbm>> -> memref<64xi32, #tpu.memory_space<hbm>>
      %dma_wait3A_10 = tpu.memref_slice %arg9[%mul3A_5] : memref<1024xi32, #tpu.memory_space<hbm>> -> memref<64xi32, #tpu.memory_space<hbm>>
      tpu.wait_dma2 semaphore(%arg39 : memref<!tpu.dma_semaphore, #tpu.memory_space<semaphore_mem>>) src(%dma_wait3A_10 : memref<64xi32, #tpu.memory_space<hbm>>) dst(%arg28 : memref<64xi32, #tpu.memory_space<vmem>>)
      tpu.wait_dma2 semaphore(%arg39 : memref<!tpu.dma_semaphore, #tpu.memory_space<semaphore_mem>>) src(%arg10 : memref<1600xi32, #tpu.memory_space<hbm>>) dst(%arg29 : memref<1600xi32, #tpu.memory_space<vmem>>)
      tpu.wait_dma2 semaphore(%arg39 : memref<!tpu.dma_semaphore, #tpu.memory_space<semaphore_mem>>) src(%arg11 : memref<1600xf32, #tpu.memory_space<hbm>>) dst(%arg30 : memref<1600xf32, #tpu.memory_space<vmem>>)
      tpu.wait_dma2 semaphore(%arg39 : memref<!tpu.dma_semaphore, #tpu.memory_space<semaphore_mem>>) src(%arg13 : memref<6912xf32, #tpu.memory_space<hbm>>) dst(%arg20 : memref<6912xf32, #tpu.memory_space<vmem>>)
      tpu.wait_dma2 semaphore(%arg39 : memref<!tpu.dma_semaphore, #tpu.memory_space<semaphore_mem>>) src(%arg13 : memref<6912xf32, #tpu.memory_space<hbm>>) dst(%arg21 : memref<6912xf32, #tpu.memory_space<vmem>>)
      tpu.wait_dma2 semaphore(%arg39 : memref<!tpu.dma_semaphore, #tpu.memory_space<semaphore_mem>>) src(%arg13 : memref<6912xf32, #tpu.memory_space<hbm>>) dst(%arg22 : memref<6912xf32, #tpu.memory_space<vmem>>)
      %eq3A_11 = arith.constant 0 : i32
      %eq3A_12 = arith.cmpi eq, %arg1, %eq3A_11 : i32
      %convert_element_type3A_13 = arith.extui %eq3A_12 : i1 to i32
      %cond3A_14 = arith.constant 0 : i32
      %cond3A_15 = arith.cmpi ne, %convert_element_type3A_13, %cond3A_14 : i32
      scf.if %cond3A_15 {
        "tpu.region"() ({
          %run_scoped3A = tpu.sem_alloc : memref<!tpu.dma_semaphore, #tpu.memory_space<semaphore_mem>>
          tpu.enqueue_dma source(%arg14 : memref<6912xi32, #tpu.memory_space<hbm>>) target(%arg46 : memref<6912xi32, #tpu.memory_space<vmem_shared>>) target_semaphore(%run_scoped3A : memref<!tpu.dma_semaphore, #tpu.memory_space<semaphore_mem>>)
          tpu.wait_dma2 semaphore(%run_scoped3A : memref<!tpu.dma_semaphore, #tpu.memory_space<semaphore_mem>>) src(%arg14 : memref<6912xi32, #tpu.memory_space<hbm>>) dst(%arg46 : memref<6912xi32, #tpu.memory_space<vmem_shared>>)
          tpu.yield
        }) : () -> ()
        "tpu.region"() ({
          %run_scoped3A = tpu.sem_alloc : memref<!tpu.dma_semaphore, #tpu.memory_space<semaphore_mem>>
          %dma_start3A_946 = arith.constant 0 : i32
          %dma_start3A_947 = tpu.memref_slice %arg12[%dma_start3A_946] : memref<128xf32, #tpu.memory_space<hbm>> -> memref<16xf32, #tpu.memory_space<hbm>>
          %dma_start3A_948 = arith.constant 0 : i32
          %dma_start3A_949 = tpu.memref_slice %arg12[%dma_start3A_948] : memref<128xf32, #tpu.memory_space<hbm>> -> memref<16xf32, #tpu.memory_space<hbm>>
          tpu.enqueue_dma source(%dma_start3A_949 : memref<16xf32, #tpu.memory_space<hbm>>) target(%arg38 : memref<16xf32, #tpu.memory_space<vmem>>) target_semaphore(%run_scoped3A : memref<!tpu.dma_semaphore, #tpu.memory_space<semaphore_mem>>)
          %dma_wait3A_950 = arith.constant 0 : i32
          %dma_wait3A_951 = tpu.memref_slice %arg12[%dma_wait3A_950] : memref<128xf32, #tpu.memory_space<hbm>> -> memref<16xf32, #tpu.memory_space<hbm>>
          %dma_wait3A_952 = arith.constant 0 : i32
          %dma_wait3A_953 = tpu.memref_slice %arg12[%dma_wait3A_952] : memref<128xf32, #tpu.memory_space<hbm>> -> memref<16xf32, #tpu.memory_space<hbm>>
          tpu.wait_dma2 semaphore(%run_scoped3A : memref<!tpu.dma_semaphore, #tpu.memory_space<semaphore_mem>>) src(%dma_wait3A_953 : memref<16xf32, #tpu.memory_space<hbm>>) dst(%arg38 : memref<16xf32, #tpu.memory_space<vmem>>)
          tpu.yield
        }) : () -> ()
      } else {
      }
      %iota3A = tpu.iota {dimensions = array<i32: 0>} : vector<16xi32>
      %mul3A_16 = arith.constant 3 : i32
      %mul3A_17 = vector.broadcast %mul3A_16 : i32 to vector<16xi32>
      %mul3A_18 = arith.muli %iota3A, %mul3A_17 : vector<16xi32>
      %scan3A = arith.constant 0 : i32
      %scan3A_19 = arith.constant 0 : i32
      %scan3A_20 = arith.constant 54 : i32
      %scan3A_21 = arith.addi %scan3A_19, %scan3A_20 : i32
      %scan3A_22 = arith.constant 1 : i32
      scf.for %scan3A_946 = %scan3A_19 to %scan3A_21 step %scan3A_22  : i32 {
        %mul3A_947 = arith.constant 48 : i32
        %mul3A_948 = arith.muli %scan3A_946, %mul3A_947 : i32
        %add3A_949 = vector.broadcast %mul3A_948 : i32 to vector<16xi32>
        %add3A_950 = arith.addi %add3A_949, %mul3A_18 : vector<16xi32>
        %gather3A = tpu.vector_load_idx %arg27[%add3A_950] : memref<2592xi32, #tpu.memory_space<vmem>>[vector<16xi32>], vector<16xi32>,
        %add3A_951 = vector.broadcast %mul3A_948 : i32 to vector<16xi32>
        %add3A_952 = arith.addi %add3A_951, %mul3A_18 : vector<16xi32>
        %add3A_953 = arith.constant 1 : i32
        %add3A_954 = vector.broadcast %add3A_953 : i32 to vector<16xi32>
        %add3A_955 = arith.addi %add3A_952, %add3A_954 : vector<16xi32>
        %gather3A_956 = tpu.vector_load_idx %arg27[%add3A_955] : memref<2592xi32, #tpu.memory_space<vmem>>[vector<16xi32>], vector<16xi32>,
        %add3A_957 = vector.broadcast %mul3A_948 : i32 to vector<16xi32>
        %add3A_958 = arith.addi %add3A_957, %mul3A_18 : vector<16xi32>
        %add3A_959 = arith.constant 2 : i32
        %add3A_960 = vector.broadcast %add3A_959 : i32 to vector<16xi32>
        %add3A_961 = arith.addi %add3A_958, %add3A_960 : vector<16xi32>
        %gather3A_962 = tpu.vector_load_idx %arg27[%add3A_961] : memref<2592xi32, #tpu.memory_space<vmem>>[vector<16xi32>], vector<16xi32>,
        %gather3A_963 = tpu.vector_load_idx %arg17[%gather3A] : memref<6912xf32, #tpu.memory_space<vmem>>[vector<16xi32>], vector<16xf32>,
        %gather3A_964 = tpu.vector_load_idx %arg18[%gather3A] : memref<6912xf32, #tpu.memory_space<vmem>>[vector<16xi32>], vector<16xf32>,
        %gather3A_965 = tpu.vector_load_idx %arg19[%gather3A] : memref<6912xf32, #tpu.memory_space<vmem>>[vector<16xi32>], vector<16xf32>,
        %gather3A_966 = tpu.vector_load_idx %arg17[%gather3A_956] : memref<6912xf32, #tpu.memory_space<vmem>>[vector<16xi32>], vector<16xf32>,
        %gather3A_967 = tpu.vector_load_idx %arg18[%gather3A_956] : memref<6912xf32, #tpu.memory_space<vmem>>[vector<16xi32>], vector<16xf32>,
        %gather3A_968 = tpu.vector_load_idx %arg19[%gather3A_956] : memref<6912xf32, #tpu.memory_space<vmem>>[vector<16xi32>], vector<16xf32>,
        %gather3A_969 = tpu.vector_load_idx %arg17[%gather3A_962] : memref<6912xf32, #tpu.memory_space<vmem>>[vector<16xi32>], vector<16xf32>,
        %gather3A_970 = tpu.vector_load_idx %arg18[%gather3A_962] : memref<6912xf32, #tpu.memory_space<vmem>>[vector<16xi32>], vector<16xf32>,
        %gather3A_971 = tpu.vector_load_idx %arg19[%gather3A_962] : memref<6912xf32, #tpu.memory_space<vmem>>[vector<16xi32>], vector<16xf32>,
        %sub3A = arith.subf %gather3A_966, %gather3A_963 : vector<16xf32>
        %sub3A_972 = arith.subf %gather3A_967, %gather3A_964 : vector<16xf32>
        %sub3A_973 = arith.subf %gather3A_968, %gather3A_965 : vector<16xf32>
        %sub3A_974 = arith.subf %gather3A_969, %gather3A_963 : vector<16xf32>
        %sub3A_975 = arith.subf %gather3A_970, %gather3A_964 : vector<16xf32>
        %sub3A_976 = arith.subf %gather3A_971, %gather3A_965 : vector<16xf32>
        %mul3A_977 = arith.mulf %sub3A_972, %sub3A_976 : vector<16xf32>
        %mul3A_978 = arith.mulf %sub3A_973, %sub3A_975 : vector<16xf32>
        %sub3A_979 = arith.subf %mul3A_977, %mul3A_978 : vector<16xf32>
        %mul3A_980 = arith.mulf %sub3A_973, %sub3A_974 : vector<16xf32>
        %mul3A_981 = arith.mulf %sub3A, %sub3A_976 : vector<16xf32>
        %sub3A_982 = arith.subf %mul3A_980, %mul3A_981 : vector<16xf32>
        %mul3A_983 = arith.mulf %sub3A, %sub3A_975 : vector<16xf32>
        %mul3A_984 = arith.mulf %sub3A_972, %sub3A_974 : vector<16xf32>
        %sub3A_985 = arith.subf %mul3A_983, %mul3A_984 : vector<16xf32>
        tpu.vector_store_idx %arg20[%gather3A], %sub3A_979 {add = true} : memref<6912xf32, #tpu.memory_space<vmem>>[vector<16xi32>], vector<16xf32>,
        tpu.vector_store_idx %arg20[%gather3A_956], %sub3A_979 {add = true} : memref<6912xf32, #tpu.memory_space<vmem>>[vector<16xi32>], vector<16xf32>,
        tpu.vector_store_idx %arg20[%gather3A_962], %sub3A_979 {add = true} : memref<6912xf32, #tpu.memory_space<vmem>>[vector<16xi32>], vector<16xf32>,
        tpu.vector_store_idx %arg21[%gather3A], %sub3A_982 {add = true} : memref<6912xf32, #tpu.memory_space<vmem>>[vector<16xi32>], vector<16xf32>,
        tpu.vector_store_idx %arg21[%gather3A_956], %sub3A_982 {add = true} : memref<6912xf32, #tpu.memory_space<vmem>>[vector<16xi32>], vector<16xf32>,
        tpu.vector_store_idx %arg21[%gather3A_962], %sub3A_982 {add = true} : memref<6912xf32, #tpu.memory_space<vmem>>[vector<16xi32>], vector<16xf32>,
        tpu.vector_store_idx %arg22[%gather3A], %sub3A_985 {add = true} : memref<6912xf32, #tpu.memory_space<vmem>>[vector<16xi32>], vector<16xf32>,
        tpu.vector_store_idx %arg22[%gather3A_956], %sub3A_985 {add = true} : memref<6912xf32, #tpu.memory_space<vmem>>[vector<16xi32>], vector<16xf32>,
        tpu.vector_store_idx %arg22[%gather3A_962], %sub3A_985 {add = true} : memref<6912xf32, #tpu.memory_space<vmem>>[vector<16xi32>], vector<16xf32>,
      }
      %scan3A_23 = arith.constant 54 : i32
      %mul3A_24 = arith.constant 6912 : i32
      %mul3A_25 = arith.muli %arg1, %mul3A_24 : i32
      "tpu.region"() ({
        %run_scoped3A = tpu.sem_alloc : memref<!tpu.dma_semaphore, #tpu.memory_space<semaphore_mem>>
        %dma_start3A_946 = tpu.memref_slice %arg40[%mul3A_25] : memref<110592xf32, #tpu.memory_space<vmem_shared>> -> memref<6912xf32, #tpu.memory_space<vmem_shared>>
        %dma_start3A_947 = tpu.memref_slice %arg40[%mul3A_25] : memref<110592xf32, #tpu.memory_space<vmem_shared>> -> memref<6912xf32, #tpu.memory_space<vmem_shared>>
        tpu.enqueue_dma source(%arg20 : memref<6912xf32, #tpu.memory_space<vmem>>) target(%dma_start3A_947 : memref<6912xf32, #tpu.memory_space<vmem_shared>>) target_semaphore(%run_scoped3A : memref<!tpu.dma_semaphore, #tpu.memory_space<semaphore_mem>>)
        %dma_wait3A_948 = tpu.memref_slice %arg40[%mul3A_25] : memref<110592xf32, #tpu.memory_space<vmem_shared>> -> memref<6912xf32, #tpu.memory_space<vmem_shared>>
        %dma_wait3A_949 = tpu.memref_slice %arg40[%mul3A_25] : memref<110592xf32, #tpu.memory_space<vmem_shared>> -> memref<6912xf32, #tpu.memory_space<vmem_shared>>
        tpu.wait_dma2 semaphore(%run_scoped3A : memref<!tpu.dma_semaphore, #tpu.memory_space<semaphore_mem>>) src(%arg20 : memref<6912xf32, #tpu.memory_space<vmem>>) dst(%dma_wait3A_949 : memref<6912xf32, #tpu.memory_space<vmem_shared>>)
        tpu.yield
      }) : () -> ()
      %mul3A_26 = arith.constant 6912 : i32
      %mul3A_27 = arith.muli %arg1, %mul3A_26 : i32
      "tpu.region"() ({
        %run_scoped3A = tpu.sem_alloc : memref<!tpu.dma_semaphore, #tpu.memory_space<semaphore_mem>>
        %dma_start3A_946 = tpu.memref_slice %arg41[%mul3A_27] : memref<110592xf32, #tpu.memory_space<vmem_shared>> -> memref<6912xf32, #tpu.memory_space<vmem_shared>>
        %dma_start3A_947 = tpu.memref_slice %arg41[%mul3A_27] : memref<110592xf32, #tpu.memory_space<vmem_shared>> -> memref<6912xf32, #tpu.memory_space<vmem_shared>>
        tpu.enqueue_dma source(%arg21 : memref<6912xf32, #tpu.memory_space<vmem>>) target(%dma_start3A_947 : memref<6912xf32, #tpu.memory_space<vmem_shared>>) target_semaphore(%run_scoped3A : memref<!tpu.dma_semaphore, #tpu.memory_space<semaphore_mem>>)
        %dma_wait3A_948 = tpu.memref_slice %arg41[%mul3A_27] : memref<110592xf32, #tpu.memory_space<vmem_shared>> -> memref<6912xf32, #tpu.memory_space<vmem_shared>>
        %dma_wait3A_949 = tpu.memref_slice %arg41[%mul3A_27] : memref<110592xf32, #tpu.memory_space<vmem_shared>> -> memref<6912xf32, #tpu.memory_space<vmem_shared>>
        tpu.wait_dma2 semaphore(%run_scoped3A : memref<!tpu.dma_semaphore, #tpu.memory_space<semaphore_mem>>) src(%arg21 : memref<6912xf32, #tpu.memory_space<vmem>>) dst(%dma_wait3A_949 : memref<6912xf32, #tpu.memory_space<vmem_shared>>)
        tpu.yield
      }) : () -> ()
      %mul3A_28 = arith.constant 6912 : i32
      %mul3A_29 = arith.muli %arg1, %mul3A_28 : i32
      "tpu.region"() ({
        %run_scoped3A = tpu.sem_alloc : memref<!tpu.dma_semaphore, #tpu.memory_space<semaphore_mem>>
        %dma_start3A_946 = tpu.memref_slice %arg42[%mul3A_29] : memref<110592xf32, #tpu.memory_space<vmem_shared>> -> memref<6912xf32, #tpu.memory_space<vmem_shared>>
        %dma_start3A_947 = tpu.memref_slice %arg42[%mul3A_29] : memref<110592xf32, #tpu.memory_space<vmem_shared>> -> memref<6912xf32, #tpu.memory_space<vmem_shared>>
        tpu.enqueue_dma source(%arg22 : memref<6912xf32, #tpu.memory_space<vmem>>) target(%dma_start3A_947 : memref<6912xf32, #tpu.memory_space<vmem_shared>>) target_semaphore(%run_scoped3A : memref<!tpu.dma_semaphore, #tpu.memory_space<semaphore_mem>>)
        %dma_wait3A_948 = tpu.memref_slice %arg42[%mul3A_29] : memref<110592xf32, #tpu.memory_space<vmem_shared>> -> memref<6912xf32, #tpu.memory_space<vmem_shared>>
        %dma_wait3A_949 = tpu.memref_slice %arg42[%mul3A_29] : memref<110592xf32, #tpu.memory_space<vmem_shared>> -> memref<6912xf32, #tpu.memory_space<vmem_shared>>
        tpu.wait_dma2 semaphore(%run_scoped3A : memref<!tpu.dma_semaphore, #tpu.memory_space<semaphore_mem>>) src(%arg22 : memref<6912xf32, #tpu.memory_space<vmem>>) dst(%dma_wait3A_949 : memref<6912xf32, #tpu.memory_space<vmem_shared>>)
        tpu.yield
      }) : () -> ()
      %barrier3A = arith.constant 0 : index
      tpu.barrier barrier_id(%barrier3A)
      %mul3A_30 = arith.constant 432 : i32
      %mul3A_31 = arith.muli %arg1, %mul3A_30 : i32
      %add3A = arith.constant 0 : i32
      %add3A_32 = arith.addi %add3A, %mul3A_31 : i32
      %dma_start3A_33 = arith.constant 0 : i32
      %dma_start3A_34 = tpu.memref_slice %arg34[%dma_start3A_33] : memref<6912xf32, #tpu.memory_space<vmem>> -> memref<432xf32, #tpu.memory_space<vmem>>
      %dma_start3A_35 = tpu.memref_slice %arg40[%add3A_32] : memref<110592xf32, #tpu.memory_space<vmem_shared>> -> memref<432xf32, #tpu.memory_space<vmem_shared>>
      %dma_start3A_36 = arith.constant 0 : i32
      %dma_start3A_37 = tpu.memref_slice %arg34[%dma_start3A_36] : memref<6912xf32, #tpu.memory_space<vmem>> -> memref<432xf32, #tpu.memory_space<vmem>>
      %dma_start3A_38 = tpu.memref_slice %arg40[%add3A_32] : memref<110592xf32, #tpu.memory_space<vmem_shared>> -> memref<432xf32, #tpu.memory_space<vmem_shared>>
      tpu.enqueue_dma source(%dma_start3A_38 : memref<432xf32, #tpu.memory_space<vmem_shared>>) target(%dma_start3A_37 : memref<432xf32, #tpu.memory_space<vmem>>) target_semaphore(%arg39 : memref<!tpu.dma_semaphore, #tpu.memory_space<semaphore_mem>>)
      %add3A_39 = arith.constant 6912 : i32
      %add3A_40 = arith.addi %add3A_39, %mul3A_31 : i32
      %dma_start3A_41 = arith.constant 432 : i32
      %dma_start3A_42 = tpu.memref_slice %arg34[%dma_start3A_41] : memref<6912xf32, #tpu.memory_space<vmem>> -> memref<432xf32, #tpu.memory_space<vmem>>
      %dma_start3A_43 = tpu.memref_slice %arg40[%add3A_40] : memref<110592xf32, #tpu.memory_space<vmem_shared>> -> memref<432xf32, #tpu.memory_space<vmem_shared>>
      %dma_start3A_44 = arith.constant 432 : i32
      %dma_start3A_45 = tpu.memref_slice %arg34[%dma_start3A_44] : memref<6912xf32, #tpu.memory_space<vmem>> -> memref<432xf32, #tpu.memory_space<vmem>>
      %dma_start3A_46 = tpu.memref_slice %arg40[%add3A_40] : memref<110592xf32, #tpu.memory_space<vmem_shared>> -> memref<432xf32, #tpu.memory_space<vmem_shared>>
      tpu.enqueue_dma source(%dma_start3A_46 : memref<432xf32, #tpu.memory_space<vmem_shared>>) target(%dma_start3A_45 : memref<432xf32, #tpu.memory_space<vmem>>) target_semaphore(%arg39 : memref<!tpu.dma_semaphore, #tpu.memory_space<semaphore_mem>>)
      %add3A_47 = arith.constant 13824 : i32
      %add3A_48 = arith.addi %add3A_47, %mul3A_31 : i32
      %dma_start3A_49 = arith.constant 864 : i32
      %dma_start3A_50 = tpu.memref_slice %arg34[%dma_start3A_49] : memref<6912xf32, #tpu.memory_space<vmem>> -> memref<432xf32, #tpu.memory_space<vmem>>
      %dma_start3A_51 = tpu.memref_slice %arg40[%add3A_48] : memref<110592xf32, #tpu.memory_space<vmem_shared>> -> memref<432xf32, #tpu.memory_space<vmem_shared>>
      %dma_start3A_52 = arith.constant 864 : i32
      %dma_start3A_53 = tpu.memref_slice %arg34[%dma_start3A_52] : memref<6912xf32, #tpu.memory_space<vmem>> -> memref<432xf32, #tpu.memory_space<vmem>>
      %dma_start3A_54 = tpu.memref_slice %arg40[%add3A_48] : memref<110592xf32, #tpu.memory_space<vmem_shared>> -> memref<432xf32, #tpu.memory_space<vmem_shared>>
      tpu.enqueue_dma source(%dma_start3A_54 : memref<432xf32, #tpu.memory_space<vmem_shared>>) target(%dma_start3A_53 : memref<432xf32, #tpu.memory_space<vmem>>) target_semaphore(%arg39 : memref<!tpu.dma_semaphore, #tpu.memory_space<semaphore_mem>>)
      %add3A_55 = arith.constant 20736 : i32
      %add3A_56 = arith.addi %add3A_55, %mul3A_31 : i32
      %dma_start3A_57 = arith.constant 1296 : i32
      %dma_start3A_58 = tpu.memref_slice %arg34[%dma_start3A_57] : memref<6912xf32, #tpu.memory_space<vmem>> -> memref<432xf32, #tpu.memory_space<vmem>>
      %dma_start3A_59 = tpu.memref_slice %arg40[%add3A_56] : memref<110592xf32, #tpu.memory_space<vmem_shared>> -> memref<432xf32, #tpu.memory_space<vmem_shared>>
      %dma_start3A_60 = arith.constant 1296 : i32
      %dma_start3A_61 = tpu.memref_slice %arg34[%dma_start3A_60] : memref<6912xf32, #tpu.memory_space<vmem>> -> memref<432xf32, #tpu.memory_space<vmem>>
      %dma_start3A_62 = tpu.memref_slice %arg40[%add3A_56] : memref<110592xf32, #tpu.memory_space<vmem_shared>> -> memref<432xf32, #tpu.memory_space<vmem_shared>>
      tpu.enqueue_dma source(%dma_start3A_62 : memref<432xf32, #tpu.memory_space<vmem_shared>>) target(%dma_start3A_61 : memref<432xf32, #tpu.memory_space<vmem>>) target_semaphore(%arg39 : memref<!tpu.dma_semaphore, #tpu.memory_space<semaphore_mem>>)
      %add3A_63 = arith.constant 27648 : i32
      %add3A_64 = arith.addi %add3A_63, %mul3A_31 : i32
      %dma_start3A_65 = arith.constant 1728 : i32
      %dma_start3A_66 = tpu.memref_slice %arg34[%dma_start3A_65] : memref<6912xf32, #tpu.memory_space<vmem>> -> memref<432xf32, #tpu.memory_space<vmem>>
      %dma_start3A_67 = tpu.memref_slice %arg40[%add3A_64] : memref<110592xf32, #tpu.memory_space<vmem_shared>> -> memref<432xf32, #tpu.memory_space<vmem_shared>>
      %dma_start3A_68 = arith.constant 1728 : i32
      %dma_start3A_69 = tpu.memref_slice %arg34[%dma_start3A_68] : memref<6912xf32, #tpu.memory_space<vmem>> -> memref<432xf32, #tpu.memory_space<vmem>>
      %dma_start3A_70 = tpu.memref_slice %arg40[%add3A_64] : memref<110592xf32, #tpu.memory_space<vmem_shared>> -> memref<432xf32, #tpu.memory_space<vmem_shared>>
      tpu.enqueue_dma source(%dma_start3A_70 : memref<432xf32, #tpu.memory_space<vmem_shared>>) target(%dma_start3A_69 : memref<432xf32, #tpu.memory_space<vmem>>) target_semaphore(%arg39 : memref<!tpu.dma_semaphore, #tpu.memory_space<semaphore_mem>>)
      %add3A_71 = arith.constant 34560 : i32
      %add3A_72 = arith.addi %add3A_71, %mul3A_31 : i32
      %dma_start3A_73 = arith.constant 2160 : i32
      %dma_start3A_74 = tpu.memref_slice %arg34[%dma_start3A_73] : memref<6912xf32, #tpu.memory_space<vmem>> -> memref<432xf32, #tpu.memory_space<vmem>>
      %dma_start3A_75 = tpu.memref_slice %arg40[%add3A_72] : memref<110592xf32, #tpu.memory_space<vmem_shared>> -> memref<432xf32, #tpu.memory_space<vmem_shared>>
      %dma_start3A_76 = arith.constant 2160 : i32
      %dma_start3A_77 = tpu.memref_slice %arg34[%dma_start3A_76] : memref<6912xf32, #tpu.memory_space<vmem>> -> memref<432xf32, #tpu.memory_space<vmem>>
      %dma_start3A_78 = tpu.memref_slice %arg40[%add3A_72] : memref<110592xf32, #tpu.memory_space<vmem_shared>> -> memref<432xf32, #tpu.memory_space<vmem_shared>>
      tpu.enqueue_dma source(%dma_start3A_78 : memref<432xf32, #tpu.memory_space<vmem_shared>>) target(%dma_start3A_77 : memref<432xf32, #tpu.memory_space<vmem>>) target_semaphore(%arg39 : memref<!tpu.dma_semaphore, #tpu.memory_space<semaphore_mem>>)
      %add3A_79 = arith.constant 41472 : i32
      %add3A_80 = arith.addi %add3A_79, %mul3A_31 : i32
      %dma_start3A_81 = arith.constant 2592 : i32
      %dma_start3A_82 = tpu.memref_slice %arg34[%dma_start3A_81] : memref<6912xf32, #tpu.memory_space<vmem>> -> memref<432xf32, #tpu.memory_space<vmem>>
      %dma_start3A_83 = tpu.memref_slice %arg40[%add3A_80] : memref<110592xf32, #tpu.memory_space<vmem_shared>> -> memref<432xf32, #tpu.memory_space<vmem_shared>>
      %dma_start3A_84 = arith.constant 2592 : i32
      %dma_start3A_85 = tpu.memref_slice %arg34[%dma_start3A_84] : memref<6912xf32, #tpu.memory_space<vmem>> -> memref<432xf32, #tpu.memory_space<vmem>>
      %dma_start3A_86 = tpu.memref_slice %arg40[%add3A_80] : memref<110592xf32, #tpu.memory_space<vmem_shared>> -> memref<432xf32, #tpu.memory_space<vmem_shared>>
      tpu.enqueue_dma source(%dma_start3A_86 : memref<432xf32, #tpu.memory_space<vmem_shared>>) target(%dma_start3A_85 : memref<432xf32, #tpu.memory_space<vmem>>) target_semaphore(%arg39 : memref<!tpu.dma_semaphore, #tpu.memory_space<semaphore_mem>>)
      %add3A_87 = arith.constant 48384 : i32
      %add3A_88 = arith.addi %add3A_87, %mul3A_31 : i32
      %dma_start3A_89 = arith.constant 3024 : i32
      %dma_start3A_90 = tpu.memref_slice %arg34[%dma_start3A_89] : memref<6912xf32, #tpu.memory_space<vmem>> -> memref<432xf32, #tpu.memory_space<vmem>>
      %dma_start3A_91 = tpu.memref_slice %arg40[%add3A_88] : memref<110592xf32, #tpu.memory_space<vmem_shared>> -> memref<432xf32, #tpu.memory_space<vmem_shared>>
      %dma_start3A_92 = arith.constant 3024 : i32
      %dma_start3A_93 = tpu.memref_slice %arg34[%dma_start3A_92] : memref<6912xf32, #tpu.memory_space<vmem>> -> memref<432xf32, #tpu.memory_space<vmem>>
      %dma_start3A_94 = tpu.memref_slice %arg40[%add3A_88] : memref<110592xf32, #tpu.memory_space<vmem_shared>> -> memref<432xf32, #tpu.memory_space<vmem_shared>>
      tpu.enqueue_dma source(%dma_start3A_94 : memref<432xf32, #tpu.memory_space<vmem_shared>>) target(%dma_start3A_93 : memref<432xf32, #tpu.memory_space<vmem>>) target_semaphore(%arg39 : memref<!tpu.dma_semaphore, #tpu.memory_space<semaphore_mem>>)
      %add3A_95 = arith.constant 55296 : i32
      %add3A_96 = arith.addi %add3A_95, %mul3A_31 : i32
      %dma_start3A_97 = arith.constant 3456 : i32
      %dma_start3A_98 = tpu.memref_slice %arg34[%dma_start3A_97] : memref<6912xf32, #tpu.memory_space<vmem>> -> memref<432xf32, #tpu.memory_space<vmem>>
      %dma_start3A_99 = tpu.memref_slice %arg40[%add3A_96] : memref<110592xf32, #tpu.memory_space<vmem_shared>> -> memref<432xf32, #tpu.memory_space<vmem_shared>>
      %dma_start3A_100 = arith.constant 3456 : i32
      %dma_start3A_101 = tpu.memref_slice %arg34[%dma_start3A_100] : memref<6912xf32, #tpu.memory_space<vmem>> -> memref<432xf32, #tpu.memory_space<vmem>>
      %dma_start3A_102 = tpu.memref_slice %arg40[%add3A_96] : memref<110592xf32, #tpu.memory_space<vmem_shared>> -> memref<432xf32, #tpu.memory_space<vmem_shared>>
      tpu.enqueue_dma source(%dma_start3A_102 : memref<432xf32, #tpu.memory_space<vmem_shared>>) target(%dma_start3A_101 : memref<432xf32, #tpu.memory_space<vmem>>) target_semaphore(%arg39 : memref<!tpu.dma_semaphore, #tpu.memory_space<semaphore_mem>>)
      %add3A_103 = arith.constant 62208 : i32
      %add3A_104 = arith.addi %add3A_103, %mul3A_31 : i32
      %dma_start3A_105 = arith.constant 3888 : i32
      %dma_start3A_106 = tpu.memref_slice %arg34[%dma_start3A_105] : memref<6912xf32, #tpu.memory_space<vmem>> -> memref<432xf32, #tpu.memory_space<vmem>>
      %dma_start3A_107 = tpu.memref_slice %arg40[%add3A_104] : memref<110592xf32, #tpu.memory_space<vmem_shared>> -> memref<432xf32, #tpu.memory_space<vmem_shared>>
      %dma_start3A_108 = arith.constant 3888 : i32
      %dma_start3A_109 = tpu.memref_slice %arg34[%dma_start3A_108] : memref<6912xf32, #tpu.memory_space<vmem>> -> memref<432xf32, #tpu.memory_space<vmem>>
      %dma_start3A_110 = tpu.memref_slice %arg40[%add3A_104] : memref<110592xf32, #tpu.memory_space<vmem_shared>> -> memref<432xf32, #tpu.memory_space<vmem_shared>>
      tpu.enqueue_dma source(%dma_start3A_110 : memref<432xf32, #tpu.memory_space<vmem_shared>>) target(%dma_start3A_109 : memref<432xf32, #tpu.memory_space<vmem>>) target_semaphore(%arg39 : memref<!tpu.dma_semaphore, #tpu.memory_space<semaphore_mem>>)
      %add3A_111 = arith.constant 69120 : i32
      %add3A_112 = arith.addi %add3A_111, %mul3A_31 : i32
      %dma_start3A_113 = arith.constant 4320 : i32
      %dma_start3A_114 = tpu.memref_slice %arg34[%dma_start3A_113] : memref<6912xf32, #tpu.memory_space<vmem>> -> memref<432xf32, #tpu.memory_space<vmem>>
      %dma_start3A_115 = tpu.memref_slice %arg40[%add3A_112] : memref<110592xf32, #tpu.memory_space<vmem_shared>> -> memref<432xf32, #tpu.memory_space<vmem_shared>>
      %dma_start3A_116 = arith.constant 4320 : i32
      %dma_start3A_117 = tpu.memref_slice %arg34[%dma_start3A_116] : memref<6912xf32, #tpu.memory_space<vmem>> -> memref<432xf32, #tpu.memory_space<vmem>>
      %dma_start3A_118 = tpu.memref_slice %arg40[%add3A_112] : memref<110592xf32, #tpu.memory_space<vmem_shared>> -> memref<432xf32, #tpu.memory_space<vmem_shared>>
      tpu.enqueue_dma source(%dma_start3A_118 : memref<432xf32, #tpu.memory_space<vmem_shared>>) target(%dma_start3A_117 : memref<432xf32, #tpu.memory_space<vmem>>) target_semaphore(%arg39 : memref<!tpu.dma_semaphore, #tpu.memory_space<semaphore_mem>>)
      %add3A_119 = arith.constant 76032 : i32
      %add3A_120 = arith.addi %add3A_119, %mul3A_31 : i32
      %dma_start3A_121 = arith.constant 4752 : i32
      %dma_start3A_122 = tpu.memref_slice %arg34[%dma_start3A_121] : memref<6912xf32, #tpu.memory_space<vmem>> -> memref<432xf32, #tpu.memory_space<vmem>>
      %dma_start3A_123 = tpu.memref_slice %arg40[%add3A_120] : memref<110592xf32, #tpu.memory_space<vmem_shared>> -> memref<432xf32, #tpu.memory_space<vmem_shared>>
      %dma_start3A_124 = arith.constant 4752 : i32
      %dma_start3A_125 = tpu.memref_slice %arg34[%dma_start3A_124] : memref<6912xf32, #tpu.memory_space<vmem>> -> memref<432xf32, #tpu.memory_space<vmem>>
      %dma_start3A_126 = tpu.memref_slice %arg40[%add3A_120] : memref<110592xf32, #tpu.memory_space<vmem_shared>> -> memref<432xf32, #tpu.memory_space<vmem_shared>>
      tpu.enqueue_dma source(%dma_start3A_126 : memref<432xf32, #tpu.memory_space<vmem_shared>>) target(%dma_start3A_125 : memref<432xf32, #tpu.memory_space<vmem>>) target_semaphore(%arg39 : memref<!tpu.dma_semaphore, #tpu.memory_space<semaphore_mem>>)
      %add3A_127 = arith.constant 82944 : i32
      %add3A_128 = arith.addi %add3A_127, %mul3A_31 : i32
      %dma_start3A_129 = arith.constant 5184 : i32
      %dma_start3A_130 = tpu.memref_slice %arg34[%dma_start3A_129] : memref<6912xf32, #tpu.memory_space<vmem>> -> memref<432xf32, #tpu.memory_space<vmem>>
      %dma_start3A_131 = tpu.memref_slice %arg40[%add3A_128] : memref<110592xf32, #tpu.memory_space<vmem_shared>> -> memref<432xf32, #tpu.memory_space<vmem_shared>>
      %dma_start3A_132 = arith.constant 5184 : i32
      %dma_start3A_133 = tpu.memref_slice %arg34[%dma_start3A_132] : memref<6912xf32, #tpu.memory_space<vmem>> -> memref<432xf32, #tpu.memory_space<vmem>>
      %dma_start3A_134 = tpu.memref_slice %arg40[%add3A_128] : memref<110592xf32, #tpu.memory_space<vmem_shared>> -> memref<432xf32, #tpu.memory_space<vmem_shared>>
      tpu.enqueue_dma source(%dma_start3A_134 : memref<432xf32, #tpu.memory_space<vmem_shared>>) target(%dma_start3A_133 : memref<432xf32, #tpu.memory_space<vmem>>) target_semaphore(%arg39 : memref<!tpu.dma_semaphore, #tpu.memory_space<semaphore_mem>>)
      %add3A_135 = arith.constant 89856 : i32
      %add3A_136 = arith.addi %add3A_135, %mul3A_31 : i32
      %dma_start3A_137 = arith.constant 5616 : i32
      %dma_start3A_138 = tpu.memref_slice %arg34[%dma_start3A_137] : memref<6912xf32, #tpu.memory_space<vmem>> -> memref<432xf32, #tpu.memory_space<vmem>>
      %dma_start3A_139 = tpu.memref_slice %arg40[%add3A_136] : memref<110592xf32, #tpu.memory_space<vmem_shared>> -> memref<432xf32, #tpu.memory_space<vmem_shared>>
      %dma_start3A_140 = arith.constant 5616 : i32
      %dma_start3A_141 = tpu.memref_slice %arg34[%dma_start3A_140] : memref<6912xf32, #tpu.memory_space<vmem>> -> memref<432xf32, #tpu.memory_space<vmem>>
      %dma_start3A_142 = tpu.memref_slice %arg40[%add3A_136] : memref<110592xf32, #tpu.memory_space<vmem_shared>> -> memref<432xf32, #tpu.memory_space<vmem_shared>>
      tpu.enqueue_dma source(%dma_start3A_142 : memref<432xf32, #tpu.memory_space<vmem_shared>>) target(%dma_start3A_141 : memref<432xf32, #tpu.memory_space<vmem>>) target_semaphore(%arg39 : memref<!tpu.dma_semaphore, #tpu.memory_space<semaphore_mem>>)
      %add3A_143 = arith.constant 96768 : i32
      %add3A_144 = arith.addi %add3A_143, %mul3A_31 : i32
      %dma_start3A_145 = arith.constant 6048 : i32
      %dma_start3A_146 = tpu.memref_slice %arg34[%dma_start3A_145] : memref<6912xf32, #tpu.memory_space<vmem>> -> memref<432xf32, #tpu.memory_space<vmem>>
      %dma_start3A_147 = tpu.memref_slice %arg40[%add3A_144] : memref<110592xf32, #tpu.memory_space<vmem_shared>> -> memref<432xf32, #tpu.memory_space<vmem_shared>>
      %dma_start3A_148 = arith.constant 6048 : i32
      %dma_start3A_149 = tpu.memref_slice %arg34[%dma_start3A_148] : memref<6912xf32, #tpu.memory_space<vmem>> -> memref<432xf32, #tpu.memory_space<vmem>>
      %dma_start3A_150 = tpu.memref_slice %arg40[%add3A_144] : memref<110592xf32, #tpu.memory_space<vmem_shared>> -> memref<432xf32, #tpu.memory_space<vmem_shared>>
      tpu.enqueue_dma source(%dma_start3A_150 : memref<432xf32, #tpu.memory_space<vmem_shared>>) target(%dma_start3A_149 : memref<432xf32, #tpu.memory_space<vmem>>) target_semaphore(%arg39 : memref<!tpu.dma_semaphore, #tpu.memory_space<semaphore_mem>>)
      %add3A_151 = arith.constant 103680 : i32
      %add3A_152 = arith.addi %add3A_151, %mul3A_31 : i32
      %dma_start3A_153 = arith.constant 6480 : i32
      %dma_start3A_154 = tpu.memref_slice %arg34[%dma_start3A_153] : memref<6912xf32, #tpu.memory_space<vmem>> -> memref<432xf32, #tpu.memory_space<vmem>>
      %dma_start3A_155 = tpu.memref_slice %arg40[%add3A_152] : memref<110592xf32, #tpu.memory_space<vmem_shared>> -> memref<432xf32, #tpu.memory_space<vmem_shared>>
      %dma_start3A_156 = arith.constant 6480 : i32
      %dma_start3A_157 = tpu.memref_slice %arg34[%dma_start3A_156] : memref<6912xf32, #tpu.memory_space<vmem>> -> memref<432xf32, #tpu.memory_space<vmem>>
      %dma_start3A_158 = tpu.memref_slice %arg40[%add3A_152] : memref<110592xf32, #tpu.memory_space<vmem_shared>> -> memref<432xf32, #tpu.memory_space<vmem_shared>>
      tpu.enqueue_dma source(%dma_start3A_158 : memref<432xf32, #tpu.memory_space<vmem_shared>>) target(%dma_start3A_157 : memref<432xf32, #tpu.memory_space<vmem>>) target_semaphore(%arg39 : memref<!tpu.dma_semaphore, #tpu.memory_space<semaphore_mem>>)
      %dma_wait3A_159 = arith.constant 0 : i32
      %dma_wait3A_160 = tpu.memref_slice %arg34[%dma_wait3A_159] : memref<6912xf32, #tpu.memory_space<vmem>> -> memref<432xf32, #tpu.memory_space<vmem>>
      %dma_wait3A_161 = tpu.memref_slice %arg40[%add3A_32] : memref<110592xf32, #tpu.memory_space<vmem_shared>> -> memref<432xf32, #tpu.memory_space<vmem_shared>>
      %dma_wait3A_162 = arith.constant 0 : i32
      %dma_wait3A_163 = tpu.memref_slice %arg34[%dma_wait3A_162] : memref<6912xf32, #tpu.memory_space<vmem>> -> memref<432xf32, #tpu.memory_space<vmem>>
      %dma_wait3A_164 = tpu.memref_slice %arg40[%add3A_32] : memref<110592xf32, #tpu.memory_space<vmem_shared>> -> memref<432xf32, #tpu.memory_space<vmem_shared>>
      tpu.wait_dma2 semaphore(%arg39 : memref<!tpu.dma_semaphore, #tpu.memory_space<semaphore_mem>>) src(%dma_wait3A_164 : memref<432xf32, #tpu.memory_space<vmem_shared>>) dst(%dma_wait3A_163 : memref<432xf32, #tpu.memory_space<vmem>>)
      %dma_wait3A_165 = arith.constant 432 : i32
      %dma_wait3A_166 = tpu.memref_slice %arg34[%dma_wait3A_165] : memref<6912xf32, #tpu.memory_space<vmem>> -> memref<432xf32, #tpu.memory_space<vmem>>
      %dma_wait3A_167 = tpu.memref_slice %arg40[%add3A_40] : memref<110592xf32, #tpu.memory_space<vmem_shared>> -> memref<432xf32, #tpu.memory_space<vmem_shared>>
      %dma_wait3A_168 = arith.constant 432 : i32
      %dma_wait3A_169 = tpu.memref_slice %arg34[%dma_wait3A_168] : memref<6912xf32, #tpu.memory_space<vmem>> -> memref<432xf32, #tpu.memory_space<vmem>>
      %dma_wait3A_170 = tpu.memref_slice %arg40[%add3A_40] : memref<110592xf32, #tpu.memory_space<vmem_shared>> -> memref<432xf32, #tpu.memory_space<vmem_shared>>
      tpu.wait_dma2 semaphore(%arg39 : memref<!tpu.dma_semaphore, #tpu.memory_space<semaphore_mem>>) src(%dma_wait3A_170 : memref<432xf32, #tpu.memory_space<vmem_shared>>) dst(%dma_wait3A_169 : memref<432xf32, #tpu.memory_space<vmem>>)
      %dma_wait3A_171 = arith.constant 864 : i32
      %dma_wait3A_172 = tpu.memref_slice %arg34[%dma_wait3A_171] : memref<6912xf32, #tpu.memory_space<vmem>> -> memref<432xf32, #tpu.memory_space<vmem>>
      %dma_wait3A_173 = tpu.memref_slice %arg40[%add3A_48] : memref<110592xf32, #tpu.memory_space<vmem_shared>> -> memref<432xf32, #tpu.memory_space<vmem_shared>>
      %dma_wait3A_174 = arith.constant 864 : i32
      %dma_wait3A_175 = tpu.memref_slice %arg34[%dma_wait3A_174] : memref<6912xf32, #tpu.memory_space<vmem>> -> memref<432xf32, #tpu.memory_space<vmem>>
      %dma_wait3A_176 = tpu.memref_slice %arg40[%add3A_48] : memref<110592xf32, #tpu.memory_space<vmem_shared>> -> memref<432xf32, #tpu.memory_space<vmem_shared>>
      tpu.wait_dma2 semaphore(%arg39 : memref<!tpu.dma_semaphore, #tpu.memory_space<semaphore_mem>>) src(%dma_wait3A_176 : memref<432xf32, #tpu.memory_space<vmem_shared>>) dst(%dma_wait3A_175 : memref<432xf32, #tpu.memory_space<vmem>>)
      %dma_wait3A_177 = arith.constant 1296 : i32
      %dma_wait3A_178 = tpu.memref_slice %arg34[%dma_wait3A_177] : memref<6912xf32, #tpu.memory_space<vmem>> -> memref<432xf32, #tpu.memory_space<vmem>>
      %dma_wait3A_179 = tpu.memref_slice %arg40[%add3A_56] : memref<110592xf32, #tpu.memory_space<vmem_shared>> -> memref<432xf32, #tpu.memory_space<vmem_shared>>
      %dma_wait3A_180 = arith.constant 1296 : i32
      %dma_wait3A_181 = tpu.memref_slice %arg34[%dma_wait3A_180] : memref<6912xf32, #tpu.memory_space<vmem>> -> memref<432xf32, #tpu.memory_space<vmem>>
      %dma_wait3A_182 = tpu.memref_slice %arg40[%add3A_56] : memref<110592xf32, #tpu.memory_space<vmem_shared>> -> memref<432xf32, #tpu.memory_space<vmem_shared>>
      tpu.wait_dma2 semaphore(%arg39 : memref<!tpu.dma_semaphore, #tpu.memory_space<semaphore_mem>>) src(%dma_wait3A_182 : memref<432xf32, #tpu.memory_space<vmem_shared>>) dst(%dma_wait3A_181 : memref<432xf32, #tpu.memory_space<vmem>>)
      %dma_wait3A_183 = arith.constant 1728 : i32
      %dma_wait3A_184 = tpu.memref_slice %arg34[%dma_wait3A_183] : memref<6912xf32, #tpu.memory_space<vmem>> -> memref<432xf32, #tpu.memory_space<vmem>>
      %dma_wait3A_185 = tpu.memref_slice %arg40[%add3A_64] : memref<110592xf32, #tpu.memory_space<vmem_shared>> -> memref<432xf32, #tpu.memory_space<vmem_shared>>
      %dma_wait3A_186 = arith.constant 1728 : i32
      %dma_wait3A_187 = tpu.memref_slice %arg34[%dma_wait3A_186] : memref<6912xf32, #tpu.memory_space<vmem>> -> memref<432xf32, #tpu.memory_space<vmem>>
      %dma_wait3A_188 = tpu.memref_slice %arg40[%add3A_64] : memref<110592xf32, #tpu.memory_space<vmem_shared>> -> memref<432xf32, #tpu.memory_space<vmem_shared>>
      tpu.wait_dma2 semaphore(%arg39 : memref<!tpu.dma_semaphore, #tpu.memory_space<semaphore_mem>>) src(%dma_wait3A_188 : memref<432xf32, #tpu.memory_space<vmem_shared>>) dst(%dma_wait3A_187 : memref<432xf32, #tpu.memory_space<vmem>>)
      %dma_wait3A_189 = arith.constant 2160 : i32
      %dma_wait3A_190 = tpu.memref_slice %arg34[%dma_wait3A_189] : memref<6912xf32, #tpu.memory_space<vmem>> -> memref<432xf32, #tpu.memory_space<vmem>>
      %dma_wait3A_191 = tpu.memref_slice %arg40[%add3A_72] : memref<110592xf32, #tpu.memory_space<vmem_shared>> -> memref<432xf32, #tpu.memory_space<vmem_shared>>
      %dma_wait3A_192 = arith.constant 2160 : i32
      %dma_wait3A_193 = tpu.memref_slice %arg34[%dma_wait3A_192] : memref<6912xf32, #tpu.memory_space<vmem>> -> memref<432xf32, #tpu.memory_space<vmem>>
      %dma_wait3A_194 = tpu.memref_slice %arg40[%add3A_72] : memref<110592xf32, #tpu.memory_space<vmem_shared>> -> memref<432xf32, #tpu.memory_space<vmem_shared>>
      tpu.wait_dma2 semaphore(%arg39 : memref<!tpu.dma_semaphore, #tpu.memory_space<semaphore_mem>>) src(%dma_wait3A_194 : memref<432xf32, #tpu.memory_space<vmem_shared>>) dst(%dma_wait3A_193 : memref<432xf32, #tpu.memory_space<vmem>>)
      %dma_wait3A_195 = arith.constant 2592 : i32
      %dma_wait3A_196 = tpu.memref_slice %arg34[%dma_wait3A_195] : memref<6912xf32, #tpu.memory_space<vmem>> -> memref<432xf32, #tpu.memory_space<vmem>>
      %dma_wait3A_197 = tpu.memref_slice %arg40[%add3A_80] : memref<110592xf32, #tpu.memory_space<vmem_shared>> -> memref<432xf32, #tpu.memory_space<vmem_shared>>
      %dma_wait3A_198 = arith.constant 2592 : i32
      %dma_wait3A_199 = tpu.memref_slice %arg34[%dma_wait3A_198] : memref<6912xf32, #tpu.memory_space<vmem>> -> memref<432xf32, #tpu.memory_space<vmem>>
      %dma_wait3A_200 = tpu.memref_slice %arg40[%add3A_80] : memref<110592xf32, #tpu.memory_space<vmem_shared>> -> memref<432xf32, #tpu.memory_space<vmem_shared>>
      tpu.wait_dma2 semaphore(%arg39 : memref<!tpu.dma_semaphore, #tpu.memory_space<semaphore_mem>>) src(%dma_wait3A_200 : memref<432xf32, #tpu.memory_space<vmem_shared>>) dst(%dma_wait3A_199 : memref<432xf32, #tpu.memory_space<vmem>>)
      %dma_wait3A_201 = arith.constant 3024 : i32
      %dma_wait3A_202 = tpu.memref_slice %arg34[%dma_wait3A_201] : memref<6912xf32, #tpu.memory_space<vmem>> -> memref<432xf32, #tpu.memory_space<vmem>>
      %dma_wait3A_203 = tpu.memref_slice %arg40[%add3A_88] : memref<110592xf32, #tpu.memory_space<vmem_shared>> -> memref<432xf32, #tpu.memory_space<vmem_shared>>
      %dma_wait3A_204 = arith.constant 3024 : i32
      %dma_wait3A_205 = tpu.memref_slice %arg34[%dma_wait3A_204] : memref<6912xf32, #tpu.memory_space<vmem>> -> memref<432xf32, #tpu.memory_space<vmem>>
      %dma_wait3A_206 = tpu.memref_slice %arg40[%add3A_88] : memref<110592xf32, #tpu.memory_space<vmem_shared>> -> memref<432xf32, #tpu.memory_space<vmem_shared>>
      tpu.wait_dma2 semaphore(%arg39 : memref<!tpu.dma_semaphore, #tpu.memory_space<semaphore_mem>>) src(%dma_wait3A_206 : memref<432xf32, #tpu.memory_space<vmem_shared>>) dst(%dma_wait3A_205 : memref<432xf32, #tpu.memory_space<vmem>>)
      %dma_wait3A_207 = arith.constant 3456 : i32
      %dma_wait3A_208 = tpu.memref_slice %arg34[%dma_wait3A_207] : memref<6912xf32, #tpu.memory_space<vmem>> -> memref<432xf32, #tpu.memory_space<vmem>>
      %dma_wait3A_209 = tpu.memref_slice %arg40[%add3A_96] : memref<110592xf32, #tpu.memory_space<vmem_shared>> -> memref<432xf32, #tpu.memory_space<vmem_shared>>
      %dma_wait3A_210 = arith.constant 3456 : i32
      %dma_wait3A_211 = tpu.memref_slice %arg34[%dma_wait3A_210] : memref<6912xf32, #tpu.memory_space<vmem>> -> memref<432xf32, #tpu.memory_space<vmem>>
      %dma_wait3A_212 = tpu.memref_slice %arg40[%add3A_96] : memref<110592xf32, #tpu.memory_space<vmem_shared>> -> memref<432xf32, #tpu.memory_space<vmem_shared>>
      tpu.wait_dma2 semaphore(%arg39 : memref<!tpu.dma_semaphore, #tpu.memory_space<semaphore_mem>>) src(%dma_wait3A_212 : memref<432xf32, #tpu.memory_space<vmem_shared>>) dst(%dma_wait3A_211 : memref<432xf32, #tpu.memory_space<vmem>>)
      %dma_wait3A_213 = arith.constant 3888 : i32
      %dma_wait3A_214 = tpu.memref_slice %arg34[%dma_wait3A_213] : memref<6912xf32, #tpu.memory_space<vmem>> -> memref<432xf32, #tpu.memory_space<vmem>>
      %dma_wait3A_215 = tpu.memref_slice %arg40[%add3A_104] : memref<110592xf32, #tpu.memory_space<vmem_shared>> -> memref<432xf32, #tpu.memory_space<vmem_shared>>
      %dma_wait3A_216 = arith.constant 3888 : i32
      %dma_wait3A_217 = tpu.memref_slice %arg34[%dma_wait3A_216] : memref<6912xf32, #tpu.memory_space<vmem>> -> memref<432xf32, #tpu.memory_space<vmem>>
      %dma_wait3A_218 = tpu.memref_slice %arg40[%add3A_104] : memref<110592xf32, #tpu.memory_space<vmem_shared>> -> memref<432xf32, #tpu.memory_space<vmem_shared>>
      tpu.wait_dma2 semaphore(%arg39 : memref<!tpu.dma_semaphore, #tpu.memory_space<semaphore_mem>>) src(%dma_wait3A_218 : memref<432xf32, #tpu.memory_space<vmem_shared>>) dst(%dma_wait3A_217 : memref<432xf32, #tpu.memory_space<vmem>>)
      %dma_wait3A_219 = arith.constant 4320 : i32
      %dma_wait3A_220 = tpu.memref_slice %arg34[%dma_wait3A_219] : memref<6912xf32, #tpu.memory_space<vmem>> -> memref<432xf32, #tpu.memory_space<vmem>>
      %dma_wait3A_221 = tpu.memref_slice %arg40[%add3A_112] : memref<110592xf32, #tpu.memory_space<vmem_shared>> -> memref<432xf32, #tpu.memory_space<vmem_shared>>
      %dma_wait3A_222 = arith.constant 4320 : i32
      %dma_wait3A_223 = tpu.memref_slice %arg34[%dma_wait3A_222] : memref<6912xf32, #tpu.memory_space<vmem>> -> memref<432xf32, #tpu.memory_space<vmem>>
      %dma_wait3A_224 = tpu.memref_slice %arg40[%add3A_112] : memref<110592xf32, #tpu.memory_space<vmem_shared>> -> memref<432xf32, #tpu.memory_space<vmem_shared>>
      tpu.wait_dma2 semaphore(%arg39 : memref<!tpu.dma_semaphore, #tpu.memory_space<semaphore_mem>>) src(%dma_wait3A_224 : memref<432xf32, #tpu.memory_space<vmem_shared>>) dst(%dma_wait3A_223 : memref<432xf32, #tpu.memory_space<vmem>>)
      %dma_wait3A_225 = arith.constant 4752 : i32
      %dma_wait3A_226 = tpu.memref_slice %arg34[%dma_wait3A_225] : memref<6912xf32, #tpu.memory_space<vmem>> -> memref<432xf32, #tpu.memory_space<vmem>>
      %dma_wait3A_227 = tpu.memref_slice %arg40[%add3A_120] : memref<110592xf32, #tpu.memory_space<vmem_shared>> -> memref<432xf32, #tpu.memory_space<vmem_shared>>
      %dma_wait3A_228 = arith.constant 4752 : i32
      %dma_wait3A_229 = tpu.memref_slice %arg34[%dma_wait3A_228] : memref<6912xf32, #tpu.memory_space<vmem>> -> memref<432xf32, #tpu.memory_space<vmem>>
      %dma_wait3A_230 = tpu.memref_slice %arg40[%add3A_120] : memref<110592xf32, #tpu.memory_space<vmem_shared>> -> memref<432xf32, #tpu.memory_space<vmem_shared>>
      tpu.wait_dma2 semaphore(%arg39 : memref<!tpu.dma_semaphore, #tpu.memory_space<semaphore_mem>>) src(%dma_wait3A_230 : memref<432xf32, #tpu.memory_space<vmem_shared>>) dst(%dma_wait3A_229 : memref<432xf32, #tpu.memory_space<vmem>>)
      %dma_wait3A_231 = arith.constant 5184 : i32
      %dma_wait3A_232 = tpu.memref_slice %arg34[%dma_wait3A_231] : memref<6912xf32, #tpu.memory_space<vmem>> -> memref<432xf32, #tpu.memory_space<vmem>>
      %dma_wait3A_233 = tpu.memref_slice %arg40[%add3A_128] : memref<110592xf32, #tpu.memory_space<vmem_shared>> -> memref<432xf32, #tpu.memory_space<vmem_shared>>
      %dma_wait3A_234 = arith.constant 5184 : i32
      %dma_wait3A_235 = tpu.memref_slice %arg34[%dma_wait3A_234] : memref<6912xf32, #tpu.memory_space<vmem>> -> memref<432xf32, #tpu.memory_space<vmem>>
      %dma_wait3A_236 = tpu.memref_slice %arg40[%add3A_128] : memref<110592xf32, #tpu.memory_space<vmem_shared>> -> memref<432xf32, #tpu.memory_space<vmem_shared>>
      tpu.wait_dma2 semaphore(%arg39 : memref<!tpu.dma_semaphore, #tpu.memory_space<semaphore_mem>>) src(%dma_wait3A_236 : memref<432xf32, #tpu.memory_space<vmem_shared>>) dst(%dma_wait3A_235 : memref<432xf32, #tpu.memory_space<vmem>>)
      %dma_wait3A_237 = arith.constant 5616 : i32
      %dma_wait3A_238 = tpu.memref_slice %arg34[%dma_wait3A_237] : memref<6912xf32, #tpu.memory_space<vmem>> -> memref<432xf32, #tpu.memory_space<vmem>>
      %dma_wait3A_239 = tpu.memref_slice %arg40[%add3A_136] : memref<110592xf32, #tpu.memory_space<vmem_shared>> -> memref<432xf32, #tpu.memory_space<vmem_shared>>
      %dma_wait3A_240 = arith.constant 5616 : i32
      %dma_wait3A_241 = tpu.memref_slice %arg34[%dma_wait3A_240] : memref<6912xf32, #tpu.memory_space<vmem>> -> memref<432xf32, #tpu.memory_space<vmem>>
      %dma_wait3A_242 = tpu.memref_slice %arg40[%add3A_136] : memref<110592xf32, #tpu.memory_space<vmem_shared>> -> memref<432xf32, #tpu.memory_space<vmem_shared>>
      tpu.wait_dma2 semaphore(%arg39 : memref<!tpu.dma_semaphore, #tpu.memory_space<semaphore_mem>>) src(%dma_wait3A_242 : memref<432xf32, #tpu.memory_space<vmem_shared>>) dst(%dma_wait3A_241 : memref<432xf32, #tpu.memory_space<vmem>>)
      %dma_wait3A_243 = arith.constant 6048 : i32
      %dma_wait3A_244 = tpu.memref_slice %arg34[%dma_wait3A_243] : memref<6912xf32, #tpu.memory_space<vmem>> -> memref<432xf32, #tpu.memory_space<vmem>>
      %dma_wait3A_245 = tpu.memref_slice %arg40[%add3A_144] : memref<110592xf32, #tpu.memory_space<vmem_shared>> -> memref<432xf32, #tpu.memory_space<vmem_shared>>
      %dma_wait3A_246 = arith.constant 6048 : i32
      %dma_wait3A_247 = tpu.memref_slice %arg34[%dma_wait3A_246] : memref<6912xf32, #tpu.memory_space<vmem>> -> memref<432xf32, #tpu.memory_space<vmem>>
      %dma_wait3A_248 = tpu.memref_slice %arg40[%add3A_144] : memref<110592xf32, #tpu.memory_space<vmem_shared>> -> memref<432xf32, #tpu.memory_space<vmem_shared>>
      tpu.wait_dma2 semaphore(%arg39 : memref<!tpu.dma_semaphore, #tpu.memory_space<semaphore_mem>>) src(%dma_wait3A_248 : memref<432xf32, #tpu.memory_space<vmem_shared>>) dst(%dma_wait3A_247 : memref<432xf32, #tpu.memory_space<vmem>>)
      %dma_wait3A_249 = arith.constant 6480 : i32
      %dma_wait3A_250 = tpu.memref_slice %arg34[%dma_wait3A_249] : memref<6912xf32, #tpu.memory_space<vmem>> -> memref<432xf32, #tpu.memory_space<vmem>>
      %dma_wait3A_251 = tpu.memref_slice %arg40[%add3A_152] : memref<110592xf32, #tpu.memory_space<vmem_shared>> -> memref<432xf32, #tpu.memory_space<vmem_shared>>
      %dma_wait3A_252 = arith.constant 6480 : i32
      %dma_wait3A_253 = tpu.memref_slice %arg34[%dma_wait3A_252] : memref<6912xf32, #tpu.memory_space<vmem>> -> memref<432xf32, #tpu.memory_space<vmem>>
      %dma_wait3A_254 = tpu.memref_slice %arg40[%add3A_152] : memref<110592xf32, #tpu.memory_space<vmem_shared>> -> memref<432xf32, #tpu.memory_space<vmem_shared>>
      tpu.wait_dma2 semaphore(%arg39 : memref<!tpu.dma_semaphore, #tpu.memory_space<semaphore_mem>>) src(%dma_wait3A_254 : memref<432xf32, #tpu.memory_space<vmem_shared>>) dst(%dma_wait3A_253 : memref<432xf32, #tpu.memory_space<vmem>>)
      %scan3A_255 = arith.constant 0 : i32
      %scan3A_256 = arith.constant 0 : i32
      %scan3A_257 = arith.constant 27 : i32
      %scan3A_258 = arith.addi %scan3A_256, %scan3A_257 : i32
      %scan3A_259 = arith.constant 1 : i32
      scf.for %scan3A_946 = %scan3A_256 to %scan3A_258 step %scan3A_259  : i32 {
        %mul3A_947 = arith.constant 16 : i32
        %mul3A_948 = arith.muli %scan3A_946, %mul3A_947 : i32
        %get3A = arith.index_cast %mul3A_948 : i32 to index
        %get3A_949 = tpu.vector_load %arg34[%get3A] {strides = array<i32>} : memref<6912xf32, #tpu.memory_space<vmem>>, vector<16xf32>,
        %add3A_950 = arith.constant 432 : i32
        %add3A_951 = arith.addi %add3A_950, %mul3A_948 : i32
        %get3A_952 = arith.index_cast %add3A_951 : i32 to index
        %get3A_953 = tpu.vector_load %arg34[%get3A_952] {strides = array<i32>} : memref<6912xf32, #tpu.memory_space<vmem>>, vector<16xf32>,
        %add3A_954 = arith.addf %get3A_949, %get3A_953 : vector<16xf32>
        %add3A_955 = arith.constant 864 : i32
        %add3A_956 = arith.addi %add3A_955, %mul3A_948 : i32
        %get3A_957 = arith.index_cast %add3A_956 : i32 to index
        %get3A_958 = tpu.vector_load %arg34[%get3A_957] {strides = array<i32>} : memref<6912xf32, #tpu.memory_space<vmem>>, vector<16xf32>,
        %add3A_959 = arith.addf %add3A_954, %get3A_958 : vector<16xf32>
        %add3A_960 = arith.constant 1296 : i32
        %add3A_961 = arith.addi %add3A_960, %mul3A_948 : i32
        %get3A_962 = arith.index_cast %add3A_961 : i32 to index
        %get3A_963 = tpu.vector_load %arg34[%get3A_962] {strides = array<i32>} : memref<6912xf32, #tpu.memory_space<vmem>>, vector<16xf32>,
        %add3A_964 = arith.addf %add3A_959, %get3A_963 : vector<16xf32>
        %add3A_965 = arith.constant 1728 : i32
        %add3A_966 = arith.addi %add3A_965, %mul3A_948 : i32
        %get3A_967 = arith.index_cast %add3A_966 : i32 to index
        %get3A_968 = tpu.vector_load %arg34[%get3A_967] {strides = array<i32>} : memref<6912xf32, #tpu.memory_space<vmem>>, vector<16xf32>,
        %add3A_969 = arith.addf %add3A_964, %get3A_968 : vector<16xf32>
        %add3A_970 = arith.constant 2160 : i32
        %add3A_971 = arith.addi %add3A_970, %mul3A_948 : i32
        %get3A_972 = arith.index_cast %add3A_971 : i32 to index
        %get3A_973 = tpu.vector_load %arg34[%get3A_972] {strides = array<i32>} : memref<6912xf32, #tpu.memory_space<vmem>>, vector<16xf32>,
        %add3A_974 = arith.addf %add3A_969, %get3A_973 : vector<16xf32>
        %add3A_975 = arith.constant 2592 : i32
        %add3A_976 = arith.addi %add3A_975, %mul3A_948 : i32
        %get3A_977 = arith.index_cast %add3A_976 : i32 to index
        %get3A_978 = tpu.vector_load %arg34[%get3A_977] {strides = array<i32>} : memref<6912xf32, #tpu.memory_space<vmem>>, vector<16xf32>,
        %add3A_979 = arith.addf %add3A_974, %get3A_978 : vector<16xf32>
        %add3A_980 = arith.constant 3024 : i32
        %add3A_981 = arith.addi %add3A_980, %mul3A_948 : i32
        %get3A_982 = arith.index_cast %add3A_981 : i32 to index
        %get3A_983 = tpu.vector_load %arg34[%get3A_982] {strides = array<i32>} : memref<6912xf32, #tpu.memory_space<vmem>>, vector<16xf32>,
        %add3A_984 = arith.addf %add3A_979, %get3A_983 : vector<16xf32>
        %add3A_985 = arith.constant 3456 : i32
        %add3A_986 = arith.addi %add3A_985, %mul3A_948 : i32
        %get3A_987 = arith.index_cast %add3A_986 : i32 to index
        %get3A_988 = tpu.vector_load %arg34[%get3A_987] {strides = array<i32>} : memref<6912xf32, #tpu.memory_space<vmem>>, vector<16xf32>,
        %add3A_989 = arith.addf %add3A_984, %get3A_988 : vector<16xf32>
        %add3A_990 = arith.constant 3888 : i32
        %add3A_991 = arith.addi %add3A_990, %mul3A_948 : i32
        %get3A_992 = arith.index_cast %add3A_991 : i32 to index
        %get3A_993 = tpu.vector_load %arg34[%get3A_992] {strides = array<i32>} : memref<6912xf32, #tpu.memory_space<vmem>>, vector<16xf32>,
        %add3A_994 = arith.addf %add3A_989, %get3A_993 : vector<16xf32>
        %add3A_995 = arith.constant 4320 : i32
        %add3A_996 = arith.addi %add3A_995, %mul3A_948 : i32
        %get3A_997 = arith.index_cast %add3A_996 : i32 to index
        %get3A_998 = tpu.vector_load %arg34[%get3A_997] {strides = array<i32>} : memref<6912xf32, #tpu.memory_space<vmem>>, vector<16xf32>,
        %add3A_999 = arith.addf %add3A_994, %get3A_998 : vector<16xf32>
        %add3A_1000 = arith.constant 4752 : i32
        %add3A_1001 = arith.addi %add3A_1000, %mul3A_948 : i32
        %get3A_1002 = arith.index_cast %add3A_1001 : i32 to index
        %get3A_1003 = tpu.vector_load %arg34[%get3A_1002] {strides = array<i32>} : memref<6912xf32, #tpu.memory_space<vmem>>, vector<16xf32>,
        %add3A_1004 = arith.addf %add3A_999, %get3A_1003 : vector<16xf32>
        %add3A_1005 = arith.constant 5184 : i32
        %add3A_1006 = arith.addi %add3A_1005, %mul3A_948 : i32
        %get3A_1007 = arith.index_cast %add3A_1006 : i32 to index
        %get3A_1008 = tpu.vector_load %arg34[%get3A_1007] {strides = array<i32>} : memref<6912xf32, #tpu.memory_space<vmem>>, vector<16xf32>,
        %add3A_1009 = arith.addf %add3A_1004, %get3A_1008 : vector<16xf32>
        %add3A_1010 = arith.constant 5616 : i32
        %add3A_1011 = arith.addi %add3A_1010, %mul3A_948 : i32
        %get3A_1012 = arith.index_cast %add3A_1011 : i32 to index
        %get3A_1013 = tpu.vector_load %arg34[%get3A_1012] {strides = array<i32>} : memref<6912xf32, #tpu.memory_space<vmem>>, vector<16xf32>,
        %add3A_1014 = arith.addf %add3A_1009, %get3A_1013 : vector<16xf32>
        %add3A_1015 = arith.constant 6048 : i32
        %add3A_1016 = arith.addi %add3A_1015, %mul3A_948 : i32
        %get3A_1017 = arith.index_cast %add3A_1016 : i32 to index
        %get3A_1018 = tpu.vector_load %arg34[%get3A_1017] {strides = array<i32>} : memref<6912xf32, #tpu.memory_space<vmem>>, vector<16xf32>,
        %add3A_1019 = arith.addf %add3A_1014, %get3A_1018 : vector<16xf32>
        %add3A_1020 = arith.constant 6480 : i32
        %add3A_1021 = arith.addi %add3A_1020, %mul3A_948 : i32
        %get3A_1022 = arith.index_cast %add3A_1021 : i32 to index
        %get3A_1023 = tpu.vector_load %arg34[%get3A_1022] {strides = array<i32>} : memref<6912xf32, #tpu.memory_space<vmem>>, vector<16xf32>,
        %add3A_1024 = arith.addf %add3A_1019, %get3A_1023 : vector<16xf32>
        %swap3A_1025 = arith.index_cast %mul3A_948 : i32 to index
        %swap3A_1026 = tpu.vector_load %arg31[%swap3A_1025] {strides = array<i32>} : memref<432xf32, #tpu.memory_space<vmem>>, vector<16xf32>,
        tpu.vector_store %arg31[%swap3A_1025], %add3A_1024 {strides = array<i32>} : memref<432xf32, #tpu.memory_space<vmem>>, vector<16xf32>,
      }
      %scan3A_260 = arith.constant 27 : i32
      %add3A_261 = arith.constant 0 : i32
      %add3A_262 = arith.addi %add3A_261, %mul3A_31 : i32
      %dma_start3A_263 = arith.constant 0 : i32
      %dma_start3A_264 = tpu.memref_slice %arg34[%dma_start3A_263] : memref<6912xf32, #tpu.memory_space<vmem>> -> memref<432xf32, #tpu.memory_space<vmem>>
      %dma_start3A_265 = tpu.memref_slice %arg41[%add3A_262] : memref<110592xf32, #tpu.memory_space<vmem_shared>> -> memref<432xf32, #tpu.memory_space<vmem_shared>>
      %dma_start3A_266 = arith.constant 0 : i32
      %dma_start3A_267 = tpu.memref_slice %arg34[%dma_start3A_266] : memref<6912xf32, #tpu.memory_space<vmem>> -> memref<432xf32, #tpu.memory_space<vmem>>
      %dma_start3A_268 = tpu.memref_slice %arg41[%add3A_262] : memref<110592xf32, #tpu.memory_space<vmem_shared>> -> memref<432xf32, #tpu.memory_space<vmem_shared>>
      tpu.enqueue_dma source(%dma_start3A_268 : memref<432xf32, #tpu.memory_space<vmem_shared>>) target(%dma_start3A_267 : memref<432xf32, #tpu.memory_space<vmem>>) target_semaphore(%arg39 : memref<!tpu.dma_semaphore, #tpu.memory_space<semaphore_mem>>)
      %add3A_269 = arith.constant 6912 : i32
      %add3A_270 = arith.addi %add3A_269, %mul3A_31 : i32
      %dma_start3A_271 = arith.constant 432 : i32
      %dma_start3A_272 = tpu.memref_slice %arg34[%dma_start3A_271] : memref<6912xf32, #tpu.memory_space<vmem>> -> memref<432xf32, #tpu.memory_space<vmem>>
      %dma_start3A_273 = tpu.memref_slice %arg41[%add3A_270] : memref<110592xf32, #tpu.memory_space<vmem_shared>> -> memref<432xf32, #tpu.memory_space<vmem_shared>>
      %dma_start3A_274 = arith.constant 432 : i32
      %dma_start3A_275 = tpu.memref_slice %arg34[%dma_start3A_274] : memref<6912xf32, #tpu.memory_space<vmem>> -> memref<432xf32, #tpu.memory_space<vmem>>
      %dma_start3A_276 = tpu.memref_slice %arg41[%add3A_270] : memref<110592xf32, #tpu.memory_space<vmem_shared>> -> memref<432xf32, #tpu.memory_space<vmem_shared>>
      tpu.enqueue_dma source(%dma_start3A_276 : memref<432xf32, #tpu.memory_space<vmem_shared>>) target(%dma_start3A_275 : memref<432xf32, #tpu.memory_space<vmem>>) target_semaphore(%arg39 : memref<!tpu.dma_semaphore, #tpu.memory_space<semaphore_mem>>)
      %add3A_277 = arith.constant 13824 : i32
      %add3A_278 = arith.addi %add3A_277, %mul3A_31 : i32
      %dma_start3A_279 = arith.constant 864 : i32
      %dma_start3A_280 = tpu.memref_slice %arg34[%dma_start3A_279] : memref<6912xf32, #tpu.memory_space<vmem>> -> memref<432xf32, #tpu.memory_space<vmem>>
      %dma_start3A_281 = tpu.memref_slice %arg41[%add3A_278] : memref<110592xf32, #tpu.memory_space<vmem_shared>> -> memref<432xf32, #tpu.memory_space<vmem_shared>>
      %dma_start3A_282 = arith.constant 864 : i32
      %dma_start3A_283 = tpu.memref_slice %arg34[%dma_start3A_282] : memref<6912xf32, #tpu.memory_space<vmem>> -> memref<432xf32, #tpu.memory_space<vmem>>
      %dma_start3A_284 = tpu.memref_slice %arg41[%add3A_278] : memref<110592xf32, #tpu.memory_space<vmem_shared>> -> memref<432xf32, #tpu.memory_space<vmem_shared>>
      tpu.enqueue_dma source(%dma_start3A_284 : memref<432xf32, #tpu.memory_space<vmem_shared>>) target(%dma_start3A_283 : memref<432xf32, #tpu.memory_space<vmem>>) target_semaphore(%arg39 : memref<!tpu.dma_semaphore, #tpu.memory_space<semaphore_mem>>)
      %add3A_285 = arith.constant 20736 : i32
      %add3A_286 = arith.addi %add3A_285, %mul3A_31 : i32
      %dma_start3A_287 = arith.constant 1296 : i32
      %dma_start3A_288 = tpu.memref_slice %arg34[%dma_start3A_287] : memref<6912xf32, #tpu.memory_space<vmem>> -> memref<432xf32, #tpu.memory_space<vmem>>
      %dma_start3A_289 = tpu.memref_slice %arg41[%add3A_286] : memref<110592xf32, #tpu.memory_space<vmem_shared>> -> memref<432xf32, #tpu.memory_space<vmem_shared>>
      %dma_start3A_290 = arith.constant 1296 : i32
      %dma_start3A_291 = tpu.memref_slice %arg34[%dma_start3A_290] : memref<6912xf32, #tpu.memory_space<vmem>> -> memref<432xf32, #tpu.memory_space<vmem>>
      %dma_start3A_292 = tpu.memref_slice %arg41[%add3A_286] : memref<110592xf32, #tpu.memory_space<vmem_shared>> -> memref<432xf32, #tpu.memory_space<vmem_shared>>
      tpu.enqueue_dma source(%dma_start3A_292 : memref<432xf32, #tpu.memory_space<vmem_shared>>) target(%dma_start3A_291 : memref<432xf32, #tpu.memory_space<vmem>>) target_semaphore(%arg39 : memref<!tpu.dma_semaphore, #tpu.memory_space<semaphore_mem>>)
      %add3A_293 = arith.constant 27648 : i32
      %add3A_294 = arith.addi %add3A_293, %mul3A_31 : i32
      %dma_start3A_295 = arith.constant 1728 : i32
      %dma_start3A_296 = tpu.memref_slice %arg34[%dma_start3A_295] : memref<6912xf32, #tpu.memory_space<vmem>> -> memref<432xf32, #tpu.memory_space<vmem>>
      %dma_start3A_297 = tpu.memref_slice %arg41[%add3A_294] : memref<110592xf32, #tpu.memory_space<vmem_shared>> -> memref<432xf32, #tpu.memory_space<vmem_shared>>
      %dma_start3A_298 = arith.constant 1728 : i32
      %dma_start3A_299 = tpu.memref_slice %arg34[%dma_start3A_298] : memref<6912xf32, #tpu.memory_space<vmem>> -> memref<432xf32, #tpu.memory_space<vmem>>
      %dma_start3A_300 = tpu.memref_slice %arg41[%add3A_294] : memref<110592xf32, #tpu.memory_space<vmem_shared>> -> memref<432xf32, #tpu.memory_space<vmem_shared>>
      tpu.enqueue_dma source(%dma_start3A_300 : memref<432xf32, #tpu.memory_space<vmem_shared>>) target(%dma_start3A_299 : memref<432xf32, #tpu.memory_space<vmem>>) target_semaphore(%arg39 : memref<!tpu.dma_semaphore, #tpu.memory_space<semaphore_mem>>)
      %add3A_301 = arith.constant 34560 : i32
      %add3A_302 = arith.addi %add3A_301, %mul3A_31 : i32
      %dma_start3A_303 = arith.constant 2160 : i32
      %dma_start3A_304 = tpu.memref_slice %arg34[%dma_start3A_303] : memref<6912xf32, #tpu.memory_space<vmem>> -> memref<432xf32, #tpu.memory_space<vmem>>
      %dma_start3A_305 = tpu.memref_slice %arg41[%add3A_302] : memref<110592xf32, #tpu.memory_space<vmem_shared>> -> memref<432xf32, #tpu.memory_space<vmem_shared>>
      %dma_start3A_306 = arith.constant 2160 : i32
      %dma_start3A_307 = tpu.memref_slice %arg34[%dma_start3A_306] : memref<6912xf32, #tpu.memory_space<vmem>> -> memref<432xf32, #tpu.memory_space<vmem>>
      %dma_start3A_308 = tpu.memref_slice %arg41[%add3A_302] : memref<110592xf32, #tpu.memory_space<vmem_shared>> -> memref<432xf32, #tpu.memory_space<vmem_shared>>
      tpu.enqueue_dma source(%dma_start3A_308 : memref<432xf32, #tpu.memory_space<vmem_shared>>) target(%dma_start3A_307 : memref<432xf32, #tpu.memory_space<vmem>>) target_semaphore(%arg39 : memref<!tpu.dma_semaphore, #tpu.memory_space<semaphore_mem>>)
      %add3A_309 = arith.constant 41472 : i32
      %add3A_310 = arith.addi %add3A_309, %mul3A_31 : i32
      %dma_start3A_311 = arith.constant 2592 : i32
      %dma_start3A_312 = tpu.memref_slice %arg34[%dma_start3A_311] : memref<6912xf32, #tpu.memory_space<vmem>> -> memref<432xf32, #tpu.memory_space<vmem>>
      %dma_start3A_313 = tpu.memref_slice %arg41[%add3A_310] : memref<110592xf32, #tpu.memory_space<vmem_shared>> -> memref<432xf32, #tpu.memory_space<vmem_shared>>
      %dma_start3A_314 = arith.constant 2592 : i32
      %dma_start3A_315 = tpu.memref_slice %arg34[%dma_start3A_314] : memref<6912xf32, #tpu.memory_space<vmem>> -> memref<432xf32, #tpu.memory_space<vmem>>
      %dma_start3A_316 = tpu.memref_slice %arg41[%add3A_310] : memref<110592xf32, #tpu.memory_space<vmem_shared>> -> memref<432xf32, #tpu.memory_space<vmem_shared>>
      tpu.enqueue_dma source(%dma_start3A_316 : memref<432xf32, #tpu.memory_space<vmem_shared>>) target(%dma_start3A_315 : memref<432xf32, #tpu.memory_space<vmem>>) target_semaphore(%arg39 : memref<!tpu.dma_semaphore, #tpu.memory_space<semaphore_mem>>)
      %add3A_317 = arith.constant 48384 : i32
      %add3A_318 = arith.addi %add3A_317, %mul3A_31 : i32
      %dma_start3A_319 = arith.constant 3024 : i32
      %dma_start3A_320 = tpu.memref_slice %arg34[%dma_start3A_319] : memref<6912xf32, #tpu.memory_space<vmem>> -> memref<432xf32, #tpu.memory_space<vmem>>
      %dma_start3A_321 = tpu.memref_slice %arg41[%add3A_318] : memref<110592xf32, #tpu.memory_space<vmem_shared>> -> memref<432xf32, #tpu.memory_space<vmem_shared>>
      %dma_start3A_322 = arith.constant 3024 : i32
      %dma_start3A_323 = tpu.memref_slice %arg34[%dma_start3A_322] : memref<6912xf32, #tpu.memory_space<vmem>> -> memref<432xf32, #tpu.memory_space<vmem>>
      %dma_start3A_324 = tpu.memref_slice %arg41[%add3A_318] : memref<110592xf32, #tpu.memory_space<vmem_shared>> -> memref<432xf32, #tpu.memory_space<vmem_shared>>
      tpu.enqueue_dma source(%dma_start3A_324 : memref<432xf32, #tpu.memory_space<vmem_shared>>) target(%dma_start3A_323 : memref<432xf32, #tpu.memory_space<vmem>>) target_semaphore(%arg39 : memref<!tpu.dma_semaphore, #tpu.memory_space<semaphore_mem>>)
      %add3A_325 = arith.constant 55296 : i32
      %add3A_326 = arith.addi %add3A_325, %mul3A_31 : i32
      %dma_start3A_327 = arith.constant 3456 : i32
      %dma_start3A_328 = tpu.memref_slice %arg34[%dma_start3A_327] : memref<6912xf32, #tpu.memory_space<vmem>> -> memref<432xf32, #tpu.memory_space<vmem>>
      %dma_start3A_329 = tpu.memref_slice %arg41[%add3A_326] : memref<110592xf32, #tpu.memory_space<vmem_shared>> -> memref<432xf32, #tpu.memory_space<vmem_shared>>
      %dma_start3A_330 = arith.constant 3456 : i32
      %dma_start3A_331 = tpu.memref_slice %arg34[%dma_start3A_330] : memref<6912xf32, #tpu.memory_space<vmem>> -> memref<432xf32, #tpu.memory_space<vmem>>
      %dma_start3A_332 = tpu.memref_slice %arg41[%add3A_326] : memref<110592xf32, #tpu.memory_space<vmem_shared>> -> memref<432xf32, #tpu.memory_space<vmem_shared>>
      tpu.enqueue_dma source(%dma_start3A_332 : memref<432xf32, #tpu.memory_space<vmem_shared>>) target(%dma_start3A_331 : memref<432xf32, #tpu.memory_space<vmem>>) target_semaphore(%arg39 : memref<!tpu.dma_semaphore, #tpu.memory_space<semaphore_mem>>)
      %add3A_333 = arith.constant 62208 : i32
      %add3A_334 = arith.addi %add3A_333, %mul3A_31 : i32
      %dma_start3A_335 = arith.constant 3888 : i32
      %dma_start3A_336 = tpu.memref_slice %arg34[%dma_start3A_335] : memref<6912xf32, #tpu.memory_space<vmem>> -> memref<432xf32, #tpu.memory_space<vmem>>
      %dma_start3A_337 = tpu.memref_slice %arg41[%add3A_334] : memref<110592xf32, #tpu.memory_space<vmem_shared>> -> memref<432xf32, #tpu.memory_space<vmem_shared>>
      %dma_start3A_338 = arith.constant 3888 : i32
      %dma_start3A_339 = tpu.memref_slice %arg34[%dma_start3A_338] : memref<6912xf32, #tpu.memory_space<vmem>> -> memref<432xf32, #tpu.memory_space<vmem>>
      %dma_start3A_340 = tpu.memref_slice %arg41[%add3A_334] : memref<110592xf32, #tpu.memory_space<vmem_shared>> -> memref<432xf32, #tpu.memory_space<vmem_shared>>
      tpu.enqueue_dma source(%dma_start3A_340 : memref<432xf32, #tpu.memory_space<vmem_shared>>) target(%dma_start3A_339 : memref<432xf32, #tpu.memory_space<vmem>>) target_semaphore(%arg39 : memref<!tpu.dma_semaphore, #tpu.memory_space<semaphore_mem>>)
      %add3A_341 = arith.constant 69120 : i32
      %add3A_342 = arith.addi %add3A_341, %mul3A_31 : i32
      %dma_start3A_343 = arith.constant 4320 : i32
      %dma_start3A_344 = tpu.memref_slice %arg34[%dma_start3A_343] : memref<6912xf32, #tpu.memory_space<vmem>> -> memref<432xf32, #tpu.memory_space<vmem>>
      %dma_start3A_345 = tpu.memref_slice %arg41[%add3A_342] : memref<110592xf32, #tpu.memory_space<vmem_shared>> -> memref<432xf32, #tpu.memory_space<vmem_shared>>
      %dma_start3A_346 = arith.constant 4320 : i32
      %dma_start3A_347 = tpu.memref_slice %arg34[%dma_start3A_346] : memref<6912xf32, #tpu.memory_space<vmem>> -> memref<432xf32, #tpu.memory_space<vmem>>
      %dma_start3A_348 = tpu.memref_slice %arg41[%add3A_342] : memref<110592xf32, #tpu.memory_space<vmem_shared>> -> memref<432xf32, #tpu.memory_space<vmem_shared>>
      tpu.enqueue_dma source(%dma_start3A_348 : memref<432xf32, #tpu.memory_space<vmem_shared>>) target(%dma_start3A_347 : memref<432xf32, #tpu.memory_space<vmem>>) target_semaphore(%arg39 : memref<!tpu.dma_semaphore, #tpu.memory_space<semaphore_mem>>)
      %add3A_349 = arith.constant 76032 : i32
      %add3A_350 = arith.addi %add3A_349, %mul3A_31 : i32
      %dma_start3A_351 = arith.constant 4752 : i32
      %dma_start3A_352 = tpu.memref_slice %arg34[%dma_start3A_351] : memref<6912xf32, #tpu.memory_space<vmem>> -> memref<432xf32, #tpu.memory_space<vmem>>
      %dma_start3A_353 = tpu.memref_slice %arg41[%add3A_350] : memref<110592xf32, #tpu.memory_space<vmem_shared>> -> memref<432xf32, #tpu.memory_space<vmem_shared>>
      %dma_start3A_354 = arith.constant 4752 : i32
      %dma_start3A_355 = tpu.memref_slice %arg34[%dma_start3A_354] : memref<6912xf32, #tpu.memory_space<vmem>> -> memref<432xf32, #tpu.memory_space<vmem>>
      %dma_start3A_356 = tpu.memref_slice %arg41[%add3A_350] : memref<110592xf32, #tpu.memory_space<vmem_shared>> -> memref<432xf32, #tpu.memory_space<vmem_shared>>
      tpu.enqueue_dma source(%dma_start3A_356 : memref<432xf32, #tpu.memory_space<vmem_shared>>) target(%dma_start3A_355 : memref<432xf32, #tpu.memory_space<vmem>>) target_semaphore(%arg39 : memref<!tpu.dma_semaphore, #tpu.memory_space<semaphore_mem>>)
      %add3A_357 = arith.constant 82944 : i32
      %add3A_358 = arith.addi %add3A_357, %mul3A_31 : i32
      %dma_start3A_359 = arith.constant 5184 : i32
      %dma_start3A_360 = tpu.memref_slice %arg34[%dma_start3A_359] : memref<6912xf32, #tpu.memory_space<vmem>> -> memref<432xf32, #tpu.memory_space<vmem>>
      %dma_start3A_361 = tpu.memref_slice %arg41[%add3A_358] : memref<110592xf32, #tpu.memory_space<vmem_shared>> -> memref<432xf32, #tpu.memory_space<vmem_shared>>
      %dma_start3A_362 = arith.constant 5184 : i32
      %dma_start3A_363 = tpu.memref_slice %arg34[%dma_start3A_362] : memref<6912xf32, #tpu.memory_space<vmem>> -> memref<432xf32, #tpu.memory_space<vmem>>
      %dma_start3A_364 = tpu.memref_slice %arg41[%add3A_358] : memref<110592xf32, #tpu.memory_space<vmem_shared>> -> memref<432xf32, #tpu.memory_space<vmem_shared>>
      tpu.enqueue_dma source(%dma_start3A_364 : memref<432xf32, #tpu.memory_space<vmem_shared>>) target(%dma_start3A_363 : memref<432xf32, #tpu.memory_space<vmem>>) target_semaphore(%arg39 : memref<!tpu.dma_semaphore, #tpu.memory_space<semaphore_mem>>)
      %add3A_365 = arith.constant 89856 : i32
      %add3A_366 = arith.addi %add3A_365, %mul3A_31 : i32
      %dma_start3A_367 = arith.constant 5616 : i32
      %dma_start3A_368 = tpu.memref_slice %arg34[%dma_start3A_367] : memref<6912xf32, #tpu.memory_space<vmem>> -> memref<432xf32, #tpu.memory_space<vmem>>
      %dma_start3A_369 = tpu.memref_slice %arg41[%add3A_366] : memref<110592xf32, #tpu.memory_space<vmem_shared>> -> memref<432xf32, #tpu.memory_space<vmem_shared>>
      %dma_start3A_370 = arith.constant 5616 : i32
      %dma_start3A_371 = tpu.memref_slice %arg34[%dma_start3A_370] : memref<6912xf32, #tpu.memory_space<vmem>> -> memref<432xf32, #tpu.memory_space<vmem>>
      %dma_start3A_372 = tpu.memref_slice %arg41[%add3A_366] : memref<110592xf32, #tpu.memory_space<vmem_shared>> -> memref<432xf32, #tpu.memory_space<vmem_shared>>
      tpu.enqueue_dma source(%dma_start3A_372 : memref<432xf32, #tpu.memory_space<vmem_shared>>) target(%dma_start3A_371 : memref<432xf32, #tpu.memory_space<vmem>>) target_semaphore(%arg39 : memref<!tpu.dma_semaphore, #tpu.memory_space<semaphore_mem>>)
      %add3A_373 = arith.constant 96768 : i32
      %add3A_374 = arith.addi %add3A_373, %mul3A_31 : i32
      %dma_start3A_375 = arith.constant 6048 : i32
      %dma_start3A_376 = tpu.memref_slice %arg34[%dma_start3A_375] : memref<6912xf32, #tpu.memory_space<vmem>> -> memref<432xf32, #tpu.memory_space<vmem>>
      %dma_start3A_377 = tpu.memref_slice %arg41[%add3A_374] : memref<110592xf32, #tpu.memory_space<vmem_shared>> -> memref<432xf32, #tpu.memory_space<vmem_shared>>
      %dma_start3A_378 = arith.constant 6048 : i32
      %dma_start3A_379 = tpu.memref_slice %arg34[%dma_start3A_378] : memref<6912xf32, #tpu.memory_space<vmem>> -> memref<432xf32, #tpu.memory_space<vmem>>
      %dma_start3A_380 = tpu.memref_slice %arg41[%add3A_374] : memref<110592xf32, #tpu.memory_space<vmem_shared>> -> memref<432xf32, #tpu.memory_space<vmem_shared>>
      tpu.enqueue_dma source(%dma_start3A_380 : memref<432xf32, #tpu.memory_space<vmem_shared>>) target(%dma_start3A_379 : memref<432xf32, #tpu.memory_space<vmem>>) target_semaphore(%arg39 : memref<!tpu.dma_semaphore, #tpu.memory_space<semaphore_mem>>)
      %add3A_381 = arith.constant 103680 : i32
      %add3A_382 = arith.addi %add3A_381, %mul3A_31 : i32
      %dma_start3A_383 = arith.constant 6480 : i32
      %dma_start3A_384 = tpu.memref_slice %arg34[%dma_start3A_383] : memref<6912xf32, #tpu.memory_space<vmem>> -> memref<432xf32, #tpu.memory_space<vmem>>
      %dma_start3A_385 = tpu.memref_slice %arg41[%add3A_382] : memref<110592xf32, #tpu.memory_space<vmem_shared>> -> memref<432xf32, #tpu.memory_space<vmem_shared>>
      %dma_start3A_386 = arith.constant 6480 : i32
      %dma_start3A_387 = tpu.memref_slice %arg34[%dma_start3A_386] : memref<6912xf32, #tpu.memory_space<vmem>> -> memref<432xf32, #tpu.memory_space<vmem>>
      %dma_start3A_388 = tpu.memref_slice %arg41[%add3A_382] : memref<110592xf32, #tpu.memory_space<vmem_shared>> -> memref<432xf32, #tpu.memory_space<vmem_shared>>
      tpu.enqueue_dma source(%dma_start3A_388 : memref<432xf32, #tpu.memory_space<vmem_shared>>) target(%dma_start3A_387 : memref<432xf32, #tpu.memory_space<vmem>>) target_semaphore(%arg39 : memref<!tpu.dma_semaphore, #tpu.memory_space<semaphore_mem>>)
      %dma_wait3A_389 = arith.constant 0 : i32
      %dma_wait3A_390 = tpu.memref_slice %arg34[%dma_wait3A_389] : memref<6912xf32, #tpu.memory_space<vmem>> -> memref<432xf32, #tpu.memory_space<vmem>>
      %dma_wait3A_391 = tpu.memref_slice %arg41[%add3A_262] : memref<110592xf32, #tpu.memory_space<vmem_shared>> -> memref<432xf32, #tpu.memory_space<vmem_shared>>
      %dma_wait3A_392 = arith.constant 0 : i32
      %dma_wait3A_393 = tpu.memref_slice %arg34[%dma_wait3A_392] : memref<6912xf32, #tpu.memory_space<vmem>> -> memref<432xf32, #tpu.memory_space<vmem>>
      %dma_wait3A_394 = tpu.memref_slice %arg41[%add3A_262] : memref<110592xf32, #tpu.memory_space<vmem_shared>> -> memref<432xf32, #tpu.memory_space<vmem_shared>>
      tpu.wait_dma2 semaphore(%arg39 : memref<!tpu.dma_semaphore, #tpu.memory_space<semaphore_mem>>) src(%dma_wait3A_394 : memref<432xf32, #tpu.memory_space<vmem_shared>>) dst(%dma_wait3A_393 : memref<432xf32, #tpu.memory_space<vmem>>)
      %dma_wait3A_395 = arith.constant 432 : i32
      %dma_wait3A_396 = tpu.memref_slice %arg34[%dma_wait3A_395] : memref<6912xf32, #tpu.memory_space<vmem>> -> memref<432xf32, #tpu.memory_space<vmem>>
      %dma_wait3A_397 = tpu.memref_slice %arg41[%add3A_270] : memref<110592xf32, #tpu.memory_space<vmem_shared>> -> memref<432xf32, #tpu.memory_space<vmem_shared>>
      %dma_wait3A_398 = arith.constant 432 : i32
      %dma_wait3A_399 = tpu.memref_slice %arg34[%dma_wait3A_398] : memref<6912xf32, #tpu.memory_space<vmem>> -> memref<432xf32, #tpu.memory_space<vmem>>
      %dma_wait3A_400 = tpu.memref_slice %arg41[%add3A_270] : memref<110592xf32, #tpu.memory_space<vmem_shared>> -> memref<432xf32, #tpu.memory_space<vmem_shared>>
      tpu.wait_dma2 semaphore(%arg39 : memref<!tpu.dma_semaphore, #tpu.memory_space<semaphore_mem>>) src(%dma_wait3A_400 : memref<432xf32, #tpu.memory_space<vmem_shared>>) dst(%dma_wait3A_399 : memref<432xf32, #tpu.memory_space<vmem>>)
      %dma_wait3A_401 = arith.constant 864 : i32
      %dma_wait3A_402 = tpu.memref_slice %arg34[%dma_wait3A_401] : memref<6912xf32, #tpu.memory_space<vmem>> -> memref<432xf32, #tpu.memory_space<vmem>>
      %dma_wait3A_403 = tpu.memref_slice %arg41[%add3A_278] : memref<110592xf32, #tpu.memory_space<vmem_shared>> -> memref<432xf32, #tpu.memory_space<vmem_shared>>
      %dma_wait3A_404 = arith.constant 864 : i32
      %dma_wait3A_405 = tpu.memref_slice %arg34[%dma_wait3A_404] : memref<6912xf32, #tpu.memory_space<vmem>> -> memref<432xf32, #tpu.memory_space<vmem>>
      %dma_wait3A_406 = tpu.memref_slice %arg41[%add3A_278] : memref<110592xf32, #tpu.memory_space<vmem_shared>> -> memref<432xf32, #tpu.memory_space<vmem_shared>>
      tpu.wait_dma2 semaphore(%arg39 : memref<!tpu.dma_semaphore, #tpu.memory_space<semaphore_mem>>) src(%dma_wait3A_406 : memref<432xf32, #tpu.memory_space<vmem_shared>>) dst(%dma_wait3A_405 : memref<432xf32, #tpu.memory_space<vmem>>)
      %dma_wait3A_407 = arith.constant 1296 : i32
      %dma_wait3A_408 = tpu.memref_slice %arg34[%dma_wait3A_407] : memref<6912xf32, #tpu.memory_space<vmem>> -> memref<432xf32, #tpu.memory_space<vmem>>
      %dma_wait3A_409 = tpu.memref_slice %arg41[%add3A_286] : memref<110592xf32, #tpu.memory_space<vmem_shared>> -> memref<432xf32, #tpu.memory_space<vmem_shared>>
      %dma_wait3A_410 = arith.constant 1296 : i32
      %dma_wait3A_411 = tpu.memref_slice %arg34[%dma_wait3A_410] : memref<6912xf32, #tpu.memory_space<vmem>> -> memref<432xf32, #tpu.memory_space<vmem>>
      %dma_wait3A_412 = tpu.memref_slice %arg41[%add3A_286] : memref<110592xf32, #tpu.memory_space<vmem_shared>> -> memref<432xf32, #tpu.memory_space<vmem_shared>>
      tpu.wait_dma2 semaphore(%arg39 : memref<!tpu.dma_semaphore, #tpu.memory_space<semaphore_mem>>) src(%dma_wait3A_412 : memref<432xf32, #tpu.memory_space<vmem_shared>>) dst(%dma_wait3A_411 : memref<432xf32, #tpu.memory_space<vmem>>)
      %dma_wait3A_413 = arith.constant 1728 : i32
      %dma_wait3A_414 = tpu.memref_slice %arg34[%dma_wait3A_413] : memref<6912xf32, #tpu.memory_space<vmem>> -> memref<432xf32, #tpu.memory_space<vmem>>
      %dma_wait3A_415 = tpu.memref_slice %arg41[%add3A_294] : memref<110592xf32, #tpu.memory_space<vmem_shared>> -> memref<432xf32, #tpu.memory_space<vmem_shared>>
      %dma_wait3A_416 = arith.constant 1728 : i32
      %dma_wait3A_417 = tpu.memref_slice %arg34[%dma_wait3A_416] : memref<6912xf32, #tpu.memory_space<vmem>> -> memref<432xf32, #tpu.memory_space<vmem>>
      %dma_wait3A_418 = tpu.memref_slice %arg41[%add3A_294] : memref<110592xf32, #tpu.memory_space<vmem_shared>> -> memref<432xf32, #tpu.memory_space<vmem_shared>>
      tpu.wait_dma2 semaphore(%arg39 : memref<!tpu.dma_semaphore, #tpu.memory_space<semaphore_mem>>) src(%dma_wait3A_418 : memref<432xf32, #tpu.memory_space<vmem_shared>>) dst(%dma_wait3A_417 : memref<432xf32, #tpu.memory_space<vmem>>)
      %dma_wait3A_419 = arith.constant 2160 : i32
      %dma_wait3A_420 = tpu.memref_slice %arg34[%dma_wait3A_419] : memref<6912xf32, #tpu.memory_space<vmem>> -> memref<432xf32, #tpu.memory_space<vmem>>
      %dma_wait3A_421 = tpu.memref_slice %arg41[%add3A_302] : memref<110592xf32, #tpu.memory_space<vmem_shared>> -> memref<432xf32, #tpu.memory_space<vmem_shared>>
      %dma_wait3A_422 = arith.constant 2160 : i32
      %dma_wait3A_423 = tpu.memref_slice %arg34[%dma_wait3A_422] : memref<6912xf32, #tpu.memory_space<vmem>> -> memref<432xf32, #tpu.memory_space<vmem>>
      %dma_wait3A_424 = tpu.memref_slice %arg41[%add3A_302] : memref<110592xf32, #tpu.memory_space<vmem_shared>> -> memref<432xf32, #tpu.memory_space<vmem_shared>>
      tpu.wait_dma2 semaphore(%arg39 : memref<!tpu.dma_semaphore, #tpu.memory_space<semaphore_mem>>) src(%dma_wait3A_424 : memref<432xf32, #tpu.memory_space<vmem_shared>>) dst(%dma_wait3A_423 : memref<432xf32, #tpu.memory_space<vmem>>)
      %dma_wait3A_425 = arith.constant 2592 : i32
      %dma_wait3A_426 = tpu.memref_slice %arg34[%dma_wait3A_425] : memref<6912xf32, #tpu.memory_space<vmem>> -> memref<432xf32, #tpu.memory_space<vmem>>
      %dma_wait3A_427 = tpu.memref_slice %arg41[%add3A_310] : memref<110592xf32, #tpu.memory_space<vmem_shared>> -> memref<432xf32, #tpu.memory_space<vmem_shared>>
      %dma_wait3A_428 = arith.constant 2592 : i32
      %dma_wait3A_429 = tpu.memref_slice %arg34[%dma_wait3A_428] : memref<6912xf32, #tpu.memory_space<vmem>> -> memref<432xf32, #tpu.memory_space<vmem>>
      %dma_wait3A_430 = tpu.memref_slice %arg41[%add3A_310] : memref<110592xf32, #tpu.memory_space<vmem_shared>> -> memref<432xf32, #tpu.memory_space<vmem_shared>>
      tpu.wait_dma2 semaphore(%arg39 : memref<!tpu.dma_semaphore, #tpu.memory_space<semaphore_mem>>) src(%dma_wait3A_430 : memref<432xf32, #tpu.memory_space<vmem_shared>>) dst(%dma_wait3A_429 : memref<432xf32, #tpu.memory_space<vmem>>)
      %dma_wait3A_431 = arith.constant 3024 : i32
      %dma_wait3A_432 = tpu.memref_slice %arg34[%dma_wait3A_431] : memref<6912xf32, #tpu.memory_space<vmem>> -> memref<432xf32, #tpu.memory_space<vmem>>
      %dma_wait3A_433 = tpu.memref_slice %arg41[%add3A_318] : memref<110592xf32, #tpu.memory_space<vmem_shared>> -> memref<432xf32, #tpu.memory_space<vmem_shared>>
      %dma_wait3A_434 = arith.constant 3024 : i32
      %dma_wait3A_435 = tpu.memref_slice %arg34[%dma_wait3A_434] : memref<6912xf32, #tpu.memory_space<vmem>> -> memref<432xf32, #tpu.memory_space<vmem>>
      %dma_wait3A_436 = tpu.memref_slice %arg41[%add3A_318] : memref<110592xf32, #tpu.memory_space<vmem_shared>> -> memref<432xf32, #tpu.memory_space<vmem_shared>>
      tpu.wait_dma2 semaphore(%arg39 : memref<!tpu.dma_semaphore, #tpu.memory_space<semaphore_mem>>) src(%dma_wait3A_436 : memref<432xf32, #tpu.memory_space<vmem_shared>>) dst(%dma_wait3A_435 : memref<432xf32, #tpu.memory_space<vmem>>)
      %dma_wait3A_437 = arith.constant 3456 : i32
      %dma_wait3A_438 = tpu.memref_slice %arg34[%dma_wait3A_437] : memref<6912xf32, #tpu.memory_space<vmem>> -> memref<432xf32, #tpu.memory_space<vmem>>
      %dma_wait3A_439 = tpu.memref_slice %arg41[%add3A_326] : memref<110592xf32, #tpu.memory_space<vmem_shared>> -> memref<432xf32, #tpu.memory_space<vmem_shared>>
      %dma_wait3A_440 = arith.constant 3456 : i32
      %dma_wait3A_441 = tpu.memref_slice %arg34[%dma_wait3A_440] : memref<6912xf32, #tpu.memory_space<vmem>> -> memref<432xf32, #tpu.memory_space<vmem>>
      %dma_wait3A_442 = tpu.memref_slice %arg41[%add3A_326] : memref<110592xf32, #tpu.memory_space<vmem_shared>> -> memref<432xf32, #tpu.memory_space<vmem_shared>>
      tpu.wait_dma2 semaphore(%arg39 : memref<!tpu.dma_semaphore, #tpu.memory_space<semaphore_mem>>) src(%dma_wait3A_442 : memref<432xf32, #tpu.memory_space<vmem_shared>>) dst(%dma_wait3A_441 : memref<432xf32, #tpu.memory_space<vmem>>)
      %dma_wait3A_443 = arith.constant 3888 : i32
      %dma_wait3A_444 = tpu.memref_slice %arg34[%dma_wait3A_443] : memref<6912xf32, #tpu.memory_space<vmem>> -> memref<432xf32, #tpu.memory_space<vmem>>
      %dma_wait3A_445 = tpu.memref_slice %arg41[%add3A_334] : memref<110592xf32, #tpu.memory_space<vmem_shared>> -> memref<432xf32, #tpu.memory_space<vmem_shared>>
      %dma_wait3A_446 = arith.constant 3888 : i32
      %dma_wait3A_447 = tpu.memref_slice %arg34[%dma_wait3A_446] : memref<6912xf32, #tpu.memory_space<vmem>> -> memref<432xf32, #tpu.memory_space<vmem>>
      %dma_wait3A_448 = tpu.memref_slice %arg41[%add3A_334] : memref<110592xf32, #tpu.memory_space<vmem_shared>> -> memref<432xf32, #tpu.memory_space<vmem_shared>>
      tpu.wait_dma2 semaphore(%arg39 : memref<!tpu.dma_semaphore, #tpu.memory_space<semaphore_mem>>) src(%dma_wait3A_448 : memref<432xf32, #tpu.memory_space<vmem_shared>>) dst(%dma_wait3A_447 : memref<432xf32, #tpu.memory_space<vmem>>)
      %dma_wait3A_449 = arith.constant 4320 : i32
      %dma_wait3A_450 = tpu.memref_slice %arg34[%dma_wait3A_449] : memref<6912xf32, #tpu.memory_space<vmem>> -> memref<432xf32, #tpu.memory_space<vmem>>
      %dma_wait3A_451 = tpu.memref_slice %arg41[%add3A_342] : memref<110592xf32, #tpu.memory_space<vmem_shared>> -> memref<432xf32, #tpu.memory_space<vmem_shared>>
      %dma_wait3A_452 = arith.constant 4320 : i32
      %dma_wait3A_453 = tpu.memref_slice %arg34[%dma_wait3A_452] : memref<6912xf32, #tpu.memory_space<vmem>> -> memref<432xf32, #tpu.memory_space<vmem>>
      %dma_wait3A_454 = tpu.memref_slice %arg41[%add3A_342] : memref<110592xf32, #tpu.memory_space<vmem_shared>> -> memref<432xf32, #tpu.memory_space<vmem_shared>>
      tpu.wait_dma2 semaphore(%arg39 : memref<!tpu.dma_semaphore, #tpu.memory_space<semaphore_mem>>) src(%dma_wait3A_454 : memref<432xf32, #tpu.memory_space<vmem_shared>>) dst(%dma_wait3A_453 : memref<432xf32, #tpu.memory_space<vmem>>)
      %dma_wait3A_455 = arith.constant 4752 : i32
      %dma_wait3A_456 = tpu.memref_slice %arg34[%dma_wait3A_455] : memref<6912xf32, #tpu.memory_space<vmem>> -> memref<432xf32, #tpu.memory_space<vmem>>
      %dma_wait3A_457 = tpu.memref_slice %arg41[%add3A_350] : memref<110592xf32, #tpu.memory_space<vmem_shared>> -> memref<432xf32, #tpu.memory_space<vmem_shared>>
      %dma_wait3A_458 = arith.constant 4752 : i32
      %dma_wait3A_459 = tpu.memref_slice %arg34[%dma_wait3A_458] : memref<6912xf32, #tpu.memory_space<vmem>> -> memref<432xf32, #tpu.memory_space<vmem>>
      %dma_wait3A_460 = tpu.memref_slice %arg41[%add3A_350] : memref<110592xf32, #tpu.memory_space<vmem_shared>> -> memref<432xf32, #tpu.memory_space<vmem_shared>>
      tpu.wait_dma2 semaphore(%arg39 : memref<!tpu.dma_semaphore, #tpu.memory_space<semaphore_mem>>) src(%dma_wait3A_460 : memref<432xf32, #tpu.memory_space<vmem_shared>>) dst(%dma_wait3A_459 : memref<432xf32, #tpu.memory_space<vmem>>)
      %dma_wait3A_461 = arith.constant 5184 : i32
      %dma_wait3A_462 = tpu.memref_slice %arg34[%dma_wait3A_461] : memref<6912xf32, #tpu.memory_space<vmem>> -> memref<432xf32, #tpu.memory_space<vmem>>
      %dma_wait3A_463 = tpu.memref_slice %arg41[%add3A_358] : memref<110592xf32, #tpu.memory_space<vmem_shared>> -> memref<432xf32, #tpu.memory_space<vmem_shared>>
      %dma_wait3A_464 = arith.constant 5184 : i32
      %dma_wait3A_465 = tpu.memref_slice %arg34[%dma_wait3A_464] : memref<6912xf32, #tpu.memory_space<vmem>> -> memref<432xf32, #tpu.memory_space<vmem>>
      %dma_wait3A_466 = tpu.memref_slice %arg41[%add3A_358] : memref<110592xf32, #tpu.memory_space<vmem_shared>> -> memref<432xf32, #tpu.memory_space<vmem_shared>>
      tpu.wait_dma2 semaphore(%arg39 : memref<!tpu.dma_semaphore, #tpu.memory_space<semaphore_mem>>) src(%dma_wait3A_466 : memref<432xf32, #tpu.memory_space<vmem_shared>>) dst(%dma_wait3A_465 : memref<432xf32, #tpu.memory_space<vmem>>)
      %dma_wait3A_467 = arith.constant 5616 : i32
      %dma_wait3A_468 = tpu.memref_slice %arg34[%dma_wait3A_467] : memref<6912xf32, #tpu.memory_space<vmem>> -> memref<432xf32, #tpu.memory_space<vmem>>
      %dma_wait3A_469 = tpu.memref_slice %arg41[%add3A_366] : memref<110592xf32, #tpu.memory_space<vmem_shared>> -> memref<432xf32, #tpu.memory_space<vmem_shared>>
      %dma_wait3A_470 = arith.constant 5616 : i32
      %dma_wait3A_471 = tpu.memref_slice %arg34[%dma_wait3A_470] : memref<6912xf32, #tpu.memory_space<vmem>> -> memref<432xf32, #tpu.memory_space<vmem>>
      %dma_wait3A_472 = tpu.memref_slice %arg41[%add3A_366] : memref<110592xf32, #tpu.memory_space<vmem_shared>> -> memref<432xf32, #tpu.memory_space<vmem_shared>>
      tpu.wait_dma2 semaphore(%arg39 : memref<!tpu.dma_semaphore, #tpu.memory_space<semaphore_mem>>) src(%dma_wait3A_472 : memref<432xf32, #tpu.memory_space<vmem_shared>>) dst(%dma_wait3A_471 : memref<432xf32, #tpu.memory_space<vmem>>)
      %dma_wait3A_473 = arith.constant 6048 : i32
      %dma_wait3A_474 = tpu.memref_slice %arg34[%dma_wait3A_473] : memref<6912xf32, #tpu.memory_space<vmem>> -> memref<432xf32, #tpu.memory_space<vmem>>
      %dma_wait3A_475 = tpu.memref_slice %arg41[%add3A_374] : memref<110592xf32, #tpu.memory_space<vmem_shared>> -> memref<432xf32, #tpu.memory_space<vmem_shared>>
      %dma_wait3A_476 = arith.constant 6048 : i32
      %dma_wait3A_477 = tpu.memref_slice %arg34[%dma_wait3A_476] : memref<6912xf32, #tpu.memory_space<vmem>> -> memref<432xf32, #tpu.memory_space<vmem>>
      %dma_wait3A_478 = tpu.memref_slice %arg41[%add3A_374] : memref<110592xf32, #tpu.memory_space<vmem_shared>> -> memref<432xf32, #tpu.memory_space<vmem_shared>>
      tpu.wait_dma2 semaphore(%arg39 : memref<!tpu.dma_semaphore, #tpu.memory_space<semaphore_mem>>) src(%dma_wait3A_478 : memref<432xf32, #tpu.memory_space<vmem_shared>>) dst(%dma_wait3A_477 : memref<432xf32, #tpu.memory_space<vmem>>)
      %dma_wait3A_479 = arith.constant 6480 : i32
      %dma_wait3A_480 = tpu.memref_slice %arg34[%dma_wait3A_479] : memref<6912xf32, #tpu.memory_space<vmem>> -> memref<432xf32, #tpu.memory_space<vmem>>
      %dma_wait3A_481 = tpu.memref_slice %arg41[%add3A_382] : memref<110592xf32, #tpu.memory_space<vmem_shared>> -> memref<432xf32, #tpu.memory_space<vmem_shared>>
      %dma_wait3A_482 = arith.constant 6480 : i32
      %dma_wait3A_483 = tpu.memref_slice %arg34[%dma_wait3A_482] : memref<6912xf32, #tpu.memory_space<vmem>> -> memref<432xf32, #tpu.memory_space<vmem>>
      %dma_wait3A_484 = tpu.memref_slice %arg41[%add3A_382] : memref<110592xf32, #tpu.memory_space<vmem_shared>> -> memref<432xf32, #tpu.memory_space<vmem_shared>>
      tpu.wait_dma2 semaphore(%arg39 : memref<!tpu.dma_semaphore, #tpu.memory_space<semaphore_mem>>) src(%dma_wait3A_484 : memref<432xf32, #tpu.memory_space<vmem_shared>>) dst(%dma_wait3A_483 : memref<432xf32, #tpu.memory_space<vmem>>)
      %scan3A_485 = arith.constant 0 : i32
      %scan3A_486 = arith.constant 0 : i32
      %scan3A_487 = arith.constant 27 : i32
      %scan3A_488 = arith.addi %scan3A_486, %scan3A_487 : i32
      %scan3A_489 = arith.constant 1 : i32
      scf.for %scan3A_946 = %scan3A_486 to %scan3A_488 step %scan3A_489  : i32 {
        %mul3A_947 = arith.constant 16 : i32
        %mul3A_948 = arith.muli %scan3A_946, %mul3A_947 : i32
        %get3A = arith.index_cast %mul3A_948 : i32 to index
        %get3A_949 = tpu.vector_load %arg34[%get3A] {strides = array<i32>} : memref<6912xf32, #tpu.memory_space<vmem>>, vector<16xf32>,
        %add3A_950 = arith.constant 432 : i32
        %add3A_951 = arith.addi %add3A_950, %mul3A_948 : i32
        %get3A_952 = arith.index_cast %add3A_951 : i32 to index
        %get3A_953 = tpu.vector_load %arg34[%get3A_952] {strides = array<i32>} : memref<6912xf32, #tpu.memory_space<vmem>>, vector<16xf32>,
        %add3A_954 = arith.addf %get3A_949, %get3A_953 : vector<16xf32>
        %add3A_955 = arith.constant 864 : i32
        %add3A_956 = arith.addi %add3A_955, %mul3A_948 : i32
        %get3A_957 = arith.index_cast %add3A_956 : i32 to index
        %get3A_958 = tpu.vector_load %arg34[%get3A_957] {strides = array<i32>} : memref<6912xf32, #tpu.memory_space<vmem>>, vector<16xf32>,
        %add3A_959 = arith.addf %add3A_954, %get3A_958 : vector<16xf32>
        %add3A_960 = arith.constant 1296 : i32
        %add3A_961 = arith.addi %add3A_960, %mul3A_948 : i32
        %get3A_962 = arith.index_cast %add3A_961 : i32 to index
        %get3A_963 = tpu.vector_load %arg34[%get3A_962] {strides = array<i32>} : memref<6912xf32, #tpu.memory_space<vmem>>, vector<16xf32>,
        %add3A_964 = arith.addf %add3A_959, %get3A_963 : vector<16xf32>
        %add3A_965 = arith.constant 1728 : i32
        %add3A_966 = arith.addi %add3A_965, %mul3A_948 : i32
        %get3A_967 = arith.index_cast %add3A_966 : i32 to index
        %get3A_968 = tpu.vector_load %arg34[%get3A_967] {strides = array<i32>} : memref<6912xf32, #tpu.memory_space<vmem>>, vector<16xf32>,
        %add3A_969 = arith.addf %add3A_964, %get3A_968 : vector<16xf32>
        %add3A_970 = arith.constant 2160 : i32
        %add3A_971 = arith.addi %add3A_970, %mul3A_948 : i32
        %get3A_972 = arith.index_cast %add3A_971 : i32 to index
        %get3A_973 = tpu.vector_load %arg34[%get3A_972] {strides = array<i32>} : memref<6912xf32, #tpu.memory_space<vmem>>, vector<16xf32>,
        %add3A_974 = arith.addf %add3A_969, %get3A_973 : vector<16xf32>
        %add3A_975 = arith.constant 2592 : i32
        %add3A_976 = arith.addi %add3A_975, %mul3A_948 : i32
        %get3A_977 = arith.index_cast %add3A_976 : i32 to index
        %get3A_978 = tpu.vector_load %arg34[%get3A_977] {strides = array<i32>} : memref<6912xf32, #tpu.memory_space<vmem>>, vector<16xf32>,
        %add3A_979 = arith.addf %add3A_974, %get3A_978 : vector<16xf32>
        %add3A_980 = arith.constant 3024 : i32
        %add3A_981 = arith.addi %add3A_980, %mul3A_948 : i32
        %get3A_982 = arith.index_cast %add3A_981 : i32 to index
        %get3A_983 = tpu.vector_load %arg34[%get3A_982] {strides = array<i32>} : memref<6912xf32, #tpu.memory_space<vmem>>, vector<16xf32>,
        %add3A_984 = arith.addf %add3A_979, %get3A_983 : vector<16xf32>
        %add3A_985 = arith.constant 3456 : i32
        %add3A_986 = arith.addi %add3A_985, %mul3A_948 : i32
        %get3A_987 = arith.index_cast %add3A_986 : i32 to index
        %get3A_988 = tpu.vector_load %arg34[%get3A_987] {strides = array<i32>} : memref<6912xf32, #tpu.memory_space<vmem>>, vector<16xf32>,
        %add3A_989 = arith.addf %add3A_984, %get3A_988 : vector<16xf32>
        %add3A_990 = arith.constant 3888 : i32
        %add3A_991 = arith.addi %add3A_990, %mul3A_948 : i32
        %get3A_992 = arith.index_cast %add3A_991 : i32 to index
        %get3A_993 = tpu.vector_load %arg34[%get3A_992] {strides = array<i32>} : memref<6912xf32, #tpu.memory_space<vmem>>, vector<16xf32>,
        %add3A_994 = arith.addf %add3A_989, %get3A_993 : vector<16xf32>
        %add3A_995 = arith.constant 4320 : i32
        %add3A_996 = arith.addi %add3A_995, %mul3A_948 : i32
        %get3A_997 = arith.index_cast %add3A_996 : i32 to index
        %get3A_998 = tpu.vector_load %arg34[%get3A_997] {strides = array<i32>} : memref<6912xf32, #tpu.memory_space<vmem>>, vector<16xf32>,
        %add3A_999 = arith.addf %add3A_994, %get3A_998 : vector<16xf32>
        %add3A_1000 = arith.constant 4752 : i32
        %add3A_1001 = arith.addi %add3A_1000, %mul3A_948 : i32
        %get3A_1002 = arith.index_cast %add3A_1001 : i32 to index
        %get3A_1003 = tpu.vector_load %arg34[%get3A_1002] {strides = array<i32>} : memref<6912xf32, #tpu.memory_space<vmem>>, vector<16xf32>,
        %add3A_1004 = arith.addf %add3A_999, %get3A_1003 : vector<16xf32>
        %add3A_1005 = arith.constant 5184 : i32
        %add3A_1006 = arith.addi %add3A_1005, %mul3A_948 : i32
        %get3A_1007 = arith.index_cast %add3A_1006 : i32 to index
        %get3A_1008 = tpu.vector_load %arg34[%get3A_1007] {strides = array<i32>} : memref<6912xf32, #tpu.memory_space<vmem>>, vector<16xf32>,
        %add3A_1009 = arith.addf %add3A_1004, %get3A_1008 : vector<16xf32>
        %add3A_1010 = arith.constant 5616 : i32
        %add3A_1011 = arith.addi %add3A_1010, %mul3A_948 : i32
        %get3A_1012 = arith.index_cast %add3A_1011 : i32 to index
        %get3A_1013 = tpu.vector_load %arg34[%get3A_1012] {strides = array<i32>} : memref<6912xf32, #tpu.memory_space<vmem>>, vector<16xf32>,
        %add3A_1014 = arith.addf %add3A_1009, %get3A_1013 : vector<16xf32>
        %add3A_1015 = arith.constant 6048 : i32
        %add3A_1016 = arith.addi %add3A_1015, %mul3A_948 : i32
        %get3A_1017 = arith.index_cast %add3A_1016 : i32 to index
        %get3A_1018 = tpu.vector_load %arg34[%get3A_1017] {strides = array<i32>} : memref<6912xf32, #tpu.memory_space<vmem>>, vector<16xf32>,
        %add3A_1019 = arith.addf %add3A_1014, %get3A_1018 : vector<16xf32>
        %add3A_1020 = arith.constant 6480 : i32
        %add3A_1021 = arith.addi %add3A_1020, %mul3A_948 : i32
        %get3A_1022 = arith.index_cast %add3A_1021 : i32 to index
        %get3A_1023 = tpu.vector_load %arg34[%get3A_1022] {strides = array<i32>} : memref<6912xf32, #tpu.memory_space<vmem>>, vector<16xf32>,
        %add3A_1024 = arith.addf %add3A_1019, %get3A_1023 : vector<16xf32>
        %swap3A_1025 = arith.index_cast %mul3A_948 : i32 to index
        %swap3A_1026 = tpu.vector_load %arg32[%swap3A_1025] {strides = array<i32>} : memref<432xf32, #tpu.memory_space<vmem>>, vector<16xf32>,
        tpu.vector_store %arg32[%swap3A_1025], %add3A_1024 {strides = array<i32>} : memref<432xf32, #tpu.memory_space<vmem>>, vector<16xf32>,
      }
      %scan3A_490 = arith.constant 27 : i32
      %add3A_491 = arith.constant 0 : i32
      %add3A_492 = arith.addi %add3A_491, %mul3A_31 : i32
      %dma_start3A_493 = arith.constant 0 : i32
      %dma_start3A_494 = tpu.memref_slice %arg34[%dma_start3A_493] : memref<6912xf32, #tpu.memory_space<vmem>> -> memref<432xf32, #tpu.memory_space<vmem>>
      %dma_start3A_495 = tpu.memref_slice %arg42[%add3A_492] : memref<110592xf32, #tpu.memory_space<vmem_shared>> -> memref<432xf32, #tpu.memory_space<vmem_shared>>
      %dma_start3A_496 = arith.constant 0 : i32
      %dma_start3A_497 = tpu.memref_slice %arg34[%dma_start3A_496] : memref<6912xf32, #tpu.memory_space<vmem>> -> memref<432xf32, #tpu.memory_space<vmem>>
      %dma_start3A_498 = tpu.memref_slice %arg42[%add3A_492] : memref<110592xf32, #tpu.memory_space<vmem_shared>> -> memref<432xf32, #tpu.memory_space<vmem_shared>>
      tpu.enqueue_dma source(%dma_start3A_498 : memref<432xf32, #tpu.memory_space<vmem_shared>>) target(%dma_start3A_497 : memref<432xf32, #tpu.memory_space<vmem>>) target_semaphore(%arg39 : memref<!tpu.dma_semaphore, #tpu.memory_space<semaphore_mem>>)
      %add3A_499 = arith.constant 6912 : i32
      %add3A_500 = arith.addi %add3A_499, %mul3A_31 : i32
      %dma_start3A_501 = arith.constant 432 : i32
      %dma_start3A_502 = tpu.memref_slice %arg34[%dma_start3A_501] : memref<6912xf32, #tpu.memory_space<vmem>> -> memref<432xf32, #tpu.memory_space<vmem>>
      %dma_start3A_503 = tpu.memref_slice %arg42[%add3A_500] : memref<110592xf32, #tpu.memory_space<vmem_shared>> -> memref<432xf32, #tpu.memory_space<vmem_shared>>
      %dma_start3A_504 = arith.constant 432 : i32
      %dma_start3A_505 = tpu.memref_slice %arg34[%dma_start3A_504] : memref<6912xf32, #tpu.memory_space<vmem>> -> memref<432xf32, #tpu.memory_space<vmem>>
      %dma_start3A_506 = tpu.memref_slice %arg42[%add3A_500] : memref<110592xf32, #tpu.memory_space<vmem_shared>> -> memref<432xf32, #tpu.memory_space<vmem_shared>>
      tpu.enqueue_dma source(%dma_start3A_506 : memref<432xf32, #tpu.memory_space<vmem_shared>>) target(%dma_start3A_505 : memref<432xf32, #tpu.memory_space<vmem>>) target_semaphore(%arg39 : memref<!tpu.dma_semaphore, #tpu.memory_space<semaphore_mem>>)
      %add3A_507 = arith.constant 13824 : i32
      %add3A_508 = arith.addi %add3A_507, %mul3A_31 : i32
      %dma_start3A_509 = arith.constant 864 : i32
      %dma_start3A_510 = tpu.memref_slice %arg34[%dma_start3A_509] : memref<6912xf32, #tpu.memory_space<vmem>> -> memref<432xf32, #tpu.memory_space<vmem>>
      %dma_start3A_511 = tpu.memref_slice %arg42[%add3A_508] : memref<110592xf32, #tpu.memory_space<vmem_shared>> -> memref<432xf32, #tpu.memory_space<vmem_shared>>
      %dma_start3A_512 = arith.constant 864 : i32
      %dma_start3A_513 = tpu.memref_slice %arg34[%dma_start3A_512] : memref<6912xf32, #tpu.memory_space<vmem>> -> memref<432xf32, #tpu.memory_space<vmem>>
      %dma_start3A_514 = tpu.memref_slice %arg42[%add3A_508] : memref<110592xf32, #tpu.memory_space<vmem_shared>> -> memref<432xf32, #tpu.memory_space<vmem_shared>>
      tpu.enqueue_dma source(%dma_start3A_514 : memref<432xf32, #tpu.memory_space<vmem_shared>>) target(%dma_start3A_513 : memref<432xf32, #tpu.memory_space<vmem>>) target_semaphore(%arg39 : memref<!tpu.dma_semaphore, #tpu.memory_space<semaphore_mem>>)
      %add3A_515 = arith.constant 20736 : i32
      %add3A_516 = arith.addi %add3A_515, %mul3A_31 : i32
      %dma_start3A_517 = arith.constant 1296 : i32
      %dma_start3A_518 = tpu.memref_slice %arg34[%dma_start3A_517] : memref<6912xf32, #tpu.memory_space<vmem>> -> memref<432xf32, #tpu.memory_space<vmem>>
      %dma_start3A_519 = tpu.memref_slice %arg42[%add3A_516] : memref<110592xf32, #tpu.memory_space<vmem_shared>> -> memref<432xf32, #tpu.memory_space<vmem_shared>>
      %dma_start3A_520 = arith.constant 1296 : i32
      %dma_start3A_521 = tpu.memref_slice %arg34[%dma_start3A_520] : memref<6912xf32, #tpu.memory_space<vmem>> -> memref<432xf32, #tpu.memory_space<vmem>>
      %dma_start3A_522 = tpu.memref_slice %arg42[%add3A_516] : memref<110592xf32, #tpu.memory_space<vmem_shared>> -> memref<432xf32, #tpu.memory_space<vmem_shared>>
      tpu.enqueue_dma source(%dma_start3A_522 : memref<432xf32, #tpu.memory_space<vmem_shared>>) target(%dma_start3A_521 : memref<432xf32, #tpu.memory_space<vmem>>) target_semaphore(%arg39 : memref<!tpu.dma_semaphore, #tpu.memory_space<semaphore_mem>>)
      %add3A_523 = arith.constant 27648 : i32
      %add3A_524 = arith.addi %add3A_523, %mul3A_31 : i32
      %dma_start3A_525 = arith.constant 1728 : i32
      %dma_start3A_526 = tpu.memref_slice %arg34[%dma_start3A_525] : memref<6912xf32, #tpu.memory_space<vmem>> -> memref<432xf32, #tpu.memory_space<vmem>>
      %dma_start3A_527 = tpu.memref_slice %arg42[%add3A_524] : memref<110592xf32, #tpu.memory_space<vmem_shared>> -> memref<432xf32, #tpu.memory_space<vmem_shared>>
      %dma_start3A_528 = arith.constant 1728 : i32
      %dma_start3A_529 = tpu.memref_slice %arg34[%dma_start3A_528] : memref<6912xf32, #tpu.memory_space<vmem>> -> memref<432xf32, #tpu.memory_space<vmem>>
      %dma_start3A_530 = tpu.memref_slice %arg42[%add3A_524] : memref<110592xf32, #tpu.memory_space<vmem_shared>> -> memref<432xf32, #tpu.memory_space<vmem_shared>>
      tpu.enqueue_dma source(%dma_start3A_530 : memref<432xf32, #tpu.memory_space<vmem_shared>>) target(%dma_start3A_529 : memref<432xf32, #tpu.memory_space<vmem>>) target_semaphore(%arg39 : memref<!tpu.dma_semaphore, #tpu.memory_space<semaphore_mem>>)
      %add3A_531 = arith.constant 34560 : i32
      %add3A_532 = arith.addi %add3A_531, %mul3A_31 : i32
      %dma_start3A_533 = arith.constant 2160 : i32
      %dma_start3A_534 = tpu.memref_slice %arg34[%dma_start3A_533] : memref<6912xf32, #tpu.memory_space<vmem>> -> memref<432xf32, #tpu.memory_space<vmem>>
      %dma_start3A_535 = tpu.memref_slice %arg42[%add3A_532] : memref<110592xf32, #tpu.memory_space<vmem_shared>> -> memref<432xf32, #tpu.memory_space<vmem_shared>>
      %dma_start3A_536 = arith.constant 2160 : i32
      %dma_start3A_537 = tpu.memref_slice %arg34[%dma_start3A_536] : memref<6912xf32, #tpu.memory_space<vmem>> -> memref<432xf32, #tpu.memory_space<vmem>>
      %dma_start3A_538 = tpu.memref_slice %arg42[%add3A_532] : memref<110592xf32, #tpu.memory_space<vmem_shared>> -> memref<432xf32, #tpu.memory_space<vmem_shared>>
      tpu.enqueue_dma source(%dma_start3A_538 : memref<432xf32, #tpu.memory_space<vmem_shared>>) target(%dma_start3A_537 : memref<432xf32, #tpu.memory_space<vmem>>) target_semaphore(%arg39 : memref<!tpu.dma_semaphore, #tpu.memory_space<semaphore_mem>>)
      %add3A_539 = arith.constant 41472 : i32
      %add3A_540 = arith.addi %add3A_539, %mul3A_31 : i32
      %dma_start3A_541 = arith.constant 2592 : i32
      %dma_start3A_542 = tpu.memref_slice %arg34[%dma_start3A_541] : memref<6912xf32, #tpu.memory_space<vmem>> -> memref<432xf32, #tpu.memory_space<vmem>>
      %dma_start3A_543 = tpu.memref_slice %arg42[%add3A_540] : memref<110592xf32, #tpu.memory_space<vmem_shared>> -> memref<432xf32, #tpu.memory_space<vmem_shared>>
      %dma_start3A_544 = arith.constant 2592 : i32
      %dma_start3A_545 = tpu.memref_slice %arg34[%dma_start3A_544] : memref<6912xf32, #tpu.memory_space<vmem>> -> memref<432xf32, #tpu.memory_space<vmem>>
      %dma_start3A_546 = tpu.memref_slice %arg42[%add3A_540] : memref<110592xf32, #tpu.memory_space<vmem_shared>> -> memref<432xf32, #tpu.memory_space<vmem_shared>>
      tpu.enqueue_dma source(%dma_start3A_546 : memref<432xf32, #tpu.memory_space<vmem_shared>>) target(%dma_start3A_545 : memref<432xf32, #tpu.memory_space<vmem>>) target_semaphore(%arg39 : memref<!tpu.dma_semaphore, #tpu.memory_space<semaphore_mem>>)
      %add3A_547 = arith.constant 48384 : i32
      %add3A_548 = arith.addi %add3A_547, %mul3A_31 : i32
      %dma_start3A_549 = arith.constant 3024 : i32
      %dma_start3A_550 = tpu.memref_slice %arg34[%dma_start3A_549] : memref<6912xf32, #tpu.memory_space<vmem>> -> memref<432xf32, #tpu.memory_space<vmem>>
      %dma_start3A_551 = tpu.memref_slice %arg42[%add3A_548] : memref<110592xf32, #tpu.memory_space<vmem_shared>> -> memref<432xf32, #tpu.memory_space<vmem_shared>>
      %dma_start3A_552 = arith.constant 3024 : i32
      %dma_start3A_553 = tpu.memref_slice %arg34[%dma_start3A_552] : memref<6912xf32, #tpu.memory_space<vmem>> -> memref<432xf32, #tpu.memory_space<vmem>>
      %dma_start3A_554 = tpu.memref_slice %arg42[%add3A_548] : memref<110592xf32, #tpu.memory_space<vmem_shared>> -> memref<432xf32, #tpu.memory_space<vmem_shared>>
      tpu.enqueue_dma source(%dma_start3A_554 : memref<432xf32, #tpu.memory_space<vmem_shared>>) target(%dma_start3A_553 : memref<432xf32, #tpu.memory_space<vmem>>) target_semaphore(%arg39 : memref<!tpu.dma_semaphore, #tpu.memory_space<semaphore_mem>>)
      %add3A_555 = arith.constant 55296 : i32
      %add3A_556 = arith.addi %add3A_555, %mul3A_31 : i32
      %dma_start3A_557 = arith.constant 3456 : i32
      %dma_start3A_558 = tpu.memref_slice %arg34[%dma_start3A_557] : memref<6912xf32, #tpu.memory_space<vmem>> -> memref<432xf32, #tpu.memory_space<vmem>>
      %dma_start3A_559 = tpu.memref_slice %arg42[%add3A_556] : memref<110592xf32, #tpu.memory_space<vmem_shared>> -> memref<432xf32, #tpu.memory_space<vmem_shared>>
      %dma_start3A_560 = arith.constant 3456 : i32
      %dma_start3A_561 = tpu.memref_slice %arg34[%dma_start3A_560] : memref<6912xf32, #tpu.memory_space<vmem>> -> memref<432xf32, #tpu.memory_space<vmem>>
      %dma_start3A_562 = tpu.memref_slice %arg42[%add3A_556] : memref<110592xf32, #tpu.memory_space<vmem_shared>> -> memref<432xf32, #tpu.memory_space<vmem_shared>>
      tpu.enqueue_dma source(%dma_start3A_562 : memref<432xf32, #tpu.memory_space<vmem_shared>>) target(%dma_start3A_561 : memref<432xf32, #tpu.memory_space<vmem>>) target_semaphore(%arg39 : memref<!tpu.dma_semaphore, #tpu.memory_space<semaphore_mem>>)
      %add3A_563 = arith.constant 62208 : i32
      %add3A_564 = arith.addi %add3A_563, %mul3A_31 : i32
      %dma_start3A_565 = arith.constant 3888 : i32
      %dma_start3A_566 = tpu.memref_slice %arg34[%dma_start3A_565] : memref<6912xf32, #tpu.memory_space<vmem>> -> memref<432xf32, #tpu.memory_space<vmem>>
      %dma_start3A_567 = tpu.memref_slice %arg42[%add3A_564] : memref<110592xf32, #tpu.memory_space<vmem_shared>> -> memref<432xf32, #tpu.memory_space<vmem_shared>>
      %dma_start3A_568 = arith.constant 3888 : i32
      %dma_start3A_569 = tpu.memref_slice %arg34[%dma_start3A_568] : memref<6912xf32, #tpu.memory_space<vmem>> -> memref<432xf32, #tpu.memory_space<vmem>>
      %dma_start3A_570 = tpu.memref_slice %arg42[%add3A_564] : memref<110592xf32, #tpu.memory_space<vmem_shared>> -> memref<432xf32, #tpu.memory_space<vmem_shared>>
      tpu.enqueue_dma source(%dma_start3A_570 : memref<432xf32, #tpu.memory_space<vmem_shared>>) target(%dma_start3A_569 : memref<432xf32, #tpu.memory_space<vmem>>) target_semaphore(%arg39 : memref<!tpu.dma_semaphore, #tpu.memory_space<semaphore_mem>>)
      %add3A_571 = arith.constant 69120 : i32
      %add3A_572 = arith.addi %add3A_571, %mul3A_31 : i32
      %dma_start3A_573 = arith.constant 4320 : i32
      %dma_start3A_574 = tpu.memref_slice %arg34[%dma_start3A_573] : memref<6912xf32, #tpu.memory_space<vmem>> -> memref<432xf32, #tpu.memory_space<vmem>>
      %dma_start3A_575 = tpu.memref_slice %arg42[%add3A_572] : memref<110592xf32, #tpu.memory_space<vmem_shared>> -> memref<432xf32, #tpu.memory_space<vmem_shared>>
      %dma_start3A_576 = arith.constant 4320 : i32
      %dma_start3A_577 = tpu.memref_slice %arg34[%dma_start3A_576] : memref<6912xf32, #tpu.memory_space<vmem>> -> memref<432xf32, #tpu.memory_space<vmem>>
      %dma_start3A_578 = tpu.memref_slice %arg42[%add3A_572] : memref<110592xf32, #tpu.memory_space<vmem_shared>> -> memref<432xf32, #tpu.memory_space<vmem_shared>>
      tpu.enqueue_dma source(%dma_start3A_578 : memref<432xf32, #tpu.memory_space<vmem_shared>>) target(%dma_start3A_577 : memref<432xf32, #tpu.memory_space<vmem>>) target_semaphore(%arg39 : memref<!tpu.dma_semaphore, #tpu.memory_space<semaphore_mem>>)
      %add3A_579 = arith.constant 76032 : i32
      %add3A_580 = arith.addi %add3A_579, %mul3A_31 : i32
      %dma_start3A_581 = arith.constant 4752 : i32
      %dma_start3A_582 = tpu.memref_slice %arg34[%dma_start3A_581] : memref<6912xf32, #tpu.memory_space<vmem>> -> memref<432xf32, #tpu.memory_space<vmem>>
      %dma_start3A_583 = tpu.memref_slice %arg42[%add3A_580] : memref<110592xf32, #tpu.memory_space<vmem_shared>> -> memref<432xf32, #tpu.memory_space<vmem_shared>>
      %dma_start3A_584 = arith.constant 4752 : i32
      %dma_start3A_585 = tpu.memref_slice %arg34[%dma_start3A_584] : memref<6912xf32, #tpu.memory_space<vmem>> -> memref<432xf32, #tpu.memory_space<vmem>>
      %dma_start3A_586 = tpu.memref_slice %arg42[%add3A_580] : memref<110592xf32, #tpu.memory_space<vmem_shared>> -> memref<432xf32, #tpu.memory_space<vmem_shared>>
      tpu.enqueue_dma source(%dma_start3A_586 : memref<432xf32, #tpu.memory_space<vmem_shared>>) target(%dma_start3A_585 : memref<432xf32, #tpu.memory_space<vmem>>) target_semaphore(%arg39 : memref<!tpu.dma_semaphore, #tpu.memory_space<semaphore_mem>>)
      %add3A_587 = arith.constant 82944 : i32
      %add3A_588 = arith.addi %add3A_587, %mul3A_31 : i32
      %dma_start3A_589 = arith.constant 5184 : i32
      %dma_start3A_590 = tpu.memref_slice %arg34[%dma_start3A_589] : memref<6912xf32, #tpu.memory_space<vmem>> -> memref<432xf32, #tpu.memory_space<vmem>>
      %dma_start3A_591 = tpu.memref_slice %arg42[%add3A_588] : memref<110592xf32, #tpu.memory_space<vmem_shared>> -> memref<432xf32, #tpu.memory_space<vmem_shared>>
      %dma_start3A_592 = arith.constant 5184 : i32
      %dma_start3A_593 = tpu.memref_slice %arg34[%dma_start3A_592] : memref<6912xf32, #tpu.memory_space<vmem>> -> memref<432xf32, #tpu.memory_space<vmem>>
      %dma_start3A_594 = tpu.memref_slice %arg42[%add3A_588] : memref<110592xf32, #tpu.memory_space<vmem_shared>> -> memref<432xf32, #tpu.memory_space<vmem_shared>>
      tpu.enqueue_dma source(%dma_start3A_594 : memref<432xf32, #tpu.memory_space<vmem_shared>>) target(%dma_start3A_593 : memref<432xf32, #tpu.memory_space<vmem>>) target_semaphore(%arg39 : memref<!tpu.dma_semaphore, #tpu.memory_space<semaphore_mem>>)
      %add3A_595 = arith.constant 89856 : i32
      %add3A_596 = arith.addi %add3A_595, %mul3A_31 : i32
      %dma_start3A_597 = arith.constant 5616 : i32
      %dma_start3A_598 = tpu.memref_slice %arg34[%dma_start3A_597] : memref<6912xf32, #tpu.memory_space<vmem>> -> memref<432xf32, #tpu.memory_space<vmem>>
      %dma_start3A_599 = tpu.memref_slice %arg42[%add3A_596] : memref<110592xf32, #tpu.memory_space<vmem_shared>> -> memref<432xf32, #tpu.memory_space<vmem_shared>>
      %dma_start3A_600 = arith.constant 5616 : i32
      %dma_start3A_601 = tpu.memref_slice %arg34[%dma_start3A_600] : memref<6912xf32, #tpu.memory_space<vmem>> -> memref<432xf32, #tpu.memory_space<vmem>>
      %dma_start3A_602 = tpu.memref_slice %arg42[%add3A_596] : memref<110592xf32, #tpu.memory_space<vmem_shared>> -> memref<432xf32, #tpu.memory_space<vmem_shared>>
      tpu.enqueue_dma source(%dma_start3A_602 : memref<432xf32, #tpu.memory_space<vmem_shared>>) target(%dma_start3A_601 : memref<432xf32, #tpu.memory_space<vmem>>) target_semaphore(%arg39 : memref<!tpu.dma_semaphore, #tpu.memory_space<semaphore_mem>>)
      %add3A_603 = arith.constant 96768 : i32
      %add3A_604 = arith.addi %add3A_603, %mul3A_31 : i32
      %dma_start3A_605 = arith.constant 6048 : i32
      %dma_start3A_606 = tpu.memref_slice %arg34[%dma_start3A_605] : memref<6912xf32, #tpu.memory_space<vmem>> -> memref<432xf32, #tpu.memory_space<vmem>>
      %dma_start3A_607 = tpu.memref_slice %arg42[%add3A_604] : memref<110592xf32, #tpu.memory_space<vmem_shared>> -> memref<432xf32, #tpu.memory_space<vmem_shared>>
      %dma_start3A_608 = arith.constant 6048 : i32
      %dma_start3A_609 = tpu.memref_slice %arg34[%dma_start3A_608] : memref<6912xf32, #tpu.memory_space<vmem>> -> memref<432xf32, #tpu.memory_space<vmem>>
      %dma_start3A_610 = tpu.memref_slice %arg42[%add3A_604] : memref<110592xf32, #tpu.memory_space<vmem_shared>> -> memref<432xf32, #tpu.memory_space<vmem_shared>>
      tpu.enqueue_dma source(%dma_start3A_610 : memref<432xf32, #tpu.memory_space<vmem_shared>>) target(%dma_start3A_609 : memref<432xf32, #tpu.memory_space<vmem>>) target_semaphore(%arg39 : memref<!tpu.dma_semaphore, #tpu.memory_space<semaphore_mem>>)
      %add3A_611 = arith.constant 103680 : i32
      %add3A_612 = arith.addi %add3A_611, %mul3A_31 : i32
      %dma_start3A_613 = arith.constant 6480 : i32
      %dma_start3A_614 = tpu.memref_slice %arg34[%dma_start3A_613] : memref<6912xf32, #tpu.memory_space<vmem>> -> memref<432xf32, #tpu.memory_space<vmem>>
      %dma_start3A_615 = tpu.memref_slice %arg42[%add3A_612] : memref<110592xf32, #tpu.memory_space<vmem_shared>> -> memref<432xf32, #tpu.memory_space<vmem_shared>>
      %dma_start3A_616 = arith.constant 6480 : i32
      %dma_start3A_617 = tpu.memref_slice %arg34[%dma_start3A_616] : memref<6912xf32, #tpu.memory_space<vmem>> -> memref<432xf32, #tpu.memory_space<vmem>>
      %dma_start3A_618 = tpu.memref_slice %arg42[%add3A_612] : memref<110592xf32, #tpu.memory_space<vmem_shared>> -> memref<432xf32, #tpu.memory_space<vmem_shared>>
      tpu.enqueue_dma source(%dma_start3A_618 : memref<432xf32, #tpu.memory_space<vmem_shared>>) target(%dma_start3A_617 : memref<432xf32, #tpu.memory_space<vmem>>) target_semaphore(%arg39 : memref<!tpu.dma_semaphore, #tpu.memory_space<semaphore_mem>>)
      %dma_wait3A_619 = arith.constant 0 : i32
      %dma_wait3A_620 = tpu.memref_slice %arg34[%dma_wait3A_619] : memref<6912xf32, #tpu.memory_space<vmem>> -> memref<432xf32, #tpu.memory_space<vmem>>
      %dma_wait3A_621 = tpu.memref_slice %arg42[%add3A_492] : memref<110592xf32, #tpu.memory_space<vmem_shared>> -> memref<432xf32, #tpu.memory_space<vmem_shared>>
      %dma_wait3A_622 = arith.constant 0 : i32
      %dma_wait3A_623 = tpu.memref_slice %arg34[%dma_wait3A_622] : memref<6912xf32, #tpu.memory_space<vmem>> -> memref<432xf32, #tpu.memory_space<vmem>>
      %dma_wait3A_624 = tpu.memref_slice %arg42[%add3A_492] : memref<110592xf32, #tpu.memory_space<vmem_shared>> -> memref<432xf32, #tpu.memory_space<vmem_shared>>
      tpu.wait_dma2 semaphore(%arg39 : memref<!tpu.dma_semaphore, #tpu.memory_space<semaphore_mem>>) src(%dma_wait3A_624 : memref<432xf32, #tpu.memory_space<vmem_shared>>) dst(%dma_wait3A_623 : memref<432xf32, #tpu.memory_space<vmem>>)
      %dma_wait3A_625 = arith.constant 432 : i32
      %dma_wait3A_626 = tpu.memref_slice %arg34[%dma_wait3A_625] : memref<6912xf32, #tpu.memory_space<vmem>> -> memref<432xf32, #tpu.memory_space<vmem>>
      %dma_wait3A_627 = tpu.memref_slice %arg42[%add3A_500] : memref<110592xf32, #tpu.memory_space<vmem_shared>> -> memref<432xf32, #tpu.memory_space<vmem_shared>>
      %dma_wait3A_628 = arith.constant 432 : i32
      %dma_wait3A_629 = tpu.memref_slice %arg34[%dma_wait3A_628] : memref<6912xf32, #tpu.memory_space<vmem>> -> memref<432xf32, #tpu.memory_space<vmem>>
      %dma_wait3A_630 = tpu.memref_slice %arg42[%add3A_500] : memref<110592xf32, #tpu.memory_space<vmem_shared>> -> memref<432xf32, #tpu.memory_space<vmem_shared>>
      tpu.wait_dma2 semaphore(%arg39 : memref<!tpu.dma_semaphore, #tpu.memory_space<semaphore_mem>>) src(%dma_wait3A_630 : memref<432xf32, #tpu.memory_space<vmem_shared>>) dst(%dma_wait3A_629 : memref<432xf32, #tpu.memory_space<vmem>>)
      %dma_wait3A_631 = arith.constant 864 : i32
      %dma_wait3A_632 = tpu.memref_slice %arg34[%dma_wait3A_631] : memref<6912xf32, #tpu.memory_space<vmem>> -> memref<432xf32, #tpu.memory_space<vmem>>
      %dma_wait3A_633 = tpu.memref_slice %arg42[%add3A_508] : memref<110592xf32, #tpu.memory_space<vmem_shared>> -> memref<432xf32, #tpu.memory_space<vmem_shared>>
      %dma_wait3A_634 = arith.constant 864 : i32
      %dma_wait3A_635 = tpu.memref_slice %arg34[%dma_wait3A_634] : memref<6912xf32, #tpu.memory_space<vmem>> -> memref<432xf32, #tpu.memory_space<vmem>>
      %dma_wait3A_636 = tpu.memref_slice %arg42[%add3A_508] : memref<110592xf32, #tpu.memory_space<vmem_shared>> -> memref<432xf32, #tpu.memory_space<vmem_shared>>
      tpu.wait_dma2 semaphore(%arg39 : memref<!tpu.dma_semaphore, #tpu.memory_space<semaphore_mem>>) src(%dma_wait3A_636 : memref<432xf32, #tpu.memory_space<vmem_shared>>) dst(%dma_wait3A_635 : memref<432xf32, #tpu.memory_space<vmem>>)
      %dma_wait3A_637 = arith.constant 1296 : i32
      %dma_wait3A_638 = tpu.memref_slice %arg34[%dma_wait3A_637] : memref<6912xf32, #tpu.memory_space<vmem>> -> memref<432xf32, #tpu.memory_space<vmem>>
      %dma_wait3A_639 = tpu.memref_slice %arg42[%add3A_516] : memref<110592xf32, #tpu.memory_space<vmem_shared>> -> memref<432xf32, #tpu.memory_space<vmem_shared>>
      %dma_wait3A_640 = arith.constant 1296 : i32
      %dma_wait3A_641 = tpu.memref_slice %arg34[%dma_wait3A_640] : memref<6912xf32, #tpu.memory_space<vmem>> -> memref<432xf32, #tpu.memory_space<vmem>>
      %dma_wait3A_642 = tpu.memref_slice %arg42[%add3A_516] : memref<110592xf32, #tpu.memory_space<vmem_shared>> -> memref<432xf32, #tpu.memory_space<vmem_shared>>
      tpu.wait_dma2 semaphore(%arg39 : memref<!tpu.dma_semaphore, #tpu.memory_space<semaphore_mem>>) src(%dma_wait3A_642 : memref<432xf32, #tpu.memory_space<vmem_shared>>) dst(%dma_wait3A_641 : memref<432xf32, #tpu.memory_space<vmem>>)
      %dma_wait3A_643 = arith.constant 1728 : i32
      %dma_wait3A_644 = tpu.memref_slice %arg34[%dma_wait3A_643] : memref<6912xf32, #tpu.memory_space<vmem>> -> memref<432xf32, #tpu.memory_space<vmem>>
      %dma_wait3A_645 = tpu.memref_slice %arg42[%add3A_524] : memref<110592xf32, #tpu.memory_space<vmem_shared>> -> memref<432xf32, #tpu.memory_space<vmem_shared>>
      %dma_wait3A_646 = arith.constant 1728 : i32
      %dma_wait3A_647 = tpu.memref_slice %arg34[%dma_wait3A_646] : memref<6912xf32, #tpu.memory_space<vmem>> -> memref<432xf32, #tpu.memory_space<vmem>>
      %dma_wait3A_648 = tpu.memref_slice %arg42[%add3A_524] : memref<110592xf32, #tpu.memory_space<vmem_shared>> -> memref<432xf32, #tpu.memory_space<vmem_shared>>
      tpu.wait_dma2 semaphore(%arg39 : memref<!tpu.dma_semaphore, #tpu.memory_space<semaphore_mem>>) src(%dma_wait3A_648 : memref<432xf32, #tpu.memory_space<vmem_shared>>) dst(%dma_wait3A_647 : memref<432xf32, #tpu.memory_space<vmem>>)
      %dma_wait3A_649 = arith.constant 2160 : i32
      %dma_wait3A_650 = tpu.memref_slice %arg34[%dma_wait3A_649] : memref<6912xf32, #tpu.memory_space<vmem>> -> memref<432xf32, #tpu.memory_space<vmem>>
      %dma_wait3A_651 = tpu.memref_slice %arg42[%add3A_532] : memref<110592xf32, #tpu.memory_space<vmem_shared>> -> memref<432xf32, #tpu.memory_space<vmem_shared>>
      %dma_wait3A_652 = arith.constant 2160 : i32
      %dma_wait3A_653 = tpu.memref_slice %arg34[%dma_wait3A_652] : memref<6912xf32, #tpu.memory_space<vmem>> -> memref<432xf32, #tpu.memory_space<vmem>>
      %dma_wait3A_654 = tpu.memref_slice %arg42[%add3A_532] : memref<110592xf32, #tpu.memory_space<vmem_shared>> -> memref<432xf32, #tpu.memory_space<vmem_shared>>
      tpu.wait_dma2 semaphore(%arg39 : memref<!tpu.dma_semaphore, #tpu.memory_space<semaphore_mem>>) src(%dma_wait3A_654 : memref<432xf32, #tpu.memory_space<vmem_shared>>) dst(%dma_wait3A_653 : memref<432xf32, #tpu.memory_space<vmem>>)
      %dma_wait3A_655 = arith.constant 2592 : i32
      %dma_wait3A_656 = tpu.memref_slice %arg34[%dma_wait3A_655] : memref<6912xf32, #tpu.memory_space<vmem>> -> memref<432xf32, #tpu.memory_space<vmem>>
      %dma_wait3A_657 = tpu.memref_slice %arg42[%add3A_540] : memref<110592xf32, #tpu.memory_space<vmem_shared>> -> memref<432xf32, #tpu.memory_space<vmem_shared>>
      %dma_wait3A_658 = arith.constant 2592 : i32
      %dma_wait3A_659 = tpu.memref_slice %arg34[%dma_wait3A_658] : memref<6912xf32, #tpu.memory_space<vmem>> -> memref<432xf32, #tpu.memory_space<vmem>>
      %dma_wait3A_660 = tpu.memref_slice %arg42[%add3A_540] : memref<110592xf32, #tpu.memory_space<vmem_shared>> -> memref<432xf32, #tpu.memory_space<vmem_shared>>
      tpu.wait_dma2 semaphore(%arg39 : memref<!tpu.dma_semaphore, #tpu.memory_space<semaphore_mem>>) src(%dma_wait3A_660 : memref<432xf32, #tpu.memory_space<vmem_shared>>) dst(%dma_wait3A_659 : memref<432xf32, #tpu.memory_space<vmem>>)
      %dma_wait3A_661 = arith.constant 3024 : i32
      %dma_wait3A_662 = tpu.memref_slice %arg34[%dma_wait3A_661] : memref<6912xf32, #tpu.memory_space<vmem>> -> memref<432xf32, #tpu.memory_space<vmem>>
      %dma_wait3A_663 = tpu.memref_slice %arg42[%add3A_548] : memref<110592xf32, #tpu.memory_space<vmem_shared>> -> memref<432xf32, #tpu.memory_space<vmem_shared>>
      %dma_wait3A_664 = arith.constant 3024 : i32
      %dma_wait3A_665 = tpu.memref_slice %arg34[%dma_wait3A_664] : memref<6912xf32, #tpu.memory_space<vmem>> -> memref<432xf32, #tpu.memory_space<vmem>>
      %dma_wait3A_666 = tpu.memref_slice %arg42[%add3A_548] : memref<110592xf32, #tpu.memory_space<vmem_shared>> -> memref<432xf32, #tpu.memory_space<vmem_shared>>
      tpu.wait_dma2 semaphore(%arg39 : memref<!tpu.dma_semaphore, #tpu.memory_space<semaphore_mem>>) src(%dma_wait3A_666 : memref<432xf32, #tpu.memory_space<vmem_shared>>) dst(%dma_wait3A_665 : memref<432xf32, #tpu.memory_space<vmem>>)
      %dma_wait3A_667 = arith.constant 3456 : i32
      %dma_wait3A_668 = tpu.memref_slice %arg34[%dma_wait3A_667] : memref<6912xf32, #tpu.memory_space<vmem>> -> memref<432xf32, #tpu.memory_space<vmem>>
      %dma_wait3A_669 = tpu.memref_slice %arg42[%add3A_556] : memref<110592xf32, #tpu.memory_space<vmem_shared>> -> memref<432xf32, #tpu.memory_space<vmem_shared>>
      %dma_wait3A_670 = arith.constant 3456 : i32
      %dma_wait3A_671 = tpu.memref_slice %arg34[%dma_wait3A_670] : memref<6912xf32, #tpu.memory_space<vmem>> -> memref<432xf32, #tpu.memory_space<vmem>>
      %dma_wait3A_672 = tpu.memref_slice %arg42[%add3A_556] : memref<110592xf32, #tpu.memory_space<vmem_shared>> -> memref<432xf32, #tpu.memory_space<vmem_shared>>
      tpu.wait_dma2 semaphore(%arg39 : memref<!tpu.dma_semaphore, #tpu.memory_space<semaphore_mem>>) src(%dma_wait3A_672 : memref<432xf32, #tpu.memory_space<vmem_shared>>) dst(%dma_wait3A_671 : memref<432xf32, #tpu.memory_space<vmem>>)
      %dma_wait3A_673 = arith.constant 3888 : i32
      %dma_wait3A_674 = tpu.memref_slice %arg34[%dma_wait3A_673] : memref<6912xf32, #tpu.memory_space<vmem>> -> memref<432xf32, #tpu.memory_space<vmem>>
      %dma_wait3A_675 = tpu.memref_slice %arg42[%add3A_564] : memref<110592xf32, #tpu.memory_space<vmem_shared>> -> memref<432xf32, #tpu.memory_space<vmem_shared>>
      %dma_wait3A_676 = arith.constant 3888 : i32
      %dma_wait3A_677 = tpu.memref_slice %arg34[%dma_wait3A_676] : memref<6912xf32, #tpu.memory_space<vmem>> -> memref<432xf32, #tpu.memory_space<vmem>>
      %dma_wait3A_678 = tpu.memref_slice %arg42[%add3A_564] : memref<110592xf32, #tpu.memory_space<vmem_shared>> -> memref<432xf32, #tpu.memory_space<vmem_shared>>
      tpu.wait_dma2 semaphore(%arg39 : memref<!tpu.dma_semaphore, #tpu.memory_space<semaphore_mem>>) src(%dma_wait3A_678 : memref<432xf32, #tpu.memory_space<vmem_shared>>) dst(%dma_wait3A_677 : memref<432xf32, #tpu.memory_space<vmem>>)
      %dma_wait3A_679 = arith.constant 4320 : i32
      %dma_wait3A_680 = tpu.memref_slice %arg34[%dma_wait3A_679] : memref<6912xf32, #tpu.memory_space<vmem>> -> memref<432xf32, #tpu.memory_space<vmem>>
      %dma_wait3A_681 = tpu.memref_slice %arg42[%add3A_572] : memref<110592xf32, #tpu.memory_space<vmem_shared>> -> memref<432xf32, #tpu.memory_space<vmem_shared>>
      %dma_wait3A_682 = arith.constant 4320 : i32
      %dma_wait3A_683 = tpu.memref_slice %arg34[%dma_wait3A_682] : memref<6912xf32, #tpu.memory_space<vmem>> -> memref<432xf32, #tpu.memory_space<vmem>>
      %dma_wait3A_684 = tpu.memref_slice %arg42[%add3A_572] : memref<110592xf32, #tpu.memory_space<vmem_shared>> -> memref<432xf32, #tpu.memory_space<vmem_shared>>
      tpu.wait_dma2 semaphore(%arg39 : memref<!tpu.dma_semaphore, #tpu.memory_space<semaphore_mem>>) src(%dma_wait3A_684 : memref<432xf32, #tpu.memory_space<vmem_shared>>) dst(%dma_wait3A_683 : memref<432xf32, #tpu.memory_space<vmem>>)
      %dma_wait3A_685 = arith.constant 4752 : i32
      %dma_wait3A_686 = tpu.memref_slice %arg34[%dma_wait3A_685] : memref<6912xf32, #tpu.memory_space<vmem>> -> memref<432xf32, #tpu.memory_space<vmem>>
      %dma_wait3A_687 = tpu.memref_slice %arg42[%add3A_580] : memref<110592xf32, #tpu.memory_space<vmem_shared>> -> memref<432xf32, #tpu.memory_space<vmem_shared>>
      %dma_wait3A_688 = arith.constant 4752 : i32
      %dma_wait3A_689 = tpu.memref_slice %arg34[%dma_wait3A_688] : memref<6912xf32, #tpu.memory_space<vmem>> -> memref<432xf32, #tpu.memory_space<vmem>>
      %dma_wait3A_690 = tpu.memref_slice %arg42[%add3A_580] : memref<110592xf32, #tpu.memory_space<vmem_shared>> -> memref<432xf32, #tpu.memory_space<vmem_shared>>
      tpu.wait_dma2 semaphore(%arg39 : memref<!tpu.dma_semaphore, #tpu.memory_space<semaphore_mem>>) src(%dma_wait3A_690 : memref<432xf32, #tpu.memory_space<vmem_shared>>) dst(%dma_wait3A_689 : memref<432xf32, #tpu.memory_space<vmem>>)
      %dma_wait3A_691 = arith.constant 5184 : i32
      %dma_wait3A_692 = tpu.memref_slice %arg34[%dma_wait3A_691] : memref<6912xf32, #tpu.memory_space<vmem>> -> memref<432xf32, #tpu.memory_space<vmem>>
      %dma_wait3A_693 = tpu.memref_slice %arg42[%add3A_588] : memref<110592xf32, #tpu.memory_space<vmem_shared>> -> memref<432xf32, #tpu.memory_space<vmem_shared>>
      %dma_wait3A_694 = arith.constant 5184 : i32
      %dma_wait3A_695 = tpu.memref_slice %arg34[%dma_wait3A_694] : memref<6912xf32, #tpu.memory_space<vmem>> -> memref<432xf32, #tpu.memory_space<vmem>>
      %dma_wait3A_696 = tpu.memref_slice %arg42[%add3A_588] : memref<110592xf32, #tpu.memory_space<vmem_shared>> -> memref<432xf32, #tpu.memory_space<vmem_shared>>
      tpu.wait_dma2 semaphore(%arg39 : memref<!tpu.dma_semaphore, #tpu.memory_space<semaphore_mem>>) src(%dma_wait3A_696 : memref<432xf32, #tpu.memory_space<vmem_shared>>) dst(%dma_wait3A_695 : memref<432xf32, #tpu.memory_space<vmem>>)
      %dma_wait3A_697 = arith.constant 5616 : i32
      %dma_wait3A_698 = tpu.memref_slice %arg34[%dma_wait3A_697] : memref<6912xf32, #tpu.memory_space<vmem>> -> memref<432xf32, #tpu.memory_space<vmem>>
      %dma_wait3A_699 = tpu.memref_slice %arg42[%add3A_596] : memref<110592xf32, #tpu.memory_space<vmem_shared>> -> memref<432xf32, #tpu.memory_space<vmem_shared>>
      %dma_wait3A_700 = arith.constant 5616 : i32
      %dma_wait3A_701 = tpu.memref_slice %arg34[%dma_wait3A_700] : memref<6912xf32, #tpu.memory_space<vmem>> -> memref<432xf32, #tpu.memory_space<vmem>>
      %dma_wait3A_702 = tpu.memref_slice %arg42[%add3A_596] : memref<110592xf32, #tpu.memory_space<vmem_shared>> -> memref<432xf32, #tpu.memory_space<vmem_shared>>
      tpu.wait_dma2 semaphore(%arg39 : memref<!tpu.dma_semaphore, #tpu.memory_space<semaphore_mem>>) src(%dma_wait3A_702 : memref<432xf32, #tpu.memory_space<vmem_shared>>) dst(%dma_wait3A_701 : memref<432xf32, #tpu.memory_space<vmem>>)
      %dma_wait3A_703 = arith.constant 6048 : i32
      %dma_wait3A_704 = tpu.memref_slice %arg34[%dma_wait3A_703] : memref<6912xf32, #tpu.memory_space<vmem>> -> memref<432xf32, #tpu.memory_space<vmem>>
      %dma_wait3A_705 = tpu.memref_slice %arg42[%add3A_604] : memref<110592xf32, #tpu.memory_space<vmem_shared>> -> memref<432xf32, #tpu.memory_space<vmem_shared>>
      %dma_wait3A_706 = arith.constant 6048 : i32
      %dma_wait3A_707 = tpu.memref_slice %arg34[%dma_wait3A_706] : memref<6912xf32, #tpu.memory_space<vmem>> -> memref<432xf32, #tpu.memory_space<vmem>>
      %dma_wait3A_708 = tpu.memref_slice %arg42[%add3A_604] : memref<110592xf32, #tpu.memory_space<vmem_shared>> -> memref<432xf32, #tpu.memory_space<vmem_shared>>
      tpu.wait_dma2 semaphore(%arg39 : memref<!tpu.dma_semaphore, #tpu.memory_space<semaphore_mem>>) src(%dma_wait3A_708 : memref<432xf32, #tpu.memory_space<vmem_shared>>) dst(%dma_wait3A_707 : memref<432xf32, #tpu.memory_space<vmem>>)
      %dma_wait3A_709 = arith.constant 6480 : i32
      %dma_wait3A_710 = tpu.memref_slice %arg34[%dma_wait3A_709] : memref<6912xf32, #tpu.memory_space<vmem>> -> memref<432xf32, #tpu.memory_space<vmem>>
      %dma_wait3A_711 = tpu.memref_slice %arg42[%add3A_612] : memref<110592xf32, #tpu.memory_space<vmem_shared>> -> memref<432xf32, #tpu.memory_space<vmem_shared>>
      %dma_wait3A_712 = arith.constant 6480 : i32
      %dma_wait3A_713 = tpu.memref_slice %arg34[%dma_wait3A_712] : memref<6912xf32, #tpu.memory_space<vmem>> -> memref<432xf32, #tpu.memory_space<vmem>>
      %dma_wait3A_714 = tpu.memref_slice %arg42[%add3A_612] : memref<110592xf32, #tpu.memory_space<vmem_shared>> -> memref<432xf32, #tpu.memory_space<vmem_shared>>
      tpu.wait_dma2 semaphore(%arg39 : memref<!tpu.dma_semaphore, #tpu.memory_space<semaphore_mem>>) src(%dma_wait3A_714 : memref<432xf32, #tpu.memory_space<vmem_shared>>) dst(%dma_wait3A_713 : memref<432xf32, #tpu.memory_space<vmem>>)
      %scan3A_715 = arith.constant 0 : i32
      %scan3A_716 = arith.constant 0 : i32
      %scan3A_717 = arith.constant 27 : i32
      %scan3A_718 = arith.addi %scan3A_716, %scan3A_717 : i32
      %scan3A_719 = arith.constant 1 : i32
      scf.for %scan3A_946 = %scan3A_716 to %scan3A_718 step %scan3A_719  : i32 {
        %mul3A_947 = arith.constant 16 : i32
        %mul3A_948 = arith.muli %scan3A_946, %mul3A_947 : i32
        %get3A = arith.index_cast %mul3A_948 : i32 to index
        %get3A_949 = tpu.vector_load %arg34[%get3A] {strides = array<i32>} : memref<6912xf32, #tpu.memory_space<vmem>>, vector<16xf32>,
        %add3A_950 = arith.constant 432 : i32
        %add3A_951 = arith.addi %add3A_950, %mul3A_948 : i32
        %get3A_952 = arith.index_cast %add3A_951 : i32 to index
        %get3A_953 = tpu.vector_load %arg34[%get3A_952] {strides = array<i32>} : memref<6912xf32, #tpu.memory_space<vmem>>, vector<16xf32>,
        %add3A_954 = arith.addf %get3A_949, %get3A_953 : vector<16xf32>
        %add3A_955 = arith.constant 864 : i32
        %add3A_956 = arith.addi %add3A_955, %mul3A_948 : i32
        %get3A_957 = arith.index_cast %add3A_956 : i32 to index
        %get3A_958 = tpu.vector_load %arg34[%get3A_957] {strides = array<i32>} : memref<6912xf32, #tpu.memory_space<vmem>>, vector<16xf32>,
        %add3A_959 = arith.addf %add3A_954, %get3A_958 : vector<16xf32>
        %add3A_960 = arith.constant 1296 : i32
        %add3A_961 = arith.addi %add3A_960, %mul3A_948 : i32
        %get3A_962 = arith.index_cast %add3A_961 : i32 to index
        %get3A_963 = tpu.vector_load %arg34[%get3A_962] {strides = array<i32>} : memref<6912xf32, #tpu.memory_space<vmem>>, vector<16xf32>,
        %add3A_964 = arith.addf %add3A_959, %get3A_963 : vector<16xf32>
        %add3A_965 = arith.constant 1728 : i32
        %add3A_966 = arith.addi %add3A_965, %mul3A_948 : i32
        %get3A_967 = arith.index_cast %add3A_966 : i32 to index
        %get3A_968 = tpu.vector_load %arg34[%get3A_967] {strides = array<i32>} : memref<6912xf32, #tpu.memory_space<vmem>>, vector<16xf32>,
        %add3A_969 = arith.addf %add3A_964, %get3A_968 : vector<16xf32>
        %add3A_970 = arith.constant 2160 : i32
        %add3A_971 = arith.addi %add3A_970, %mul3A_948 : i32
        %get3A_972 = arith.index_cast %add3A_971 : i32 to index
        %get3A_973 = tpu.vector_load %arg34[%get3A_972] {strides = array<i32>} : memref<6912xf32, #tpu.memory_space<vmem>>, vector<16xf32>,
        %add3A_974 = arith.addf %add3A_969, %get3A_973 : vector<16xf32>
        %add3A_975 = arith.constant 2592 : i32
        %add3A_976 = arith.addi %add3A_975, %mul3A_948 : i32
        %get3A_977 = arith.index_cast %add3A_976 : i32 to index
        %get3A_978 = tpu.vector_load %arg34[%get3A_977] {strides = array<i32>} : memref<6912xf32, #tpu.memory_space<vmem>>, vector<16xf32>,
        %add3A_979 = arith.addf %add3A_974, %get3A_978 : vector<16xf32>
        %add3A_980 = arith.constant 3024 : i32
        %add3A_981 = arith.addi %add3A_980, %mul3A_948 : i32
        %get3A_982 = arith.index_cast %add3A_981 : i32 to index
        %get3A_983 = tpu.vector_load %arg34[%get3A_982] {strides = array<i32>} : memref<6912xf32, #tpu.memory_space<vmem>>, vector<16xf32>,
        %add3A_984 = arith.addf %add3A_979, %get3A_983 : vector<16xf32>
        %add3A_985 = arith.constant 3456 : i32
        %add3A_986 = arith.addi %add3A_985, %mul3A_948 : i32
        %get3A_987 = arith.index_cast %add3A_986 : i32 to index
        %get3A_988 = tpu.vector_load %arg34[%get3A_987] {strides = array<i32>} : memref<6912xf32, #tpu.memory_space<vmem>>, vector<16xf32>,
        %add3A_989 = arith.addf %add3A_984, %get3A_988 : vector<16xf32>
        %add3A_990 = arith.constant 3888 : i32
        %add3A_991 = arith.addi %add3A_990, %mul3A_948 : i32
        %get3A_992 = arith.index_cast %add3A_991 : i32 to index
        %get3A_993 = tpu.vector_load %arg34[%get3A_992] {strides = array<i32>} : memref<6912xf32, #tpu.memory_space<vmem>>, vector<16xf32>,
        %add3A_994 = arith.addf %add3A_989, %get3A_993 : vector<16xf32>
        %add3A_995 = arith.constant 4320 : i32
        %add3A_996 = arith.addi %add3A_995, %mul3A_948 : i32
        %get3A_997 = arith.index_cast %add3A_996 : i32 to index
        %get3A_998 = tpu.vector_load %arg34[%get3A_997] {strides = array<i32>} : memref<6912xf32, #tpu.memory_space<vmem>>, vector<16xf32>,
        %add3A_999 = arith.addf %add3A_994, %get3A_998 : vector<16xf32>
        %add3A_1000 = arith.constant 4752 : i32
        %add3A_1001 = arith.addi %add3A_1000, %mul3A_948 : i32
        %get3A_1002 = arith.index_cast %add3A_1001 : i32 to index
        %get3A_1003 = tpu.vector_load %arg34[%get3A_1002] {strides = array<i32>} : memref<6912xf32, #tpu.memory_space<vmem>>, vector<16xf32>,
        %add3A_1004 = arith.addf %add3A_999, %get3A_1003 : vector<16xf32>
        %add3A_1005 = arith.constant 5184 : i32
        %add3A_1006 = arith.addi %add3A_1005, %mul3A_948 : i32
        %get3A_1007 = arith.index_cast %add3A_1006 : i32 to index
        %get3A_1008 = tpu.vector_load %arg34[%get3A_1007] {strides = array<i32>} : memref<6912xf32, #tpu.memory_space<vmem>>, vector<16xf32>,
        %add3A_1009 = arith.addf %add3A_1004, %get3A_1008 : vector<16xf32>
        %add3A_1010 = arith.constant 5616 : i32
        %add3A_1011 = arith.addi %add3A_1010, %mul3A_948 : i32
        %get3A_1012 = arith.index_cast %add3A_1011 : i32 to index
        %get3A_1013 = tpu.vector_load %arg34[%get3A_1012] {strides = array<i32>} : memref<6912xf32, #tpu.memory_space<vmem>>, vector<16xf32>,
        %add3A_1014 = arith.addf %add3A_1009, %get3A_1013 : vector<16xf32>
        %add3A_1015 = arith.constant 6048 : i32
        %add3A_1016 = arith.addi %add3A_1015, %mul3A_948 : i32
        %get3A_1017 = arith.index_cast %add3A_1016 : i32 to index
        %get3A_1018 = tpu.vector_load %arg34[%get3A_1017] {strides = array<i32>} : memref<6912xf32, #tpu.memory_space<vmem>>, vector<16xf32>,
        %add3A_1019 = arith.addf %add3A_1014, %get3A_1018 : vector<16xf32>
        %add3A_1020 = arith.constant 6480 : i32
        %add3A_1021 = arith.addi %add3A_1020, %mul3A_948 : i32
        %get3A_1022 = arith.index_cast %add3A_1021 : i32 to index
        %get3A_1023 = tpu.vector_load %arg34[%get3A_1022] {strides = array<i32>} : memref<6912xf32, #tpu.memory_space<vmem>>, vector<16xf32>,
        %add3A_1024 = arith.addf %add3A_1019, %get3A_1023 : vector<16xf32>
        %swap3A_1025 = arith.index_cast %mul3A_948 : i32 to index
        %swap3A_1026 = tpu.vector_load %arg33[%swap3A_1025] {strides = array<i32>} : memref<432xf32, #tpu.memory_space<vmem>>, vector<16xf32>,
        tpu.vector_store %arg33[%swap3A_1025], %add3A_1024 {strides = array<i32>} : memref<432xf32, #tpu.memory_space<vmem>>, vector<16xf32>,
      }
      %scan3A_720 = arith.constant 27 : i32
      %scan3A_721 = arith.constant 0 : i32
      %scan3A_722 = arith.constant 0 : i32
      %scan3A_723 = arith.constant 27 : i32
      %scan3A_724 = arith.addi %scan3A_722, %scan3A_723 : i32
      %scan3A_725 = arith.constant 1 : i32
      scf.for %scan3A_946 = %scan3A_722 to %scan3A_724 step %scan3A_725  : i32 {
        %mul3A_947 = arith.constant 16 : i32
        %mul3A_948 = arith.muli %scan3A_946, %mul3A_947 : i32
        %get3A = arith.index_cast %mul3A_948 : i32 to index
        %get3A_949 = tpu.vector_load %arg31[%get3A] {strides = array<i32>} : memref<432xf32, #tpu.memory_space<vmem>>, vector<16xf32>,
        %get3A_950 = arith.index_cast %mul3A_948 : i32 to index
        %get3A_951 = tpu.vector_load %arg32[%get3A_950] {strides = array<i32>} : memref<432xf32, #tpu.memory_space<vmem>>, vector<16xf32>,
        %get3A_952 = arith.index_cast %mul3A_948 : i32 to index
        %get3A_953 = tpu.vector_load %arg33[%get3A_952] {strides = array<i32>} : memref<432xf32, #tpu.memory_space<vmem>>, vector<16xf32>,
        %mul3A_954 = arith.mulf %get3A_949, %get3A_949 : vector<16xf32>
        %mul3A_955 = arith.mulf %get3A_951, %get3A_951 : vector<16xf32>
        %add3A_956 = arith.addf %mul3A_954, %mul3A_955 : vector<16xf32>
        %mul3A_957 = arith.mulf %get3A_953, %get3A_953 : vector<16xf32>
        %add3A_958 = arith.addf %add3A_956, %mul3A_957 : vector<16xf32>
        %max3A = arith.constant 1.000000e-30 : f32
        %max3A_959 = vector.broadcast %max3A : f32 to vector<16xf32>
        %max3A_960 = arith.maximumf %add3A_958, %max3A_959 : vector<16xf32>
        %bitcast3A = vector.bitcast %max3A_960 : vector<16xf32> to vector<16xi32>
        %shift_right_logical3A = arith.constant 1 : i32
        %shift_right_logical3A_961 = vector.broadcast %shift_right_logical3A : i32 to vector<16xi32>
        %shift_right_logical3A_962 = arith.shrui %bitcast3A, %shift_right_logical3A_961 : vector<16xi32>
        %sub3A = arith.constant 1597463007 : i32
        %sub3A_963 = vector.broadcast %sub3A : i32 to vector<16xi32>
        %sub3A_964 = arith.subi %sub3A_963, %shift_right_logical3A_962 : vector<16xi32>
        %bitcast3A_965 = vector.bitcast %sub3A_964 : vector<16xi32> to vector<16xf32>
        %mul3A_966 = arith.constant 5.000000e-01 : f32
        %mul3A_967 = vector.broadcast %mul3A_966 : f32 to vector<16xf32>
        %mul3A_968 = arith.mulf %mul3A_967, %max3A_960 : vector<16xf32>
        %mul3A_969 = arith.mulf %mul3A_968, %bitcast3A_965 : vector<16xf32>
        %mul3A_970 = arith.mulf %mul3A_969, %bitcast3A_965 : vector<16xf32>
        %sub3A_971 = arith.constant 1.500000e+00 : f32
        %sub3A_972 = vector.broadcast %sub3A_971 : f32 to vector<16xf32>
        %sub3A_973 = arith.subf %sub3A_972, %mul3A_970 : vector<16xf32>
        %mul3A_974 = arith.mulf %bitcast3A_965, %sub3A_973 : vector<16xf32>
        %mul3A_975 = arith.constant 5.000000e-01 : f32
        %mul3A_976 = vector.broadcast %mul3A_975 : f32 to vector<16xf32>
        %mul3A_977 = arith.mulf %mul3A_976, %max3A_960 : vector<16xf32>
        %mul3A_978 = arith.mulf %mul3A_977, %mul3A_974 : vector<16xf32>
        %mul3A_979 = arith.mulf %mul3A_978, %mul3A_974 : vector<16xf32>
        %sub3A_980 = arith.constant 1.500000e+00 : f32
        %sub3A_981 = vector.broadcast %sub3A_980 : f32 to vector<16xf32>
        %sub3A_982 = arith.subf %sub3A_981, %mul3A_979 : vector<16xf32>
        %mul3A_983 = arith.mulf %mul3A_974, %sub3A_982 : vector<16xf32>
        %mul3A_984 = arith.constant 5.000000e-01 : f32
        %mul3A_985 = vector.broadcast %mul3A_984 : f32 to vector<16xf32>
        %mul3A_986 = arith.mulf %mul3A_985, %max3A_960 : vector<16xf32>
        %mul3A_987 = arith.mulf %mul3A_986, %mul3A_983 : vector<16xf32>
        %mul3A_988 = arith.mulf %mul3A_987, %mul3A_983 : vector<16xf32>
        %sub3A_989 = arith.constant 1.500000e+00 : f32
        %sub3A_990 = vector.broadcast %sub3A_989 : f32 to vector<16xf32>
        %sub3A_991 = arith.subf %sub3A_990, %mul3A_988 : vector<16xf32>
        %mul3A_992 = arith.mulf %mul3A_983, %sub3A_991 : vector<16xf32>
        %mul3A_993 = arith.constant 5.000000e-01 : f32
        %mul3A_994 = vector.broadcast %mul3A_993 : f32 to vector<16xf32>
        %mul3A_995 = arith.mulf %mul3A_994, %max3A_960 : vector<16xf32>
        %mul3A_996 = arith.mulf %mul3A_995, %mul3A_992 : vector<16xf32>
        %mul3A_997 = arith.mulf %mul3A_996, %mul3A_992 : vector<16xf32>
        %sub3A_998 = arith.constant 1.500000e+00 : f32
        %sub3A_999 = vector.broadcast %sub3A_998 : f32 to vector<16xf32>
        %sub3A_1000 = arith.subf %sub3A_999, %mul3A_997 : vector<16xf32>
        %mul3A_1001 = arith.mulf %mul3A_992, %sub3A_1000 : vector<16xf32>
        %lt3A = arith.constant 1.000000e-30 : f32
        %lt3A_1002 = vector.broadcast %lt3A : f32 to vector<16xf32>
        %lt3A_1003 = arith.cmpf olt, %add3A_958, %lt3A_1002 : vector<16xf32>
        %jit3A_1004 = arith.constant 0.000000e+00 : f32
        %broadcast_in_dim3A_1005 = vector.broadcast %jit3A_1004 : f32 to vector<16xf32>
        %select_n3A_1006 = arith.select %lt3A_1003, %broadcast_in_dim3A_1005, %mul3A_1001 : vector<16xi1>, vector<16xf32>
        %mul3A_1007 = arith.mulf %add3A_958, %select_n3A_1006 : vector<16xf32>
        %add3A_1008 = arith.constant 9.99999996E-13 : f32
        %add3A_1009 = vector.broadcast %add3A_1008 : f32 to vector<16xf32>
        %add3A_1010 = arith.addf %mul3A_1007, %add3A_1009 : vector<16xf32>
        %div3A = arith.constant 1.000000e+00 : f32
        %div3A_1011 = vector.broadcast %div3A : f32 to vector<16xf32>
        %div3A_1012 = arith.divf %div3A_1011, %add3A_1010 : vector<16xf32>
        %mul3A_1013 = arith.mulf %get3A_949, %div3A_1012 : vector<16xf32>
        %swap3A_1014 = arith.index_cast %mul3A_948 : i32 to index
        %swap3A_1015 = tpu.vector_load %arg31[%swap3A_1014] {strides = array<i32>} : memref<432xf32, #tpu.memory_space<vmem>>, vector<16xf32>,
        tpu.vector_store %arg31[%swap3A_1014], %mul3A_1013 {strides = array<i32>} : memref<432xf32, #tpu.memory_space<vmem>>, vector<16xf32>,
        %mul3A_1016 = arith.mulf %get3A_951, %div3A_1012 : vector<16xf32>
        %swap3A_1017 = arith.index_cast %mul3A_948 : i32 to index
        %swap3A_1018 = tpu.vector_load %arg32[%swap3A_1017] {strides = array<i32>} : memref<432xf32, #tpu.memory_space<vmem>>, vector<16xf32>,
        tpu.vector_store %arg32[%swap3A_1017], %mul3A_1016 {strides = array<i32>} : memref<432xf32, #tpu.memory_space<vmem>>, vector<16xf32>,
        %mul3A_1019 = arith.mulf %get3A_953, %div3A_1012 : vector<16xf32>
        %swap3A_1020 = arith.index_cast %mul3A_948 : i32 to index
        %swap3A_1021 = tpu.vector_load %arg33[%swap3A_1020] {strides = array<i32>} : memref<432xf32, #tpu.memory_space<vmem>>, vector<16xf32>,
        tpu.vector_store %arg33[%swap3A_1020], %mul3A_1019 {strides = array<i32>} : memref<432xf32, #tpu.memory_space<vmem>>, vector<16xf32>,
      }
      %scan3A_726 = arith.constant 27 : i32
      %dma_start3A_727 = tpu.memref_slice %arg43[%mul3A_31] : memref<6912xf32, #tpu.memory_space<vmem_shared>> -> memref<432xf32, #tpu.memory_space<vmem_shared>>
      %dma_start3A_728 = tpu.memref_slice %arg43[%mul3A_31] : memref<6912xf32, #tpu.memory_space<vmem_shared>> -> memref<432xf32, #tpu.memory_space<vmem_shared>>
      tpu.enqueue_dma source(%arg31 : memref<432xf32, #tpu.memory_space<vmem>>) target(%dma_start3A_728 : memref<432xf32, #tpu.memory_space<vmem_shared>>) target_semaphore(%arg39 : memref<!tpu.dma_semaphore, #tpu.memory_space<semaphore_mem>>)
      %dma_start3A_729 = tpu.memref_slice %arg44[%mul3A_31] : memref<6912xf32, #tpu.memory_space<vmem_shared>> -> memref<432xf32, #tpu.memory_space<vmem_shared>>
      %dma_start3A_730 = tpu.memref_slice %arg44[%mul3A_31] : memref<6912xf32, #tpu.memory_space<vmem_shared>> -> memref<432xf32, #tpu.memory_space<vmem_shared>>
      tpu.enqueue_dma source(%arg32 : memref<432xf32, #tpu.memory_space<vmem>>) target(%dma_start3A_730 : memref<432xf32, #tpu.memory_space<vmem_shared>>) target_semaphore(%arg39 : memref<!tpu.dma_semaphore, #tpu.memory_space<semaphore_mem>>)
      %dma_start3A_731 = tpu.memref_slice %arg45[%mul3A_31] : memref<6912xf32, #tpu.memory_space<vmem_shared>> -> memref<432xf32, #tpu.memory_space<vmem_shared>>
      %dma_start3A_732 = tpu.memref_slice %arg45[%mul3A_31] : memref<6912xf32, #tpu.memory_space<vmem_shared>> -> memref<432xf32, #tpu.memory_space<vmem_shared>>
      tpu.enqueue_dma source(%arg33 : memref<432xf32, #tpu.memory_space<vmem>>) target(%dma_start3A_732 : memref<432xf32, #tpu.memory_space<vmem_shared>>) target_semaphore(%arg39 : memref<!tpu.dma_semaphore, #tpu.memory_space<semaphore_mem>>)
      %dma_wait3A_733 = tpu.memref_slice %arg43[%mul3A_31] : memref<6912xf32, #tpu.memory_space<vmem_shared>> -> memref<432xf32, #tpu.memory_space<vmem_shared>>
      %dma_wait3A_734 = tpu.memref_slice %arg43[%mul3A_31] : memref<6912xf32, #tpu.memory_space<vmem_shared>> -> memref<432xf32, #tpu.memory_space<vmem_shared>>
      tpu.wait_dma2 semaphore(%arg39 : memref<!tpu.dma_semaphore, #tpu.memory_space<semaphore_mem>>) src(%arg31 : memref<432xf32, #tpu.memory_space<vmem>>) dst(%dma_wait3A_734 : memref<432xf32, #tpu.memory_space<vmem_shared>>)
      %dma_wait3A_735 = tpu.memref_slice %arg44[%mul3A_31] : memref<6912xf32, #tpu.memory_space<vmem_shared>> -> memref<432xf32, #tpu.memory_space<vmem_shared>>
      %dma_wait3A_736 = tpu.memref_slice %arg44[%mul3A_31] : memref<6912xf32, #tpu.memory_space<vmem_shared>> -> memref<432xf32, #tpu.memory_space<vmem_shared>>
      tpu.wait_dma2 semaphore(%arg39 : memref<!tpu.dma_semaphore, #tpu.memory_space<semaphore_mem>>) src(%arg32 : memref<432xf32, #tpu.memory_space<vmem>>) dst(%dma_wait3A_736 : memref<432xf32, #tpu.memory_space<vmem_shared>>)
      %dma_wait3A_737 = tpu.memref_slice %arg45[%mul3A_31] : memref<6912xf32, #tpu.memory_space<vmem_shared>> -> memref<432xf32, #tpu.memory_space<vmem_shared>>
      %dma_wait3A_738 = tpu.memref_slice %arg45[%mul3A_31] : memref<6912xf32, #tpu.memory_space<vmem_shared>> -> memref<432xf32, #tpu.memory_space<vmem_shared>>
      tpu.wait_dma2 semaphore(%arg39 : memref<!tpu.dma_semaphore, #tpu.memory_space<semaphore_mem>>) src(%arg33 : memref<432xf32, #tpu.memory_space<vmem>>) dst(%dma_wait3A_738 : memref<432xf32, #tpu.memory_space<vmem_shared>>)
      %barrier3A_739 = arith.constant 0 : index
      tpu.barrier barrier_id(%barrier3A_739)
      tpu.enqueue_dma source(%arg43 : memref<6912xf32, #tpu.memory_space<vmem_shared>>) target(%arg20 : memref<6912xf32, #tpu.memory_space<vmem>>) target_semaphore(%arg39 : memref<!tpu.dma_semaphore, #tpu.memory_space<semaphore_mem>>)
      tpu.enqueue_dma source(%arg44 : memref<6912xf32, #tpu.memory_space<vmem_shared>>) target(%arg21 : memref<6912xf32, #tpu.memory_space<vmem>>) target_semaphore(%arg39 : memref<!tpu.dma_semaphore, #tpu.memory_space<semaphore_mem>>)
      tpu.enqueue_dma source(%arg45 : memref<6912xf32, #tpu.memory_space<vmem_shared>>) target(%arg22 : memref<6912xf32, #tpu.memory_space<vmem>>) target_semaphore(%arg39 : memref<!tpu.dma_semaphore, #tpu.memory_space<semaphore_mem>>)
      tpu.wait_dma2 semaphore(%arg39 : memref<!tpu.dma_semaphore, #tpu.memory_space<semaphore_mem>>) src(%arg43 : memref<6912xf32, #tpu.memory_space<vmem_shared>>) dst(%arg20 : memref<6912xf32, #tpu.memory_space<vmem>>)
      tpu.wait_dma2 semaphore(%arg39 : memref<!tpu.dma_semaphore, #tpu.memory_space<semaphore_mem>>) src(%arg44 : memref<6912xf32, #tpu.memory_space<vmem_shared>>) dst(%arg21 : memref<6912xf32, #tpu.memory_space<vmem>>)
      tpu.wait_dma2 semaphore(%arg39 : memref<!tpu.dma_semaphore, #tpu.memory_space<semaphore_mem>>) src(%arg45 : memref<6912xf32, #tpu.memory_space<vmem_shared>>) dst(%arg22 : memref<6912xf32, #tpu.memory_space<vmem>>)
      %broadcast_in_dim3A = arith.constant 0.000000e+00 : f32
      %broadcast_in_dim3A_740 = vector.broadcast %broadcast_in_dim3A : f32 to vector<16xf32>
      %scan3A_741 = arith.constant 0 : i32
      %scan3A_742 = arith.constant 4 : i32
      %scan3A_743 = arith.addi %scan3A_741, %scan3A_742 : i32
      %scan3A_744 = arith.constant 1 : i32
      %scan3A_745:2 = scf.for %scan3A_946 = %scan3A_741 to %scan3A_743 step %scan3A_744 iter_args(%scan3A_947 = %broadcast_in_dim3A_740, %scan3A_948 = %broadcast_in_dim3A_740) -> (vector<16xf32>, vector<16xf32>)  : i32 {
        %mul3A_949 = arith.constant 16 : i32
        %mul3A_950 = arith.muli %scan3A_946, %mul3A_949 : i32
        %get3A = arith.index_cast %mul3A_950 : i32 to index
        %get3A_951 = tpu.vector_load %arg28[%get3A] {strides = array<i32>} : memref<64xi32, #tpu.memory_space<vmem>>, vector<16xi32>,
        %gather3A = tpu.vector_load_idx %arg24[%get3A_951] : memref<6912xi32, #tpu.memory_space<vmem>>[vector<16xi32>], vector<16xi32>,
        %gather3A_952 = tpu.vector_load_idx %arg20[%gather3A] : memref<6912xf32, #tpu.memory_space<vmem>>[vector<16xi32>], vector<16xf32>,
        %gather3A_953 = tpu.vector_load_idx %arg21[%gather3A] : memref<6912xf32, #tpu.memory_space<vmem>>[vector<16xi32>], vector<16xf32>,
        %gather3A_954 = tpu.vector_load_idx %arg22[%gather3A] : memref<6912xf32, #tpu.memory_space<vmem>>[vector<16xi32>], vector<16xf32>,
        %gather3A_955 = tpu.vector_load_idx %arg17[%get3A_951] : memref<6912xf32, #tpu.memory_space<vmem>>[vector<16xi32>], vector<16xf32>,
        %gather3A_956 = tpu.vector_load_idx %arg17[%gather3A] : memref<6912xf32, #tpu.memory_space<vmem>>[vector<16xi32>], vector<16xf32>,
        %sub3A = arith.subf %gather3A_955, %gather3A_956 : vector<16xf32>
        %gather3A_957 = tpu.vector_load_idx %arg18[%get3A_951] : memref<6912xf32, #tpu.memory_space<vmem>>[vector<16xi32>], vector<16xf32>,
        %gather3A_958 = tpu.vector_load_idx %arg18[%gather3A] : memref<6912xf32, #tpu.memory_space<vmem>>[vector<16xi32>], vector<16xf32>,
        %sub3A_959 = arith.subf %gather3A_957, %gather3A_958 : vector<16xf32>
        %gather3A_960 = tpu.vector_load_idx %arg19[%get3A_951] : memref<6912xf32, #tpu.memory_space<vmem>>[vector<16xi32>], vector<16xf32>,
        %gather3A_961 = tpu.vector_load_idx %arg19[%gather3A] : memref<6912xf32, #tpu.memory_space<vmem>>[vector<16xi32>], vector<16xf32>,
        %sub3A_962 = arith.subf %gather3A_960, %gather3A_961 : vector<16xf32>
        %mul3A_963 = arith.mulf %gather3A_952, %sub3A : vector<16xf32>
        %mul3A_964 = arith.mulf %gather3A_953, %sub3A_959 : vector<16xf32>
        %add3A_965 = arith.addf %mul3A_963, %mul3A_964 : vector<16xf32>
        %mul3A_966 = arith.mulf %gather3A_954, %sub3A_962 : vector<16xf32>
        %add3A_967 = arith.addf %add3A_965, %mul3A_966 : vector<16xf32>
        %ge3A = arith.constant 0.000000e+00 : f32
        %ge3A_968 = vector.broadcast %ge3A : f32 to vector<16xf32>
        %ge3A_969 = arith.cmpf oge, %add3A_967, %ge3A_968 : vector<16xf32>
        %jit3A_970 = arith.constant 0 : i32
        %jit3A_971 = arith.constant 1 : i32
        %broadcast_in_dim3A_972 = vector.broadcast %jit3A_970 : i32 to vector<16xi32>
        %broadcast_in_dim3A_973 = vector.broadcast %jit3A_971 : i32 to vector<16xi32>
        %select_n3A_974 = arith.select %ge3A_969, %broadcast_in_dim3A_972, %broadcast_in_dim3A_973 : vector<16xi1>, vector<16xi32>
        %swap3A_975 = arith.constant 0 : index
        %swap3A_976 = tpu.vector_load %arg35[%swap3A_975] {strides = array<i32>} : memref<16xi32, #tpu.memory_space<vmem>>, vector<16xi32>,
        tpu.vector_store %arg35[%swap3A_975], %select_n3A_974 {strides = array<i32>} : memref<16xi32, #tpu.memory_space<vmem>>, vector<16xi32>,
        "tpu.region"() ({
          %run_scoped3A = tpu.sem_alloc : memref<!tpu.dma_semaphore, #tpu.memory_space<semaphore_mem>>
          %dma_start3A_1016 = arith.constant 0 : i32
          %dma_start3A_1017 = tpu.memref_slice %arg46[%dma_start3A_1016] : memref<6912xi32, #tpu.memory_space<vmem_shared>> -> memref<6912xi32, #tpu.memory_space<vmem_shared>>
          tpu.enqueue_indirect_dma source(%arg35 : memref<16xi32, #tpu.memory_space<vmem>>) target(%dma_start3A_1017 : memref<6912xi32, #tpu.memory_space<vmem_shared>>) offsets(%get3A_951 : vector<16xi32>) semaphore(%run_scoped3A : memref<!tpu.dma_semaphore, #tpu.memory_space<semaphore_mem>>)
          %dma_wait3A_1018 = arith.constant 0 : i32
          %dma_wait3A_1019 = tpu.memref_slice %arg46[%dma_wait3A_1018] : memref<6912xi32, #tpu.memory_space<vmem_shared>> -> memref<6912xi32, #tpu.memory_space<vmem_shared>>
          tpu.wait_indirect_dma semaphore(%run_scoped3A : memref<!tpu.dma_semaphore, #tpu.memory_space<semaphore_mem>>) src(%arg35 : memref<16xi32, #tpu.memory_space<vmem>>) dst(%dma_wait3A_1019 : memref<6912xi32, #tpu.memory_space<vmem_shared>>)
          tpu.yield
        }) : () -> ()
        %convert_element_type3A_977 = arith.sitofp %select_n3A_974 : vector<16xi32> to vector<16xf32>
        %gather3A_978 = tpu.vector_load_idx %arg23[%get3A_951] : memref<6912xf32, #tpu.memory_space<vmem>>[vector<16xi32>], vector<16xf32>,
        %gather3A_979 = tpu.vector_load_idx %arg25[%get3A_951] : memref<6912xf32, #tpu.memory_space<vmem>>[vector<16xi32>], vector<16xf32>,
        %mul3A_980 = arith.constant 5.000000e+00 : f32
        %mul3A_981 = vector.broadcast %mul3A_980 : f32 to vector<16xf32>
        %mul3A_982 = arith.mulf %mul3A_981, %gather3A_979 : vector<16xf32>
        %add3A_983 = arith.constant 1.000000e+00 : f32
        %add3A_984 = vector.broadcast %add3A_983 : f32 to vector<16xf32>
        %add3A_985 = arith.addf %mul3A_982, %add3A_984 : vector<16xf32>
        %div3A = arith.constant 1.000000e+00 : f32
        %div3A_986 = vector.broadcast %div3A : f32 to vector<16xf32>
        %div3A_987 = arith.divf %div3A_986, %add3A_985 : vector<16xf32>
        %mul3A_988 = arith.constant 4.000000e-02 : f32
        %mul3A_989 = vector.broadcast %mul3A_988 : f32 to vector<16xf32>
        %mul3A_990 = arith.mulf %mul3A_989, %div3A_987 : vector<16xf32>
        %div3A_991 = arith.constant 4.000000e-02 : f32
        %div3A_992 = vector.broadcast %div3A_991 : f32 to vector<16xf32>
        %div3A_993 = arith.divf %gather3A_978, %div3A_992 : vector<16xf32>
        %mul3A_994 = arith.constant 2.000000e+00 : f32
        %mul3A_995 = vector.broadcast %mul3A_994 : f32 to vector<16xf32>
        %mul3A_996 = arith.mulf %mul3A_995, %div3A_993 : vector<16xf32>
        %exp3A = math.exp %mul3A_996 : vector<16xf32>
        %add3A_997 = arith.constant 1.000000e+00 : f32
        %add3A_998 = vector.broadcast %add3A_997 : f32 to vector<16xf32>
        %add3A_999 = arith.addf %exp3A, %add3A_998 : vector<16xf32>
        %div3A_1000 = arith.constant 2.000000e+00 : f32
        %div3A_1001 = vector.broadcast %div3A_1000 : f32 to vector<16xf32>
        %div3A_1002 = arith.divf %div3A_1001, %add3A_999 : vector<16xf32>
        %sub3A_1003 = arith.constant 1.000000e+00 : f32
        %sub3A_1004 = vector.broadcast %sub3A_1003 : f32 to vector<16xf32>
        %sub3A_1005 = arith.subf %sub3A_1004, %div3A_1002 : vector<16xf32>
        %mul3A_1006 = arith.mulf %mul3A_990, %sub3A_1005 : vector<16xf32>
        %sub3A_1007 = arith.constant 1.000000e+00 : f32
        %sub3A_1008 = vector.broadcast %sub3A_1007 : f32 to vector<16xf32>
        %sub3A_1009 = arith.subf %sub3A_1008, %convert_element_type3A_977 : vector<16xf32>
        %mul3A_1010 = arith.mulf %mul3A_1006, %sub3A_1009 : vector<16xf32>
        %add3A_1011 = arith.addf %scan3A_947, %mul3A_1010 : vector<16xf32>
        %sub3A_1012 = arith.constant 1.000000e+00 : f32
        %sub3A_1013 = vector.broadcast %sub3A_1012 : f32 to vector<16xf32>
        %sub3A_1014 = arith.subf %sub3A_1013, %convert_element_type3A_977 : vector<16xf32>
        %add3A_1015 = arith.addf %scan3A_948, %sub3A_1014 : vector<16xf32>
        scf.yield %add3A_1011, %add3A_1015 : vector<16xf32>, vector<16xf32>
      }
      %scan3A_746 = arith.constant 4 : i32
      %barrier3A_747 = arith.constant 0 : index
      tpu.barrier barrier_id(%barrier3A_747)
      "tpu.region"() ({
        %run_scoped3A = tpu.sem_alloc : memref<!tpu.dma_semaphore, #tpu.memory_space<semaphore_mem>>
        tpu.enqueue_dma source(%arg46 : memref<6912xi32, #tpu.memory_space<vmem_shared>>) target(%arg26 : memref<6912xi32, #tpu.memory_space<vmem>>) target_semaphore(%run_scoped3A : memref<!tpu.dma_semaphore, #tpu.memory_space<semaphore_mem>>)
        tpu.wait_dma2 semaphore(%run_scoped3A : memref<!tpu.dma_semaphore, #tpu.memory_space<semaphore_mem>>) src(%arg46 : memref<6912xi32, #tpu.memory_space<vmem_shared>>) dst(%arg26 : memref<6912xi32, #tpu.memory_space<vmem>>)
        tpu.yield
      }) : () -> ()
      %scan3A_748 = arith.constant 0 : i32
      %scan3A_749 = arith.constant 27 : i32
      %scan3A_750 = arith.addi %scan3A_748, %scan3A_749 : i32
      %scan3A_751 = arith.constant 1 : i32
      %scan3A_752:4 = scf.for %scan3A_946 = %scan3A_748 to %scan3A_750 step %scan3A_751 iter_args(%scan3A_947 = %broadcast_in_dim3A_740, %scan3A_948 = %broadcast_in_dim3A_740, %scan3A_949 = %broadcast_in_dim3A_740, %scan3A_950 = %broadcast_in_dim3A_740) -> (vector<16xf32>, vector<16xf32>, vector<16xf32>, vector<16xf32>)  : i32 {
        %mul3A_951 = arith.constant 432 : i32
        %mul3A_952 = arith.muli %arg1, %mul3A_951 : i32
        %mul3A_953 = arith.constant 16 : i32
        %mul3A_954 = arith.muli %scan3A_946, %mul3A_953 : i32
        %add3A_955 = arith.addi %mul3A_952, %mul3A_954 : i32
        %iota3A_956 = tpu.iota {dimensions = array<i32: 0>} : vector<16xi32>
        %add3A_957 = vector.broadcast %add3A_955 : i32 to vector<16xi32>
        %add3A_958 = arith.addi %add3A_957, %iota3A_956 : vector<16xi32>
        %lt3A = arith.constant 6890 : i32
        %lt3A_959 = vector.broadcast %lt3A : i32 to vector<16xi32>
        %lt3A_960 = arith.cmpi slt, %add3A_958, %lt3A_959 : vector<16xi32>
        %get3A = arith.index_cast %add3A_955 : i32 to index
        %get3A_961 = tpu.vector_load %arg26[%get3A] {strides = array<i32>} : memref<6912xi32, #tpu.memory_space<vmem>>, vector<16xi32>,
        %convert_element_type3A_962 = arith.sitofp %get3A_961 : vector<16xi32> to vector<16xf32>
        %get3A_963 = arith.index_cast %add3A_955 : i32 to index
        %get3A_964 = tpu.vector_load %arg23[%get3A_963] {strides = array<i32>} : memref<6912xf32, #tpu.memory_space<vmem>>, vector<16xf32>,
        %div3A = arith.constant 6.000000e-02 : f32
        %div3A_965 = vector.broadcast %div3A : f32 to vector<16xf32>
        %div3A_966 = arith.divf %get3A_964, %div3A_965 : vector<16xf32>
        %mul3A_967 = arith.constant 2.000000e+00 : f32
        %mul3A_968 = vector.broadcast %mul3A_967 : f32 to vector<16xf32>
        %mul3A_969 = arith.mulf %mul3A_968, %div3A_966 : vector<16xf32>
        %exp3A = math.exp %mul3A_969 : vector<16xf32>
        %add3A_970 = arith.constant 1.000000e+00 : f32
        %add3A_971 = vector.broadcast %add3A_970 : f32 to vector<16xf32>
        %add3A_972 = arith.addf %exp3A, %add3A_971 : vector<16xf32>
        %div3A_973 = arith.constant 2.000000e+00 : f32
        %div3A_974 = vector.broadcast %div3A_973 : f32 to vector<16xf32>
        %div3A_975 = arith.divf %div3A_974, %add3A_972 : vector<16xf32>
        %sub3A = arith.constant 1.000000e+00 : f32
        %sub3A_976 = vector.broadcast %sub3A : f32 to vector<16xf32>
        %sub3A_977 = arith.subf %sub3A_976, %div3A_975 : vector<16xf32>
        %mul3A_978 = arith.mulf %convert_element_type3A_962, %sub3A_977 : vector<16xf32>
        %add3A_979 = arith.addf %scan3A_947, %mul3A_978 : vector<16xf32>
        %add3A_980 = arith.addf %scan3A_948, %convert_element_type3A_962 : vector<16xf32>
        %get3A_981 = arith.index_cast %add3A_955 : i32 to index
        %get3A_982 = tpu.vector_load %arg24[%get3A_981] {strides = array<i32>} : memref<6912xi32, #tpu.memory_space<vmem>>, vector<16xi32>,
        %get3A_983 = arith.index_cast %add3A_955 : i32 to index
        %get3A_984 = tpu.vector_load %arg20[%get3A_983] {strides = array<i32>} : memref<6912xf32, #tpu.memory_space<vmem>>, vector<16xf32>,
        %gather3A = tpu.vector_load_idx %arg20[%get3A_982] : memref<6912xf32, #tpu.memory_space<vmem>>[vector<16xi32>], vector<16xf32>,
        %mul3A_985 = arith.mulf %get3A_984, %gather3A : vector<16xf32>
        %get3A_986 = arith.index_cast %add3A_955 : i32 to index
        %get3A_987 = tpu.vector_load %arg21[%get3A_986] {strides = array<i32>} : memref<6912xf32, #tpu.memory_space<vmem>>, vector<16xf32>,
        %gather3A_988 = tpu.vector_load_idx %arg21[%get3A_982] : memref<6912xf32, #tpu.memory_space<vmem>>[vector<16xi32>], vector<16xf32>,
        %mul3A_989 = arith.mulf %get3A_987, %gather3A_988 : vector<16xf32>
        %add3A_990 = arith.addf %mul3A_985, %mul3A_989 : vector<16xf32>
        %get3A_991 = arith.index_cast %add3A_955 : i32 to index
        %get3A_992 = tpu.vector_load %arg22[%get3A_991] {strides = array<i32>} : memref<6912xf32, #tpu.memory_space<vmem>>, vector<16xf32>,
        %gather3A_993 = tpu.vector_load_idx %arg22[%get3A_982] : memref<6912xf32, #tpu.memory_space<vmem>>[vector<16xi32>], vector<16xf32>,
        %mul3A_994 = arith.mulf %get3A_992, %gather3A_993 : vector<16xf32>
        %add3A_995 = arith.addf %add3A_990, %mul3A_994 : vector<16xf32>
        %lt3A_996 = arith.constant 0.00999999977 : f32
        %lt3A_997 = vector.broadcast %lt3A_996 : f32 to vector<16xf32>
        %lt3A_998 = arith.cmpf olt, %get3A_964, %lt3A_997 : vector<16xf32>
        %and3A = arith.andi %lt3A_998, %lt3A_960 : vector<16xi1>
        %add3A_999 = arith.constant 1.000000e+00 : f32
        %add3A_1000 = vector.broadcast %add3A_999 : f32 to vector<16xf32>
        %add3A_1001 = arith.addf %add3A_1000, %add3A_995 : vector<16xf32>
        %jit3A_1002 = arith.constant 0.000000e+00 : f32
        %broadcast_in_dim3A_1003 = vector.broadcast %jit3A_1002 : f32 to vector<16xf32>
        %select_n3A_1004 = arith.select %and3A, %add3A_1001, %broadcast_in_dim3A_1003 : vector<16xi1>, vector<16xf32>
        %add3A_1005 = arith.addf %scan3A_949, %select_n3A_1004 : vector<16xf32>
        %jit3A_1006 = arith.constant 1.000000e+00 : f32
        %jit3A_1007 = arith.constant 0.000000e+00 : f32
        %broadcast_in_dim3A_1008 = vector.broadcast %jit3A_1006 : f32 to vector<16xf32>
        %broadcast_in_dim3A_1009 = vector.broadcast %jit3A_1007 : f32 to vector<16xf32>
        %select_n3A_1010 = arith.select %and3A, %broadcast_in_dim3A_1008, %broadcast_in_dim3A_1009 : vector<16xi1>, vector<16xf32>
        %add3A_1011 = arith.addf %scan3A_950, %select_n3A_1010 : vector<16xf32>
        scf.yield %add3A_979, %add3A_980, %add3A_1005, %add3A_1011 : vector<16xf32>, vector<16xf32>, vector<16xf32>, vector<16xf32>
      }
      %scan3A_753 = arith.constant 27 : i32
      %scan3A_754 = arith.constant 0 : i32
      %scan3A_755 = arith.constant 4 : i32
      %scan3A_756 = arith.addi %scan3A_754, %scan3A_755 : i32
      %scan3A_757 = arith.constant 1 : i32
      %scan3A_758:8 = scf.for %scan3A_946 = %scan3A_754 to %scan3A_756 step %scan3A_757 iter_args(%scan3A_947 = %broadcast_in_dim3A_740, %scan3A_948 = %broadcast_in_dim3A_740, %scan3A_949 = %broadcast_in_dim3A_740, %scan3A_950 = %broadcast_in_dim3A_740, %scan3A_951 = %broadcast_in_dim3A_740, %scan3A_952 = %broadcast_in_dim3A_740, %scan3A_953 = %broadcast_in_dim3A_740, %scan3A_954 = %broadcast_in_dim3A_740) -> (vector<16xf32>, vector<16xf32>, vector<16xf32>, vector<16xf32>, vector<16xf32>, vector<16xf32>, vector<16xf32>, vector<16xf32>)  : i32 {
        %mul3A_955 = arith.constant 64 : i32
        %mul3A_956 = arith.muli %arg1, %mul3A_955 : i32
        %mul3A_957 = arith.constant 16 : i32
        %mul3A_958 = arith.muli %scan3A_946, %mul3A_957 : i32
        %add3A_959 = arith.addi %mul3A_956, %mul3A_958 : i32
        %iota3A_960 = tpu.iota {dimensions = array<i32: 0>} : vector<16xi32>
        %add3A_961 = vector.broadcast %add3A_959 : i32 to vector<16xi32>
        %add3A_962 = arith.addi %add3A_961, %iota3A_960 : vector<16xi32>
        %lt3A = arith.constant 778 : i32
        %lt3A_963 = vector.broadcast %lt3A : i32 to vector<16xi32>
        %lt3A_964 = arith.cmpi slt, %add3A_962, %lt3A_963 : vector<16xi32>
        %jit3A_965 = arith.constant 1.000000e+00 : f32
        %jit3A_966 = arith.constant 0.000000e+00 : f32
        %broadcast_in_dim3A_967 = vector.broadcast %jit3A_965 : f32 to vector<16xf32>
        %broadcast_in_dim3A_968 = vector.broadcast %jit3A_966 : f32 to vector<16xf32>
        %select_n3A_969 = arith.select %lt3A_964, %broadcast_in_dim3A_967, %broadcast_in_dim3A_968 : vector<16xi1>, vector<16xf32>
        %min3A = arith.constant 777 : i32
        %min3A_970 = vector.broadcast %min3A : i32 to vector<16xi32>
        %min3A_971 = arith.minsi %add3A_962, %min3A_970 : vector<16xi32>
        %gather3A = tpu.vector_load_idx %arg29[%min3A_971] : memref<1600xi32, #tpu.memory_space<vmem>>[vector<16xi32>], vector<16xi32>,
        %add3A_972 = arith.constant 778 : i32
        %add3A_973 = vector.broadcast %add3A_972 : i32 to vector<16xi32>
        %add3A_974 = arith.addi %min3A_971, %add3A_973 : vector<16xi32>
        %gather3A_975 = tpu.vector_load_idx %arg29[%add3A_974] : memref<1600xi32, #tpu.memory_space<vmem>>[vector<16xi32>], vector<16xi32>,
        %gather3A_976 = tpu.vector_load_idx %arg26[%gather3A] : memref<6912xi32, #tpu.memory_space<vmem>>[vector<16xi32>], vector<16xi32>,
        %convert_element_type3A_977 = arith.sitofp %gather3A_976 : vector<16xi32> to vector<16xf32>
        %gather3A_978 = tpu.vector_load_idx %arg26[%gather3A_975] : memref<6912xi32, #tpu.memory_space<vmem>>[vector<16xi32>], vector<16xi32>,
        %convert_element_type3A_979 = arith.sitofp %gather3A_978 : vector<16xi32> to vector<16xf32>
        %gather3A_980 = tpu.vector_load_idx %arg23[%gather3A] : memref<6912xf32, #tpu.memory_space<vmem>>[vector<16xi32>], vector<16xf32>,
        %gather3A_981 = tpu.vector_load_idx %arg23[%gather3A_975] : memref<6912xf32, #tpu.memory_space<vmem>>[vector<16xi32>], vector<16xf32>,
        %gather3A_982 = tpu.vector_load_idx %arg30[%min3A_971] : memref<1600xf32, #tpu.memory_space<vmem>>[vector<16xi32>], vector<16xf32>,
        %sub3A = arith.constant 1.000000e+00 : f32
        %sub3A_983 = vector.broadcast %sub3A : f32 to vector<16xf32>
        %sub3A_984 = arith.subf %sub3A_983, %gather3A_982 : vector<16xf32>
        %mul3A_985 = arith.constant 1.000000e-01 : f32
        %mul3A_986 = vector.broadcast %mul3A_985 : f32 to vector<16xf32>
        %mul3A_987 = arith.mulf %mul3A_986, %sub3A_984 : vector<16xf32>
        %add3A_988 = arith.constant 0.899999976 : f32
        %add3A_989 = vector.broadcast %add3A_988 : f32 to vector<16xf32>
        %add3A_990 = arith.addf %mul3A_987, %add3A_989 : vector<16xf32>
        %add3A_991 = arith.constant 778 : i32
        %add3A_992 = vector.broadcast %add3A_991 : i32 to vector<16xi32>
        %add3A_993 = arith.addi %min3A_971, %add3A_992 : vector<16xi32>
        %gather3A_994 = tpu.vector_load_idx %arg30[%add3A_993] : memref<1600xf32, #tpu.memory_space<vmem>>[vector<16xi32>], vector<16xf32>,
        %sub3A_995 = arith.constant 1.000000e+00 : f32
        %sub3A_996 = vector.broadcast %sub3A_995 : f32 to vector<16xf32>
        %sub3A_997 = arith.subf %sub3A_996, %gather3A_994 : vector<16xf32>
        %mul3A_998 = arith.constant 1.000000e-01 : f32
        %mul3A_999 = vector.broadcast %mul3A_998 : f32 to vector<16xf32>
        %mul3A_1000 = arith.mulf %mul3A_999, %sub3A_997 : vector<16xf32>
        %add3A_1001 = arith.constant 0.899999976 : f32
        %add3A_1002 = vector.broadcast %add3A_1001 : f32 to vector<16xf32>
        %add3A_1003 = arith.addf %mul3A_1000, %add3A_1002 : vector<16xf32>
        %mul3A_1004 = arith.mulf %select_n3A_969, %convert_element_type3A_977 : vector<16xf32>
        %div3A = arith.constant 2.000000e-02 : f32
        %div3A_1005 = vector.broadcast %div3A : f32 to vector<16xf32>
        %div3A_1006 = arith.divf %gather3A_980, %div3A_1005 : vector<16xf32>
        %mul3A_1007 = arith.constant 2.000000e+00 : f32
        %mul3A_1008 = vector.broadcast %mul3A_1007 : f32 to vector<16xf32>
        %mul3A_1009 = arith.mulf %mul3A_1008, %div3A_1006 : vector<16xf32>
        %exp3A = math.exp %mul3A_1009 : vector<16xf32>
        %add3A_1010 = arith.constant 1.000000e+00 : f32
        %add3A_1011 = vector.broadcast %add3A_1010 : f32 to vector<16xf32>
        %add3A_1012 = arith.addf %exp3A, %add3A_1011 : vector<16xf32>
        %div3A_1013 = arith.constant 2.000000e+00 : f32
        %div3A_1014 = vector.broadcast %div3A_1013 : f32 to vector<16xf32>
        %div3A_1015 = arith.divf %div3A_1014, %add3A_1012 : vector<16xf32>
        %sub3A_1016 = arith.constant 1.000000e+00 : f32
        %sub3A_1017 = vector.broadcast %sub3A_1016 : f32 to vector<16xf32>
        %sub3A_1018 = arith.subf %sub3A_1017, %div3A_1015 : vector<16xf32>
        %mul3A_1019 = arith.mulf %mul3A_1004, %sub3A_1018 : vector<16xf32>
        %add3A_1020 = arith.addf %scan3A_947, %mul3A_1019 : vector<16xf32>
        %mul3A_1021 = arith.mulf %select_n3A_969, %convert_element_type3A_977 : vector<16xf32>
        %add3A_1022 = arith.addf %scan3A_948, %mul3A_1021 : vector<16xf32>
        %sub3A_1023 = arith.constant 1.000000e+00 : f32
        %sub3A_1024 = vector.broadcast %sub3A_1023 : f32 to vector<16xf32>
        %sub3A_1025 = arith.subf %sub3A_1024, %convert_element_type3A_977 : vector<16xf32>
        %mul3A_1026 = arith.mulf %select_n3A_969, %sub3A_1025 : vector<16xf32>
        %mul3A_1027 = arith.mulf %mul3A_1026, %add3A_990 : vector<16xf32>
        %div3A_1028 = arith.constant 0.00999999977 : f32
        %div3A_1029 = vector.broadcast %div3A_1028 : f32 to vector<16xf32>
        %div3A_1030 = arith.divf %gather3A_980, %div3A_1029 : vector<16xf32>
        %mul3A_1031 = arith.constant 2.000000e+00 : f32
        %mul3A_1032 = vector.broadcast %mul3A_1031 : f32 to vector<16xf32>
        %mul3A_1033 = arith.mulf %mul3A_1032, %div3A_1030 : vector<16xf32>
        %exp3A_1034 = math.exp %mul3A_1033 : vector<16xf32>
        %add3A_1035 = arith.constant 1.000000e+00 : f32
        %add3A_1036 = vector.broadcast %add3A_1035 : f32 to vector<16xf32>
        %add3A_1037 = arith.addf %exp3A_1034, %add3A_1036 : vector<16xf32>
        %div3A_1038 = arith.constant 2.000000e+00 : f32
        %div3A_1039 = vector.broadcast %div3A_1038 : f32 to vector<16xf32>
        %div3A_1040 = arith.divf %div3A_1039, %add3A_1037 : vector<16xf32>
        %sub3A_1041 = arith.constant 1.000000e+00 : f32
        %sub3A_1042 = vector.broadcast %sub3A_1041 : f32 to vector<16xf32>
        %sub3A_1043 = arith.subf %sub3A_1042, %div3A_1040 : vector<16xf32>
        %mul3A_1044 = arith.mulf %mul3A_1027, %sub3A_1043 : vector<16xf32>
        %add3A_1045 = arith.addf %scan3A_949, %mul3A_1044 : vector<16xf32>
        %sub3A_1046 = arith.constant 1.000000e+00 : f32
        %sub3A_1047 = vector.broadcast %sub3A_1046 : f32 to vector<16xf32>
        %sub3A_1048 = arith.subf %sub3A_1047, %convert_element_type3A_977 : vector<16xf32>
        %mul3A_1049 = arith.mulf %select_n3A_969, %sub3A_1048 : vector<16xf32>
        %add3A_1050 = arith.addf %scan3A_950, %mul3A_1049 : vector<16xf32>
        %mul3A_1051 = arith.mulf %select_n3A_969, %convert_element_type3A_979 : vector<16xf32>
        %div3A_1052 = arith.constant 2.000000e-02 : f32
        %div3A_1053 = vector.broadcast %div3A_1052 : f32 to vector<16xf32>
        %div3A_1054 = arith.divf %gather3A_981, %div3A_1053 : vector<16xf32>
        %mul3A_1055 = arith.constant 2.000000e+00 : f32
        %mul3A_1056 = vector.broadcast %mul3A_1055 : f32 to vector<16xf32>
        %mul3A_1057 = arith.mulf %mul3A_1056, %div3A_1054 : vector<16xf32>
        %exp3A_1058 = math.exp %mul3A_1057 : vector<16xf32>
        %add3A_1059 = arith.constant 1.000000e+00 : f32
        %add3A_1060 = vector.broadcast %add3A_1059 : f32 to vector<16xf32>
        %add3A_1061 = arith.addf %exp3A_1058, %add3A_1060 : vector<16xf32>
        %div3A_1062 = arith.constant 2.000000e+00 : f32
        %div3A_1063 = vector.broadcast %div3A_1062 : f32 to vector<16xf32>
        %div3A_1064 = arith.divf %div3A_1063, %add3A_1061 : vector<16xf32>
        %sub3A_1065 = arith.constant 1.000000e+00 : f32
        %sub3A_1066 = vector.broadcast %sub3A_1065 : f32 to vector<16xf32>
        %sub3A_1067 = arith.subf %sub3A_1066, %div3A_1064 : vector<16xf32>
        %mul3A_1068 = arith.mulf %mul3A_1051, %sub3A_1067 : vector<16xf32>
        %add3A_1069 = arith.addf %scan3A_951, %mul3A_1068 : vector<16xf32>
        %mul3A_1070 = arith.mulf %select_n3A_969, %convert_element_type3A_979 : vector<16xf32>
        %add3A_1071 = arith.addf %scan3A_952, %mul3A_1070 : vector<16xf32>
        %sub3A_1072 = arith.constant 1.000000e+00 : f32
        %sub3A_1073 = vector.broadcast %sub3A_1072 : f32 to vector<16xf32>
        %sub3A_1074 = arith.subf %sub3A_1073, %convert_element_type3A_979 : vector<16xf32>
        %mul3A_1075 = arith.mulf %select_n3A_969, %sub3A_1074 : vector<16xf32>
        %mul3A_1076 = arith.mulf %mul3A_1075, %add3A_1003 : vector<16xf32>
        %div3A_1077 = arith.constant 0.00999999977 : f32
        %div3A_1078 = vector.broadcast %div3A_1077 : f32 to vector<16xf32>
        %div3A_1079 = arith.divf %gather3A_981, %div3A_1078 : vector<16xf32>
        %mul3A_1080 = arith.constant 2.000000e+00 : f32
        %mul3A_1081 = vector.broadcast %mul3A_1080 : f32 to vector<16xf32>
        %mul3A_1082 = arith.mulf %mul3A_1081, %div3A_1079 : vector<16xf32>
        %exp3A_1083 = math.exp %mul3A_1082 : vector<16xf32>
        %add3A_1084 = arith.constant 1.000000e+00 : f32
        %add3A_1085 = vector.broadcast %add3A_1084 : f32 to vector<16xf32>
        %add3A_1086 = arith.addf %exp3A_1083, %add3A_1085 : vector<16xf32>
        %div3A_1087 = arith.constant 2.000000e+00 : f32
        %div3A_1088 = vector.broadcast %div3A_1087 : f32 to vector<16xf32>
        %div3A_1089 = arith.divf %div3A_1088, %add3A_1086 : vector<16xf32>
        %sub3A_1090 = arith.constant 1.000000e+00 : f32
        %sub3A_1091 = vector.broadcast %sub3A_1090 : f32 to vector<16xf32>
        %sub3A_1092 = arith.subf %sub3A_1091, %div3A_1089 : vector<16xf32>
        %mul3A_1093 = arith.mulf %mul3A_1076, %sub3A_1092 : vector<16xf32>
        %add3A_1094 = arith.addf %scan3A_953, %mul3A_1093 : vector<16xf32>
        %sub3A_1095 = arith.constant 1.000000e+00 : f32
        %sub3A_1096 = vector.broadcast %sub3A_1095 : f32 to vector<16xf32>
        %sub3A_1097 = arith.subf %sub3A_1096, %convert_element_type3A_979 : vector<16xf32>
        %mul3A_1098 = arith.mulf %select_n3A_969, %sub3A_1097 : vector<16xf32>
        %add3A_1099 = arith.addf %scan3A_954, %mul3A_1098 : vector<16xf32>
        scf.yield %add3A_1020, %add3A_1022, %add3A_1045, %add3A_1050, %add3A_1069, %add3A_1071, %add3A_1094, %add3A_1099 : vector<16xf32>, vector<16xf32>, vector<16xf32>, vector<16xf32>, vector<16xf32>, vector<16xf32>, vector<16xf32>, vector<16xf32>
      }
      %scan3A_759 = arith.constant 4 : i32
      %reduce_sum3A = arith.constant true
      %reduce_sum3A_760 = vector.broadcast %reduce_sum3A : i1 to vector<16xi1>
      %reduce_sum3A_761 = tpu.scan <sum>, %scan3A_752#0 masked %reduce_sum3A_760 : vector<16xf32>, vector<16xi1> -> vector<16xf32>
      %reduce_sum3A_762 = vector.extract %reduce_sum3A_761[15] : f32 from vector<16xf32>
      %reduce_sum3A_763 = arith.constant true
      %reduce_sum3A_764 = vector.broadcast %reduce_sum3A_763 : i1 to vector<16xi1>
      %reduce_sum3A_765 = tpu.scan <sum>, %scan3A_752#2 masked %reduce_sum3A_764 : vector<16xf32>, vector<16xi1> -> vector<16xf32>
      %reduce_sum3A_766 = vector.extract %reduce_sum3A_765[15] : f32 from vector<16xf32>
      %reduce_sum3A_767 = arith.constant true
      %reduce_sum3A_768 = vector.broadcast %reduce_sum3A_767 : i1 to vector<16xi1>
      %reduce_sum3A_769 = tpu.scan <sum>, %scan3A_745#0 masked %reduce_sum3A_768 : vector<16xf32>, vector<16xi1> -> vector<16xf32>
      %reduce_sum3A_770 = vector.extract %reduce_sum3A_769[15] : f32 from vector<16xf32>
      %reduce_sum3A_771 = arith.constant true
      %reduce_sum3A_772 = vector.broadcast %reduce_sum3A_771 : i1 to vector<16xi1>
      %reduce_sum3A_773 = tpu.scan <sum>, %scan3A_758#0 masked %reduce_sum3A_772 : vector<16xf32>, vector<16xi1> -> vector<16xf32>
      %reduce_sum3A_774 = vector.extract %reduce_sum3A_773[15] : f32 from vector<16xf32>
      %reduce_sum3A_775 = arith.constant true
      %reduce_sum3A_776 = vector.broadcast %reduce_sum3A_775 : i1 to vector<16xi1>
      %reduce_sum3A_777 = tpu.scan <sum>, %scan3A_758#4 masked %reduce_sum3A_776 : vector<16xf32>, vector<16xi1> -> vector<16xf32>
      %reduce_sum3A_778 = vector.extract %reduce_sum3A_777[15] : f32 from vector<16xf32>
      %reduce_sum3A_779 = arith.constant true
      %reduce_sum3A_780 = vector.broadcast %reduce_sum3A_779 : i1 to vector<16xi1>
      %reduce_sum3A_781 = tpu.scan <sum>, %scan3A_758#2 masked %reduce_sum3A_780 : vector<16xf32>, vector<16xi1> -> vector<16xf32>
      %reduce_sum3A_782 = vector.extract %reduce_sum3A_781[15] : f32 from vector<16xf32>
      %reduce_sum3A_783 = arith.constant true
      %reduce_sum3A_784 = vector.broadcast %reduce_sum3A_783 : i1 to vector<16xi1>
      %reduce_sum3A_785 = tpu.scan <sum>, %scan3A_758#6 masked %reduce_sum3A_784 : vector<16xf32>, vector<16xi1> -> vector<16xf32>
      %reduce_sum3A_786 = vector.extract %reduce_sum3A_785[15] : f32 from vector<16xf32>
      %iota3A_787 = tpu.iota {dimensions = array<i32: 0>} : vector<16xi32>
      %broadcast_in_dim3A_788 = arith.constant 0.000000e+00 : f32
      %broadcast_in_dim3A_789 = vector.broadcast %broadcast_in_dim3A_788 : f32 to vector<16xf32>
      %eq3A_790 = arith.constant 0 : i32
      %eq3A_791 = vector.broadcast %eq3A_790 : i32 to vector<16xi32>
      %eq3A_792 = arith.cmpi eq, %iota3A_787, %eq3A_791 : vector<16xi32>
      %jit3A = arith.constant 0.000000e+00 : f32
      %broadcast_in_dim3A_793 = vector.broadcast %reduce_sum3A_762 : f32 to vector<16xf32>
      %broadcast_in_dim3A_794 = vector.broadcast %jit3A : f32 to vector<16xf32>
      %select_n3A = arith.select %eq3A_792, %broadcast_in_dim3A_793, %broadcast_in_dim3A_794 : vector<16xi1>, vector<16xf32>
      %add3A_795 = arith.addf %broadcast_in_dim3A_789, %select_n3A : vector<16xf32>
      %eq3A_796 = arith.constant 1 : i32
      %eq3A_797 = vector.broadcast %eq3A_796 : i32 to vector<16xi32>
      %eq3A_798 = arith.cmpi eq, %iota3A_787, %eq3A_797 : vector<16xi32>
      %jit3A_799 = arith.constant 0.000000e+00 : f32
      %broadcast_in_dim3A_800 = vector.broadcast %reduce_sum3A_766 : f32 to vector<16xf32>
      %broadcast_in_dim3A_801 = vector.broadcast %jit3A_799 : f32 to vector<16xf32>
      %select_n3A_802 = arith.select %eq3A_798, %broadcast_in_dim3A_800, %broadcast_in_dim3A_801 : vector<16xi1>, vector<16xf32>
      %add3A_803 = arith.addf %add3A_795, %select_n3A_802 : vector<16xf32>
      %eq3A_804 = arith.constant 2 : i32
      %eq3A_805 = vector.broadcast %eq3A_804 : i32 to vector<16xi32>
      %eq3A_806 = arith.cmpi eq, %iota3A_787, %eq3A_805 : vector<16xi32>
      %jit3A_807 = arith.constant 0.000000e+00 : f32
      %broadcast_in_dim3A_808 = vector.broadcast %reduce_sum3A_770 : f32 to vector<16xf32>
      %broadcast_in_dim3A_809 = vector.broadcast %jit3A_807 : f32 to vector<16xf32>
      %select_n3A_810 = arith.select %eq3A_806, %broadcast_in_dim3A_808, %broadcast_in_dim3A_809 : vector<16xi1>, vector<16xf32>
      %add3A_811 = arith.addf %add3A_803, %select_n3A_810 : vector<16xf32>
      %eq3A_812 = arith.constant 3 : i32
      %eq3A_813 = vector.broadcast %eq3A_812 : i32 to vector<16xi32>
      %eq3A_814 = arith.cmpi eq, %iota3A_787, %eq3A_813 : vector<16xi32>
      %jit3A_815 = arith.constant 0.000000e+00 : f32
      %broadcast_in_dim3A_816 = vector.broadcast %reduce_sum3A_774 : f32 to vector<16xf32>
      %broadcast_in_dim3A_817 = vector.broadcast %jit3A_815 : f32 to vector<16xf32>
      %select_n3A_818 = arith.select %eq3A_814, %broadcast_in_dim3A_816, %broadcast_in_dim3A_817 : vector<16xi1>, vector<16xf32>
      %add3A_819 = arith.addf %add3A_811, %select_n3A_818 : vector<16xf32>
      %eq3A_820 = arith.constant 4 : i32
      %eq3A_821 = vector.broadcast %eq3A_820 : i32 to vector<16xi32>
      %eq3A_822 = arith.cmpi eq, %iota3A_787, %eq3A_821 : vector<16xi32>
      %jit3A_823 = arith.constant 0.000000e+00 : f32
      %broadcast_in_dim3A_824 = vector.broadcast %reduce_sum3A_778 : f32 to vector<16xf32>
      %broadcast_in_dim3A_825 = vector.broadcast %jit3A_823 : f32 to vector<16xf32>
      %select_n3A_826 = arith.select %eq3A_822, %broadcast_in_dim3A_824, %broadcast_in_dim3A_825 : vector<16xi1>, vector<16xf32>
      %add3A_827 = arith.addf %add3A_819, %select_n3A_826 : vector<16xf32>
      %eq3A_828 = arith.constant 5 : i32
      %eq3A_829 = vector.broadcast %eq3A_828 : i32 to vector<16xi32>
      %eq3A_830 = arith.cmpi eq, %iota3A_787, %eq3A_829 : vector<16xi32>
      %jit3A_831 = arith.constant 0.000000e+00 : f32
      %broadcast_in_dim3A_832 = vector.broadcast %reduce_sum3A_782 : f32 to vector<16xf32>
      %broadcast_in_dim3A_833 = vector.broadcast %jit3A_831 : f32 to vector<16xf32>
      %select_n3A_834 = arith.select %eq3A_830, %broadcast_in_dim3A_832, %broadcast_in_dim3A_833 : vector<16xi1>, vector<16xf32>
      %add3A_835 = arith.addf %add3A_827, %select_n3A_834 : vector<16xf32>
      %eq3A_836 = arith.constant 6 : i32
      %eq3A_837 = vector.broadcast %eq3A_836 : i32 to vector<16xi32>
      %eq3A_838 = arith.cmpi eq, %iota3A_787, %eq3A_837 : vector<16xi32>
      %jit3A_839 = arith.constant 0.000000e+00 : f32
      %broadcast_in_dim3A_840 = vector.broadcast %reduce_sum3A_786 : f32 to vector<16xf32>
      %broadcast_in_dim3A_841 = vector.broadcast %jit3A_839 : f32 to vector<16xf32>
      %select_n3A_842 = arith.select %eq3A_838, %broadcast_in_dim3A_840, %broadcast_in_dim3A_841 : vector<16xi1>, vector<16xf32>
      %add3A_843 = arith.addf %add3A_835, %select_n3A_842 : vector<16xf32>
      %reduce_sum3A_844 = arith.constant true
      %reduce_sum3A_845 = vector.broadcast %reduce_sum3A_844 : i1 to vector<16xi1>
      %reduce_sum3A_846 = tpu.scan <sum>, %scan3A_752#1 masked %reduce_sum3A_845 : vector<16xf32>, vector<16xi1> -> vector<16xf32>
      %reduce_sum3A_847 = vector.extract %reduce_sum3A_846[15] : f32 from vector<16xf32>
      %reduce_sum3A_848 = arith.constant true
      %reduce_sum3A_849 = vector.broadcast %reduce_sum3A_848 : i1 to vector<16xi1>
      %reduce_sum3A_850 = tpu.scan <sum>, %scan3A_752#3 masked %reduce_sum3A_849 : vector<16xf32>, vector<16xi1> -> vector<16xf32>
      %reduce_sum3A_851 = vector.extract %reduce_sum3A_850[15] : f32 from vector<16xf32>
      %reduce_sum3A_852 = arith.constant true
      %reduce_sum3A_853 = vector.broadcast %reduce_sum3A_852 : i1 to vector<16xi1>
      %reduce_sum3A_854 = tpu.scan <sum>, %scan3A_745#1 masked %reduce_sum3A_853 : vector<16xf32>, vector<16xi1> -> vector<16xf32>
      %reduce_sum3A_855 = vector.extract %reduce_sum3A_854[15] : f32 from vector<16xf32>
      %reduce_sum3A_856 = arith.constant true
      %reduce_sum3A_857 = vector.broadcast %reduce_sum3A_856 : i1 to vector<16xi1>
      %reduce_sum3A_858 = tpu.scan <sum>, %scan3A_758#1 masked %reduce_sum3A_857 : vector<16xf32>, vector<16xi1> -> vector<16xf32>
      %reduce_sum3A_859 = vector.extract %reduce_sum3A_858[15] : f32 from vector<16xf32>
      %reduce_sum3A_860 = arith.constant true
      %reduce_sum3A_861 = vector.broadcast %reduce_sum3A_860 : i1 to vector<16xi1>
      %reduce_sum3A_862 = tpu.scan <sum>, %scan3A_758#5 masked %reduce_sum3A_861 : vector<16xf32>, vector<16xi1> -> vector<16xf32>
      %reduce_sum3A_863 = vector.extract %reduce_sum3A_862[15] : f32 from vector<16xf32>
      %reduce_sum3A_864 = arith.constant true
      %reduce_sum3A_865 = vector.broadcast %reduce_sum3A_864 : i1 to vector<16xi1>
      %reduce_sum3A_866 = tpu.scan <sum>, %scan3A_758#3 masked %reduce_sum3A_865 : vector<16xf32>, vector<16xi1> -> vector<16xf32>
      %reduce_sum3A_867 = vector.extract %reduce_sum3A_866[15] : f32 from vector<16xf32>
      %reduce_sum3A_868 = arith.constant true
      %reduce_sum3A_869 = vector.broadcast %reduce_sum3A_868 : i1 to vector<16xi1>
      %reduce_sum3A_870 = tpu.scan <sum>, %scan3A_758#7 masked %reduce_sum3A_869 : vector<16xf32>, vector<16xi1> -> vector<16xf32>
      %reduce_sum3A_871 = vector.extract %reduce_sum3A_870[15] : f32 from vector<16xf32>
      %iota3A_872 = tpu.iota {dimensions = array<i32: 0>} : vector<16xi32>
      %broadcast_in_dim3A_873 = arith.constant 0.000000e+00 : f32
      %broadcast_in_dim3A_874 = vector.broadcast %broadcast_in_dim3A_873 : f32 to vector<16xf32>
      %eq3A_875 = arith.constant 0 : i32
      %eq3A_876 = vector.broadcast %eq3A_875 : i32 to vector<16xi32>
      %eq3A_877 = arith.cmpi eq, %iota3A_872, %eq3A_876 : vector<16xi32>
      %jit3A_878 = arith.constant 0.000000e+00 : f32
      %broadcast_in_dim3A_879 = vector.broadcast %reduce_sum3A_847 : f32 to vector<16xf32>
      %broadcast_in_dim3A_880 = vector.broadcast %jit3A_878 : f32 to vector<16xf32>
      %select_n3A_881 = arith.select %eq3A_877, %broadcast_in_dim3A_879, %broadcast_in_dim3A_880 : vector<16xi1>, vector<16xf32>
      %add3A_882 = arith.addf %broadcast_in_dim3A_874, %select_n3A_881 : vector<16xf32>
      %eq3A_883 = arith.constant 1 : i32
      %eq3A_884 = vector.broadcast %eq3A_883 : i32 to vector<16xi32>
      %eq3A_885 = arith.cmpi eq, %iota3A_872, %eq3A_884 : vector<16xi32>
      %jit3A_886 = arith.constant 0.000000e+00 : f32
      %broadcast_in_dim3A_887 = vector.broadcast %reduce_sum3A_851 : f32 to vector<16xf32>
      %broadcast_in_dim3A_888 = vector.broadcast %jit3A_886 : f32 to vector<16xf32>
      %select_n3A_889 = arith.select %eq3A_885, %broadcast_in_dim3A_887, %broadcast_in_dim3A_888 : vector<16xi1>, vector<16xf32>
      %add3A_890 = arith.addf %add3A_882, %select_n3A_889 : vector<16xf32>
      %eq3A_891 = arith.constant 2 : i32
      %eq3A_892 = vector.broadcast %eq3A_891 : i32 to vector<16xi32>
      %eq3A_893 = arith.cmpi eq, %iota3A_872, %eq3A_892 : vector<16xi32>
      %jit3A_894 = arith.constant 0.000000e+00 : f32
      %broadcast_in_dim3A_895 = vector.broadcast %reduce_sum3A_855 : f32 to vector<16xf32>
      %broadcast_in_dim3A_896 = vector.broadcast %jit3A_894 : f32 to vector<16xf32>
      %select_n3A_897 = arith.select %eq3A_893, %broadcast_in_dim3A_895, %broadcast_in_dim3A_896 : vector<16xi1>, vector<16xf32>
      %add3A_898 = arith.addf %add3A_890, %select_n3A_897 : vector<16xf32>
      %eq3A_899 = arith.constant 3 : i32
      %eq3A_900 = vector.broadcast %eq3A_899 : i32 to vector<16xi32>
      %eq3A_901 = arith.cmpi eq, %iota3A_872, %eq3A_900 : vector<16xi32>
      %jit3A_902 = arith.constant 0.000000e+00 : f32
      %broadcast_in_dim3A_903 = vector.broadcast %reduce_sum3A_859 : f32 to vector<16xf32>
      %broadcast_in_dim3A_904 = vector.broadcast %jit3A_902 : f32 to vector<16xf32>
      %select_n3A_905 = arith.select %eq3A_901, %broadcast_in_dim3A_903, %broadcast_in_dim3A_904 : vector<16xi1>, vector<16xf32>
      %add3A_906 = arith.addf %add3A_898, %select_n3A_905 : vector<16xf32>
      %eq3A_907 = arith.constant 4 : i32
      %eq3A_908 = vector.broadcast %eq3A_907 : i32 to vector<16xi32>
      %eq3A_909 = arith.cmpi eq, %iota3A_872, %eq3A_908 : vector<16xi32>
      %jit3A_910 = arith.constant 0.000000e+00 : f32
      %broadcast_in_dim3A_911 = vector.broadcast %reduce_sum3A_863 : f32 to vector<16xf32>
      %broadcast_in_dim3A_912 = vector.broadcast %jit3A_910 : f32 to vector<16xf32>
      %select_n3A_913 = arith.select %eq3A_909, %broadcast_in_dim3A_911, %broadcast_in_dim3A_912 : vector<16xi1>, vector<16xf32>
      %add3A_914 = arith.addf %add3A_906, %select_n3A_913 : vector<16xf32>
      %eq3A_915 = arith.constant 5 : i32
      %eq3A_916 = vector.broadcast %eq3A_915 : i32 to vector<16xi32>
      %eq3A_917 = arith.cmpi eq, %iota3A_872, %eq3A_916 : vector<16xi32>
      %jit3A_918 = arith.constant 0.000000e+00 : f32
      %broadcast_in_dim3A_919 = vector.broadcast %reduce_sum3A_867 : f32 to vector<16xf32>
      %broadcast_in_dim3A_920 = vector.broadcast %jit3A_918 : f32 to vector<16xf32>
      %select_n3A_921 = arith.select %eq3A_917, %broadcast_in_dim3A_919, %broadcast_in_dim3A_920 : vector<16xi1>, vector<16xf32>
      %add3A_922 = arith.addf %add3A_914, %select_n3A_921 : vector<16xf32>
      %eq3A_923 = arith.constant 6 : i32
      %eq3A_924 = vector.broadcast %eq3A_923 : i32 to vector<16xi32>
      %eq3A_925 = arith.cmpi eq, %iota3A_872, %eq3A_924 : vector<16xi32>
      %jit3A_926 = arith.constant 0.000000e+00 : f32
      %broadcast_in_dim3A_927 = vector.broadcast %reduce_sum3A_871 : f32 to vector<16xf32>
      %broadcast_in_dim3A_928 = vector.broadcast %jit3A_926 : f32 to vector<16xf32>
      %select_n3A_929 = arith.select %eq3A_925, %broadcast_in_dim3A_927, %broadcast_in_dim3A_928 : vector<16xi1>, vector<16xf32>
      %add3A_930 = arith.addf %add3A_922, %select_n3A_929 : vector<16xf32>
      %swap3A = arith.constant 0 : index
      %swap3A_931 = tpu.vector_load %arg36[%swap3A] {strides = array<i32>} : memref<16xf32, #tpu.memory_space<vmem>>, vector<16xf32>,
      tpu.vector_store %arg36[%swap3A], %add3A_843 {strides = array<i32>} : memref<16xf32, #tpu.memory_space<vmem>>, vector<16xf32>,
      %mul3A_932 = arith.constant 32 : i32
      %mul3A_933 = arith.muli %arg1, %mul3A_932 : i32
      "tpu.region"() ({
        %run_scoped3A = tpu.sem_alloc : memref<!tpu.dma_semaphore, #tpu.memory_space<semaphore_mem>>
        %dma_start3A_946 = tpu.memref_slice %arg47[%mul3A_933] : memref<512xf32, #tpu.memory_space<vmem_shared>> -> memref<16xf32, #tpu.memory_space<vmem_shared>>
        %dma_start3A_947 = tpu.memref_slice %arg47[%mul3A_933] : memref<512xf32, #tpu.memory_space<vmem_shared>> -> memref<16xf32, #tpu.memory_space<vmem_shared>>
        tpu.enqueue_dma source(%arg36 : memref<16xf32, #tpu.memory_space<vmem>>) target(%dma_start3A_947 : memref<16xf32, #tpu.memory_space<vmem_shared>>) target_semaphore(%run_scoped3A : memref<!tpu.dma_semaphore, #tpu.memory_space<semaphore_mem>>)
        %dma_wait3A_948 = tpu.memref_slice %arg47[%mul3A_933] : memref<512xf32, #tpu.memory_space<vmem_shared>> -> memref<16xf32, #tpu.memory_space<vmem_shared>>
        %dma_wait3A_949 = tpu.memref_slice %arg47[%mul3A_933] : memref<512xf32, #tpu.memory_space<vmem_shared>> -> memref<16xf32, #tpu.memory_space<vmem_shared>>
        tpu.wait_dma2 semaphore(%run_scoped3A : memref<!tpu.dma_semaphore, #tpu.memory_space<semaphore_mem>>) src(%arg36 : memref<16xf32, #tpu.memory_space<vmem>>) dst(%dma_wait3A_949 : memref<16xf32, #tpu.memory_space<vmem_shared>>)
        tpu.yield
      }) : () -> ()
      %swap3A_934 = arith.constant 0 : index
      %swap3A_935 = tpu.vector_load %arg36[%swap3A_934] {strides = array<i32>} : memref<16xf32, #tpu.memory_space<vmem>>, vector<16xf32>,
      tpu.vector_store %arg36[%swap3A_934], %add3A_930 {strides = array<i32>} : memref<16xf32, #tpu.memory_space<vmem>>, vector<16xf32>,
      %mul3A_936 = arith.constant 32 : i32
      %mul3A_937 = arith.muli %arg1, %mul3A_936 : i32
      %add3A_938 = arith.constant 16 : i32
      %add3A_939 = arith.addi %mul3A_937, %add3A_938 : i32
      "tpu.region"() ({
        %run_scoped3A = tpu.sem_alloc : memref<!tpu.dma_semaphore, #tpu.memory_space<semaphore_mem>>
        %dma_start3A_946 = tpu.memref_slice %arg47[%add3A_939] : memref<512xf32, #tpu.memory_space<vmem_shared>> -> memref<16xf32, #tpu.memory_space<vmem_shared>>
        %dma_start3A_947 = tpu.memref_slice %arg47[%add3A_939] : memref<512xf32, #tpu.memory_space<vmem_shared>> -> memref<16xf32, #tpu.memory_space<vmem_shared>>
        tpu.enqueue_dma source(%arg36 : memref<16xf32, #tpu.memory_space<vmem>>) target(%dma_start3A_947 : memref<16xf32, #tpu.memory_space<vmem_shared>>) target_semaphore(%run_scoped3A : memref<!tpu.dma_semaphore, #tpu.memory_space<semaphore_mem>>)
        %dma_wait3A_948 = tpu.memref_slice %arg47[%add3A_939] : memref<512xf32, #tpu.memory_space<vmem_shared>> -> memref<16xf32, #tpu.memory_space<vmem_shared>>
        %dma_wait3A_949 = tpu.memref_slice %arg47[%add3A_939] : memref<512xf32, #tpu.memory_space<vmem_shared>> -> memref<16xf32, #tpu.memory_space<vmem_shared>>
        tpu.wait_dma2 semaphore(%run_scoped3A : memref<!tpu.dma_semaphore, #tpu.memory_space<semaphore_mem>>) src(%arg36 : memref<16xf32, #tpu.memory_space<vmem>>) dst(%dma_wait3A_949 : memref<16xf32, #tpu.memory_space<vmem_shared>>)
        tpu.yield
      }) : () -> ()
      %barrier3A_940 = arith.constant 0 : index
      tpu.barrier barrier_id(%barrier3A_940)
      %eq3A_941 = arith.constant 0 : i32
      %eq3A_942 = arith.cmpi eq, %arg1, %eq3A_941 : i32
      %convert_element_type3A_943 = arith.extui %eq3A_942 : i1 to i32
      %cond3A_944 = arith.constant 0 : i32
      %cond3A_945 = arith.cmpi ne, %convert_element_type3A_943, %cond3A_944 : i32
      scf.if %cond3A_945 {
        "tpu.region"() ({
          %run_scoped3A = tpu.sem_alloc : memref<!tpu.dma_semaphore, #tpu.memory_space<semaphore_mem>>
          tpu.enqueue_dma source(%arg47 : memref<512xf32, #tpu.memory_space<vmem_shared>>) target(%arg37 : memref<512xf32, #tpu.memory_space<vmem>>) target_semaphore(%run_scoped3A : memref<!tpu.dma_semaphore, #tpu.memory_space<semaphore_mem>>)
          tpu.wait_dma2 semaphore(%run_scoped3A : memref<!tpu.dma_semaphore, #tpu.memory_space<semaphore_mem>>) src(%arg47 : memref<512xf32, #tpu.memory_space<vmem_shared>>) dst(%arg37 : memref<512xf32, #tpu.memory_space<vmem>>)
          tpu.yield
        }) : () -> ()
        %broadcast_in_dim3A_946 = arith.constant 0.000000e+00 : f32
        %broadcast_in_dim3A_947 = vector.broadcast %broadcast_in_dim3A_946 : f32 to vector<16xf32>
        %broadcast_in_dim3A_948 = arith.constant 0.000000e+00 : f32
        %broadcast_in_dim3A_949 = vector.broadcast %broadcast_in_dim3A_948 : f32 to vector<16xf32>
        %get3A = arith.constant 0 : index
        %get3A_950 = tpu.vector_load %arg37[%get3A] {strides = array<i32>} : memref<512xf32, #tpu.memory_space<vmem>>, vector<16xf32>,
        %add3A_951 = arith.addf %broadcast_in_dim3A_947, %get3A_950 : vector<16xf32>
        %get3A_952 = arith.constant 16 : index
        %get3A_953 = tpu.vector_load %arg37[%get3A_952] {strides = array<i32>} : memref<512xf32, #tpu.memory_space<vmem>>, vector<16xf32>,
        %add3A_954 = arith.addf %broadcast_in_dim3A_949, %get3A_953 : vector<16xf32>
        %get3A_955 = arith.constant 32 : index
        %get3A_956 = tpu.vector_load %arg37[%get3A_955] {strides = array<i32>} : memref<512xf32, #tpu.memory_space<vmem>>, vector<16xf32>,
        %add3A_957 = arith.addf %add3A_951, %get3A_956 : vector<16xf32>
        %get3A_958 = arith.constant 48 : index
        %get3A_959 = tpu.vector_load %arg37[%get3A_958] {strides = array<i32>} : memref<512xf32, #tpu.memory_space<vmem>>, vector<16xf32>,
        %add3A_960 = arith.addf %add3A_954, %get3A_959 : vector<16xf32>
        %get3A_961 = arith.constant 64 : index
        %get3A_962 = tpu.vector_load %arg37[%get3A_961] {strides = array<i32>} : memref<512xf32, #tpu.memory_space<vmem>>, vector<16xf32>,
        %add3A_963 = arith.addf %add3A_957, %get3A_962 : vector<16xf32>
        %get3A_964 = arith.constant 80 : index
        %get3A_965 = tpu.vector_load %arg37[%get3A_964] {strides = array<i32>} : memref<512xf32, #tpu.memory_space<vmem>>, vector<16xf32>,
        %add3A_966 = arith.addf %add3A_960, %get3A_965 : vector<16xf32>
        %get3A_967 = arith.constant 96 : index
        %get3A_968 = tpu.vector_load %arg37[%get3A_967] {strides = array<i32>} : memref<512xf32, #tpu.memory_space<vmem>>, vector<16xf32>,
        %add3A_969 = arith.addf %add3A_963, %get3A_968 : vector<16xf32>
        %get3A_970 = arith.constant 112 : index
        %get3A_971 = tpu.vector_load %arg37[%get3A_970] {strides = array<i32>} : memref<512xf32, #tpu.memory_space<vmem>>, vector<16xf32>,
        %add3A_972 = arith.addf %add3A_966, %get3A_971 : vector<16xf32>
        %get3A_973 = arith.constant 128 : index
        %get3A_974 = tpu.vector_load %arg37[%get3A_973] {strides = array<i32>} : memref<512xf32, #tpu.memory_space<vmem>>, vector<16xf32>,
        %add3A_975 = arith.addf %add3A_969, %get3A_974 : vector<16xf32>
        %get3A_976 = arith.constant 144 : index
        %get3A_977 = tpu.vector_load %arg37[%get3A_976] {strides = array<i32>} : memref<512xf32, #tpu.memory_space<vmem>>, vector<16xf32>,
        %add3A_978 = arith.addf %add3A_972, %get3A_977 : vector<16xf32>
        %get3A_979 = arith.constant 160 : index
        %get3A_980 = tpu.vector_load %arg37[%get3A_979] {strides = array<i32>} : memref<512xf32, #tpu.memory_space<vmem>>, vector<16xf32>,
        %add3A_981 = arith.addf %add3A_975, %get3A_980 : vector<16xf32>
        %get3A_982 = arith.constant 176 : index
        %get3A_983 = tpu.vector_load %arg37[%get3A_982] {strides = array<i32>} : memref<512xf32, #tpu.memory_space<vmem>>, vector<16xf32>,
        %add3A_984 = arith.addf %add3A_978, %get3A_983 : vector<16xf32>
        %get3A_985 = arith.constant 192 : index
        %get3A_986 = tpu.vector_load %arg37[%get3A_985] {strides = array<i32>} : memref<512xf32, #tpu.memory_space<vmem>>, vector<16xf32>,
        %add3A_987 = arith.addf %add3A_981, %get3A_986 : vector<16xf32>
        %get3A_988 = arith.constant 208 : index
        %get3A_989 = tpu.vector_load %arg37[%get3A_988] {strides = array<i32>} : memref<512xf32, #tpu.memory_space<vmem>>, vector<16xf32>,
        %add3A_990 = arith.addf %add3A_984, %get3A_989 : vector<16xf32>
        %get3A_991 = arith.constant 224 : index
        %get3A_992 = tpu.vector_load %arg37[%get3A_991] {strides = array<i32>} : memref<512xf32, #tpu.memory_space<vmem>>, vector<16xf32>,
        %add3A_993 = arith.addf %add3A_987, %get3A_992 : vector<16xf32>
        %get3A_994 = arith.constant 240 : index
        %get3A_995 = tpu.vector_load %arg37[%get3A_994] {strides = array<i32>} : memref<512xf32, #tpu.memory_space<vmem>>, vector<16xf32>,
        %add3A_996 = arith.addf %add3A_990, %get3A_995 : vector<16xf32>
        %get3A_997 = arith.constant 256 : index
        %get3A_998 = tpu.vector_load %arg37[%get3A_997] {strides = array<i32>} : memref<512xf32, #tpu.memory_space<vmem>>, vector<16xf32>,
        %add3A_999 = arith.addf %add3A_993, %get3A_998 : vector<16xf32>
        %get3A_1000 = arith.constant 272 : index
        %get3A_1001 = tpu.vector_load %arg37[%get3A_1000] {strides = array<i32>} : memref<512xf32, #tpu.memory_space<vmem>>, vector<16xf32>,
        %add3A_1002 = arith.addf %add3A_996, %get3A_1001 : vector<16xf32>
        %get3A_1003 = arith.constant 288 : index
        %get3A_1004 = tpu.vector_load %arg37[%get3A_1003] {strides = array<i32>} : memref<512xf32, #tpu.memory_space<vmem>>, vector<16xf32>,
        %add3A_1005 = arith.addf %add3A_999, %get3A_1004 : vector<16xf32>
        %get3A_1006 = arith.constant 304 : index
        %get3A_1007 = tpu.vector_load %arg37[%get3A_1006] {strides = array<i32>} : memref<512xf32, #tpu.memory_space<vmem>>, vector<16xf32>,
        %add3A_1008 = arith.addf %add3A_1002, %get3A_1007 : vector<16xf32>
        %get3A_1009 = arith.constant 320 : index
        %get3A_1010 = tpu.vector_load %arg37[%get3A_1009] {strides = array<i32>} : memref<512xf32, #tpu.memory_space<vmem>>, vector<16xf32>,
        %add3A_1011 = arith.addf %add3A_1005, %get3A_1010 : vector<16xf32>
        %get3A_1012 = arith.constant 336 : index
        %get3A_1013 = tpu.vector_load %arg37[%get3A_1012] {strides = array<i32>} : memref<512xf32, #tpu.memory_space<vmem>>, vector<16xf32>,
        %add3A_1014 = arith.addf %add3A_1008, %get3A_1013 : vector<16xf32>
        %get3A_1015 = arith.constant 352 : index
        %get3A_1016 = tpu.vector_load %arg37[%get3A_1015] {strides = array<i32>} : memref<512xf32, #tpu.memory_space<vmem>>, vector<16xf32>,
        %add3A_1017 = arith.addf %add3A_1011, %get3A_1016 : vector<16xf32>
        %get3A_1018 = arith.constant 368 : index
        %get3A_1019 = tpu.vector_load %arg37[%get3A_1018] {strides = array<i32>} : memref<512xf32, #tpu.memory_space<vmem>>, vector<16xf32>,
        %add3A_1020 = arith.addf %add3A_1014, %get3A_1019 : vector<16xf32>
        %get3A_1021 = arith.constant 384 : index
        %get3A_1022 = tpu.vector_load %arg37[%get3A_1021] {strides = array<i32>} : memref<512xf32, #tpu.memory_space<vmem>>, vector<16xf32>,
        %add3A_1023 = arith.addf %add3A_1017, %get3A_1022 : vector<16xf32>
        %get3A_1024 = arith.constant 400 : index
        %get3A_1025 = tpu.vector_load %arg37[%get3A_1024] {strides = array<i32>} : memref<512xf32, #tpu.memory_space<vmem>>, vector<16xf32>,
        %add3A_1026 = arith.addf %add3A_1020, %get3A_1025 : vector<16xf32>
        %get3A_1027 = arith.constant 416 : index
        %get3A_1028 = tpu.vector_load %arg37[%get3A_1027] {strides = array<i32>} : memref<512xf32, #tpu.memory_space<vmem>>, vector<16xf32>,
        %add3A_1029 = arith.addf %add3A_1023, %get3A_1028 : vector<16xf32>
        %get3A_1030 = arith.constant 432 : index
        %get3A_1031 = tpu.vector_load %arg37[%get3A_1030] {strides = array<i32>} : memref<512xf32, #tpu.memory_space<vmem>>, vector<16xf32>,
        %add3A_1032 = arith.addf %add3A_1026, %get3A_1031 : vector<16xf32>
        %get3A_1033 = arith.constant 448 : index
        %get3A_1034 = tpu.vector_load %arg37[%get3A_1033] {strides = array<i32>} : memref<512xf32, #tpu.memory_space<vmem>>, vector<16xf32>,
        %add3A_1035 = arith.addf %add3A_1029, %get3A_1034 : vector<16xf32>
        %get3A_1036 = arith.constant 464 : index
        %get3A_1037 = tpu.vector_load %arg37[%get3A_1036] {strides = array<i32>} : memref<512xf32, #tpu.memory_space<vmem>>, vector<16xf32>,
        %add3A_1038 = arith.addf %add3A_1032, %get3A_1037 : vector<16xf32>
        %get3A_1039 = arith.constant 480 : index
        %get3A_1040 = tpu.vector_load %arg37[%get3A_1039] {strides = array<i32>} : memref<512xf32, #tpu.memory_space<vmem>>, vector<16xf32>,
        %add3A_1041 = arith.addf %add3A_1035, %get3A_1040 : vector<16xf32>
        %get3A_1042 = arith.constant 496 : index
        %get3A_1043 = tpu.vector_load %arg37[%get3A_1042] {strides = array<i32>} : memref<512xf32, #tpu.memory_space<vmem>>, vector<16xf32>,
        %add3A_1044 = arith.addf %add3A_1038, %get3A_1043 : vector<16xf32>
        %max3A = arith.constant 1.000000e+00 : f32
        %max3A_1045 = vector.broadcast %max3A : f32 to vector<16xf32>
        %max3A_1046 = arith.maximumf %add3A_1044, %max3A_1045 : vector<16xf32>
        %div3A = arith.divf %add3A_1041, %max3A_1046 : vector<16xf32>
        %iota3A_1047 = tpu.iota {dimensions = array<i32: 0>} : vector<16xi32>
        %broadcast_in_dim3A_1048 = arith.constant 0.000000e+00 : f32
        %broadcast_in_dim3A_1049 = vector.broadcast %broadcast_in_dim3A_1048 : f32 to vector<16xf32>
        %eq3A_1050 = arith.constant 0 : i32
        %eq3A_1051 = vector.broadcast %eq3A_1050 : i32 to vector<16xi32>
        %eq3A_1052 = arith.cmpi eq, %iota3A_1047, %eq3A_1051 : vector<16xi32>
        %jit3A_1053 = arith.constant 3.500000e-02 : f32
        %jit3A_1054 = arith.constant 0.000000e+00 : f32
        %broadcast_in_dim3A_1055 = vector.broadcast %jit3A_1053 : f32 to vector<16xf32>
        %broadcast_in_dim3A_1056 = vector.broadcast %jit3A_1054 : f32 to vector<16xf32>
        %select_n3A_1057 = arith.select %eq3A_1052, %broadcast_in_dim3A_1055, %broadcast_in_dim3A_1056 : vector<16xi1>, vector<16xf32>
        %add3A_1058 = arith.addf %broadcast_in_dim3A_1049, %select_n3A_1057 : vector<16xf32>
        %eq3A_1059 = arith.constant 1 : i32
        %eq3A_1060 = vector.broadcast %eq3A_1059 : i32 to vector<16xi32>
        %eq3A_1061 = arith.cmpi eq, %iota3A_1047, %eq3A_1060 : vector<16xi32>
        %jit3A_1062 = arith.constant 1.000000e-03 : f32
        %jit3A_1063 = arith.constant 0.000000e+00 : f32
        %broadcast_in_dim3A_1064 = vector.broadcast %jit3A_1062 : f32 to vector<16xf32>
        %broadcast_in_dim3A_1065 = vector.broadcast %jit3A_1063 : f32 to vector<16xf32>
        %select_n3A_1066 = arith.select %eq3A_1061, %broadcast_in_dim3A_1064, %broadcast_in_dim3A_1065 : vector<16xi1>, vector<16xf32>
        %add3A_1067 = arith.addf %add3A_1058, %select_n3A_1066 : vector<16xf32>
        %eq3A_1068 = arith.constant 2 : i32
        %eq3A_1069 = vector.broadcast %eq3A_1068 : i32 to vector<16xi32>
        %eq3A_1070 = arith.cmpi eq, %iota3A_1047, %eq3A_1069 : vector<16xi32>
        %jit3A_1071 = arith.constant 5.000000e+00 : f32
        %jit3A_1072 = arith.constant 0.000000e+00 : f32
        %broadcast_in_dim3A_1073 = vector.broadcast %jit3A_1071 : f32 to vector<16xf32>
        %broadcast_in_dim3A_1074 = vector.broadcast %jit3A_1072 : f32 to vector<16xf32>
        %select_n3A_1075 = arith.select %eq3A_1070, %broadcast_in_dim3A_1073, %broadcast_in_dim3A_1074 : vector<16xi1>, vector<16xf32>
        %add3A_1076 = arith.addf %add3A_1067, %select_n3A_1075 : vector<16xf32>
        %eq3A_1077 = arith.constant 3 : i32
        %eq3A_1078 = vector.broadcast %eq3A_1077 : i32 to vector<16xi32>
        %eq3A_1079 = arith.cmpi eq, %iota3A_1047, %eq3A_1078 : vector<16xi32>
        %jit3A_1080 = arith.constant 2.300000e-03 : f32
        %jit3A_1081 = arith.constant 0.000000e+00 : f32
        %broadcast_in_dim3A_1082 = vector.broadcast %jit3A_1080 : f32 to vector<16xf32>
        %broadcast_in_dim3A_1083 = vector.broadcast %jit3A_1081 : f32 to vector<16xf32>
        %select_n3A_1084 = arith.select %eq3A_1079, %broadcast_in_dim3A_1082, %broadcast_in_dim3A_1083 : vector<16xi1>, vector<16xf32>
        %add3A_1085 = arith.addf %add3A_1076, %select_n3A_1084 : vector<16xf32>
        %eq3A_1086 = arith.constant 4 : i32
        %eq3A_1087 = vector.broadcast %eq3A_1086 : i32 to vector<16xi32>
        %eq3A_1088 = arith.cmpi eq, %iota3A_1047, %eq3A_1087 : vector<16xi32>
        %jit3A_1089 = arith.constant 2.300000e-03 : f32
        %jit3A_1090 = arith.constant 0.000000e+00 : f32
        %broadcast_in_dim3A_1091 = vector.broadcast %jit3A_1089 : f32 to vector<16xf32>
        %broadcast_in_dim3A_1092 = vector.broadcast %jit3A_1090 : f32 to vector<16xf32>
        %select_n3A_1093 = arith.select %eq3A_1088, %broadcast_in_dim3A_1091, %broadcast_in_dim3A_1092 : vector<16xi1>, vector<16xf32>
        %add3A_1094 = arith.addf %add3A_1085, %select_n3A_1093 : vector<16xf32>
        %eq3A_1095 = arith.constant 5 : i32
        %eq3A_1096 = vector.broadcast %eq3A_1095 : i32 to vector<16xi32>
        %eq3A_1097 = arith.cmpi eq, %iota3A_1047, %eq3A_1096 : vector<16xi32>
        %jit3A_1098 = arith.constant 1.000000e-03 : f32
        %jit3A_1099 = arith.constant 0.000000e+00 : f32
        %broadcast_in_dim3A_1100 = vector.broadcast %jit3A_1098 : f32 to vector<16xf32>
        %broadcast_in_dim3A_1101 = vector.broadcast %jit3A_1099 : f32 to vector<16xf32>
        %select_n3A_1102 = arith.select %eq3A_1097, %broadcast_in_dim3A_1100, %broadcast_in_dim3A_1101 : vector<16xi1>, vector<16xf32>
        %add3A_1103 = arith.addf %add3A_1094, %select_n3A_1102 : vector<16xf32>
        %eq3A_1104 = arith.constant 6 : i32
        %eq3A_1105 = vector.broadcast %eq3A_1104 : i32 to vector<16xi32>
        %eq3A_1106 = arith.cmpi eq, %iota3A_1047, %eq3A_1105 : vector<16xi32>
        %jit3A_1107 = arith.constant 1.000000e-03 : f32
        %jit3A_1108 = arith.constant 0.000000e+00 : f32
        %broadcast_in_dim3A_1109 = vector.broadcast %jit3A_1107 : f32 to vector<16xf32>
        %broadcast_in_dim3A_1110 = vector.broadcast %jit3A_1108 : f32 to vector<16xf32>
        %select_n3A_1111 = arith.select %eq3A_1106, %broadcast_in_dim3A_1109, %broadcast_in_dim3A_1110 : vector<16xi1>, vector<16xf32>
        %add3A_1112 = arith.addf %add3A_1103, %select_n3A_1111 : vector<16xf32>
        %mul3A_1113 = arith.mulf %add3A_1112, %div3A : vector<16xf32>
        %reduce_sum3A_1114 = arith.constant true
        %reduce_sum3A_1115 = vector.broadcast %reduce_sum3A_1114 : i1 to vector<16xi1>
        %reduce_sum3A_1116 = tpu.scan <sum>, %mul3A_1113 masked %reduce_sum3A_1115 : vector<16xf32>, vector<16xi1> -> vector<16xf32>
        %reduce_sum3A_1117 = vector.extract %reduce_sum3A_1116[15] : f32 from vector<16xf32>
        %get3A_1118 = arith.constant 0 : index
        %get3A_1119 = tpu.vector_load %arg38[%get3A_1118] {strides = array<i32>} : memref<16xf32, #tpu.memory_space<vmem>>, vector<16xf32>,
        %reduce_sum3A_1120 = arith.constant true
        %reduce_sum3A_1121 = vector.broadcast %reduce_sum3A_1120 : i1 to vector<16xi1>
        %reduce_sum3A_1122 = tpu.scan <sum>, %get3A_1119 masked %reduce_sum3A_1121 : vector<16xf32>, vector<16xi1> -> vector<16xf32>
        %reduce_sum3A_1123 = vector.extract %reduce_sum3A_1122[15] : f32 from vector<16xf32>
        %add3A_1124 = arith.addf %reduce_sum3A_1117, %reduce_sum3A_1123 : f32
        %iota3A_1125 = tpu.iota {dimensions = array<i32: 0>} : vector<16xi32>
        %eq3A_1126 = arith.constant 0 : i32
        %eq3A_1127 = vector.broadcast %eq3A_1126 : i32 to vector<16xi32>
        %eq3A_1128 = arith.cmpi eq, %iota3A_1125, %eq3A_1127 : vector<16xi32>
        %jit3A_1129 = arith.constant 0.000000e+00 : f32
        %broadcast_in_dim3A_1130 = vector.broadcast %add3A_1124 : f32 to vector<16xf32>
        %broadcast_in_dim3A_1131 = vector.broadcast %jit3A_1129 : f32 to vector<16xf32>
        %select_n3A_1132 = arith.select %eq3A_1128, %broadcast_in_dim3A_1130, %broadcast_in_dim3A_1131 : vector<16xi1>, vector<16xf32>
        %swap3A_1133 = arith.constant 0 : index
        %swap3A_1134 = tpu.vector_load %arg36[%swap3A_1133] {strides = array<i32>} : memref<16xf32, #tpu.memory_space<vmem>>, vector<16xf32>,
        tpu.vector_store %arg36[%swap3A_1133], %select_n3A_1132 {strides = array<i32>} : memref<16xf32, #tpu.memory_space<vmem>>, vector<16xf32>,
        "tpu.region"() ({
          %run_scoped3A = tpu.sem_alloc : memref<!tpu.dma_semaphore, #tpu.memory_space<semaphore_mem>>
          tpu.enqueue_dma source(%arg36 : memref<16xf32, #tpu.memory_space<vmem>>) target(%arg15 : memref<16xf32, #tpu.memory_space<hbm>>) target_semaphore(%run_scoped3A : memref<!tpu.dma_semaphore, #tpu.memory_space<semaphore_mem>>)
          tpu.wait_dma2 semaphore(%run_scoped3A : memref<!tpu.dma_semaphore, #tpu.memory_space<semaphore_mem>>) src(%arg36 : memref<16xf32, #tpu.memory_space<vmem>>) dst(%arg15 : memref<16xf32, #tpu.memory_space<hbm>>)
          tpu.yield
        }) : () -> ()
        "tpu.region"() ({
          %run_scoped3A = tpu.sem_alloc : memref<!tpu.dma_semaphore, #tpu.memory_space<semaphore_mem>>
          tpu.enqueue_dma source(%arg46 : memref<6912xi32, #tpu.memory_space<vmem_shared>>) target(%arg16 : memref<6912xi32, #tpu.memory_space<hbm>>) target_semaphore(%run_scoped3A : memref<!tpu.dma_semaphore, #tpu.memory_space<semaphore_mem>>)
          tpu.wait_dma2 semaphore(%run_scoped3A : memref<!tpu.dma_semaphore, #tpu.memory_space<semaphore_mem>>) src(%arg46 : memref<6912xi32, #tpu.memory_space<vmem_shared>>) dst(%arg16 : memref<6912xi32, #tpu.memory_space<hbm>>)
          tpu.yield
        }) : () -> ()
      } else {
      }
    } else {
    }
    return
  }
}

module attributes {stable_mosaic.version = 14 : i64} {
  func.func @_nn_body(%arg0: i32, %arg1: memref<256x3xf32, #tpu.memory_space<vmem>>, %arg2: memref<3x6890xf32, #tpu.memory_space<vmem>>, %arg3: memref<256x6890xf32, #tpu.memory_space<vmem>>, %arg4: memref<256x3xf32, #tpu.memory_space<vmem>>, %arg5: memref<1x6890xf32, #tpu.memory_space<vmem>>, %arg6: memref<1x63xf32, #tpu.memory_space<vmem>>, %arg7: memref<1x63xf32, #tpu.memory_space<vmem>>, %arg8: memref<1x45xf32, #tpu.memory_space<vmem>>, %arg9: memref<1x45xf32, #tpu.memory_space<vmem>>, %arg10: memref<256x1xf32, #tpu.memory_space<vmem>>, %arg11: memref<256x1xi32, #tpu.memory_space<vmem>>, %arg12: memref<256x1xf32, #tpu.memory_space<vmem>>, %arg13: memref<256x1xf32, #tpu.memory_space<vmem>>, %arg14: memref<256x1xf32, #tpu.memory_space<vmem>>, %arg15: memref<256x1xf32, #tpu.memory_space<vmem>>, %arg16: memref<1x128xf32, #tpu.memory_space<vmem>>) attributes {dimension_semantics = [#tpu.dimension_semantics<arbitrary>], iteration_bounds = array<i64: 27>, scalar_prefetch = 0 : i64, scratch_operands = 0 : i64, tpu.core_type = #tpu.core_type<tc>, window_params = [{transform_indices = @transform_0, window_bounds = array<i64: 256, 3>}, {pipeline_mode = #tpu.pipeline_mode<synchronous>, transform_indices = @transform_1, window_bounds = array<i64: 3, 6890>}, {transform_indices = @transform_2, window_bounds = array<i64: 256, 6890>}, {transform_indices = @transform_3, window_bounds = array<i64: 256, 3>}, {pipeline_mode = #tpu.pipeline_mode<synchronous>, transform_indices = @transform_4, window_bounds = array<i64: 1, 6890>}, {pipeline_mode = #tpu.pipeline_mode<synchronous>, transform_indices = @transform_5, window_bounds = array<i64: 1, 63>}, {pipeline_mode = #tpu.pipeline_mode<synchronous>, transform_indices = @transform_6, window_bounds = array<i64: 1, 63>}, {pipeline_mode = #tpu.pipeline_mode<synchronous>, transform_indices = @transform_7, window_bounds = array<i64: 1, 45>}, {pipeline_mode = #tpu.pipeline_mode<synchronous>, transform_indices = @transform_8, window_bounds = array<i64: 1, 45>}, {transform_indices = @transform_9, window_bounds = array<i64: 256, 1>}, {transform_indices = @transform_10, window_bounds = array<i64: 256, 1>}, {transform_indices = @transform_11, window_bounds = array<i64: 256, 1>}, {transform_indices = @transform_12, window_bounds = array<i64: 256, 1>}, {transform_indices = @transform_13, window_bounds = array<i64: 256, 1>}, {transform_indices = @transform_14, window_bounds = array<i64: 256, 1>}, {pipeline_mode = #tpu.pipeline_mode<synchronous>, transform_indices = @transform_15, window_bounds = array<i64: 1, 128>}]} {
    %get3A = arith.constant 0 : index
    %get3A_0 = arith.constant 0 : index
    %get3A_1 = vector.load %arg1[%get3A, %get3A_0] : memref<256x3xf32, #tpu.memory_space<vmem>>, vector<256x3xf32>
    %get3A_2 = arith.constant 0 : index
    %get3A_3 = arith.constant 0 : index
    %get3A_4 = vector.load %arg2[%get3A_2, %get3A_3] : memref<3x6890xf32, #tpu.memory_space<vmem>>, vector<3x6890xf32>
    %get3A_5 = arith.constant 0 : index
    %get3A_6 = arith.constant 0 : index
    %get3A_7 = vector.load %arg3[%get3A_5, %get3A_6] : memref<256x6890xf32, #tpu.memory_space<vmem>>, vector<256x6890xf32>
    %slice3A = vector.extract_strided_slice %get3A_1 {offsets = [0, 0], sizes = [256, 1], strides = [1, 1]} : vector<256x3xf32> to vector<256x1xf32>
    %slice3A_8 = vector.extract_strided_slice %get3A_1 {offsets = [0, 0], sizes = [256, 1], strides = [1, 1]} : vector<256x3xf32> to vector<256x1xf32>
    %mul3A = arith.mulf %slice3A, %slice3A_8 : vector<256x1xf32>
    %slice3A_9 = vector.extract_strided_slice %get3A_1 {offsets = [0, 1], sizes = [256, 1], strides = [1, 1]} : vector<256x3xf32> to vector<256x1xf32>
    %slice3A_10 = vector.extract_strided_slice %get3A_1 {offsets = [0, 1], sizes = [256, 1], strides = [1, 1]} : vector<256x3xf32> to vector<256x1xf32>
    %mul3A_11 = arith.mulf %slice3A_9, %slice3A_10 : vector<256x1xf32>
    %add3A = arith.addf %mul3A, %mul3A_11 : vector<256x1xf32>
    %slice3A_12 = vector.extract_strided_slice %get3A_1 {offsets = [0, 2], sizes = [256, 1], strides = [1, 1]} : vector<256x3xf32> to vector<256x1xf32>
    %slice3A_13 = vector.extract_strided_slice %get3A_1 {offsets = [0, 2], sizes = [256, 1], strides = [1, 1]} : vector<256x3xf32> to vector<256x1xf32>
    %mul3A_14 = arith.mulf %slice3A_12, %slice3A_13 : vector<256x1xf32>
    %add3A_15 = arith.addf %add3A, %mul3A_14 : vector<256x1xf32>
    %slice3A_16 = vector.extract_strided_slice %get3A_4 {offsets = [0, 0], sizes = [1, 6890], strides = [1, 1]} : vector<3x6890xf32> to vector<1x6890xf32>
    %slice3A_17 = vector.extract_strided_slice %get3A_4 {offsets = [0, 0], sizes = [1, 6890], strides = [1, 1]} : vector<3x6890xf32> to vector<1x6890xf32>
    %mul3A_18 = arith.mulf %slice3A_16, %slice3A_17 : vector<1x6890xf32>
    %slice3A_19 = vector.extract_strided_slice %get3A_4 {offsets = [1, 0], sizes = [1, 6890], strides = [1, 1]} : vector<3x6890xf32> to vector<1x6890xf32>
    %slice3A_20 = vector.extract_strided_slice %get3A_4 {offsets = [1, 0], sizes = [1, 6890], strides = [1, 1]} : vector<3x6890xf32> to vector<1x6890xf32>
    %mul3A_21 = arith.mulf %slice3A_19, %slice3A_20 : vector<1x6890xf32>
    %add3A_22 = arith.addf %mul3A_18, %mul3A_21 : vector<1x6890xf32>
    %slice3A_23 = vector.extract_strided_slice %get3A_4 {offsets = [2, 0], sizes = [1, 6890], strides = [1, 1]} : vector<3x6890xf32> to vector<1x6890xf32>
    %slice3A_24 = vector.extract_strided_slice %get3A_4 {offsets = [2, 0], sizes = [1, 6890], strides = [1, 1]} : vector<3x6890xf32> to vector<1x6890xf32>
    %mul3A_25 = arith.mulf %slice3A_23, %slice3A_24 : vector<1x6890xf32>
    %add3A_26 = arith.addf %add3A_22, %mul3A_25 : vector<1x6890xf32>
    %dot_general3A = arith.constant dense<0.000000e+00> : vector<256x6890xf32>
    %dot_general3A_27 = tpu.matmul %get3A_1, %get3A_4, %dot_general3A {dimension_numbers = #tpu.dot_dimension_numbers<[1], [0], [0], [1], [0, 0, 1, 1], [], []>, transpose_lhs_hint = false} : vector<256x3xf32>, vector<3x6890xf32>, vector<256x6890xf32> -> vector<256x6890xf32>
    %add3A_28 = vector.broadcast %add3A_15 : vector<256x1xf32> to vector<256x6890xf32>
    %add3A_29 = vector.broadcast %add3A_26 : vector<1x6890xf32> to vector<256x6890xf32>
    %add3A_30 = arith.addf %add3A_28, %add3A_29 : vector<256x6890xf32>
    %mul3A_31 = arith.constant 2.000000e+00 : f32
    %mul3A_32 = vector.broadcast %mul3A_31 : f32 to vector<256x6890xf32>
    %mul3A_33 = arith.mulf %mul3A_32, %dot_general3A_27 : vector<256x6890xf32>
    %sub3A = arith.subf %add3A_30, %mul3A_33 : vector<256x6890xf32>
    %max3A = arith.constant 0.000000e+00 : f32
    %max3A_34 = vector.broadcast %max3A : f32 to vector<256x6890xf32>
    %max3A_35 = arith.maximumf %sub3A, %max3A_34 : vector<256x6890xf32>
    %lt3A = arith.constant 3.000000e-01 : f32
    %lt3A_36 = vector.broadcast %lt3A : f32 to vector<256x6890xf32>
    %lt3A_37 = arith.cmpf olt, %get3A_7, %lt3A_36 : vector<256x6890xf32>
    %jit3A = arith.constant 1.000000e+10 : f32
    %broadcast_in_dim3A = vector.broadcast %jit3A : f32 to vector<256x6890xf32>
    %select_n3A = arith.select %lt3A_37, %broadcast_in_dim3A, %max3A_35 : vector<256x6890xi1>, vector<256x6890xf32>
    %reduce_min3A = arith.constant dense<0x7F800000> : vector<256xf32>
    %reduce_min3A_38 = vector.multi_reduction <minimumf>, %select_n3A, %reduce_min3A [1] : vector<256x6890xf32> to vector<256xf32>
    %broadcast_in_dim3A_39 = vector.shape_cast %reduce_min3A_38 : vector<256xf32> to vector<256x1xf32>
    %iota3A = tpu.iota {dimensions = array<i32: 1>} : vector<256x6890xi32>
    %eq3A = vector.broadcast %broadcast_in_dim3A_39 : vector<256x1xf32> to vector<256x6890xf32>
    %eq3A_40 = arith.cmpf oeq, %select_n3A, %eq3A : vector<256x6890xf32>
    %jit3A_41 = arith.constant 1073741824 : i32
    %broadcast_in_dim3A_42 = vector.broadcast %jit3A_41 : i32 to vector<256x6890xi32>
    %select_n3A_43 = arith.select %eq3A_40, %iota3A, %broadcast_in_dim3A_42 : vector<256x6890xi1>, vector<256x6890xi32>
    %reduce_min3A_44 = arith.constant dense<2147483647> : vector<256xi32>
    %reduce_min3A_45 = vector.multi_reduction <minsi>, %select_n3A_43, %reduce_min3A_44 [1] : vector<256x6890xi32> to vector<256xi32>
    %broadcast_in_dim3A_46 = vector.shape_cast %reduce_min3A_45 : vector<256xi32> to vector<256x1xi32>
    %mul3A_47 = arith.constant 256 : i32
    %mul3A_48 = arith.muli %arg0, %mul3A_47 : i32
    %iota3A_49 = tpu.iota {dimensions = array<i32: 0>} : vector<256x1xi32>
    %add3A_50 = vector.broadcast %mul3A_48 : i32 to vector<256x1xi32>
    %add3A_51 = arith.addi %add3A_50, %iota3A_49 : vector<256x1xi32>
    %lt3A_52 = arith.constant 6890 : i32
    %lt3A_53 = vector.broadcast %lt3A_52 : i32 to vector<256x1xi32>
    %lt3A_54 = arith.cmpi slt, %add3A_51, %lt3A_53 : vector<256x1xi32>
    %ge3A = arith.constant 1.000000e+09 : f32
    %ge3A_55 = vector.broadcast %ge3A : f32 to vector<256x1xf32>
    %ge3A_56 = arith.cmpf oge, %broadcast_in_dim3A_39, %ge3A_55 : vector<256x1xf32>
    %add3A_57 = arith.constant 9.99999996E-13 : f32
    %add3A_58 = vector.broadcast %add3A_57 : f32 to vector<256x1xf32>
    %add3A_59 = arith.addf %broadcast_in_dim3A_39, %add3A_58 : vector<256x1xf32>
    %sqrt3A = math.sqrt %add3A_59 : vector<256x1xf32>
    %jit3A_60 = arith.constant 1.000000e+10 : f32
    %broadcast_in_dim3A_61 = vector.broadcast %jit3A_60 : f32 to vector<256x1xf32>
    %select_n3A_62 = arith.select %ge3A_56, %broadcast_in_dim3A_61, %sqrt3A : vector<256x1xi1>, vector<256x1xf32>
    %jit3A_63 = arith.constant 0.000000e+00 : f32
    %broadcast_in_dim3A_64 = vector.broadcast %jit3A_63 : f32 to vector<256x1xf32>
    %select_n3A_65 = arith.select %lt3A_54, %select_n3A_62, %broadcast_in_dim3A_64 : vector<256x1xi1>, vector<256x1xf32>
    %swap3A = arith.constant 0 : index
    %swap3A_66 = arith.constant 0 : index
    %swap3A_67 = vector.load %arg10[%swap3A, %swap3A_66] : memref<256x1xf32, #tpu.memory_space<vmem>>, vector<256x1xf32>
    tpu.vector_store %arg10[%swap3A, %swap3A_66], %select_n3A_65 {strides = array<i32>} : memref<256x1xf32, #tpu.memory_space<vmem>>, vector<256x1xf32>,
    %jit3A_68 = arith.constant 0 : i32
    %broadcast_in_dim3A_69 = vector.broadcast %jit3A_68 : i32 to vector<256x1xi32>
    %select_n3A_70 = arith.select %lt3A_54, %broadcast_in_dim3A_46, %broadcast_in_dim3A_69 : vector<256x1xi1>, vector<256x1xi32>
    %swap3A_71 = arith.constant 0 : index
    %swap3A_72 = arith.constant 0 : index
    %swap3A_73 = vector.load %arg11[%swap3A_71, %swap3A_72] : memref<256x1xi32, #tpu.memory_space<vmem>>, vector<256x1xi32>
    tpu.vector_store %arg11[%swap3A_71, %swap3A_72], %select_n3A_70 {strides = array<i32>} : memref<256x1xi32, #tpu.memory_space<vmem>>, vector<256x1xi32>,
    %get3A_74 = arith.constant 0 : index
    %get3A_75 = arith.constant 0 : index
    %get3A_76 = vector.load %arg5[%get3A_74, %get3A_75] : memref<1x6890xf32, #tpu.memory_space<vmem>>, vector<1x6890xf32>
    %gt3A = arith.constant 0.000000e+00 : f32
    %gt3A_77 = vector.broadcast %gt3A : f32 to vector<1x6890xf32>
    %gt3A_78 = arith.cmpf ogt, %get3A_76, %gt3A_77 : vector<1x6890xf32>
    %jit3A_79 = arith.constant 1.000000e+10 : f32
    %broadcast_in_dim3A_80 = vector.shape_cast %gt3A_78 : vector<1x6890xi1> to vector<1x6890xi1>
    %broadcast_in_dim3A_81 = vector.broadcast %broadcast_in_dim3A_80 : vector<1x6890xi1> to vector<256x6890xi1>
    %broadcast_in_dim3A_82 = vector.broadcast %jit3A_79 : f32 to vector<256x6890xf32>
    %select_n3A_83 = arith.select %broadcast_in_dim3A_81, %get3A_7, %broadcast_in_dim3A_82 : vector<256x6890xi1>, vector<256x6890xf32>
    %reduce_min3A_84 = arith.constant dense<0x7F800000> : vector<256xf32>
    %reduce_min3A_85 = vector.multi_reduction <minimumf>, %select_n3A_83, %reduce_min3A_84 [1] : vector<256x6890xf32> to vector<256xf32>
    %broadcast_in_dim3A_86 = vector.shape_cast %reduce_min3A_85 : vector<256xf32> to vector<256x1xf32>
    %jit3A_87 = arith.constant 0.000000e+00 : f32
    %broadcast_in_dim3A_88 = vector.broadcast %jit3A_87 : f32 to vector<256x1xf32>
    %select_n3A_89 = arith.select %lt3A_54, %broadcast_in_dim3A_86, %broadcast_in_dim3A_88 : vector<256x1xi1>, vector<256x1xf32>
    %swap3A_90 = arith.constant 0 : index
    %swap3A_91 = arith.constant 0 : index
    %swap3A_92 = vector.load %arg12[%swap3A_90, %swap3A_91] : memref<256x1xf32, #tpu.memory_space<vmem>>, vector<256x1xf32>
    tpu.vector_store %arg12[%swap3A_90, %swap3A_91], %select_n3A_89 {strides = array<i32>} : memref<256x1xf32, #tpu.memory_space<vmem>>, vector<256x1xf32>,
    %slice3A_93 = vector.extract_strided_slice %get3A_1 {offsets = [0, 0], sizes = [256, 1], strides = [1, 1]} : vector<256x3xf32> to vector<256x1xf32>
    %swap3A_94 = arith.constant 0 : index
    %swap3A_95 = arith.constant 0 : index
    %swap3A_96 = vector.load %arg13[%swap3A_94, %swap3A_95] : memref<256x1xf32, #tpu.memory_space<vmem>>, vector<256x1xf32>
    tpu.vector_store %arg13[%swap3A_94, %swap3A_95], %slice3A_93 {strides = array<i32>} : memref<256x1xf32, #tpu.memory_space<vmem>>, vector<256x1xf32>,
    %slice3A_97 = vector.extract_strided_slice %get3A_1 {offsets = [0, 1], sizes = [256, 1], strides = [1, 1]} : vector<256x3xf32> to vector<256x1xf32>
    %swap3A_98 = arith.constant 0 : index
    %swap3A_99 = arith.constant 0 : index
    %swap3A_100 = vector.load %arg14[%swap3A_98, %swap3A_99] : memref<256x1xf32, #tpu.memory_space<vmem>>, vector<256x1xf32>
    tpu.vector_store %arg14[%swap3A_98, %swap3A_99], %slice3A_97 {strides = array<i32>} : memref<256x1xf32, #tpu.memory_space<vmem>>, vector<256x1xf32>,
    %slice3A_101 = vector.extract_strided_slice %get3A_1 {offsets = [0, 2], sizes = [256, 1], strides = [1, 1]} : vector<256x3xf32> to vector<256x1xf32>
    %swap3A_102 = arith.constant 0 : index
    %swap3A_103 = arith.constant 0 : index
    %swap3A_104 = vector.load %arg15[%swap3A_102, %swap3A_103] : memref<256x1xf32, #tpu.memory_space<vmem>>, vector<256x1xf32>
    tpu.vector_store %arg15[%swap3A_102, %swap3A_103], %slice3A_101 {strides = array<i32>} : memref<256x1xf32, #tpu.memory_space<vmem>>, vector<256x1xf32>,
    %get3A_105 = arith.constant 0 : index
    %get3A_106 = arith.constant 0 : index
    %get3A_107 = vector.load %arg4[%get3A_105, %get3A_106] : memref<256x3xf32, #tpu.memory_space<vmem>>, vector<256x3xf32>
    %sub3A_108 = arith.subf %get3A_107, %get3A_1 : vector<256x3xf32>
    %slice3A_109 = vector.extract_strided_slice %sub3A_108 {offsets = [0, 0], sizes = [256, 1], strides = [1, 1]} : vector<256x3xf32> to vector<256x1xf32>
    %slice3A_110 = vector.extract_strided_slice %sub3A_108 {offsets = [0, 0], sizes = [256, 1], strides = [1, 1]} : vector<256x3xf32> to vector<256x1xf32>
    %mul3A_111 = arith.mulf %slice3A_109, %slice3A_110 : vector<256x1xf32>
    %slice3A_112 = vector.extract_strided_slice %sub3A_108 {offsets = [0, 1], sizes = [256, 1], strides = [1, 1]} : vector<256x3xf32> to vector<256x1xf32>
    %slice3A_113 = vector.extract_strided_slice %sub3A_108 {offsets = [0, 1], sizes = [256, 1], strides = [1, 1]} : vector<256x3xf32> to vector<256x1xf32>
    %mul3A_114 = arith.mulf %slice3A_112, %slice3A_113 : vector<256x1xf32>
    %add3A_115 = arith.addf %mul3A_111, %mul3A_114 : vector<256x1xf32>
    %slice3A_116 = vector.extract_strided_slice %sub3A_108 {offsets = [0, 2], sizes = [256, 1], strides = [1, 1]} : vector<256x3xf32> to vector<256x1xf32>
    %slice3A_117 = vector.extract_strided_slice %sub3A_108 {offsets = [0, 2], sizes = [256, 1], strides = [1, 1]} : vector<256x3xf32> to vector<256x1xf32>
    %mul3A_118 = arith.mulf %slice3A_116, %slice3A_117 : vector<256x1xf32>
    %add3A_119 = arith.addf %add3A_115, %mul3A_118 : vector<256x1xf32>
    %sqrt3A_120 = math.sqrt %add3A_119 : vector<256x1xf32>
    %mul3A_121 = arith.constant 2.000000e+00 : f32
    %mul3A_122 = vector.broadcast %mul3A_121 : f32 to vector<256x1xf32>
    %mul3A_123 = arith.mulf %mul3A_122, %broadcast_in_dim3A_86 : vector<256x1xf32>
    %integer_pow3A = arith.mulf %mul3A_123, %mul3A_123 : vector<256x1xf32>
    %mul3A_124 = arith.mulf %sqrt3A_120, %integer_pow3A : vector<256x1xf32>
    %jit3A_125 = arith.constant 0.000000e+00 : f32
    %broadcast_in_dim3A_126 = vector.broadcast %jit3A_125 : f32 to vector<256x1xf32>
    %select_n3A_127 = arith.select %lt3A_54, %mul3A_124, %broadcast_in_dim3A_126 : vector<256x1xi1>, vector<256x1xf32>
    %reduce_sum3A = vector.shape_cast %select_n3A_127 : vector<256x1xf32> to vector<1x256x1xf32>
    %reduce_sum3A_128 = arith.constant dense<0.000000e+00> : vector<1xf32>
    %reduce_sum3A_129 = vector.multi_reduction <add>, %reduce_sum3A, %reduce_sum3A_128 [1, 2] : vector<1x256x1xf32> to vector<1xf32>
    %reduce_sum3A_130 = vector.shape_cast %reduce_sum3A_129 : vector<1xf32> to vector<1x1x1xf32>
    %reduce_sum3A_131 = vector.extract %reduce_sum3A_130[0, 0, 0] : f32 from vector<1x1x1xf32>
    %iota3A_132 = tpu.iota {dimensions = array<i32: 1>} : vector<1x128xi32>
    %eq3A_133 = arith.constant 0 : i32
    %eq3A_134 = arith.cmpi eq, %arg0, %eq3A_133 : i32
    %convert_element_type3A = arith.extui %eq3A_134 : i1 to i32
    %cond3A = arith.constant 0 : i32
    %cond3A_135 = arith.cmpi ne, %convert_element_type3A, %cond3A : i32
    scf.if %cond3A_135 {
      %get3A_152 = arith.constant 0 : index
      %get3A_153 = arith.constant 0 : index
      %get3A_154 = vector.load %arg6[%get3A_152, %get3A_153] : memref<1x63xf32, #tpu.memory_space<vmem>>, vector<1x63xf32>
      %get3A_155 = arith.constant 0 : index
      %get3A_156 = arith.constant 0 : index
      %get3A_157 = vector.load %arg7[%get3A_155, %get3A_156] : memref<1x63xf32, #tpu.memory_space<vmem>>, vector<1x63xf32>
      %sub3A_158 = arith.subf %get3A_154, %get3A_157 : vector<1x63xf32>
      %integer_pow3A_159 = arith.mulf %sub3A_158, %sub3A_158 : vector<1x63xf32>
      %reduce_sum3A_160 = vector.shape_cast %integer_pow3A_159 : vector<1x63xf32> to vector<1x1x63xf32>
      %reduce_sum3A_161 = arith.constant dense<0.000000e+00> : vector<1xf32>
      %reduce_sum3A_162 = vector.multi_reduction <add>, %reduce_sum3A_160, %reduce_sum3A_161 [1, 2] : vector<1x1x63xf32> to vector<1xf32>
      %reduce_sum3A_163 = vector.shape_cast %reduce_sum3A_162 : vector<1xf32> to vector<1x1x1xf32>
      %reduce_sum3A_164 = vector.extract %reduce_sum3A_163[0, 0, 0] : f32 from vector<1x1x1xf32>
      %get3A_165 = arith.constant 0 : index
      %get3A_166 = arith.constant 0 : index
      %get3A_167 = vector.load %arg8[%get3A_165, %get3A_166] : memref<1x45xf32, #tpu.memory_space<vmem>>, vector<1x45xf32>
      %integer_pow3A_168 = arith.mulf %get3A_167, %get3A_167 : vector<1x45xf32>
      %reduce_sum3A_169 = vector.shape_cast %integer_pow3A_168 : vector<1x45xf32> to vector<1x1x45xf32>
      %reduce_sum3A_170 = arith.constant dense<0.000000e+00> : vector<1xf32>
      %reduce_sum3A_171 = vector.multi_reduction <add>, %reduce_sum3A_169, %reduce_sum3A_170 [1, 2] : vector<1x1x45xf32> to vector<1xf32>
      %reduce_sum3A_172 = vector.shape_cast %reduce_sum3A_171 : vector<1xf32> to vector<1x1x1xf32>
      %reduce_sum3A_173 = vector.extract %reduce_sum3A_172[0, 0, 0] : f32 from vector<1x1x1xf32>
      %get3A_174 = arith.constant 0 : index
      %get3A_175 = arith.constant 0 : index
      %get3A_176 = vector.load %arg9[%get3A_174, %get3A_175] : memref<1x45xf32, #tpu.memory_space<vmem>>, vector<1x45xf32>
      %integer_pow3A_177 = arith.mulf %get3A_176, %get3A_176 : vector<1x45xf32>
      %reduce_sum3A_178 = vector.shape_cast %integer_pow3A_177 : vector<1x45xf32> to vector<1x1x45xf32>
      %reduce_sum3A_179 = arith.constant dense<0.000000e+00> : vector<1xf32>
      %reduce_sum3A_180 = vector.multi_reduction <add>, %reduce_sum3A_178, %reduce_sum3A_179 [1, 2] : vector<1x1x45xf32> to vector<1xf32>
      %reduce_sum3A_181 = vector.shape_cast %reduce_sum3A_180 : vector<1xf32> to vector<1x1x1xf32>
      %reduce_sum3A_182 = vector.extract %reduce_sum3A_181[0, 0, 0] : f32 from vector<1x1x1xf32>
      %add3A_183 = arith.addf %reduce_sum3A_173, %reduce_sum3A_182 : f32
      %mul3A_184 = arith.constant 1.000000e-03 : f32
      %mul3A_185 = arith.mulf %mul3A_184, %add3A_183 : f32
      %eq3A_186 = arith.constant 0 : i32
      %eq3A_187 = vector.broadcast %eq3A_186 : i32 to vector<1x128xi32>
      %eq3A_188 = arith.cmpi eq, %iota3A_132, %eq3A_187 : vector<1x128xi32>
      %add3A_189 = arith.addf %reduce_sum3A_164, %mul3A_185 : f32
      %jit3A_190 = arith.constant 0.000000e+00 : f32
      %broadcast_in_dim3A_191 = vector.broadcast %add3A_189 : f32 to vector<1x128xf32>
      %broadcast_in_dim3A_192 = vector.broadcast %jit3A_190 : f32 to vector<1x128xf32>
      %select_n3A_193 = arith.select %eq3A_188, %broadcast_in_dim3A_191, %broadcast_in_dim3A_192 : vector<1x128xi1>, vector<1x128xf32>
      %swap3A_194 = arith.constant 0 : index
      %swap3A_195 = arith.constant 0 : index
      %swap3A_196 = vector.load %arg16[%swap3A_194, %swap3A_195] : memref<1x128xf32, #tpu.memory_space<vmem>>, vector<1x128xf32>
      tpu.vector_store %arg16[%swap3A_194, %swap3A_195], %select_n3A_193 {strides = array<i32>} : memref<1x128xf32, #tpu.memory_space<vmem>>, vector<1x128xf32>,
    } else {
    }
    %get3A_136 = arith.constant 0 : index
    %get3A_137 = arith.constant 0 : index
    %get3A_138 = vector.load %arg16[%get3A_136, %get3A_137] : memref<1x128xf32, #tpu.memory_space<vmem>>, vector<1x128xf32>
    %eq3A_139 = arith.constant 0 : i32
    %eq3A_140 = vector.broadcast %eq3A_139 : i32 to vector<1x128xi32>
    %eq3A_141 = arith.cmpi eq, %iota3A_132, %eq3A_140 : vector<1x128xi32>
    %mul3A_142 = arith.constant 2.000000e+00 : f32
    %mul3A_143 = arith.mulf %mul3A_142, %reduce_sum3A_131 : f32
    %jit3A_144 = arith.constant 0.000000e+00 : f32
    %broadcast_in_dim3A_145 = vector.broadcast %mul3A_143 : f32 to vector<1x128xf32>
    %broadcast_in_dim3A_146 = vector.broadcast %jit3A_144 : f32 to vector<1x128xf32>
    %select_n3A_147 = arith.select %eq3A_141, %broadcast_in_dim3A_145, %broadcast_in_dim3A_146 : vector<1x128xi1>, vector<1x128xf32>
    %add3A_148 = arith.addf %get3A_138, %select_n3A_147 : vector<1x128xf32>
    %swap3A_149 = arith.constant 0 : index
    %swap3A_150 = arith.constant 0 : index
    %swap3A_151 = vector.load %arg16[%swap3A_149, %swap3A_150] : memref<1x128xf32, #tpu.memory_space<vmem>>, vector<1x128xf32>
    tpu.vector_store %arg16[%swap3A_149, %swap3A_150], %add3A_148 {strides = array<i32>} : memref<1x128xf32, #tpu.memory_space<vmem>>, vector<1x128xf32>,
    return
  }
  func.func @transform_0(%arg0: i32) -> (i32, i32) {
    %c0_i32 = arith.constant 0 : i32
    %c0_i32_0 = arith.constant 0 : i32
    return %arg0, %c0_i32 : i32, i32
  }
  func.func @transform_1(%arg0: i32) -> (i32, i32) {
    %c0_i32 = arith.constant 0 : i32
    %c0_i32_0 = arith.constant 0 : i32
    %c0_i32_1 = arith.constant 0 : i32
    return %c0_i32, %c0_i32_0 : i32, i32
  }
  func.func @transform_2(%arg0: i32) -> (i32, i32) {
    %c0_i32 = arith.constant 0 : i32
    %c0_i32_0 = arith.constant 0 : i32
    return %arg0, %c0_i32 : i32, i32
  }
  func.func @transform_3(%arg0: i32) -> (i32, i32) {
    %c0_i32 = arith.constant 0 : i32
    %c0_i32_0 = arith.constant 0 : i32
    return %arg0, %c0_i32 : i32, i32
  }
  func.func @transform_4(%arg0: i32) -> (i32, i32) {
    %c0_i32 = arith.constant 0 : i32
    %c0_i32_0 = arith.constant 0 : i32
    %c0_i32_1 = arith.constant 0 : i32
    return %c0_i32, %c0_i32_0 : i32, i32
  }
  func.func @transform_5(%arg0: i32) -> (i32, i32) {
    %c0_i32 = arith.constant 0 : i32
    %c0_i32_0 = arith.constant 0 : i32
    %c0_i32_1 = arith.constant 0 : i32
    return %c0_i32, %c0_i32_0 : i32, i32
  }
  func.func @transform_6(%arg0: i32) -> (i32, i32) {
    %c0_i32 = arith.constant 0 : i32
    %c0_i32_0 = arith.constant 0 : i32
    %c0_i32_1 = arith.constant 0 : i32
    return %c0_i32, %c0_i32_0 : i32, i32
  }
  func.func @transform_7(%arg0: i32) -> (i32, i32) {
    %c0_i32 = arith.constant 0 : i32
    %c0_i32_0 = arith.constant 0 : i32
    %c0_i32_1 = arith.constant 0 : i32
    return %c0_i32, %c0_i32_0 : i32, i32
  }
  func.func @transform_8(%arg0: i32) -> (i32, i32) {
    %c0_i32 = arith.constant 0 : i32
    %c0_i32_0 = arith.constant 0 : i32
    %c0_i32_1 = arith.constant 0 : i32
    return %c0_i32, %c0_i32_0 : i32, i32
  }
  func.func @transform_9(%arg0: i32) -> (i32, i32) {
    %c0_i32 = arith.constant 0 : i32
    %c0_i32_0 = arith.constant 0 : i32
    return %arg0, %c0_i32 : i32, i32
  }
  func.func @transform_10(%arg0: i32) -> (i32, i32) {
    %c0_i32 = arith.constant 0 : i32
    %c0_i32_0 = arith.constant 0 : i32
    return %arg0, %c0_i32 : i32, i32
  }
  func.func @transform_11(%arg0: i32) -> (i32, i32) {
    %c0_i32 = arith.constant 0 : i32
    %c0_i32_0 = arith.constant 0 : i32
    return %arg0, %c0_i32 : i32, i32
  }
  func.func @transform_12(%arg0: i32) -> (i32, i32) {
    %c0_i32 = arith.constant 0 : i32
    %c0_i32_0 = arith.constant 0 : i32
    return %arg0, %c0_i32 : i32, i32
  }
  func.func @transform_13(%arg0: i32) -> (i32, i32) {
    %c0_i32 = arith.constant 0 : i32
    %c0_i32_0 = arith.constant 0 : i32
    return %arg0, %c0_i32 : i32, i32
  }
  func.func @transform_14(%arg0: i32) -> (i32, i32) {
    %c0_i32 = arith.constant 0 : i32
    %c0_i32_0 = arith.constant 0 : i32
    return %arg0, %c0_i32 : i32, i32
  }
  func.func @transform_15(%arg0: i32) -> (i32, i32) {
    %c0_i32 = arith.constant 0 : i32
    %c0_i32_0 = arith.constant 0 : i32
    %c0_i32_1 = arith.constant 0 : i32
    return %c0_i32, %c0_i32_0 : i32, i32
  }
}

</mosaic_0001>

<sc_bundles>
// kernel: kernel.4.cloned.1.call-start
scs
__scs_entry_jumppad:
0x0: {  	(pc) =	sbr.rel $0x88, $3  }
0x1: {  	(tag) =	ssettag $0x0;
	lr =	simm.s32 $0x1  }
0x2: {  	[smem:$0x3F95] =	sst lr;
	_ =	strace $0xD0000000  }
0x3: {  	_ = 	snop  }
0x4: {  	_ = 	snop  }
0x5: {  	_ = 	snop  }
0x6: {  	_ = 	snop  }
0x7: {  	_ = 	snop  }
__scs_overlays_trampoline_lowered:
0x8: {  	[smem:$0x3FA4] =	sst s0  }
0x9: {  	[smem:$0x3FA5] =	sst s1  }
0xa: {  	[smem:$0x3FA6] =	sst s2  }
0xb: {  	[smem:$0x3FA7] =	sst s3  }
0xc: {  	[smem:$0x3FA8] =	sst s4  }
0xd: {  	[smem:$0x3FA9] =	sst s5  }
0xe: {  	[smem:$0x3FAA] =	sst s6  }
0xf: {  	[smem:$0x3FAB] =	sst s7  }
0x10: {  	[smem:$0x3FAC] =	sst s8  }
0x11: {  	[smem:$0x3FAD] =	sst s9;
	s0 =	simm.s32 @!p0 $0x0  }
0x12: {  	s1 =	sld [smem:$0x3F93];
	s0 =	simm.s32 @p0 $0x1  }
0x13: {  	[smem:$0x3FAE] =	sst s0;
	s0 =	simm.s32 @!p1 $0x0  }
0x14: {  	s2 =	sld [smem:$0x3F92];
	s0 =	simm.s32 @p1 $0x1  }
0x15: {  	[smem:$0x3FAF] =	sst s0;
	s0 =	simm.s32 @!p2 $0x0  }
0x16: {  	s3 =	sld [smem:$0x3FDB];
	s0 =	simm.s32 @p2 $0x1  }
0x17: {  	s4 =	simm.s32 $0x1BF5;
	[smem:$0x3FB1] =	sst s0  }
0x18: {  	s0 =	sld [smem:$0x3F94];
	_ =	swait.ge [sflag:s4], $0x0  }
0x19: {  	s7 =	sld [smem:$0x3F95]  }
0x1a: {  	s8 =	sadd.s32 $0xFFFFE003, lr  }
0x1b: {  	s9 =	sadd.s32 $0xFFFFFEF7, lr;
	s5 =	simm.s32 $0xFFFFFFFF;
	p2 =	slt.u32 s8, $0xFFFFF086  }
0x1c: {  	p1 =	slt.u32 s9, $0xF7A;
	s5 =	simm.s32 @!p2 $0x0  }
0x1d: {  	s5 =	simm.s32 @p1 $0x1;
	p0 =	seq.s32 s7, s2  }
0x1e: {  	s7 =	smul.u32 @!p0 $0xF7A, s2;
	p2 =	seq.s32 @!p0 s5, $0x0  }
0x1f: {  	s9 =	smul.u32 $0xF7A, s1;
	s8 =	simm.s32 @!p0 $0x1BF5;
	p2 =	por !p2, p0  }
0x20: {  	[sflag:s8] =	ssyncset.s32 @!p0 $0xFFFFF086;
	s6 =	sadd.s32 @!p0 s3, s7;
	s7 =	simm.s32 @!p0 $0x108  }
0x21: {  	s3 =	sadd.s32 s3, s9;
	s6 =	sadd.s32 @!p0 $0x88, s6;
	s7 =	simm.s32 @p2 $0x1082  }
0x22: {  	[simem:s7], [sflag:s8] =	dma.local @!p0 [hbm:s6], $0xF7A  }
0x23: {  	s9 =	sor.u32 $0xD0000000, s2;
	s6 =	simm.s32 $0x108;
	_ =	swait.ge @!p0 [sflag:s8], $0x0  }
0x24: {  	s3 =	sadd.s32 $0x88, s3;
	s6 =	simm.s32 @!p1 $0x1082;
	[sflag:s4] =	ssyncset.s32 $0xFFFFF086  }
0x25: {  	[simem:s6], [sflag:s4] =	dma.local [hbm:s3], $0xF7A  }
0x26: {  	[smem:$0x3F95] =	sst s1;
	(tag) =	ssettag s2;
	_ =	strace s9  }
0x27: {  	s1 =	sld [smem:$0x3FA5]  }
0x28: {  	s2 =	sld [smem:$0x3FA6]  }
0x29: {  	s4 =	sld [smem:$0x3FA8]  }
0x2a: {  	p0 =	seq.s32 s5, $0x0;
	s5 =	sld [smem:$0x3FA9]  }
0x2b: {  	s6 =	sld [smem:$0x3FAA]  }
0x2c: {  	s7 =	sld [smem:$0x3FAB]  }
0x2d: {  	s3 =	simm.s32 $0x108;
	s8 =	sld [smem:$0x3FAC]  }
0x2e: {  	s3 =	simm.s32 @!p0 $0x1082;
	s9 =	sld [smem:$0x3FAD]  }
0x2f: {  	lr =	sadd.s32 s0, s3;
	s0 =	sld [smem:$0x3FA4]  }
0x30: {  	s3 =	sld [smem:$0x3FA7]  }
0x31: {  	[smem:$0x3FB0] =	sst s10  }
0x32: {  	s10 =	sld [smem:$0x3FAE];
	_ =	sdelay $0x3  }
0x33: {  	p0 =	seq.s32 s10, $0x1;
	s10 =	sld [smem:$0x3FB0];
	_ =	sdelay $0x3  }
0x34: {  	[smem:$0x3FB0] =	sst s10  }
0x35: {  	s10 =	sld [smem:$0x3FAF];
	_ =	sdelay $0x3  }
0x36: {  	p1 =	seq.s32 s10, $0x1;
	s10 =	sld [smem:$0x3FB0];
	_ =	sdelay $0x3  }
0x37: {  	[smem:$0x3FB0] =	sst s10  }
0x38: {  	s10 =	sld [smem:$0x3FB1]  }
0x39: {  	_ = 	snop;
	(pc) =	sbr.ind lr, $3  }
0x3a: {  	_ = 	snop  }
0x3b: {  	_ = 	snop  }
0x3c: {  	p2 =	seq.s32 s10, $0x1;
	s10 =	sld [smem:$0x3FB0]  }
0x3d: {  	_ =	shalt  }
0x3e: {  	_ =	shalt  }
0x3f: {  	_ =	shalt  }
0x40: {  	_ =	shalt  }
0x41: {  	_ =	shalt  }
0x42: {  	_ =	shalt  }
0x43: {  	_ =	shalt  }
0x44: {  	_ =	shalt  }
0x45: {  	_ =	shalt  }
0x46: {  	_ =	shalt  }
0x47: {  	_ =	shalt  }
0x48: {  	_ =	shalt  }
0x49: {  	_ =	shalt  }
0x4a: {  	_ =	shalt  }
0x4b: {  	_ =	shalt  }
0x4c: {  	_ =	shalt  }
0x4d: {  	_ =	shalt  }
0x4e: {  	_ =	shalt  }
0x4f: {  	_ =	shalt  }
0x50: {  	_ =	shalt  }
0x51: {  	_ =	shalt  }
0x52: {  	_ =	shalt  }
0x53: {  	_ =	shalt  }
0x54: {  	_ =	shalt  }
0x55: {  	_ =	shalt  }
0x56: {  	_ =	shalt  }
0x57: {  	_ =	shalt  }
0x58: {  	_ =	shalt  }
0x59: {  	_ =	shalt  }
0x5a: {  	_ =	shalt  }
0x5b: {  	_ =	shalt  }
0x5c: {  	_ =	shalt  }
0x5d: {  	_ =	shalt  }
0x5e: {  	_ =	shalt  }
0x5f: {  	_ =	shalt  }
0x60: {  	_ =	shalt  }
0x61: {  	_ =	shalt  }
0x62: {  	_ =	shalt  }
0x63: {  	_ =	shalt  }
0x64: {  	_ =	shalt  }
0x65: {  	_ =	shalt  }
0x66: {  	_ =	shalt  }
0x67: {  	_ =	shalt  }
0x68: {  	_ =	shalt  }
0x69: {  	_ =	shalt  }
0x6a: {  	_ =	shalt  }
0x6b: {  	_ =	shalt  }
0x6c: {  	_ =	shalt  }
0x6d: {  	_ =	shalt  }
0x6e: {  	_ =	shalt  }
0x6f: {  	_ =	shalt  }
0x70: {  	_ =	shalt  }
0x71: {  	_ =	shalt  }
0x72: {  	_ =	shalt  }
0x73: {  	_ =	shalt  }
0x74: {  	_ =	shalt  }
0x75: {  	_ =	shalt  }
0x76: {  	_ =	shalt  }
0x77: {  	_ =	shalt  }
0x78: {  	_ =	shalt  }
0x79: {  	_ =	shalt  }
0x7a: {  	_ =	shalt  }
0x7b: {  	_ =	shalt  }
0x7c: {  	_ =	shalt  }
0x7d: {  	_ =	shalt  }
0x7e: {  	_ =	shalt  }
0x7f: {  	_ =	shalt  }
0x80: {  	_ =	shalt  }
0x81: {  	_ =	shalt  }
0x82: {  	_ =	shalt  }
0x83: {  	_ =	shalt  }
0x84: {  	_ =	shalt  }
0x85: {  	_ =	shalt  }
0x86: {  	_ =	shalt  }
0x87: {  	_ =	shalt  }
.Lfunc_end0:
.L_simem_size_0:
called_computation_lowered:
.L_overlay_start_0:
0x88: {  	s2 =	sld [smem:$0x3FD9]  }
0x89: {  	s3 =	sld [smem:$0x3FFE];
	_ =	sdelay $0x1  }
0x8a: {  	s1 =	srdreg.scid  }
0x8b: {  	s0 =	sand.u32 $0x1, s1  }
0x8c: {  	s14 =	sshll.u32 s0, $0xA;
	s2 =	sadd.s32 s3, s2  }
0x8d: {  	s2 =	sadd.s32 s2, s14  }
0x8e: {  	[smem:$0x3FBC] =	sst s2  }
0x8f: {  	_ = 	snop  }
0x90: {  	s2 =	sld [smem:$0x3FD0];
	_ =	sdelay $0x2  }
0x91: {  	s4 =	simm.s32 $0xA;
	s5 =	simm.s32 $0x10;
	s15 =	sld [smem:$0x3FC1]  }
0x92: {  	[smem:s5], [sflag:s4] =	dma.local [hbm:s2], $0x1  }
0x93: {  	_ =	swait.eq [sflag:s4], $0x1  }
0x94: {  	[sflag:s4] =	ssyncset.done $0x0  }
0x95: {  	s16 =	sld [smem:$0x10];
	[sflag:s4] =	ssyncadd.s32 $0xFFFFFFFF  }
0x96: {  	s17 =	sld [smem:$0x11];
	(tm) =	ssettm $0x1  }
0x97: {  	s18 =	sld [smem:$0x3FFB];
	_ =	sdelay $0x3  }
0x98: {  	_ =	strace s18  }
0x99: {  	s5 =	sld [smem:$0x3FFC];
	_ =	sdelay $0x3  }
0x9a: {  	_ =	strace s5  }
0x9b: {  	s5 =	sld [smem:$0x3FFD];
	_ =	sdelay $0x3  }
0x9c: {  	_ =	strace s5  }
0x9d: {  	_ =	strace $0x8FFFFFFF  }
0x9e: {  	s19 =	sld [smem:$0x3FDB];
	_ =	sdelay $0x1  }
0x9f: {  	s6 =	simm.s32 $_scs_section_size  }
0xa0: {  	s7 =	simm.s32 $_size__tile_overlayer_lowered;
	s8 =	simm.s32 $_tile_overlayer_lowered  }
0xa1: {  	s22 =	simm.s32 $0x1BFF;
	s21 =	sshll.u32 s8, $0x1;
	s5 =	sadd.s32 s6, s19  }
0xa2: {  	s9 =	simm.s32 $0x0;
	s20 =	sshll.u32 s7, $0x1;
	s7 =	sadd.s32 s21, s5  }
0xa3: {  	[timem:s9], [sflag:s22] =	dma.local [hbm:s7], s20  }
0xa4: {  	_ =	swait.ge [sflag:s22], s20  }
0xa5: {  	s6 =	ssub.s32 $0x0, s20;
	[sflag:s22] =	ssyncset.done $0x0  }
0xa6: {  	[sflag:s22] =	ssyncadd.s32 s6;
	_ =	sdelay $0x1  }
0xa7: {  	s23 =	simm.s32 $0x1B8B  }
0xa8: {  	_ =	swait.ge [sflag:s23], $0x1  }
0xa9: {  	[sflag:s23] =	ssyncset.done $0x0  }
0xaa: {  	s25 =	simm.s32 $0x1B8E;
	s24 =	sld [smem:$0x3FFE];
	[sflag:s23] =	ssyncadd.s32 $0xFFFFFFFF  }
0xab: {  	s26 =	simm.s32 $execute0_lowered;
	[smem:$0x3FD2] =	sst s25  }
0xac: {  	s7 =	sshll.u32 s26, $0x1;
	_ =	strace $0x80000046;
	[dreg:$0x1] =	wrdreg $0xFFFFFFFF  }
0xad: {  	s28 =	simm.s32 $_size_execute0_lowered;
	s5 =	sadd.s32 s5, s7;
	[dreg:$0x0] =	wrdreg $0x0  }
0xae: {  	s7 =	sshll.u32 s28, $0x1;
	[dreg:$0x2] =	wrdreg s5  }
0xaf: {  	[dreg:$0x3] =	wrdreg s7  }
0xb0: {  	[dreg:$0x4] =	wrdreg $0xC0  }
0xb1: {  	_ =	task [dreg:s9], $0x5FFFF  }
0xb2: {  	[dreg:$0x1] =	wrdreg $0xFFFFFFFF  }
0xb3: {  	[dreg:$0x0] =	wrdreg $0x60  }
0xb4: {  	[dreg:$0x2] =	wrdreg s24  }
0xb5: {  	[dreg:$0x3] =	wrdreg s15  }
0xb6: {  	[dreg:$0x4] =	wrdreg s17  }
0xb7: {  	[dreg:$0x5] =	wrdreg s16  }
0xb8: {  	[dreg:$0x6] =	wrdreg $0x1A0900  }
0xb9: {  	[dreg:$0x7] =	wrdreg $0x14A800  }
0xba: {  	[dreg:$0x8] =	wrdreg $0x165800  }
0xbb: {  	[dreg:$0x9] =	wrdreg $0x180800  }
0xbc: {  	[dreg:$0xa] =	wrdreg $0x19B800  }
0xbd: {  	[dreg:$0xb] =	wrdreg $0x19D300  }
0xbe: {  	[dreg:$0xc] =	wrdreg $0x19EE00  }
0xbf: {  	[dreg:$0xd] =	wrdreg $0x1A2400  }
0xc0: {  	[dreg:$0xe] =	wrdreg $0x9  }
0xc1: {  	_ =	task.clear_ibuf [dreg:s9], $0xFFFFF;
	_ =	strace $0x90000046  }
0xc2: {  	s29 =	simm.s32 $0x9;
	_ =	strace $0x80000048  }
0xc3: {  	_ =	swait.ge [sflag:s29], $0x1  }
0xc4: {  	[sflag:s29] =	ssyncadd.s32 $0xFFFFFFFF  }
0xc5: {  	_ =	strace $0x90000048  }
0xc6: {  	_ =	sfence  }
0xc7: {  	s30 =	sld [smem:$0x0];
	_ =	sdelay $0x2  }
0xc8: {  	s31 =	sshll.u32 s1, $0xD;
	s1 =	sshrl.u32 s1, $0x2  }
0xc9: {  	s3 =	sand.u32 $0x4000, s31;
	s1 =	sadd.s32 s1, s30  }
0xca: {  	s0 =	sor.u32 s3, s0;
	s1 =	sshll.u32 s1, $0x11  }
0xcb: {  	s0 =	sor.u32 s1, s0  }
0xcc: {  	s0 =	sadd.s32 $0x8F2B, s0  }
0xcd: {  	[sflag:s0] =	ssyncadd.remote.s32 $0x1  }
0xce: {  	_ =	sfence.sel $0xFFFF  }
0xcf: {  	[dreg:$0x0] =	wrdreg $0xFFFFFFFF;
	(pc) =	sbr.abs _section_cstart, $3  }
0xd0: {  	[dreg:$0x1] =	wrdreg $0xFFFFFFFF  }
0xd1: {  	_ =	task.clear_ibuf [dreg:s9], $0x2FFFF;
	_ =	strace $0x9FFFFFFF  }
0xd2: {  	(tm) =	ssettm $0x7FFFFFFF  }
0xd3: {  	_ =	shalt  }
tec
execute0_lowered:
.L_overlay_start_1:
0x0: {  	(tag) =	ssettag $0x1  }
0x1: {  	s3 =	rddreg [dreg:$0x0]  }
0x2: {  	s4 =	rddreg [dreg:$0x1]  }
0x3: {  	s0 =	rddreg [dreg:$0x2]  }
0x4: {  	s1 =	rddreg [dreg:$0x4]  }
0x5: {  	s16 =	rddreg [dreg:$0x5]  }
0x6: {  	s7 =	rddreg [dreg:$0x6]  }
0x7: {  	s2 =	rddreg [dreg:$0x7]  }
0x8: {  	s18 =	rddreg [dreg:$0x8]  }
0x9: {  	s17 =	rddreg [dreg:$0x9]  }
0xa: {  	s15 =	rddreg [dreg:$0xb];
	s21 =	simm.s32 $0x0  }
0xb: {  	[smem:$0x7FF] =	sst s21  }
0xc: {  	s6 =	rddreg [dreg:$0xc];
	v0 =	vimm.f32 $3.999999910e-02;
	_ =	strace $0x80000047  }
0xd: {  	(erf) = vrcp.f32 v0;
	v0 =	vimm.f32 $5.999999870e-02  }
0xe: {  	(erf) = vrcp.f32 v0;
	v0 =	vimm.f32 $1.999999960e-02  }
0xf: {  	(erf) = vrcp.f32 v0;
	v0 =	vimm.f32 $9.999999770e-03  }
0x10: {  	(erf) = vrcp.f32 v0;
	_ =	sdelay $0x1  }
0x11: {  	s5 =	srdreg.scid  }
0x12: {  	s5 =	sand.u32 $0x1, s5  }
0x13: {  	p1 =	seq.s32 s5, $0x1  }
.Ltmp0:
0x14: {  	_ = 	snop;
	(pc) =	sbr.rel @p1 .LBB2_19-.Ltmp0, $4  }
0x15: {  	v3 =	vpop (erf)  }
0x16: {  	v2 =	vpop (erf)  }
0x17: {  	s9 =	stileid.u32;
	v0 =	vpop (erf)  }
0x18: {  	p0 =	sne.s32 s9, $0x0;
	v1 =	vpop (erf)  }
0x19: {  	s5 =	sadd.s32 $0x36400, s3  }
0x1a: {  	[tilespmem:s21], [sflag:$0x1] =	stream.linear.gather [hbm4b:s5+s21], $0x1B00, $0x38;
	[tilespmem:$0x1A260] =	vst v63  }
0x1b: {  	s10 =	sadd.s32 $0x400, s3;
	s22 =	simm.s32 $0x1B00  }
0x1c: {  	[tilespmem:s22], [sflag:$0x1] =	stream.linear.gather [hbm4b:s3+s21], $0x1B00, $0x38;
	[tilespmem:$0x1A260] =	vst v63  }
0x1d: {  	s6 =	sadd.s32 $0x1000, s3;
	s8 =	smul.u32 $0x144, s9;
	s23 =	simm.s32 $0x3600  }
0x1e: {  	[tilespmem:s23], [sflag:$0x1] =	stream.linear.gather [hbm4b:s10+s21], $0x1B00, $0x38;
	[tilespmem:$0x1A260] =	vst v63  }
0x1f: {  	s24 =	simm.s32 $0x10E00;
	s11 =	sadd.s32 s6, s8  }
0x20: {  	[tilespmem:s24], [sflag:$0x1] =	stream.linear.gather [hbm4b:s11+s21], $0xA20, $0x38;
	[tilespmem:$0x1A260] =	vst v63  }
0x21: {  	s12 =	sadd.s32 $0x800, s3;
	s13 =	simm.s32 $0xA200  }
0x22: {  	[tilespmem:s13], [sflag:$0x1] =	stream.linear.gather [hbm4b:s12+s21], $0x1B00, $0x38;
	[tilespmem:$0x1A260] =	vst v63  }
0x23: {  	s14 =	sadd.s32 $0xC00, s3;
	s19 =	simm.s32 $0xBD00  }
0x24: {  	[tilespmem:s19], [sflag:$0x1] =	stream.linear.gather [hbm4b:s14+s21], $0x1B00, $0x38;
	[tilespmem:$0x1A260] =	vst v63  }
0x25: {  	s20 =	sadd.s32 $0x36000, s3;
	s25 =	sshll.u32 s9, $0x3;
	s26 =	simm.s32 $0xD800  }
0x26: {  	[tilespmem:s26], [sflag:$0x1] =	stream.linear.gather [hbm4b:s20+s21], $0x1B00, $0x38;
	[tilespmem:$0x1A260] =	vst v63  }
0x27: {  	s4 =	sadd.s32 s4, s25;
	s10 =	simm.s32 $0x11880  }
0x28: {  	[tilespmem:s10], [sflag:$0x1] =	stream.linear.gather [hbm4b:s4+s21], $0x40, $0x38;
	[tilespmem:$0x1A260] =	vst v63  }
0x29: {  	s11 =	sadd.s32 $0x2600, s3;
	s12 =	simm.s32 $0x11900  }
0x2a: {  	[tilespmem:s12], [sflag:$0x1] =	stream.linear.gather [hbm4b:s11+s21], $0x680, $0x38;
	[tilespmem:$0x1A260] =	vst v63  }
0x2b: {  	s13 =	sadd.s32 $0x2800, s3;
	s14 =	simm.s32 $0x11F80  }
0x2c: {  	[tilespmem:s14], [sflag:$0x1] =	stream.linear.gather [hbm4b:s13+s21], $0x680, $0x38;
	[tilespmem:$0x1A260] =	vst v63  }
0x2d: {  	s28 =	simm.s32 $0x5100;
	s19 =	sadd.s32 $0x2A00, s3  }
0x2e: {  	[tilespmem:s28], [sflag:$0x1] =	stream.linear.gather [hbm4b:s19+s21], $0x1B00, $0x38;
	[tilespmem:$0x1A260] =	vst v63  }
0x2f: {  	s26 =	simm.s32 $0x6C00  }
0x30: {  	[tilespmem:s26], [sflag:$0x1] =	stream.linear.gather [hbm4b:s19+s21], $0x1B00, $0x38;
	[tilespmem:$0x1A260] =	vst v63  }
0x31: {  	s25 =	simm.s32 $0x8700;
	s20 =	simm.s32 $0x1  }
0x32: {  	[tilespmem:s25], [sflag:$0x1] =	stream.linear.gather [hbm4b:s19+s21], $0x1B00, $0x38;
	[tilespmem:$0x1A260] =	vst v63  }
0x33: {  	_ =	swait.ge [sflag:s20], $0x1B00  }
0x34: {  	[sflag:s20] =	ssyncset.done $0x0  }
0x35: {  	[sflag:s20] =	ssyncadd.s32 $0xFFFFE500  }
0x36: {  	_ =	swait.ge [sflag:s20], $0x1B00  }
0x37: {  	[sflag:s20] =	ssyncset.done $0x0  }
0x38: {  	[sflag:s20] =	ssyncadd.s32 $0xFFFFE500  }
0x39: {  	_ =	swait.ge [sflag:s20], $0x1B00  }
0x3a: {  	[sflag:s20] =	ssyncset.done $0x0  }
0x3b: {  	[sflag:s20] =	ssyncadd.s32 $0xFFFFE500  }
0x3c: {  	_ =	swait.ge [sflag:s20], $0xA20  }
0x3d: {  	[sflag:s20] =	ssyncset.done $0x0  }
0x3e: {  	[sflag:s20] =	ssyncadd.s32 $0xFFFFF5E0  }
0x3f: {  	_ =	swait.ge [sflag:s20], $0x1B00  }
0x40: {  	[sflag:s20] =	ssyncset.done $0x0  }
0x41: {  	[sflag:s20] =	ssyncadd.s32 $0xFFFFE500  }
0x42: {  	_ =	swait.ge [sflag:s20], $0x1B00  }
0x43: {  	[sflag:s20] =	ssyncset.done $0x0  }
0x44: {  	[sflag:s20] =	ssyncadd.s32 $0xFFFFE500  }
0x45: {  	_ =	swait.ge [sflag:s20], $0x1B00  }
0x46: {  	[sflag:s20] =	ssyncset.done $0x0  }
0x47: {  	[sflag:s20] =	ssyncadd.s32 $0xFFFFE500  }
0x48: {  	_ =	swait.ge [sflag:s20], $0x40  }
0x49: {  	[sflag:s20] =	ssyncset.done $0x0  }
0x4a: {  	[sflag:s20] =	ssyncadd.s32 $0xFFFFFFC0  }
0x4b: {  	_ =	swait.ge [sflag:s20], $0x680  }
0x4c: {  	[sflag:s20] =	ssyncset.done $0x0  }
0x4d: {  	[sflag:s20] =	ssyncadd.s32 $0xFFFFF980  }
0x4e: {  	_ =	swait.ge [sflag:s20], $0x680  }
0x4f: {  	[sflag:s20] =	ssyncset.done $0x0  }
0x50: {  	[sflag:s20] =	ssyncadd.s32 $0xFFFFF980  }
0x51: {  	_ =	swait.ge [sflag:s20], $0x1B00  }
0x52: {  	[sflag:s20] =	ssyncset.done $0x0  }
0x53: {  	[sflag:s20] =	ssyncadd.s32 $0xFFFFE500  }
0x54: {  	_ =	swait.ge [sflag:s20], $0x1B00  }
0x55: {  	[sflag:s20] =	ssyncset.done $0x0  }
0x56: {  	[sflag:s20] =	ssyncadd.s32 $0xFFFFE500  }
0x57: {  	_ =	swait.ge [sflag:s20], $0x1B00  }
0x58: {  	s5 =	sadd.s32 $0x2E00, s3;
	s6 =	simm.s32 @!p0 $0x1C02;
	[sflag:s20] =	ssyncset.done $0x0  }
0x59: {  	s8 =	smul.u32 $0x1B00, s9;
	s4 =	sshrl.u32 @!p0 s1, $0x3;
	[sflag:s20] =	ssyncadd.s32 $0xFFFFE500  }
0x5a: {  	[spmem:s4], [sflag:s6] =	dma.local @!p0 [hbm:s5], $0x360  }
0x5b: {  	s9 =	smul.u32 $0x1B0, s9;
	s4 =	simm.s32 @!p0 $0x2  }
0x5c: {  	s10 =	sadd.s32 s8, s16;
	s6 =	sadd.s32 $0x3200, s3;
	_ =	swait.ge @!p0 [sflag:s4], $0x360  }
0x5d: {  	s5 =	simm.s32 @!p0 $0x0;
	[dreg:$0xd] =	wrdreg s6;
	[sflag:s4] =	ssyncset.done @!p0 $0x0  }
0x5e: {  	s6 =	simm.s32 @!p0 $0x14A00;
	[smem:$0x7E1] =	sst s10;
	[sflag:s4] =	ssyncadd.s32 @!p0 $0xFFFFFCA0  }
0x5f: {  	[tilespmem:s6], [sflag:$0x2] =	stream.linear.gather @!p0 [hbm4b:s0+s5], $0x10, $0x38;
	[tilespmem:$0x1A260] =	vst v63  }
0x60: {  	s29 =	sadd.s32 $0x3600, s9;
	s11 =	sadd.s32 s8, s7;
	_ =	swait.ge @!p0 [sflag:s4], $0x10  }
0x61: {  	s30 =	sadd.s32 $0x5100, s9;
	s12 =	sadd.s32 s8, s2;
	[smem:$0x7E2] =	sst s11  }
0x62: {  	s13 =	sadd.s32 s9, s16;
	s20 =	sadd.s32 $0x1B00, s9;
	[smem:$0x7E3] =	sst s12  }
0x63: {  	s31 =	sadd.s32 $0x6C00, s9;
	s14 =	sadd.s32 s20, s16;
	[smem:$0x7E4] =	sst s13  }
0x64: {  	s19 =	sadd.s32 s29, s16;
	s0 =	sadd.s32 $0x8700, s9;
	[smem:$0x7E5] =	sst s14  }
0x65: {  	s3 =	sadd.s32 s30, s16;
	s5 =	sadd.s32 s0, s16;
	[smem:$0x7E6] =	sst s19  }
0x66: {  	[sflag:s4] =	ssyncset.done @!p0 $0x0;
	[smem:$0x7E7] =	sst s3;
	s3 =	sadd.s32 $0xA200, s9  }
0x67: {  	[smem:$0x7E9] =	sst s5;
	[sflag:s4] =	ssyncadd.s32 @!p0 $0xFFFFFFF0;
	s4 =	sadd.s32 s31, s16  }
0x68: {  	s6 =	sadd.s32 s3, s16;
	[smem:$0x7E8] =	sst s4;
	s4 =	sadd.s32 $0xBD00, s9  }
0x69: {  	s5 =	sadd.s32 $0xF300, s9;
	[smem:$0x7EA] =	sst s6;
	s8 =	sadd.s32 s4, s16  }
0x6a: {  	s11 =	sadd.s32 s5, s16;
	[smem:$0x7EB] =	sst s8;
	s8 =	sadd.s32 $0xD800, s9  }
0x6b: {  	[smem:$0x7ED] =	sst s11;
	s6 =	sadd.s32 $0x10E00, s9;
	s10 =	sadd.s32 s8, s16  }
0x6c: {  	s11 =	sadd.s32 $0x14400, s9;
	[smem:$0x7EC] =	sst s10;
	s10 =	sadd.s32 s6, s16  }
0x6d: {  	s12 =	sadd.s32 s11, s16;
	[smem:$0x7EE] =	sst s10;
	s10 =	sadd.s32 $0x12900, s9  }
0x6e: {  	[smem:$0x7F0] =	sst s12;
	s12 =	sadd.s32 $0x15F00, s9;
	s13 =	sadd.s32 s10, s16  }
0x6f: {  	s14 =	sadd.s32 s12, s16;
	[smem:$0x7EF] =	sst s13;
	s13 =	sadd.s32 $0x17A00, s9  }
0x70: {  	v4 =	vlaneseq.u32;
	[smem:$0x7F1] =	sst s14;
	s14 =	sadd.s32 $0x19500, s9;
	s19 =	sadd.s32 s13, s16  }
0x71: {  	v4 =	vmul.u32 $0x3, v4;
	[smem:$0x7F2] =	sst s19;
	s19 =	sadd.s32 s14, s16  }
0x72: {  	s16 =	sadd.s32 s20, s2;
	[smem:$0x7F3] =	sst s19  }
0x73: {  	v5 =	vadd.s32 $0x2, v4;
	s19 =	sadd.s32 s9, s7;
	[dreg:$0x19] =	wrdreg s16  }
0x74: {  	v6 =	vadd.s32 $0x1, v4;
	v7 =	vadd.s32 s21, v5;
	s16 =	sadd.s32 s31, s2;
	[smem:$0x7F4] =	sst s19  }
0x75: {  	v8 =	vadd.s32 s21, v6;
	s19 =	sadd.s32 s20, s7;
	[dreg:$0x17] =	wrdreg s16  }
0x76: {  	s20 =	smov.u32 s15;
	s15 =	sadd.s32 s30, s2;
	[smem:$0x7F5] =	sst s19  }
0x77: {  	s16 =	sadd.s32 s11, s2;
	[dreg:$0x16] =	wrdreg s15  }
0x78: {  	v9 =	vadd.s32 s21, v4;
	s19 =	sadd.s32 s29, s7;
	[dreg:$0xe] =	wrdreg s16  }
0x79: {  	v7 =	vld.idx.msk [tilespmem:v7+s24+$0x0], $0xffff;
	[smem:$0x7F6] =	sst s19;
	s19 =	sadd.s32 s30, s7  }
0x7a: {  	v8 =	vld.idx.msk [tilespmem:v8+s24+$0x0], $0xffff;
	[smem:$0x7F7] =	sst s19;
	s19 =	sadd.s32 s31, s7  }
0x7b: {  	[smem:$0x7F8] =	sst s19;
	s19 =	sadd.s32 s0, s7  }
0x7c: {  	s0 =	sadd.s32 s0, s2;
	[smem:$0x7F9] =	sst s19  }
0x7d: {  	v9 =	vld.idx.msk [tilespmem:v9+s24+$0x0], $0xffff;
	s19 =	sadd.s32 s3, s7;
	[dreg:$0x15] =	wrdreg s0  }
0x7e: {  	[smem:$0x7FA] =	sst s19;
	s19 =	sadd.s32 s4, s7  }
0x7f: {  	[smem:$0x7FB] =	sst s19;
	s19 =	sadd.s32 s8, s7  }
0x80: {  	[smem:$0x7FC] =	sst s19;
	s19 =	sadd.s32 s5, s7  }
0x81: {  	v10 =	vld.idx.msk [tilespmem:v7+s23+$0x0], $0xffff;
	[dreg:$0x1f] =	wrdreg s19;
	s19 =	sadd.s32 s6, s7  }
0x82: {  	v11 =	vld.idx.msk [tilespmem:v8+s22+$0x0], $0xffff;
	[smem:$0x7FD] =	sst s19;
	s19 =	sadd.s32 s10, s7  }
0x83: {  	v12 =	vld.idx.msk [tilespmem:v8+s23+$0x0], $0xffff;
	s15 =	sadd.s32 s5, s2;
	s10 =	sadd.s32 s10, s2;
	[dreg:$0x1e] =	wrdreg s19  }
0x84: {  	v14 =	vld.idx.msk [tilespmem:v7+s22+$0x0], $0xffff;
	s31 =	stileid.u32;
	s19 =	sadd.s32 s11, s7;
	[dreg:$0x10] =	wrdreg s10  }
0x85: {  	v13 =	vld.idx.msk [tilespmem:v9+s23+$0x0], $0xffff;
	s10 =	smov.u32 s18;
	[dreg:$0x1d] =	wrdreg s19;
	s19 =	sadd.s32 s12, s7  }
0x86: {  	v15 =	vld.idx.msk [tilespmem:v9+s22+$0x0], $0xffff;
	s18 =	sadd.s32 s9, s2;
	[dreg:$0x1c] =	wrdreg s19;
	s19 =	sadd.s32 s13, s7  }
0x87: {  	v16 =	vld.idx.msk [tilespmem:v8+s21+$0x0], $0xffff;
	[dreg:$0x1b] =	wrdreg s19;
	s19 =	sadd.s32 s14, s7;
	s7 =	sadd.s32 s6, s2  }
0x88: {  	v17 =	vld.idx.msk [tilespmem:v9+s21+$0x0], $0xffff;
	s6 =	smov.u32 s17;
	s17 =	sadd.s32 s12, s2;
	[dreg:$0x1a] =	wrdreg s19  }
0x89: {  	v18 =	vld.idx.msk [tilespmem:v7+s21+$0x0], $0xffff;
	s14 =	sadd.s32 s14, s2;
	s12 =	sadd.s32 s9, s10;
	[dreg:$0x14] =	wrdreg s7  }
0x8a: {  	v12 =	vsub.f32 v12, v13;
	v13 =	vsub.f32 v10, v13;
	s19 =	sadd.s32 s29, s2;
	[dreg:$0x11] =	wrdreg s17;
	s17 =	sadd.s32 s13, s2  }
0x8b: {  	v10 =	vsub.f32 v11, v15;
	v11 =	vsub.f32 v14, v15;
	s7 =	sshll.u32 s31, $0x6;
	[dreg:$0x18] =	wrdreg s19;
	s19 =	sadd.s32 s3, s2  }
0x8c: {  	s3 =	sadd.s32 s4, s2;
	s4 =	sadd.s32 s8, s2;
	s8 =	rddreg [dreg:$0xa]  }
0x8d: {  	v19 =	vmul.f32 v13, v10;
	v20 =	vmul.f32 v11, v12;
	s11 =	sadd.s32 s9, s6;
	[dreg:$0x12] =	wrdreg s19;
	s19 =	sshll.u32 s31, $0x5  }
0x8e: {  	v14 =	vsub.f32 v16, v17;
	v15 =	vsub.f32 v18, v17;
	s2 =	simm.s32 $0x30;
	[dreg:$0x13] =	wrdreg s3;
	s29 =	sadd.s32 s19, s20  }
0x8f: {  	v16 =	vsub.f32 v19, v20;
	[dreg:$0xf] =	wrdreg s4;
	s13 =	sadd.s32 s9, s8;
	s30 =	sadd.s32 $0x10, s29  }
.LBB2_2:
0x90: {  	p1 =	sne.s32 s2, $0x9F0;
	v12 =	vmul.f32 v15, v12;
	v13 =	vmul.f32 v13, v14;
	s0 =	smov.u32 s2;
	s2 =	sadd.s32 $0x30, s2  }
0x91: {  	v17 =	vadd.s32 s0, v4;
	v18 =	vadd.s32 s0, v6;
	v19 =	vadd.s32 s0, v5;
	[tilespmem:v9+s28+$0x0] =	vst.idx.add.f32.msk $0xffff, v16  }
0x92: {  	v12 =	vsub.f32 v12, v13;
	[tilespmem:v8+s28+$0x0] =	vst.idx.add.f32.msk $0xffff, v16  }
0x93: {  	v11 =	vmul.f32 v11, v14;
	v10 =	vmul.f32 v15, v10;
	[tilespmem:v7+s28+$0x0] =	vst.idx.add.f32.msk $0xffff, v16  }
0x94: {  	[tilespmem:v9+s26+$0x0] =	vst.idx.add.f32.msk $0xffff, v12  }
0x95: {  	v10 =	vsub.f32 v11, v10;
	[tilespmem:v8+s26+$0x0] =	vst.idx.add.f32.msk $0xffff, v12  }
0x96: {  	[tilespmem:v7+s26+$0x0] =	vst.idx.add.f32.msk $0xffff, v12  }
0x97: {  	[tilespmem:v9+s25+$0x0] =	vst.idx.add.f32.msk $0xffff, v10  }
0x98: {  	[tilespmem:v8+s25+$0x0] =	vst.idx.add.f32.msk $0xffff, v10  }
0x99: {  	[tilespmem:v7+s25+$0x0] =	vst.idx.add.f32.msk $0xffff, v10  }
0x9a: {  	v7 =	vld.idx.msk [tilespmem:v19+s24+$0x0], $0xffff  }
0x9b: {  	v8 =	vld.idx.msk [tilespmem:v18+s24+$0x0], $0xffff;
	_ =	sdelay $0x2  }
0x9c: {  	v9 =	vld.idx.msk [tilespmem:v17+s24+$0x0], $0xffff;
	_ =	sdelay $0x3  }
0x9d: {  	v10 =	vld.idx.msk [tilespmem:v7+s23+$0x0], $0xffff  }
0x9e: {  	v11 =	vld.idx.msk [tilespmem:v8+s22+$0x0], $0xffff  }
0x9f: {  	v12 =	vld.idx.msk [tilespmem:v8+s23+$0x0], $0xffff  }
0xa0: {  	v14 =	vld.idx.msk [tilespmem:v7+s22+$0x0], $0xffff  }
0xa1: {  	v13 =	vld.idx.msk [tilespmem:v9+s23+$0x0], $0xffff  }
0xa2: {  	v15 =	vld.idx.msk [tilespmem:v9+s22+$0x0], $0xffff  }
0xa3: {  	v16 =	vld.idx.msk [tilespmem:v7+s21+$0x0], $0xffff  }
0xa4: {  	v17 =	vld.idx.msk [tilespmem:v8+s21+$0x0], $0xffff  }
0xa5: {  	v18 =	vld.idx.msk [tilespmem:v9+s21+$0x0], $0xffff;
	_ =	sdelay $0x1  }
0xa6: {  	v12 =	vsub.f32 v12, v13;
	v13 =	vsub.f32 v10, v13  }
.Ltmp1:
0xa7: {  	v10 =	vsub.f32 v11, v15;
	v11 =	vsub.f32 v14, v15;
	(pc) =	sbr.rel @p1 .LBB2_2-.Ltmp1, $4  }
0xa8: {  	_ = 	snop  }
0xa9: {  	v19 =	vmul.f32 v13, v10;
	v20 =	vmul.f32 v11, v12  }
0xaa: {  	v14 =	vsub.f32 v17, v18;
	v15 =	vsub.f32 v16, v18  }
0xab: {  	v16 =	vsub.f32 v19, v20  }
0xac: {  	_ =	sdelay $0x2  }
0xad: {  	v4 =	vmul.f32 v15, v12;
	v5 =	vmul.f32 v13, v14  }
0xae: {  	[tilespmem:v9+s28+$0x0] =	vst.idx.add.f32.msk $0xffff, v16  }
0xaf: {  	v4 =	vsub.f32 v4, v5;
	[tilespmem:v8+s28+$0x0] =	vst.idx.add.f32.msk $0xffff, v16  }
0xb0: {  	v6 =	vmul.f32 v15, v10;
	v5 =	vmul.f32 v11, v14;
	[tilespmem:v7+s28+$0x0] =	vst.idx.add.f32.msk $0xffff, v16  }
0xb1: {  	[tilespmem:v9+s26+$0x0] =	vst.idx.add.f32.msk $0xffff, v4  }
0xb2: {  	v5 =	vsub.f32 v5, v6;
	[tilespmem:v8+s26+$0x0] =	vst.idx.add.f32.msk $0xffff, v4  }
0xb3: {  	[tilespmem:v7+s26+$0x0] =	vst.idx.add.f32.msk $0xffff, v4  }
0xb4: {  	s2 =	sld [smem:$0x7E1];
	[tilespmem:v9+s25+$0x0] =	vst.idx.add.f32.msk $0xffff, v5  }
0xb5: {  	[tilespmem:v8+s25+$0x0] =	vst.idx.add.f32.msk $0xffff, v5  }
0xb6: {  	s0 =	simm.s32 $0x5100;
	s28 =	simm.s32 $0x2;
	[tilespmem:v7+s25+$0x0] =	vst.idx.add.f32.msk $0xffff, v5  }
0xb7: {  	[spmem:s2] =	stream.linear.scatter [tilespmem:s0], [sflag:$0x2], $0x1B00, $0x38;
	[tilespmem:$0x1A260] =	vst v63  }
0xb8: {  	_ =	swait.ge [sflag:s28], $0x1B00  }
0xb9: {  	s3 =	sld [smem:$0x7E2]  }
0xba: {  	[sflag:s28] =	ssyncset.done $0x0  }
0xbb: {  	s4 =	simm.s32 $0x6C00;
	[sflag:s28] =	ssyncadd.s32 $0xFFFFE500  }
0xbc: {  	[spmem:s3] =	stream.linear.scatter [tilespmem:s4], [sflag:$0x2], $0x1B00, $0x38;
	[tilespmem:$0x1A260] =	vst v63  }
0xbd: {  	_ =	swait.ge [sflag:s28], $0x1B00  }
0xbe: {  	s16 =	sld [smem:$0x7E3]  }
0xbf: {  	[sflag:s28] =	ssyncset.done $0x0  }
0xc0: {  	s5 =	simm.s32 $0x8700;
	[sflag:s28] =	ssyncadd.s32 $0xFFFFE500  }
0xc1: {  	[spmem:s16] =	stream.linear.scatter [tilespmem:s5], [sflag:$0x2], $0x1B00, $0x38;
	[tilespmem:$0x1A260] =	vst v63  }
0xc2: {  	_ =	swait.ge [sflag:s28], $0x1B00  }
0xc3: {  	[sflag:s28] =	ssyncset.done $0x0  }
0xc4: {  	[sflag:s28] =	ssyncadd.s32 $0xFFFFE500  }
0xc5: {  	[bflag:$0x0] =	sbarrier.arrive $0xFFFF  }
0xc6: {  	s21 =	sld [smem:$0x7E4];
	_ =	sdelay $0x1  }
0xc7: {  	s19 =	simm.s32 $0x12C00;
	s23 =	sld [smem:$0x7E5]  }
0xc8: {  	[tilespmem:s19], [sflag:$0x1] =	stream.linear.gather [spmem:s21], $0x1B0, $0x38;
	[tilespmem:$0x1A260] =	vst v63  }
0xc9: {  	s22 =	simm.s32 $0x12DB0;
	s25 =	sld [smem:$0x7E6]  }
0xca: {  	[tilespmem:s22], [sflag:$0x1] =	stream.linear.gather [spmem:s23], $0x1B0, $0x38;
	[tilespmem:$0x1A260] =	vst v63  }
0xcb: {  	s24 =	simm.s32 $0x12F60;
	s28 =	sld [smem:$0x7E7]  }
0xcc: {  	[tilespmem:s24], [sflag:$0x1] =	stream.linear.gather [spmem:s25], $0x1B0, $0x38;
	[tilespmem:$0x1A260] =	vst v63  }
0xcd: {  	s26 =	simm.s32 $0x13110;
	s3 =	sld [smem:$0x7E8]  }
0xce: {  	[tilespmem:s26], [sflag:$0x1] =	stream.linear.gather [spmem:s28], $0x1B0, $0x38;
	[tilespmem:$0x1A260] =	vst v63  }
0xcf: {  	s2 =	simm.s32 $0x132C0;
	s5 =	sld [smem:$0x7E9]  }
0xd0: {  	[tilespmem:s2], [sflag:$0x1] =	stream.linear.gather [spmem:s3], $0x1B0, $0x38;
	[tilespmem:$0x1A260] =	vst v63  }
0xd1: {  	s4 =	simm.s32 $0x13470;
	s19 =	sld [smem:$0x7EA]  }
0xd2: {  	[tilespmem:s4], [sflag:$0x1] =	stream.linear.gather [spmem:s5], $0x1B0, $0x38;
	[tilespmem:$0x1A260] =	vst v63  }
0xd3: {  	s16 =	simm.s32 $0x13620;
	s22 =	sld [smem:$0x7EB]  }
0xd4: {  	[tilespmem:s16], [sflag:$0x1] =	stream.linear.gather [spmem:s19], $0x1B0, $0x38;
	[tilespmem:$0x1A260] =	vst v63  }
0xd5: {  	s21 =	simm.s32 $0x137D0;
	s24 =	sld [smem:$0x7EC]  }
0xd6: {  	[tilespmem:s21], [sflag:$0x1] =	stream.linear.gather [spmem:s22], $0x1B0, $0x38;
	[tilespmem:$0x1A260] =	vst v63  }
0xd7: {  	s23 =	simm.s32 $0x13980;
	s25 =	sld [smem:$0x7ED]  }
0xd8: {  	[tilespmem:s23], [sflag:$0x1] =	stream.linear.gather [spmem:s24], $0x1B0, $0x38;
	[tilespmem:$0x1A260] =	vst v63  }
0xd9: {  	s0 =	simm.s32 $0x13B30;
	s28 =	sld [smem:$0x7EE]  }
0xda: {  	[tilespmem:s0], [sflag:$0x1] =	stream.linear.gather [spmem:s25], $0x1B0, $0x38;
	[tilespmem:$0x1A260] =	vst v63  }
0xdb: {  	s26 =	simm.s32 $0x13CE0;
	s4 =	sld [smem:$0x7EF]  }
0xdc: {  	[tilespmem:s26], [sflag:$0x1] =	stream.linear.gather [spmem:s28], $0x1B0, $0x38;
	[tilespmem:$0x1A260] =	vst v63  }
0xdd: {  	s3 =	simm.s32 $0x13E90;
	s16 =	sld [smem:$0x7F0]  }
0xde: {  	[tilespmem:s3], [sflag:$0x1] =	stream.linear.gather [spmem:s4], $0x1B0, $0x38;
	[tilespmem:$0x1A260] =	vst v63  }
0xdf: {  	s5 =	simm.s32 $0x14040;
	s21 =	sld [smem:$0x7F1]  }
0xe0: {  	[tilespmem:s5], [sflag:$0x1] =	stream.linear.gather [spmem:s16], $0x1B0, $0x38;
	[tilespmem:$0x1A260] =	vst v63  }
0xe1: {  	s19 =	simm.s32 $0x141F0;
	s23 =	sld [smem:$0x7F2]  }
0xe2: {  	[tilespmem:s19], [sflag:$0x1] =	stream.linear.gather [spmem:s21], $0x1B0, $0x38;
	[tilespmem:$0x1A260] =	vst v63  }
0xe3: {  	s22 =	simm.s32 $0x143A0;
	s25 =	sld [smem:$0x7F3]  }
0xe4: {  	[tilespmem:s22], [sflag:$0x1] =	stream.linear.gather [spmem:s23], $0x1B0, $0x38;
	[tilespmem:$0x1A260] =	vst v63  }
0xe5: {  	s24 =	simm.s32 $0x14550;
	s26 =	simm.s32 $0x1  }
0xe6: {  	[tilespmem:s24], [sflag:$0x1] =	stream.linear.gather [spmem:s25], $0x1B0, $0x38;
	[tilespmem:$0x1A260] =	vst v63  }
0xe7: {  	_ =	swait.ge [sflag:s26], $0x1B0  }
0xe8: {  	[sflag:s26] =	ssyncset.done $0x0  }
0xe9: {  	[sflag:s26] =	ssyncadd.s32 $0xFFFFFE50  }
0xea: {  	_ =	swait.ge [sflag:s26], $0x1B0  }
0xeb: {  	[sflag:s26] =	ssyncset.done $0x0  }
0xec: {  	[sflag:s26] =	ssyncadd.s32 $0xFFFFFE50  }
0xed: {  	_ =	swait.ge [sflag:s26], $0x1B0  }
0xee: {  	[sflag:s26] =	ssyncset.done $0x0  }
0xef: {  	[sflag:s26] =	ssyncadd.s32 $0xFFFFFE50  }
0xf0: {  	_ =	swait.ge [sflag:s26], $0x1B0  }
0xf1: {  	[sflag:s26] =	ssyncset.done $0x0  }
0xf2: {  	[sflag:s26] =	ssyncadd.s32 $0xFFFFFE50  }
0xf3: {  	_ =	swait.ge [sflag:s26], $0x1B0  }
0xf4: {  	[sflag:s26] =	ssyncset.done $0x0  }
0xf5: {  	[sflag:s26] =	ssyncadd.s32 $0xFFFFFE50  }
0xf6: {  	_ =	swait.ge [sflag:s26], $0x1B0  }
0xf7: {  	[sflag:s26] =	ssyncset.done $0x0  }
0xf8: {  	[sflag:s26] =	ssyncadd.s32 $0xFFFFFE50  }
0xf9: {  	_ =	swait.ge [sflag:s26], $0x1B0  }
0xfa: {  	[sflag:s26] =	ssyncset.done $0x0  }
0xfb: {  	[sflag:s26] =	ssyncadd.s32 $0xFFFFFE50  }
0xfc: {  	_ =	swait.ge [sflag:s26], $0x1B0  }
0xfd: {  	[sflag:s26] =	ssyncset.done $0x0  }
0xfe: {  	[sflag:s26] =	ssyncadd.s32 $0xFFFFFE50  }
0xff: {  	_ =	swait.ge [sflag:s26], $0x1B0  }
0x100: {  	[sflag:s26] =	ssyncset.done $0x0  }
0x101: {  	[sflag:s26] =	ssyncadd.s32 $0xFFFFFE50  }
0x102: {  	_ =	swait.ge [sflag:s26], $0x1B0  }
0x103: {  	[sflag:s26] =	ssyncset.done $0x0  }
0x104: {  	[sflag:s26] =	ssyncadd.s32 $0xFFFFFE50  }
0x105: {  	_ =	swait.ge [sflag:s26], $0x1B0  }
0x106: {  	[sflag:s26] =	ssyncset.done $0x0  }
0x107: {  	[sflag:s26] =	ssyncadd.s32 $0xFFFFFE50  }
0x108: {  	_ =	swait.ge [sflag:s26], $0x1B0  }
0x109: {  	[sflag:s26] =	ssyncset.done $0x0  }
0x10a: {  	[sflag:s26] =	ssyncadd.s32 $0xFFFFFE50  }
0x10b: {  	_ =	swait.ge [sflag:s26], $0x1B0  }
0x10c: {  	[sflag:s26] =	ssyncset.done $0x0  }
0x10d: {  	[sflag:s26] =	ssyncadd.s32 $0xFFFFFE50  }
0x10e: {  	_ =	swait.ge [sflag:s26], $0x1B0  }
0x10f: {  	[sflag:s26] =	ssyncset.done $0x0  }
0x110: {  	[sflag:s26] =	ssyncadd.s32 $0xFFFFFE50  }
0x111: {  	_ =	swait.ge [sflag:s26], $0x1B0  }
0x112: {  	[sflag:s26] =	ssyncset.done $0x0  }
0x113: {  	[sflag:s26] =	ssyncadd.s32 $0xFFFFFE50  }
0x114: {  	_ =	swait.ge [sflag:s26], $0x1B0  }
0x115: {  	[sflag:s26] =	ssyncset.done $0x0  }
0x116: {  	[sflag:s26] =	ssyncadd.s32 $0xFFFFFE50  }
0x117: {  	v4 =	vld [tilespmem:s0+$0xFFFFF280]  }
0x118: {  	v5 =	vld [tilespmem:s0+$0xFFFFF0D0];
	_ =	sdelay $0x1  }
0x119: {  	v6 =	vld [tilespmem:s0+$0xFFFFF430];
	_ =	sdelay $0x1  }
0x11a: {  	v7 =	vld [tilespmem:s0+$0xFFFFF5E0]  }
0x11b: {  	v4 =	vadd.f32 v4, v5  }
0x11c: {  	v5 =	vld [tilespmem:s0+$0xFFFFF790]  }
0x11d: {  	v4 =	vadd.f32 v6, v4  }
0x11e: {  	v6 =	vld [tilespmem:s0+$0xFFFFF940]  }
0x11f: {  	v4 =	vadd.f32 v7, v4  }
0x120: {  	v7 =	vld [tilespmem:s0+$0xFFFFFAF0]  }
0x121: {  	v4 =	vadd.f32 v5, v4  }
0x122: {  	s28 =	simm.s32 $0x0;
	v5 =	vld [tilespmem:s0+$0xFFFFFCA0]  }
0x123: {  	s2 =	sand.u32 $0x1F0, s28;
	v4 =	vadd.f32 v6, v4  }
0x124: {  	v6 =	vld [tilespmem:s2+$0x13980]  }
0x125: {  	v4 =	vadd.f32 v7, v4  }
0x126: {  	v7 =	vld [tilespmem:s0+$0x0]  }
0x127: {  	v4 =	vadd.f32 v5, v4  }
0x128: {  	v5 =	vld [tilespmem:s0+$0x1B0]  }
0x129: {  	v4 =	vadd.f32 v6, v4  }
0x12a: {  	v6 =	vld [tilespmem:s0+$0x360]  }
0x12b: {  	v4 =	vadd.f32 v7, v4  }
0x12c: {  	v7 =	vld [tilespmem:s0+$0x510]  }
0x12d: {  	v4 =	vadd.f32 v5, v4  }
0x12e: {  	v5 =	vld [tilespmem:s0+$0x6C0]  }
0x12f: {  	v4 =	vadd.f32 v6, v4  }
0x130: {  	v6 =	vld [tilespmem:s0+$0x870]  }
0x131: {  	v4 =	vadd.f32 v7, v4  }
0x132: {  	v7 =	vld [tilespmem:s0+$0xA20]  }
0x133: {  	v4 =	vadd.f32 v5, v4;
	_ =	sdelay $0x1  }
0x134: {  	v4 =	vadd.f32 v6, v4;
	_ =	sdelay $0x1  }
0x135: {  	v4 =	vadd.f32 v7, v4  }
0x136: {  	s0 =	simm.s32 $0x12600  }
0x137: {  	s3 =	simm.s32 $0x13B40;
	[tilespmem:s0+$0x0] =	vst v4  }
0x138: {  	v4 =	vld [tilespmem:s3+$0xFFFFF280]  }
0x139: {  	s4 =	simm.s32 $0x10;
	s2 =	simm.s32 $0x20;
	v5 =	vld [tilespmem:s3+$0xFFFFF0D0]  }
.LBB2_4:
0x13a: {  	p1 =	sne.s32 s2, $0x1A0  }
0x13b: {  	v6 =	vld [tilespmem:s3+$0xFFFFF430];
	_ =	sdelay $0x1  }
0x13c: {  	v7 =	vld [tilespmem:s3+$0xFFFFF5E0]  }
0x13d: {  	v4 =	vadd.f32 v4, v5  }
0x13e: {  	v5 =	vld [tilespmem:s3+$0xFFFFF790]  }
0x13f: {  	v4 =	vadd.f32 v6, v4  }
0x140: {  	v6 =	vld [tilespmem:s3+$0xFFFFF940]  }
0x141: {  	v4 =	vadd.f32 v7, v4  }
0x142: {  	v7 =	vld [tilespmem:s3+$0xFFFFFAF0]  }
0x143: {  	v4 =	vadd.f32 v5, v4  }
0x144: {  	v5 =	vld [tilespmem:s3+$0xFFFFFCA0]  }
0x145: {  	s5 =	sand.u32 $0x1F0, s4;
	s4 =	smov.u32 s2;
	v4 =	vadd.f32 v6, v4  }
0x146: {  	v6 =	vld [tilespmem:s5+$0x13980]  }
0x147: {  	v4 =	vadd.f32 v7, v4  }
0x148: {  	v7 =	vld [tilespmem:s3+$0x0]  }
0x149: {  	v4 =	vadd.f32 v5, v4  }
0x14a: {  	v5 =	vld [tilespmem:s3+$0x1B0]  }
0x14b: {  	v4 =	vadd.f32 v6, v4  }
0x14c: {  	v6 =	vld [tilespmem:s3+$0x360]  }
0x14d: {  	v4 =	vadd.f32 v7, v4  }
0x14e: {  	v7 =	vld [tilespmem:s3+$0x510]  }
0x14f: {  	v4 =	vadd.f32 v5, v4  }
0x150: {  	v5 =	vld [tilespmem:s3+$0x6C0]  }
0x151: {  	v4 =	vadd.f32 v6, v4  }
0x152: {  	v6 =	vld [tilespmem:s3+$0x870]  }
0x153: {  	v4 =	vadd.f32 v7, v4  }
0x154: {  	v7 =	vld [tilespmem:s3+$0xA20]  }
0x155: {  	v4 =	vadd.f32 v5, v4;
	_ =	sdelay $0x1  }
0x156: {  	v4 =	vadd.f32 v6, v4;
	_ =	sdelay $0x1  }
.Ltmp2:
0x157: {  	v4 =	vadd.f32 v7, v4;
	(pc) =	sbr.rel @p1 .LBB2_4-.Ltmp2, $4  }
0x158: {  	s0 =	sadd.s32 $0x10, s0  }
0x159: {  	s3 =	sadd.s32 $0x10, s3;
	[tilespmem:s0+$0x0] =	vst v4  }
0x15a: {  	v4 =	vld [tilespmem:s3+$0xFFFFF280]  }
0x15b: {  	s2 =	sadd.s32 $0x10, s2;
	v5 =	vld [tilespmem:s3+$0xFFFFF0D0]  }
0x15c: {  	_ = 	snop  }
0x15d: {  	v6 =	vld [tilespmem:s3+$0xFFFFF430];
	_ =	sdelay $0x1  }
0x15e: {  	v7 =	vld [tilespmem:s3+$0xFFFFF5E0]  }
0x15f: {  	v4 =	vadd.f32 v4, v5  }
0x160: {  	v5 =	vld [tilespmem:s3+$0xFFFFF790]  }
0x161: {  	v4 =	vadd.f32 v6, v4  }
0x162: {  	v6 =	vld [tilespmem:s3+$0xFFFFF940]  }
0x163: {  	v4 =	vadd.f32 v7, v4  }
0x164: {  	v7 =	vld [tilespmem:s3+$0xFFFFFAF0]  }
0x165: {  	v4 =	vadd.f32 v5, v4  }
0x166: {  	v5 =	vld [tilespmem:s3+$0xFFFFFCA0]  }
0x167: {  	s2 =	sand.u32 $0x1F0, s4;
	v4 =	vadd.f32 v6, v4  }
0x168: {  	v6 =	vld [tilespmem:s2+$0x13980]  }
0x169: {  	v4 =	vadd.f32 v7, v4  }
0x16a: {  	v7 =	vld [tilespmem:s3+$0x0]  }
0x16b: {  	v4 =	vadd.f32 v5, v4  }
0x16c: {  	v5 =	vld [tilespmem:s3+$0x1B0]  }
0x16d: {  	v4 =	vadd.f32 v6, v4  }
0x16e: {  	v6 =	vld [tilespmem:s3+$0x360]  }
0x16f: {  	v4 =	vadd.f32 v7, v4  }
0x170: {  	v7 =	vld [tilespmem:s3+$0x510]  }
0x171: {  	v4 =	vadd.f32 v5, v4  }
0x172: {  	v5 =	vld [tilespmem:s3+$0x6C0]  }
0x173: {  	v4 =	vadd.f32 v6, v4  }
0x174: {  	v6 =	vld [tilespmem:s3+$0x870]  }
0x175: {  	v4 =	vadd.f32 v7, v4  }
0x176: {  	v7 =	vld [tilespmem:s3+$0xA20]  }
0x177: {  	v4 =	vadd.f32 v5, v4;
	_ =	sdelay $0x1  }
0x178: {  	v4 =	vadd.f32 v6, v4;
	_ =	sdelay $0x1  }
0x179: {  	s21 =	sld [smem:$0x7F4];
	v4 =	vadd.f32 v7, v4  }
0x17a: {  	s0 =	sadd.s32 $0x10, s0  }
0x17b: {  	s19 =	simm.s32 $0x12C00;
	s23 =	sld [smem:$0x7F5];
	[tilespmem:s0+$0x0] =	vst v4  }
0x17c: {  	[tilespmem:s19], [sflag:$0x1] =	stream.linear.gather [spmem:s21], $0x1B0, $0x38;
	[tilespmem:$0x1A260] =	vst v63  }
0x17d: {  	s22 =	simm.s32 $0x12DB0;
	s25 =	sld [smem:$0x7F6]  }
0x17e: {  	[tilespmem:s22], [sflag:$0x1] =	stream.linear.gather [spmem:s23], $0x1B0, $0x38;
	[tilespmem:$0x1A260] =	vst v63  }
0x17f: {  	s24 =	simm.s32 $0x12F60;
	s28 =	sld [smem:$0x7F7]  }
0x180: {  	[tilespmem:s24], [sflag:$0x1] =	stream.linear.gather [spmem:s25], $0x1B0, $0x38;
	[tilespmem:$0x1A260] =	vst v63  }
0x181: {  	s26 =	simm.s32 $0x13110;
	s3 =	sld [smem:$0x7F8]  }
0x182: {  	[tilespmem:s26], [sflag:$0x1] =	stream.linear.gather [spmem:s28], $0x1B0, $0x38;
	[tilespmem:$0x1A260] =	vst v63  }
0x183: {  	s5 =	sld [smem:$0x7F9];
	s2 =	simm.s32 $0x132C0  }
0x184: {  	[tilespmem:s2], [sflag:$0x1] =	stream.linear.gather [spmem:s3], $0x1B0, $0x38;
	[tilespmem:$0x1A260] =	vst v63  }
0x185: {  	s4 =	simm.s32 $0x13470;
	s19 =	sld [smem:$0x7FA]  }
0x186: {  	[tilespmem:s4], [sflag:$0x1] =	stream.linear.gather [spmem:s5], $0x1B0, $0x38;
	[tilespmem:$0x1A260] =	vst v63  }
0x187: {  	s16 =	simm.s32 $0x13620;
	s22 =	sld [smem:$0x7FB]  }
0x188: {  	[tilespmem:s16], [sflag:$0x1] =	stream.linear.gather [spmem:s19], $0x1B0, $0x38;
	[tilespmem:$0x1A260] =	vst v63  }
0x189: {  	s21 =	simm.s32 $0x137D0;
	s24 =	sld [smem:$0x7FC]  }
0x18a: {  	[tilespmem:s21], [sflag:$0x1] =	stream.linear.gather [spmem:s22], $0x1B0, $0x38;
	[tilespmem:$0x1A260] =	vst v63  }
0x18b: {  	s23 =	simm.s32 $0x13980;
	s25 =	rddreg [dreg:$0x1f]  }
0x18c: {  	[tilespmem:s23], [sflag:$0x1] =	stream.linear.gather [spmem:s24], $0x1B0, $0x38;
	[tilespmem:$0x1A260] =	vst v63  }
0x18d: {  	s0 =	simm.s32 $0x13B30;
	s28 =	sld [smem:$0x7FD]  }
0x18e: {  	[tilespmem:s0], [sflag:$0x1] =	stream.linear.gather [spmem:s25], $0x1B0, $0x38;
	[tilespmem:$0x1A260] =	vst v63  }
0x18f: {  	s26 =	simm.s32 $0x13CE0  }
0x190: {  	[tilespmem:s26], [sflag:$0x1] =	stream.linear.gather [spmem:s28], $0x1B0, $0x38;
	[tilespmem:$0x1A260] =	vst v63  }
0x191: {  	s3 =	simm.s32 $0x13E90;
	s4 =	rddreg [dreg:$0x1e]  }
0x192: {  	[tilespmem:s3], [sflag:$0x1] =	stream.linear.gather [spmem:s4], $0x1B0, $0x38;
	[tilespmem:$0x1A260] =	vst v63  }
0x193: {  	s5 =	simm.s32 $0x14040;
	s16 =	rddreg [dreg:$0x1d]  }
0x194: {  	[tilespmem:s5], [sflag:$0x1] =	stream.linear.gather [spmem:s16], $0x1B0, $0x38;
	[tilespmem:$0x1A260] =	vst v63  }
0x195: {  	s19 =	simm.s32 $0x141F0;
	s21 =	rddreg [dreg:$0x1c]  }
0x196: {  	[tilespmem:s19], [sflag:$0x1] =	stream.linear.gather [spmem:s21], $0x1B0, $0x38;
	[tilespmem:$0x1A260] =	vst v63  }
0x197: {  	s22 =	simm.s32 $0x143A0;
	s23 =	rddreg [dreg:$0x1b]  }
0x198: {  	[tilespmem:s22], [sflag:$0x1] =	stream.linear.gather [spmem:s23], $0x1B0, $0x38;
	[tilespmem:$0x1A260] =	vst v63  }
0x199: {  	s24 =	simm.s32 $0x14550;
	s25 =	rddreg [dreg:$0x1a];
	s26 =	simm.s32 $0x1  }
0x19a: {  	[tilespmem:s24], [sflag:$0x1] =	stream.linear.gather [spmem:s25], $0x1B0, $0x38;
	[tilespmem:$0x1A260] =	vst v63  }
0x19b: {  	_ =	swait.ge [sflag:s26], $0x1B0  }
0x19c: {  	[sflag:s26] =	ssyncset.done $0x0  }
0x19d: {  	[sflag:s26] =	ssyncadd.s32 $0xFFFFFE50  }
0x19e: {  	_ =	swait.ge [sflag:s26], $0x1B0  }
0x19f: {  	[sflag:s26] =	ssyncset.done $0x0  }
0x1a0: {  	[sflag:s26] =	ssyncadd.s32 $0xFFFFFE50  }
0x1a1: {  	_ =	swait.ge [sflag:s26], $0x1B0  }
0x1a2: {  	[sflag:s26] =	ssyncset.done $0x0  }
0x1a3: {  	[sflag:s26] =	ssyncadd.s32 $0xFFFFFE50  }
0x1a4: {  	_ =	swait.ge [sflag:s26], $0x1B0  }
0x1a5: {  	[sflag:s26] =	ssyncset.done $0x0  }
0x1a6: {  	[sflag:s26] =	ssyncadd.s32 $0xFFFFFE50  }
0x1a7: {  	_ =	swait.ge [sflag:s26], $0x1B0  }
0x1a8: {  	[sflag:s26] =	ssyncset.done $0x0  }
0x1a9: {  	[sflag:s26] =	ssyncadd.s32 $0xFFFFFE50  }
0x1aa: {  	_ =	swait.ge [sflag:s26], $0x1B0  }
0x1ab: {  	[sflag:s26] =	ssyncset.done $0x0  }
0x1ac: {  	[sflag:s26] =	ssyncadd.s32 $0xFFFFFE50  }
0x1ad: {  	_ =	swait.ge [sflag:s26], $0x1B0  }
0x1ae: {  	[sflag:s26] =	ssyncset.done $0x0  }
0x1af: {  	[sflag:s26] =	ssyncadd.s32 $0xFFFFFE50  }
0x1b0: {  	_ =	swait.ge [sflag:s26], $0x1B0  }
0x1b1: {  	[sflag:s26] =	ssyncset.done $0x0  }
0x1b2: {  	[sflag:s26] =	ssyncadd.s32 $0xFFFFFE50  }
0x1b3: {  	_ =	swait.ge [sflag:s26], $0x1B0  }
0x1b4: {  	[sflag:s26] =	ssyncset.done $0x0  }
0x1b5: {  	[sflag:s26] =	ssyncadd.s32 $0xFFFFFE50  }
0x1b6: {  	_ =	swait.ge [sflag:s26], $0x1B0  }
0x1b7: {  	[sflag:s26] =	ssyncset.done $0x0  }
0x1b8: {  	[sflag:s26] =	ssyncadd.s32 $0xFFFFFE50  }
0x1b9: {  	_ =	swait.ge [sflag:s26], $0x1B0  }
0x1ba: {  	[sflag:s26] =	ssyncset.done $0x0  }
0x1bb: {  	[sflag:s26] =	ssyncadd.s32 $0xFFFFFE50  }
0x1bc: {  	_ =	swait.ge [sflag:s26], $0x1B0  }
0x1bd: {  	[sflag:s26] =	ssyncset.done $0x0  }
0x1be: {  	[sflag:s26] =	ssyncadd.s32 $0xFFFFFE50  }
0x1bf: {  	_ =	swait.ge [sflag:s26], $0x1B0  }
0x1c0: {  	[sflag:s26] =	ssyncset.done $0x0  }
0x1c1: {  	[sflag:s26] =	ssyncadd.s32 $0xFFFFFE50  }
0x1c2: {  	_ =	swait.ge [sflag:s26], $0x1B0  }
0x1c3: {  	[sflag:s26] =	ssyncset.done $0x0  }
0x1c4: {  	[sflag:s26] =	ssyncadd.s32 $0xFFFFFE50  }
0x1c5: {  	_ =	swait.ge [sflag:s26], $0x1B0  }
0x1c6: {  	[sflag:s26] =	ssyncset.done $0x0  }
0x1c7: {  	[sflag:s26] =	ssyncadd.s32 $0xFFFFFE50  }
0x1c8: {  	_ =	swait.ge [sflag:s26], $0x1B0  }
0x1c9: {  	[sflag:s26] =	ssyncset.done $0x0  }
0x1ca: {  	[sflag:s26] =	ssyncadd.s32 $0xFFFFFE50  }
0x1cb: {  	v4 =	vld [tilespmem:s0+$0xFFFFF280]  }
0x1cc: {  	v5 =	vld [tilespmem:s0+$0xFFFFF0D0];
	_ =	sdelay $0x1  }
0x1cd: {  	v6 =	vld [tilespmem:s0+$0xFFFFF430];
	_ =	sdelay $0x1  }
0x1ce: {  	v7 =	vld [tilespmem:s0+$0xFFFFF5E0]  }
0x1cf: {  	v4 =	vadd.f32 v4, v5  }
0x1d0: {  	v5 =	vld [tilespmem:s0+$0xFFFFF790]  }
0x1d1: {  	v4 =	vadd.f32 v6, v4  }
0x1d2: {  	v6 =	vld [tilespmem:s0+$0xFFFFF940]  }
0x1d3: {  	v4 =	vadd.f32 v7, v4  }
0x1d4: {  	v7 =	vld [tilespmem:s0+$0xFFFFFAF0]  }
0x1d5: {  	v4 =	vadd.f32 v5, v4  }
0x1d6: {  	s28 =	simm.s32 $0x0;
	v5 =	vld [tilespmem:s0+$0xFFFFFCA0]  }
0x1d7: {  	s2 =	sand.u32 $0x1F0, s28;
	v4 =	vadd.f32 v6, v4  }
0x1d8: {  	v6 =	vld [tilespmem:s2+$0x13980]  }
0x1d9: {  	v4 =	vadd.f32 v7, v4  }
0x1da: {  	v7 =	vld [tilespmem:s0+$0x0]  }
0x1db: {  	v4 =	vadd.f32 v5, v4  }
0x1dc: {  	v5 =	vld [tilespmem:s0+$0x1B0]  }
0x1dd: {  	v4 =	vadd.f32 v6, v4  }
0x1de: {  	v6 =	vld [tilespmem:s0+$0x360]  }
0x1df: {  	v4 =	vadd.f32 v7, v4  }
0x1e0: {  	v7 =	vld [tilespmem:s0+$0x510]  }
0x1e1: {  	v4 =	vadd.f32 v5, v4  }
0x1e2: {  	v5 =	vld [tilespmem:s0+$0x6C0]  }
0x1e3: {  	v4 =	vadd.f32 v6, v4  }
0x1e4: {  	v6 =	vld [tilespmem:s0+$0x870]  }
0x1e5: {  	v4 =	vadd.f32 v7, v4  }
0x1e6: {  	v7 =	vld [tilespmem:s0+$0xA20]  }
0x1e7: {  	v4 =	vadd.f32 v5, v4;
	_ =	sdelay $0x1  }
0x1e8: {  	v4 =	vadd.f32 v6, v4;
	_ =	sdelay $0x1  }
0x1e9: {  	v4 =	vadd.f32 v7, v4  }
0x1ea: {  	s0 =	simm.s32 $0x12800  }
0x1eb: {  	s3 =	simm.s32 $0x13B40;
	[tilespmem:s0+$0x0] =	vst v4  }
0x1ec: {  	v4 =	vld [tilespmem:s3+$0xFFFFF280]  }
0x1ed: {  	s4 =	simm.s32 $0x10;
	s2 =	simm.s32 $0x20;
	v5 =	vld [tilespmem:s3+$0xFFFFF0D0]  }
.LBB2_6:
0x1ee: {  	p1 =	sne.s32 s2, $0x1A0  }
0x1ef: {  	v6 =	vld [tilespmem:s3+$0xFFFFF430];
	_ =	sdelay $0x1  }
0x1f0: {  	v7 =	vld [tilespmem:s3+$0xFFFFF5E0]  }
0x1f1: {  	v4 =	vadd.f32 v4, v5  }
0x1f2: {  	v5 =	vld [tilespmem:s3+$0xFFFFF790]  }
0x1f3: {  	v4 =	vadd.f32 v6, v4  }
0x1f4: {  	v6 =	vld [tilespmem:s3+$0xFFFFF940]  }
0x1f5: {  	v4 =	vadd.f32 v7, v4  }
0x1f6: {  	v7 =	vld [tilespmem:s3+$0xFFFFFAF0]  }
0x1f7: {  	v4 =	vadd.f32 v5, v4  }
0x1f8: {  	v5 =	vld [tilespmem:s3+$0xFFFFFCA0]  }
0x1f9: {  	s5 =	sand.u32 $0x1F0, s4;
	s4 =	smov.u32 s2;
	v4 =	vadd.f32 v6, v4  }
0x1fa: {  	v6 =	vld [tilespmem:s5+$0x13980]  }
0x1fb: {  	v4 =	vadd.f32 v7, v4  }
0x1fc: {  	v7 =	vld [tilespmem:s3+$0x0]  }
0x1fd: {  	v4 =	vadd.f32 v5, v4  }
0x1fe: {  	v5 =	vld [tilespmem:s3+$0x1B0]  }
0x1ff: {  	v4 =	vadd.f32 v6, v4  }
0x200: {  	v6 =	vld [tilespmem:s3+$0x360]  }
0x201: {  	v4 =	vadd.f32 v7, v4  }
0x202: {  	v7 =	vld [tilespmem:s3+$0x510]  }
0x203: {  	v4 =	vadd.f32 v5, v4  }
0x204: {  	v5 =	vld [tilespmem:s3+$0x6C0]  }
0x205: {  	v4 =	vadd.f32 v6, v4  }
0x206: {  	v6 =	vld [tilespmem:s3+$0x870]  }
0x207: {  	v4 =	vadd.f32 v7, v4  }
0x208: {  	v7 =	vld [tilespmem:s3+$0xA20]  }
0x209: {  	v4 =	vadd.f32 v5, v4;
	_ =	sdelay $0x1  }
0x20a: {  	v4 =	vadd.f32 v6, v4;
	_ =	sdelay $0x1  }
.Ltmp3:
0x20b: {  	v4 =	vadd.f32 v7, v4;
	(pc) =	sbr.rel @p1 .LBB2_6-.Ltmp3, $4  }
0x20c: {  	s0 =	sadd.s32 $0x10, s0  }
0x20d: {  	s3 =	sadd.s32 $0x10, s3;
	[tilespmem:s0+$0x0] =	vst v4  }
0x20e: {  	v4 =	vld [tilespmem:s3+$0xFFFFF280]  }
0x20f: {  	s2 =	sadd.s32 $0x10, s2;
	v5 =	vld [tilespmem:s3+$0xFFFFF0D0]  }
0x210: {  	_ = 	snop  }
0x211: {  	v6 =	vld [tilespmem:s3+$0xFFFFF430];
	_ =	sdelay $0x1  }
0x212: {  	v7 =	vld [tilespmem:s3+$0xFFFFF5E0]  }
0x213: {  	v4 =	vadd.f32 v4, v5  }
0x214: {  	v5 =	vld [tilespmem:s3+$0xFFFFF790]  }
0x215: {  	v4 =	vadd.f32 v6, v4  }
0x216: {  	v6 =	vld [tilespmem:s3+$0xFFFFF940]  }
0x217: {  	v4 =	vadd.f32 v7, v4  }
0x218: {  	v7 =	vld [tilespmem:s3+$0xFFFFFAF0]  }
0x219: {  	v4 =	vadd.f32 v5, v4  }
0x21a: {  	v5 =	vld [tilespmem:s3+$0xFFFFFCA0]  }
0x21b: {  	s2 =	sand.u32 $0x1F0, s4;
	v4 =	vadd.f32 v6, v4  }
0x21c: {  	v6 =	vld [tilespmem:s2+$0x13980]  }
0x21d: {  	v4 =	vadd.f32 v7, v4  }
0x21e: {  	v7 =	vld [tilespmem:s3+$0x0]  }
0x21f: {  	v4 =	vadd.f32 v5, v4  }
0x220: {  	v5 =	vld [tilespmem:s3+$0x1B0]  }
0x221: {  	v4 =	vadd.f32 v6, v4  }
0x222: {  	v6 =	vld [tilespmem:s3+$0x360]  }
0x223: {  	v4 =	vadd.f32 v7, v4  }
0x224: {  	v7 =	vld [tilespmem:s3+$0x510]  }
0x225: {  	v4 =	vadd.f32 v5, v4  }
0x226: {  	v5 =	vld [tilespmem:s3+$0x6C0]  }
0x227: {  	v4 =	vadd.f32 v6, v4  }
0x228: {  	v6 =	vld [tilespmem:s3+$0x870]  }
0x229: {  	v4 =	vadd.f32 v7, v4  }
0x22a: {  	v7 =	vld [tilespmem:s3+$0xA20]  }
0x22b: {  	v4 =	vadd.f32 v5, v4;
	_ =	sdelay $0x1  }
0x22c: {  	v4 =	vadd.f32 v6, v4;
	_ =	sdelay $0x1  }
0x22d: {  	v4 =	vadd.f32 v7, v4  }
0x22e: {  	s0 =	sadd.s32 $0x10, s0  }
0x22f: {  	s28 =	simm.s32 $0x12C00;
	[tilespmem:s0+$0x0] =	vst v4  }
0x230: {  	[tilespmem:s28], [sflag:$0x1] =	stream.linear.gather [spmem:s18], $0x1B0, $0x38;
	[tilespmem:$0x1A260] =	vst v63  }
0x231: {  	s2 =	simm.s32 $0x12DB0;
	s3 =	rddreg [dreg:$0x19]  }
0x232: {  	[tilespmem:s2], [sflag:$0x1] =	stream.linear.gather [spmem:s3], $0x1B0, $0x38;
	[tilespmem:$0x1A260] =	vst v63  }
0x233: {  	s4 =	simm.s32 $0x12F60;
	s5 =	rddreg [dreg:$0x18]  }
0x234: {  	[tilespmem:s4], [sflag:$0x1] =	stream.linear.gather [spmem:s5], $0x1B0, $0x38;
	[tilespmem:$0x1A260] =	vst v63  }
0x235: {  	s16 =	simm.s32 $0x13110;
	s18 =	rddreg [dreg:$0x16]  }
0x236: {  	[tilespmem:s16], [sflag:$0x1] =	stream.linear.gather [spmem:s18], $0x1B0, $0x38;
	[tilespmem:$0x1A260] =	vst v63  }
0x237: {  	s19 =	simm.s32 $0x132C0;
	s21 =	rddreg [dreg:$0x17]  }
0x238: {  	[tilespmem:s19], [sflag:$0x1] =	stream.linear.gather [spmem:s21], $0x1B0, $0x38;
	[tilespmem:$0x1A260] =	vst v63  }
0x239: {  	s22 =	simm.s32 $0x13470;
	s23 =	rddreg [dreg:$0x15]  }
0x23a: {  	[tilespmem:s22], [sflag:$0x1] =	stream.linear.gather [spmem:s23], $0x1B0, $0x38;
	[tilespmem:$0x1A260] =	vst v63  }
0x23b: {  	s24 =	simm.s32 $0x13620;
	s25 =	rddreg [dreg:$0x12]  }
0x23c: {  	[tilespmem:s24], [sflag:$0x1] =	stream.linear.gather [spmem:s25], $0x1B0, $0x38;
	[tilespmem:$0x1A260] =	vst v63  }
0x23d: {  	s26 =	simm.s32 $0x137D0;
	s28 =	rddreg [dreg:$0x13]  }
0x23e: {  	[tilespmem:s26], [sflag:$0x1] =	stream.linear.gather [spmem:s28], $0x1B0, $0x38;
	[tilespmem:$0x1A260] =	vst v63  }
0x23f: {  	s2 =	simm.s32 $0x13980;
	s3 =	rddreg [dreg:$0xf]  }
0x240: {  	[tilespmem:s2], [sflag:$0x1] =	stream.linear.gather [spmem:s3], $0x1B0, $0x38;
	[tilespmem:$0x1A260] =	vst v63  }
0x241: {  	s4 =	simm.s32 $0x13B30  }
0x242: {  	[tilespmem:s4], [sflag:$0x1] =	stream.linear.gather [spmem:s15], $0x1B0, $0x38;
	[tilespmem:$0x1A260] =	vst v63  }
0x243: {  	s5 =	simm.s32 $0x13CE0;
	s15 =	rddreg [dreg:$0x14]  }
0x244: {  	[tilespmem:s5], [sflag:$0x1] =	stream.linear.gather [spmem:s15], $0x1B0, $0x38;
	[tilespmem:$0x1A260] =	vst v63  }
0x245: {  	s16 =	simm.s32 $0x13E90;
	s18 =	rddreg [dreg:$0x10]  }
0x246: {  	[tilespmem:s16], [sflag:$0x1] =	stream.linear.gather [spmem:s18], $0x1B0, $0x38;
	[tilespmem:$0x1A260] =	vst v63  }
0x247: {  	s19 =	simm.s32 $0x14040;
	s21 =	rddreg [dreg:$0xe]  }
0x248: {  	[tilespmem:s19], [sflag:$0x1] =	stream.linear.gather [spmem:s21], $0x1B0, $0x38;
	[tilespmem:$0x1A260] =	vst v63  }
0x249: {  	s22 =	simm.s32 $0x141F0;
	s23 =	rddreg [dreg:$0x11]  }
0x24a: {  	[tilespmem:s22], [sflag:$0x1] =	stream.linear.gather [spmem:s23], $0x1B0, $0x38;
	[tilespmem:$0x1A260] =	vst v63  }
0x24b: {  	s24 =	simm.s32 $0x143A0  }
0x24c: {  	[tilespmem:s24], [sflag:$0x1] =	stream.linear.gather [spmem:s17], $0x1B0, $0x38;
	[tilespmem:$0x1A260] =	vst v63  }
0x24d: {  	s25 =	simm.s32 $0x14550;
	s26 =	simm.s32 $0x1  }
0x24e: {  	[tilespmem:s25], [sflag:$0x1] =	stream.linear.gather [spmem:s14], $0x1B0, $0x38;
	[tilespmem:$0x1A260] =	vst v63  }
0x24f: {  	_ =	swait.ge [sflag:s26], $0x1B0  }
0x250: {  	[sflag:s26] =	ssyncset.done $0x0  }
0x251: {  	[sflag:s26] =	ssyncadd.s32 $0xFFFFFE50  }
0x252: {  	_ =	swait.ge [sflag:s26], $0x1B0  }
0x253: {  	[sflag:s26] =	ssyncset.done $0x0  }
0x254: {  	[sflag:s26] =	ssyncadd.s32 $0xFFFFFE50  }
0x255: {  	_ =	swait.ge [sflag:s26], $0x1B0  }
0x256: {  	[sflag:s26] =	ssyncset.done $0x0  }
0x257: {  	[sflag:s26] =	ssyncadd.s32 $0xFFFFFE50  }
0x258: {  	_ =	swait.ge [sflag:s26], $0x1B0  }
0x259: {  	[sflag:s26] =	ssyncset.done $0x0  }
0x25a: {  	[sflag:s26] =	ssyncadd.s32 $0xFFFFFE50  }
0x25b: {  	_ =	swait.ge [sflag:s26], $0x1B0  }
0x25c: {  	[sflag:s26] =	ssyncset.done $0x0  }
0x25d: {  	[sflag:s26] =	ssyncadd.s32 $0xFFFFFE50  }
0x25e: {  	_ =	swait.ge [sflag:s26], $0x1B0  }
0x25f: {  	[sflag:s26] =	ssyncset.done $0x0  }
0x260: {  	[sflag:s26] =	ssyncadd.s32 $0xFFFFFE50  }
0x261: {  	_ =	swait.ge [sflag:s26], $0x1B0  }
0x262: {  	[sflag:s26] =	ssyncset.done $0x0  }
0x263: {  	[sflag:s26] =	ssyncadd.s32 $0xFFFFFE50  }
0x264: {  	_ =	swait.ge [sflag:s26], $0x1B0  }
0x265: {  	[sflag:s26] =	ssyncset.done $0x0  }
0x266: {  	[sflag:s26] =	ssyncadd.s32 $0xFFFFFE50  }
0x267: {  	_ =	swait.ge [sflag:s26], $0x1B0  }
0x268: {  	[sflag:s26] =	ssyncset.done $0x0  }
0x269: {  	[sflag:s26] =	ssyncadd.s32 $0xFFFFFE50  }
0x26a: {  	_ =	swait.ge [sflag:s26], $0x1B0  }
0x26b: {  	[sflag:s26] =	ssyncset.done $0x0  }
0x26c: {  	[sflag:s26] =	ssyncadd.s32 $0xFFFFFE50  }
0x26d: {  	_ =	swait.ge [sflag:s26], $0x1B0  }
0x26e: {  	[sflag:s26] =	ssyncset.done $0x0  }
0x26f: {  	[sflag:s26] =	ssyncadd.s32 $0xFFFFFE50  }
0x270: {  	_ =	swait.ge [sflag:s26], $0x1B0  }
0x271: {  	[sflag:s26] =	ssyncset.done $0x0  }
0x272: {  	[sflag:s26] =	ssyncadd.s32 $0xFFFFFE50  }
0x273: {  	_ =	swait.ge [sflag:s26], $0x1B0  }
0x274: {  	[sflag:s26] =	ssyncset.done $0x0  }
0x275: {  	[sflag:s26] =	ssyncadd.s32 $0xFFFFFE50  }
0x276: {  	_ =	swait.ge [sflag:s26], $0x1B0  }
0x277: {  	[sflag:s26] =	ssyncset.done $0x0  }
0x278: {  	[sflag:s26] =	ssyncadd.s32 $0xFFFFFE50  }
0x279: {  	_ =	swait.ge [sflag:s26], $0x1B0  }
0x27a: {  	[sflag:s26] =	ssyncset.done $0x0  }
0x27b: {  	[sflag:s26] =	ssyncadd.s32 $0xFFFFFE50  }
0x27c: {  	_ =	swait.ge [sflag:s26], $0x1B0  }
0x27d: {  	[sflag:s26] =	ssyncset.done $0x0  }
0x27e: {  	[sflag:s26] =	ssyncadd.s32 $0xFFFFFE50  }
0x27f: {  	v4 =	vld [tilespmem:s4+$0xFFFFF280]  }
0x280: {  	v5 =	vld [tilespmem:s4+$0xFFFFF0D0];
	_ =	sdelay $0x1  }
0x281: {  	v6 =	vld [tilespmem:s4+$0xFFFFF430];
	_ =	sdelay $0x1  }
0x282: {  	v7 =	vld [tilespmem:s4+$0xFFFFF5E0]  }
0x283: {  	v4 =	vadd.f32 v4, v5  }
0x284: {  	v5 =	vld [tilespmem:s4+$0xFFFFF790]  }
0x285: {  	v4 =	vadd.f32 v6, v4  }
0x286: {  	v6 =	vld [tilespmem:s4+$0xFFFFF940]  }
0x287: {  	v4 =	vadd.f32 v7, v4  }
0x288: {  	v7 =	vld [tilespmem:s4+$0xFFFFFAF0]  }
0x289: {  	v4 =	vadd.f32 v5, v4  }
0x28a: {  	s28 =	simm.s32 $0x0;
	v5 =	vld [tilespmem:s4+$0xFFFFFCA0]  }
0x28b: {  	s2 =	sand.u32 $0x1F0, s28;
	v4 =	vadd.f32 v6, v4  }
0x28c: {  	v6 =	vld [tilespmem:s2+$0x13980]  }
0x28d: {  	v4 =	vadd.f32 v7, v4  }
0x28e: {  	v7 =	vld [tilespmem:s4+$0x0]  }
0x28f: {  	v4 =	vadd.f32 v5, v4  }
0x290: {  	v5 =	vld [tilespmem:s4+$0x1B0]  }
0x291: {  	v4 =	vadd.f32 v6, v4  }
0x292: {  	v6 =	vld [tilespmem:s4+$0x360]  }
0x293: {  	v4 =	vadd.f32 v7, v4  }
0x294: {  	v7 =	vld [tilespmem:s4+$0x510]  }
0x295: {  	v4 =	vadd.f32 v5, v4  }
0x296: {  	v5 =	vld [tilespmem:s4+$0x6C0]  }
0x297: {  	v4 =	vadd.f32 v6, v4  }
0x298: {  	v6 =	vld [tilespmem:s4+$0x870]  }
0x299: {  	v4 =	vadd.f32 v7, v4  }
0x29a: {  	v7 =	vld [tilespmem:s4+$0xA20]  }
0x29b: {  	v4 =	vadd.f32 v5, v4;
	_ =	sdelay $0x1  }
0x29c: {  	v4 =	vadd.f32 v6, v4;
	_ =	sdelay $0x1  }
0x29d: {  	v4 =	vadd.f32 v7, v4  }
0x29e: {  	s0 =	simm.s32 $0x12A00  }
0x29f: {  	s2 =	simm.s32 $0x13B40;
	[tilespmem:s0+$0x0] =	vst v4  }
0x2a0: {  	v4 =	vld [tilespmem:s2+$0xFFFFF280]  }
0x2a1: {  	s3 =	simm.s32 $0x10;
	s4 =	simm.s32 $0x20;
	v5 =	vld [tilespmem:s2+$0xFFFFF0D0]  }
.LBB2_8:
0x2a2: {  	p1 =	sne.s32 s4, $0x1A0  }
0x2a3: {  	v6 =	vld [tilespmem:s2+$0xFFFFF430];
	_ =	sdelay $0x1  }
0x2a4: {  	v7 =	vld [tilespmem:s2+$0xFFFFF5E0]  }
0x2a5: {  	v4 =	vadd.f32 v4, v5  }
0x2a6: {  	v5 =	vld [tilespmem:s2+$0xFFFFF790]  }
0x2a7: {  	v4 =	vadd.f32 v6, v4  }
0x2a8: {  	v6 =	vld [tilespmem:s2+$0xFFFFF940]  }
0x2a9: {  	v4 =	vadd.f32 v7, v4  }
0x2aa: {  	v7 =	vld [tilespmem:s2+$0xFFFFFAF0]  }
0x2ab: {  	v4 =	vadd.f32 v5, v4  }
0x2ac: {  	v5 =	vld [tilespmem:s2+$0xFFFFFCA0]  }
0x2ad: {  	s5 =	sand.u32 $0x1F0, s3;
	s3 =	smov.u32 s4;
	v4 =	vadd.f32 v6, v4  }
0x2ae: {  	v6 =	vld [tilespmem:s5+$0x13980]  }
0x2af: {  	v4 =	vadd.f32 v7, v4  }
0x2b0: {  	v7 =	vld [tilespmem:s2+$0x0]  }
0x2b1: {  	v4 =	vadd.f32 v5, v4  }
0x2b2: {  	v5 =	vld [tilespmem:s2+$0x1B0]  }
0x2b3: {  	v4 =	vadd.f32 v6, v4  }
0x2b4: {  	v6 =	vld [tilespmem:s2+$0x360]  }
0x2b5: {  	v4 =	vadd.f32 v7, v4  }
0x2b6: {  	v7 =	vld [tilespmem:s2+$0x510]  }
0x2b7: {  	v4 =	vadd.f32 v5, v4  }
0x2b8: {  	v5 =	vld [tilespmem:s2+$0x6C0]  }
0x2b9: {  	v4 =	vadd.f32 v6, v4  }
0x2ba: {  	v6 =	vld [tilespmem:s2+$0x870]  }
0x2bb: {  	v4 =	vadd.f32 v7, v4  }
0x2bc: {  	v7 =	vld [tilespmem:s2+$0xA20]  }
0x2bd: {  	v4 =	vadd.f32 v5, v4;
	_ =	sdelay $0x1  }
0x2be: {  	v4 =	vadd.f32 v6, v4;
	_ =	sdelay $0x1  }
.Ltmp4:
0x2bf: {  	v4 =	vadd.f32 v7, v4;
	(pc) =	sbr.rel @p1 .LBB2_8-.Ltmp4, $4  }
0x2c0: {  	s0 =	sadd.s32 $0x10, s0  }
0x2c1: {  	s2 =	sadd.s32 $0x10, s2;
	[tilespmem:s0+$0x0] =	vst v4  }
0x2c2: {  	v4 =	vld [tilespmem:s2+$0xFFFFF280]  }
0x2c3: {  	s4 =	sadd.s32 $0x10, s4;
	v5 =	vld [tilespmem:s2+$0xFFFFF0D0]  }
0x2c4: {  	_ = 	snop  }
0x2c5: {  	v6 =	vld [tilespmem:s2+$0xFFFFF430];
	_ =	sdelay $0x1  }
0x2c6: {  	v7 =	vld [tilespmem:s2+$0xFFFFF5E0]  }
0x2c7: {  	v4 =	vadd.f32 v4, v5  }
0x2c8: {  	v5 =	vld [tilespmem:s2+$0xFFFFF790]  }
0x2c9: {  	v4 =	vadd.f32 v6, v4  }
0x2ca: {  	v6 =	vld [tilespmem:s2+$0xFFFFF940]  }
0x2cb: {  	v4 =	vadd.f32 v7, v4  }
0x2cc: {  	v7 =	vld [tilespmem:s2+$0xFFFFFAF0]  }
0x2cd: {  	v4 =	vadd.f32 v5, v4  }
0x2ce: {  	v5 =	vld [tilespmem:s2+$0xFFFFFCA0]  }
0x2cf: {  	s3 =	sand.u32 $0x1F0, s3;
	v4 =	vadd.f32 v6, v4  }
0x2d0: {  	v6 =	vld [tilespmem:s3+$0x13980]  }
0x2d1: {  	v4 =	vadd.f32 v7, v4  }
0x2d2: {  	v7 =	vld [tilespmem:s2+$0x0]  }
0x2d3: {  	v4 =	vadd.f32 v5, v4  }
0x2d4: {  	v5 =	vld [tilespmem:s2+$0x1B0]  }
0x2d5: {  	v4 =	vadd.f32 v6, v4  }
0x2d6: {  	v6 =	vld [tilespmem:s2+$0x360]  }
0x2d7: {  	v4 =	vadd.f32 v7, v4  }
0x2d8: {  	v7 =	vld [tilespmem:s2+$0x510]  }
0x2d9: {  	v4 =	vadd.f32 v5, v4  }
0x2da: {  	v5 =	vld [tilespmem:s2+$0x6C0]  }
0x2db: {  	v4 =	vadd.f32 v6, v4  }
0x2dc: {  	v6 =	vld [tilespmem:s2+$0x870]  }
0x2dd: {  	v4 =	vadd.f32 v7, v4  }
0x2de: {  	v7 =	vld [tilespmem:s2+$0xA20]  }
0x2df: {  	v4 =	vadd.f32 v5, v4;
	_ =	sdelay $0x1  }
0x2e0: {  	v4 =	vadd.f32 v6, v4;
	_ =	sdelay $0x1  }
0x2e1: {  	v4 =	vadd.f32 v7, v4  }
0x2e2: {  	s0 =	sadd.s32 $0x10, s0  }
0x2e3: {  	[tilespmem:s0+$0x0] =	vst v4;
	s0 =	simm.s32 $0x0  }
0x2e4: {  	v4 =	vld [tilespmem:s0+$0x12800]  }
0x2e5: {  	v5 =	vld [tilespmem:s0+$0x12600];
	_ =	sdelay $0x1  }
0x2e6: {  	v6 =	vld [tilespmem:s0+$0x12A00];
	_ =	sdelay $0x2  }
0x2e7: {  	v7 =	vmul.f32 v5, v5;
	v8 =	vmul.f32 v4, v4;
	_ =	sdelay $0x1  }
0x2e8: {  	v7 =	vadd.f32 v8, v7;
	v8 =	vmul.f32 v6, v6;
	_ =	sdelay $0x1  }
0x2e9: {  	v7 =	vadd.f32 v8, v7;
	_ =	sdelay $0x1  }
0x2ea: {  	v8 =	vmax.f32 v7, $1.000000000e-30  }
0x2eb: {  	v9 =	vshrl.u32 v8, $0x1;
	v8 =	vmul.f32 $5.000000000e-01, v8  }
0x2ec: {  	v9 =	vsub.s32 $0x5F3759DF, v9  }
0x2ed: {  	v10 =	vmul.f32 v9, v8;
	_ =	sdelay $0x1  }
0x2ee: {  	v10 =	vmul.f32 v9, v10;
	_ =	sdelay $0x1  }
0x2ef: {  	v10 =	vsub.f32 $1.500000000e+00, v10;
	_ =	sdelay $0x1  }
0x2f0: {  	v9 =	vmul.f32 v9, v10;
	_ =	sdelay $0x1  }
0x2f1: {  	v10 =	vmul.f32 v9, v8;
	_ =	sdelay $0x1  }
0x2f2: {  	v10 =	vmul.f32 v10, v9;
	_ =	sdelay $0x1  }
0x2f3: {  	v10 =	vsub.f32 $1.500000000e+00, v10;
	_ =	sdelay $0x1  }
0x2f4: {  	v9 =	vmul.f32 v10, v9;
	_ =	sdelay $0x1  }
0x2f5: {  	v10 =	vmul.f32 v9, v8;
	_ =	sdelay $0x1  }
0x2f6: {  	v10 =	vmul.f32 v10, v9;
	_ =	sdelay $0x1  }
0x2f7: {  	v10 =	vsub.f32 $1.500000000e+00, v10;
	_ =	sdelay $0x1  }
0x2f8: {  	v9 =	vmul.f32 v10, v9;
	_ =	sdelay $0x1  }
0x2f9: {  	v8 =	vmul.f32 v9, v8;
	_ =	sdelay $0x1  }
0x2fa: {  	v8 =	vmul.f32 v8, v9;
	_ =	sdelay $0x1  }
0x2fb: {  	v8 =	vsub.f32 $1.500000000e+00, v8;
	_ =	sdelay $0x1  }
0x2fc: {  	v8 =	vmul.f32 v8, v9  }
0x2fd: {  	vm0 =	vlt.f32 v7, $1.000000000e-30  }
0x2fe: {  	v8 =	vsel vm0, $0x0, v8  }
0x2ff: {  	v7 =	vmul.f32 v8, v7;
	_ =	sdelay $0x1  }
0x300: {  	v7 =	vadd.f32 $9.999999960e-13, v7;
	_ =	sdelay $0x1  }
0x301: {  	s2 =	simm.s32 $0x40;
	(erf) = vrcp.f32 v7  }
.LBB2_10:
0x302: {  	_ = 	snop  }
0x303: {  	p1 =	sne.s32 s2, $0x680;
	s3 =	smov.u32 s2;
	s2 =	sadd.s32 $0x40, s2  }
0x304: {  	s3 =	sshra.s32 s3, $0x2;
	_ =	sdelay $0x5  }
0x305: {  	v7 =	vpop (erf)  }
0x306: {  	v4 =	vmul.f32 v7, v4;
	v6 =	vmul.f32 v7, v6  }
0x307: {  	v5 =	vmul.f32 v7, v5  }
0x308: {  	[tilespmem:s0+$0x12800] =	vst v4  }
0x309: {  	v4 =	vld [tilespmem:s3+$0x12800];
	[tilespmem:s0+$0x12600] =	vst v5  }
0x30a: {  	v5 =	vld [tilespmem:s3+$0x12600];
	[tilespmem:s0+$0x12A00] =	vst v6;
	s0 =	smov.u32 s3;
	_ =	sdelay $0x1  }
0x30b: {  	v6 =	vld [tilespmem:s0+$0x12A00];
	_ =	sdelay $0x2  }
0x30c: {  	v8 =	vmul.f32 v4, v4;
	v7 =	vmul.f32 v5, v5;
	_ =	sdelay $0x1  }
0x30d: {  	v7 =	vadd.f32 v8, v7;
	v8 =	vmul.f32 v6, v6;
	_ =	sdelay $0x1  }
0x30e: {  	v7 =	vadd.f32 v8, v7;
	_ =	sdelay $0x1  }
0x30f: {  	v8 =	vmax.f32 v7, $1.000000000e-30  }
0x310: {  	v9 =	vshrl.u32 v8, $0x1;
	v8 =	vmul.f32 $5.000000000e-01, v8  }
0x311: {  	v9 =	vsub.s32 $0x5F3759DF, v9  }
0x312: {  	v10 =	vmul.f32 v9, v8;
	_ =	sdelay $0x1  }
0x313: {  	v10 =	vmul.f32 v9, v10;
	_ =	sdelay $0x1  }
0x314: {  	v10 =	vsub.f32 $1.500000000e+00, v10;
	_ =	sdelay $0x1  }
0x315: {  	v9 =	vmul.f32 v9, v10;
	_ =	sdelay $0x1  }
0x316: {  	v10 =	vmul.f32 v9, v8;
	_ =	sdelay $0x1  }
0x317: {  	v10 =	vmul.f32 v10, v9;
	_ =	sdelay $0x1  }
0x318: {  	v10 =	vsub.f32 $1.500000000e+00, v10;
	_ =	sdelay $0x1  }
0x319: {  	v9 =	vmul.f32 v10, v9;
	_ =	sdelay $0x1  }
0x31a: {  	v10 =	vmul.f32 v9, v8;
	_ =	sdelay $0x1  }
0x31b: {  	v10 =	vmul.f32 v10, v9;
	_ =	sdelay $0x1  }
0x31c: {  	v10 =	vsub.f32 $1.500000000e+00, v10;
	_ =	sdelay $0x1  }
0x31d: {  	v9 =	vmul.f32 v10, v9;
	_ =	sdelay $0x1  }
0x31e: {  	v8 =	vmul.f32 v9, v8;
	_ =	sdelay $0x1  }
0x31f: {  	v8 =	vmul.f32 v8, v9;
	_ =	sdelay $0x1  }
0x320: {  	v8 =	vsub.f32 $1.500000000e+00, v8;
	_ =	sdelay $0x1  }
0x321: {  	v8 =	vmul.f32 v8, v9  }
0x322: {  	vm0 =	vlt.f32 v7, $1.000000000e-30  }
0x323: {  	v8 =	vsel vm0, $0x0, v8  }
.Ltmp5:
0x324: {  	v7 =	vmul.f32 v8, v7;
	(pc) =	sbr.rel @p1 .LBB2_10-.Ltmp5, $3  }
0x325: {  	_ = 	snop  }
0x326: {  	v7 =	vadd.f32 $9.999999960e-13, v7;
	_ =	sdelay $0x1  }
0x327: {  	(erf) = vrcp.f32 v7  }
0x328: {  	_ =	sdelay $0x7  }
0x329: {  	v7 =	vpop (erf)  }
0x32a: {  	v4 =	vmul.f32 v7, v4  }
0x32b: {  	v5 =	vmul.f32 v7, v5  }
0x32c: {  	v6 =	vmul.f32 v7, v6;
	[tilespmem:s0+$0x12800] =	vst v4  }
0x32d: {  	[tilespmem:s0+$0x12600] =	vst v5  }
0x32e: {  	s23 =	simm.s32 $0x12600;
	[tilespmem:s0+$0x12A00] =	vst v6  }
0x32f: {  	[spmem:s12] =	stream.linear.scatter [tilespmem:s23], [sflag:$0x1], $0x1B0, $0x38;
	[tilespmem:$0x1A260] =	vst v63  }
0x330: {  	s24 =	simm.s32 $0x12800  }
0x331: {  	[spmem:s11] =	stream.linear.scatter [tilespmem:s24], [sflag:$0x1], $0x1B0, $0x38;
	[tilespmem:$0x1A260] =	vst v63  }
0x332: {  	s25 =	simm.s32 $0x12A00;
	s4 =	simm.s32 $0x1  }
0x333: {  	[spmem:s13] =	stream.linear.scatter [tilespmem:s25], [sflag:$0x1], $0x1B0, $0x38;
	[tilespmem:$0x1A260] =	vst v63  }
0x334: {  	_ =	swait.ge [sflag:s4], $0x1B0  }
0x335: {  	[sflag:s4] =	ssyncset.done $0x0  }
0x336: {  	[sflag:s4] =	ssyncadd.s32 $0xFFFFFE50  }
0x337: {  	_ =	swait.ge [sflag:s4], $0x1B0  }
0x338: {  	[sflag:s4] =	ssyncset.done $0x0  }
0x339: {  	[sflag:s4] =	ssyncadd.s32 $0xFFFFFE50  }
0x33a: {  	_ =	swait.ge [sflag:s4], $0x1B0  }
0x33b: {  	[sflag:s4] =	ssyncset.done $0x0  }
0x33c: {  	[sflag:s4] =	ssyncadd.s32 $0xFFFFFE50  }
0x33d: {  	s0 =	simm.s32 $0x5100;
	[bflag:$0x0] =	sbarrier.arrive $0xFFFF  }
0x33e: {  	[tilespmem:s0], [sflag:$0x1] =	stream.linear.gather [spmem:s10], $0x1B00, $0x38;
	[tilespmem:$0x1A260] =	vst v63  }
0x33f: {  	s2 =	simm.s32 $0x6C00  }
0x340: {  	[tilespmem:s2], [sflag:$0x1] =	stream.linear.gather [spmem:s6], $0x1B00, $0x38;
	[tilespmem:$0x1A260] =	vst v63  }
0x341: {  	s3 =	simm.s32 $0x8700  }
0x342: {  	[tilespmem:s3], [sflag:$0x1] =	stream.linear.gather [spmem:s8], $0x1B00, $0x38;
	[tilespmem:$0x1A260] =	vst v63  }
0x343: {  	_ =	swait.ge [sflag:s4], $0x1B00  }
0x344: {  	[sflag:s4] =	ssyncset.done $0x0  }
0x345: {  	[sflag:s4] =	ssyncadd.s32 $0xFFFFE500  }
0x346: {  	_ =	swait.ge [sflag:s4], $0x1B00  }
0x347: {  	[sflag:s4] =	ssyncset.done $0x0  }
0x348: {  	[sflag:s4] =	ssyncadd.s32 $0xFFFFE500  }
0x349: {  	_ =	swait.ge [sflag:s4], $0x1B00  }
0x34a: {  	[sflag:s4] =	ssyncset.done $0x0  }
0x34b: {  	s26 =	simm.s32 $0x0;
	[sflag:s4] =	ssyncadd.s32 $0xFFFFE500  }
0x34c: {  	v4 =	vld [tilespmem:s26+$0x11880];
	_ =	sdelay $0x6  }
0x34d: {  	s4 =	simm.s32 $0xBD00  }
0x34e: {  	v5 =	vld.idx.msk [tilespmem:v4+s4+$0x0], $0xffff;
	_ =	sdelay $0x3  }
0x34f: {  	s5 =	simm.s32 $0x1B00  }
0x350: {  	s6 =	simm.s32 $0x0;
	v6 =	vld.idx.msk [tilespmem:v4+s5+$0x0], $0xffff  }
0x351: {  	s8 =	simm.s32 $0x3600;
	v7 =	vld.idx.msk [tilespmem:v4+s6+$0x0], $0xffff  }
0x352: {  	v8 =	vld.idx.msk [tilespmem:v4+s8+$0x0], $0xffff  }
0x353: {  	v9 =	vld.idx.msk [tilespmem:v5+s8+$0x0], $0xffff  }
0x354: {  	v10 =	vld.idx.msk [tilespmem:v5+s6+$0x0], $0xffff  }
0x355: {  	v11 =	vld.idx.msk [tilespmem:v5+s5+$0x0], $0xffff  }
0x356: {  	v12 =	vld.idx.msk [tilespmem:v5+s0+$0x0], $0xffff  }
0x357: {  	v13 =	vld.idx.msk [tilespmem:v5+s2+$0x0], $0xffff;
	_ =	sdelay $0x1  }
0x358: {  	v5 =	vld.idx.msk [tilespmem:v5+s3+$0x0], $0xffff  }
0x359: {  	v7 =	vsub.f32 v7, v10;
	v6 =	vsub.f32 v6, v11;
	_ =	sdelay $0x1  }
0x35a: {  	v8 =	vsub.f32 v8, v9;
	v7 =	vmul.f32 v7, v12;
	v6 =	vmul.f32 v6, v13;
	_ =	sdelay $0x1  }
0x35b: {  	v5 =	vmul.f32 v8, v5;
	v6 =	vadd.f32 v6, v7;
	_ =	sdelay $0x1  }
0x35c: {  	v5 =	vadd.f32 v5, v6;
	_ =	sdelay $0x1  }
0x35d: {  	vm0 =	vge.f32 v5, $0.0e+00  }
0x35e: {  	v5 =	vimm.s32 $0x0;
	vm1 =	vmneg vm0  }
0x35f: {  	v6 =	vsel vm1, $0x1, v5  }
0x360: {  	s11 =	simm.s32 $0x14700;
	s10 =	simm.s32 $0x2;
	vm0 =	vmmov $0xffff;
	[tilespmem:$0x14700] =	vst v6  }
0x361: {  	[spmem:s1] =	stream.indirect_vreg.scatter [tilespmem:s11], [sflag:$0x2], $0x1, v4, vm0, $0xb8;
	[tilespmem:$0x1A260] =	vst v63  }
0x362: {  	_ =	swait.ge [sflag:s10], $0x10  }
0x363: {  	[sflag:s10] =	ssyncset.done $0x0  }
0x364: {  	s28 =	simm.s32 $0x10;
	[sflag:s10] =	ssyncadd.s32 $0xFFFFFFF0  }
0x365: {  	s12 =	simm.s32 $0xA200;
	v6 =	vld [tilespmem:s28+$0x11880]  }
0x366: {  	v7 =	vld.idx.msk [tilespmem:v4+s12+$0x0], $0xffff;
	_ =	sdelay $0x4  }
0x367: {  	v7 =	vmul.f32 v7, v3;
	_ =	sdelay $0x1  }
0x368: {  	v7 =	vadd.f32 v7, v7;
	v8 =	vld.idx.msk [tilespmem:v6+s4+$0x0], $0xffff;
	_ =	sdelay $0x1  }
0x369: {  	v7 =	vmul.f32 $1.442695020e+00, v7  }
0x36a: {  	s13 =	simm.s32 $0xD800  }
0x36b: {  	v4 =	vld.idx.msk [tilespmem:v4+s13+$0x0], $0xffff;
	(erf) = vpow2.f32 v7  }
0x36c: {  	v9 =	vld.idx.msk [tilespmem:v6+s6+$0x0], $0xffff  }
0x36d: {  	v10 =	vld.idx.msk [tilespmem:v6+s8+$0x0], $0xffff  }
0x36e: {  	v7 =	vld.idx.msk [tilespmem:v6+s5+$0x0], $0xffff  }
0x36f: {  	v11 =	vld.idx.msk [tilespmem:v8+s8+$0x0], $0xffff  }
0x370: {  	v12 =	vld.idx.msk [tilespmem:v8+s6+$0x0], $0xffff  }
0x371: {  	v4 =	vmul.f32 $5.000000000e+00, v4;
	v13 =	vld.idx.msk [tilespmem:v8+s5+$0x0], $0xffff  }
0x372: {  	v14 =	vld.idx.msk [tilespmem:v8+s0+$0x0], $0xffff  }
0x373: {  	v4 =	vadd.f32 $1.000000000e+00, v4;
	v15 =	vld.idx.msk [tilespmem:v8+s2+$0x0], $0xffff  }
0x374: {  	v16 =	vpop (erf)  }
0x375: {  	(erf) = vrcp.f32 v4;
	v4 =	vld.idx.msk [tilespmem:v8+s3+$0x0], $0xffff;
	v16 =	vadd.f32 $1.000000000e+00, v16  }
0x376: {  	v8 =	vsub.f32 v9, v12;
	v7 =	vsub.f32 v7, v13  }
0x377: {  	(erf) = vrcp.f32 v16  }
0x378: {  	v9 =	vsub.f32 v10, v11;
	v8 =	vmul.f32 v8, v14;
	v7 =	vmul.f32 v7, v15;
	_ =	sdelay $0x1  }
0x379: {  	v4 =	vmul.f32 v9, v4;
	v7 =	vadd.f32 v7, v8;
	_ =	sdelay $0x1  }
0x37a: {  	v4 =	vadd.f32 v4, v7;
	_ =	sdelay $0x2  }
0x37b: {  	v7 =	vpop (erf);
	vm2 =	vge.f32 v4, $0.0e+00  }
0x37c: {  	vm2 =	vmneg vm2;
	v4 =	vpop (erf)  }
0x37d: {  	v8 =	vsel vm2, $0x1, v5;
	v4 =	vadd.f32 v4, v4  }
0x37e: {  	v9 =	vsel vm1, $0x3F800000, v5;
	[tilespmem:$0x14700] =	vst v8  }
0x37f: {  	v13 =	vsub.f32 $1.000000000e+00, v9;
	v7 =	vmul.f32 $3.999999910e-02, v7;
	[spmem:s1] =	stream.indirect_vreg.scatter [tilespmem:s11], [sflag:$0x2], $0x1, v6, vm0, $0xb8;
	v4 =	vsub.f32 $1.000000000e+00, v4;
	[tilespmem:$0x1A260] =	vst v63  }
0x380: {  	v8 =	vimm.f32 $0.0e+00;
	_ =	swait.ge [sflag:s10], $0x10  }
0x381: {  	s14 =	simm.s32 $0x80;
	v12 =	vsel vm2, $0x3F800000, v5;
	[sflag:s10] =	ssyncset.done $0x0;
	v14 =	vmul.f32 v4, v7;
	v4 =	vadd.f32 v13, v8  }
.LBB2_12:
0x382: {  	p1 =	sne.s32 s14, $0xC0  }
0x383: {  	[sflag:s10] =	ssyncadd.s32 $0xFFFFFFF0;
	v7 =	vmul.f32 v14, v13;
	s15 =	smov.u32 s14;
	s14 =	sadd.s32 $0x40, s14  }
0x384: {  	s15 =	sshra.s32 s15, $0x2;
	v9 =	vld.idx.msk [tilespmem:v6+s12+$0x0], $0xffff  }
0x385: {  	v10 =	vld [tilespmem:s15+$0x11880];
	v8 =	vadd.f32 v7, v8  }
0x386: {  	v7 =	vld.idx.msk [tilespmem:v6+s13+$0x0], $0xffff;
	_ =	sdelay $0x3  }
0x387: {  	v9 =	vmul.f32 v9, v3;
	v6 =	vmov v10;
	_ =	sdelay $0x1  }
0x388: {  	v7 =	vmul.f32 $5.000000000e+00, v7;
	v9 =	vadd.f32 v9, v9  }
0x389: {  	v10 =	vld.idx.msk [tilespmem:v10+s4+$0x0], $0xffff  }
0x38a: {  	v7 =	vadd.f32 $1.000000000e+00, v7;
	v9 =	vmul.f32 $1.442695020e+00, v9;
	_ =	sdelay $0x1  }
0x38b: {  	(erf) = vpow2.f32 v9  }
0x38c: {  	(erf) = vrcp.f32 v7  }
0x38d: {  	v7 =	vld.idx.msk [tilespmem:v6+s5+$0x0], $0xffff  }
0x38e: {  	v9 =	vld.idx.msk [tilespmem:v6+s6+$0x0], $0xffff  }
0x38f: {  	v11 =	vld.idx.msk [tilespmem:v6+s8+$0x0], $0xffff  }
0x390: {  	v13 =	vld.idx.msk [tilespmem:v10+s8+$0x0], $0xffff  }
0x391: {  	v14 =	vld.idx.msk [tilespmem:v10+s6+$0x0], $0xffff  }
0x392: {  	v15 =	vld.idx.msk [tilespmem:v10+s5+$0x0], $0xffff  }
0x393: {  	v16 =	vld.idx.msk [tilespmem:v10+s0+$0x0], $0xffff  }
0x394: {  	v17 =	vld.idx.msk [tilespmem:v10+s2+$0x0], $0xffff;
	v18 =	vpop (erf)  }
0x395: {  	v10 =	vld.idx.msk [tilespmem:v10+s3+$0x0], $0xffff;
	v18 =	vadd.f32 $1.000000000e+00, v18;
	v19 =	vpop (erf)  }
0x396: {  	v11 =	vsub.f32 v11, v13  }
0x397: {  	v9 =	vsub.f32 v9, v14;
	(erf) = vrcp.f32 v18  }
0x398: {  	v7 =	vsub.f32 v7, v15  }
0x399: {  	v9 =	vmul.f32 v9, v16  }
0x39a: {  	v7 =	vmul.f32 v7, v17  }
0x39b: {  	v10 =	vmul.f32 v11, v10  }
0x39c: {  	v7 =	vadd.f32 v7, v9;
	_ =	sdelay $0x1  }
0x39d: {  	v9 =	vadd.f32 v10, v7;
	_ =	sdelay $0x1  }
0x39e: {  	vm1 =	vge.f32 v9, $0.0e+00;
	v7 =	vpop (erf)  }
0x39f: {  	vm1 =	vmneg vm1;
	v7 =	vadd.f32 v7, v7  }
.Ltmp6:
0x3a0: {  	v11 =	vmul.f32 $3.999999910e-02, v19;
	v9 =	vsel vm1, $0x1, v5;
	v10 =	vsel vm1, $0x3F800000, v5;
	(pc) =	sbr.rel @p1 .LBB2_12-.Ltmp6, $4  }
0x3a1: {  	[tilespmem:$0x14700] =	vst v9;
	v7 =	vsub.f32 $1.000000000e+00, v7  }
0x3a2: {  	v13 =	vsub.f32 $1.000000000e+00, v12;
	v12 =	vmov v10;
	[spmem:s1] =	stream.indirect_vreg.scatter [tilespmem:s11], [sflag:$0x2], $0x1, v6, vm0, $0xb8;
	[tilespmem:$0x1A260] =	vst v63  }
0x3a3: {  	_ =	swait.ge [sflag:s10], $0x10;
	v14 =	vmul.f32 v7, v11  }
0x3a4: {  	v4 =	vadd.f32 v13, v4;
	[sflag:s10] =	ssyncset.done $0x0  }
0x3a5: {  	_ =	sdelay $0x2  }
0x3a6: {  	[sflag:s10] =	ssyncadd.s32 $0xFFFFFFF0  }
0x3a7: {  	v5 =	vld.idx.msk [tilespmem:v6+s12+$0x0], $0xffff;
	_ =	sdelay $0x4  }
0x3a8: {  	v3 =	vmul.f32 v5, v3;
	_ =	sdelay $0x1  }
0x3a9: {  	v3 =	vadd.f32 v3, v3;
	_ =	sdelay $0x1  }
0x3aa: {  	v3 =	vmul.f32 $1.442695020e+00, v3;
	_ =	sdelay $0x1  }
0x3ab: {  	(erf) = vpow2.f32 v3;
	_ =	sdelay $0x1  }
0x3ac: {  	v3 =	vld.idx.msk [tilespmem:v6+s13+$0x0], $0xffff;
	_ =	sdelay $0x4  }
0x3ad: {  	v3 =	vmul.f32 $5.000000000e+00, v3;
	_ =	sdelay $0x1  }
0x3ae: {  	v3 =	vadd.f32 $1.000000000e+00, v3;
	v5 =	vpop (erf)  }
0x3af: {  	v5 =	vadd.f32 $1.000000000e+00, v5  }
0x3b0: {  	(erf) = vrcp.f32 v3  }
0x3b1: {  	(erf) = vrcp.f32 v5;
	_ =	sdelay $0x5  }
0x3b2: {  	s0 =	smul.u32 $0x6C0, s31;
	_ =	sdelay $0x1  }
0x3b3: {  	s6 =	sshrl.u32 s0, $0x2;
	v3 =	vpop (erf)  }
0x3b4: {  	s2 =	sadd.s32 $0xA200, s6;
	v5 =	vpop (erf)  }
0x3b5: {  	s21 =	simm.s32 $0xF300;
	s22 =	simm.s32 $0x2;
	v6 =	vmov s2;
	[bflag:$0x0] =	sbarrier.arrive $0xFFFF  }
0x3b6: {  	[tilespmem:s21], [sflag:$0x2] =	stream.linear.gather [spmem:s1], $0x1B00, $0x38;
	[tilespmem:$0x1A260] =	vst v63  }
0x3b7: {  	_ =	swait.ge [sflag:s22], $0x1B00  }
0x3b8: {  	[sflag:s22] =	ssyncset.done $0x0  }
0x3b9: {  	s8 =	simm.s32 $0x0;
	[sflag:s22] =	ssyncadd.s32 $0xFFFFE500  }
0x3ba: {  	v15 =	vld.idx.msk [tilespmem:v6+s8+$0x0 ss:$0x1], $0xffff  }
0x3bb: {  	s23 =	sadd.s32 $0xBD00, s6  }
0x3bc: {  	v11 =	vmov s23;
	_ =	sdelay $0x2  }
0x3bd: {  	s24 =	sadd.s32 $0x5100, s6;
	v7 =	vmul.f32 v15, v2  }
0x3be: {  	s25 =	sadd.s32 $0x6C00, s6;
	v10 =	vmov s24  }
0x3bf: {  	s28 =	simm.s32 $0x10;
	v9 =	vmov s25;
	v16 =	vld.idx.msk [tilespmem:v11+s8+$0x0 ss:$0x1], $0xffff;
	v17 =	vadd.f32 v7, v7  }
0x3c0: {  	v18 =	vld.idx.msk [tilespmem:v6+s28+$0x0 ss:$0x1], $0xffff  }
0x3c1: {  	v17 =	vmul.f32 $1.442695020e+00, v17  }
0x3c2: {  	v13 =	vmul.f32 v14, v13;
	v5 =	vadd.f32 v5, v5  }
0x3c3: {  	v19 =	vld.idx.msk [tilespmem:v10+s8+$0x0 ss:$0x1], $0xffff;
	(erf) = vpow2.f32 v17  }
0x3c4: {  	v13 =	vadd.f32 v13, v8;
	s26 =	sadd.s32 $0x8700, s6;
	v3 =	vmul.f32 $3.999999910e-02, v3;
	v5 =	vsub.f32 $1.000000000e+00, v5;
	v14 =	vld.idx.msk [tilespmem:v9+s8+$0x0 ss:$0x1], $0xffff  }
0x3c5: {  	s5 =	simm.s32 $0x20;
	v21 =	vld.idx.msk [tilespmem:v11+s28+$0x0 ss:$0x1], $0xffff;
	v22 =	vmul.f32 v18, v2;
	v7 =	vmov s26;
	v17 =	vlaneseq.u32  }
0x3c6: {  	v8 =	vsub.f32 $1.000000000e+00, v12;
	s2 =	simm.s32 $0x5100;
	vm2 =	vlt.f32 v18, $9.999999770e-03;
	v18 =	vld.idx.msk [tilespmem:v6+s5+$0x0 ss:$0x1], $0xffff;
	v17 =	vmul.u32 $0xFFFFFFFF, v17  }
0x3c7: {  	s4 =	simm.s32 $0x6C00;
	v23 =	vmul.f32 v5, v3;
	v22 =	vadd.f32 v22, v22;
	v24 =	vld.idx.msk [tilespmem:v16+s2+$0x0], $0xffff  }
0x3c8: {  	s3 =	simm.s32 $0x8700;
	s31 =	sadd.s32 $0x10, s9;
	v5 =	vmov s9;
	v3 =	vadd.f32 v8, v4;
	v12 =	vadd.s32 $0x1AEA, v17;
	v17 =	vld.idx.msk [tilespmem:v16+s4+$0x0], $0xffff  }
0x3c9: {  	v4 =	vld.idx.msk [tilespmem:v16+s3+$0x0], $0xffff;
	v16 =	vmul.f32 $1.442695020e+00, v22;
	v22 =	vmul.f32 v23, v8;
	v8 =	vmov s31  }
0x3ca: {  	vm1 =	vlt.f32 v15, $9.999999770e-03;
	v20 =	vld.idx.msk [tilespmem:v7+s8+$0x0 ss:$0x1], $0xffff;
	vm0 =	vlt.u32 v5, v12  }
0x3cb: {  	v15 =	vld.idx.msk [tilespmem:v10+s28+$0x0 ss:$0x1], $0xffff;
	vm3 =	vlt.f32 v18, $9.999999770e-03;
	vm0 =	vmand vm0, vm1  }
0x3cc: {  	vm1 =	vlt.u32 v8, v12;
	(erf) = vpow2.f32 v16;
	v16 =	vmul.f32 v24, v19;
	v19 =	vld.idx.msk [tilespmem:v11+s5+$0x0 ss:$0x1], $0xffff;
	v8 =	vpop (erf)  }
0x3cd: {  	v5 =	vimm.f32 $0.0e+00;
	v24 =	vld.idx.msk [tilespmem:v21+s2+$0x0], $0xffff;
	v14 =	vmul.f32 v17, v14;
	v17 =	vadd.f32 $1.000000000e+00, v8  }
0x3ce: {  	v25 =	vld.idx.msk [tilespmem:v9+s28+$0x0 ss:$0x1], $0xffff;
	v23 =	vsel vm0, $0x3F800000, v5;
	vm1 =	vmand vm1, vm2;
	vm0 =	vmmov vm0  }
0x3cf: {  	v14 =	vadd.f32 v14, v16;
	v16 =	vmul.f32 v4, v20;
	v20 =	vld.idx.msk [tilespmem:v21+s4+$0x0], $0xffff;
	(erf) = vrcp.f32 v17  }
0x3d0: {  	s6 =	sadd.s32 $0xF300, s6;
	v23 =	vadd.f32 v23, v5;
	vm0 =	vmmov vm0;
	v4 =	vadd.f32 v22, v13;
	v13 =	vld.idx.msk [tilespmem:v7+s28+$0x0 ss:$0x1], $0xffff  }
0x3d1: {  	v8 =	vmov s6;
	v21 =	vld.idx.msk [tilespmem:v21+s3+$0x0], $0xffff;
	v14 =	vadd.f32 v16, v14;
	v16 =	vmul.f32 v18, v2  }
0x3d2: {  	s9 =	sadd.s32 $0x10, s31;
	v27 =	vld.idx.msk [tilespmem:v9+s5+$0x0 ss:$0x1], $0xffff;
	v15 =	vmul.f32 v24, v15;
	s6 =	simm.s32 $0x30;
	v17 =	vsel vm1, $0x3F800000, v5;
	vm1 =	vmmov vm1  }
0x3d3: {  	v24 =	vld.idx.msk [tilespmem:v6+s6+$0x0 ss:$0x1], $0xffff;
	v22 =	vadd.f32 v17, v23;
	v17 =	vmov s9;
	s9 =	sadd.s32 $0x10, s9;
	v16 =	vadd.f32 v16, v16  }
0x3d4: {  	v23 =	vld.idx.msk [tilespmem:v10+s5+$0x0 ss:$0x1], $0xffff;
	vm2 =	vlt.u32 v17, v12;
	v14 =	vadd.f32 $1.000000000e+00, v14;
	v29 =	vmov s9  }
0x3d5: {  	v26 =	vld.idx.msk [tilespmem:v19+s2+$0x0], $0xffff;
	v18 =	vmul.f32 v20, v25;
	vm2 =	vmand vm2, vm3;
	v16 =	vmul.f32 $1.442695020e+00, v16  }
0x3d6: {  	v20 =	vld.idx.msk [tilespmem:v8+s8+$0x0 ss:$0x1], $0xffff;
	v25 =	vpop (erf);
	v13 =	vmul.f32 v21, v13;
	vm3 =	vmmov vm1;
	vm1 =	vlt.u32 v29, v12  }
0x3d7: {  	v28 =	vld.idx.msk [tilespmem:v19+s4+$0x0], $0xffff;
	v14 =	vnsel vm0, $0x0, v14;
	v25 =	vadd.f32 $1.000000000e+00, v25;
	(erf) = vpow2.f32 v16  }
0x3d8: {  	v17 =	vld.idx.msk [tilespmem:v7+s5+$0x0 ss:$0x1], $0xffff;
	vm0 =	vmmov vm2;
	v18 =	vadd.f32 v18, v15;
	v15 =	vsel vm2, $0x3F800000, v5;
	v21 =	vpop (erf)  }
0x3d9: {  	v14 =	vadd.f32 v14, v5;
	v16 =	vld.idx.msk [tilespmem:v11+s6+$0x0 ss:$0x1], $0xffff;
	(erf) = vrcp.f32 v25;
	v25 =	vadd.f32 v21, v21  }
0x3da: {  	v30 =	vmul.f32 v24, v2;
	v15 =	vadd.f32 v15, v22;
	v22 =	vld.idx.msk [tilespmem:v10+s6+$0x0 ss:$0x1], $0xffff;
	v13 =	vadd.f32 v13, v18  }
0x3db: {  	vm2 =	vlt.f32 v24, $9.999999770e-03;
	v18 =	vcvt.s32.f32 v20;
	v21 =	vld.idx.msk [tilespmem:v9+s6+$0x0 ss:$0x1], $0xffff;
	v25 =	vsub.f32 $1.000000000e+00, v25  }
0x3dc: {  	v24 =	vld.idx.msk [tilespmem:v19+s3+$0x0], $0xffff;
	v19 =	vimm.f32 $0.0e+00;
	v30 =	vadd.f32 v30, v30;
	v13 =	vadd.f32 $1.000000000e+00, v13  }
0x3dd: {  	v26 =	vmul.f32 v26, v23;
	vm1 =	vmand vm1, vm2;
	v20 =	vld.idx.msk [tilespmem:v7+s6+$0x0 ss:$0x1], $0xffff;
	v29 =	vmul.f32 v18, v25  }
0x3de: {  	s10 =	simm.s32 $0x140;
	s8 =	simm.s32 $0x40;
	v28 =	vmul.f32 v28, v27;
	v23 =	vld.idx.msk [tilespmem:v8+s28+$0x0 ss:$0x1], $0xffff;
	v27 =	vnsel vm3, $0x0, v13;
	v25 =	vimm.f32 $0.0e+00  }
.LBB2_14:
0x3df: {  	p1 =	sne.s32 s10, $0x680;
	v13 =	vld.idx.msk [tilespmem:v6+s8+$0x0 ss:$0x1], $0xffff;
	v34 =	vmul.f32 $1.442695020e+00, v30;
	v31 =	vsel vm1, $0x3F800000, v5;
	v25 =	vadd.f32 v29, v25;
	v29 =	vmovc v22;
	s0 =	smov.u32 s6;
	s6 =	smov.u32 s8  }
0x3e0: {  	v14 =	vadd.f32 v27, v14;
	v27 =	vmov v21;
	v32 =	vld.idx.msk [tilespmem:v11+s6+$0x0 ss:$0x1], $0xffff;
	v26 =	vadd.f32 v28, v26;
	v22 =	vpop (erf)  }
0x3e1: {  	v24 =	vmul.f32 v24, v17;
	v28 =	vld.idx.msk [tilespmem:v16+s2+$0x0], $0xffff;
	(erf) = vpow2.f32 v34;
	v21 =	vadd.f32 $1.000000000e+00, v22  }
0x3e2: {  	v19 =	vadd.f32 v18, v19;
	v15 =	vadd.f32 v31, v15;
	v17 =	vmov v20;
	v33 =	vld.idx.msk [tilespmem:v16+s4+$0x0], $0xffff;
	v30 =	vpop (erf)  }
0x3e3: {  	s9 =	sadd.s32 $0x10, s9;
	v26 =	vadd.f32 v24, v26;
	v22 =	vld.idx.msk [tilespmem:v10+s6+$0x0 ss:$0x1], $0xffff;
	(erf) = vrcp.f32 v21;
	v20 =	vadd.f32 v30, v30  }
.Ltmp7:
0x3e4: {  	vm2 =	vmmov vm0;
	vm0 =	vmmov vm1;
	v30 =	vmov s9;
	v21 =	vld.idx.msk [tilespmem:v9+s6+$0x0 ss:$0x1], $0xffff;
	(pc) =	sbr.rel @p1 .LBB2_14-.Ltmp7, $4  }
0x3e5: {  	v18 =	vcvt.s32.f32 v23;
	v31 =	vmul.f32 v13, v2;
	v24 =	vld.idx.msk [tilespmem:v16+s3+$0x0], $0xffff;
	v23 =	vsub.f32 $1.000000000e+00, v20;
	v16 =	vmovc v32  }
0x3e6: {  	vm1 =	vlt.u32 v30, v12;
	vm3 =	vlt.f32 v13, $9.999999770e-03;
	v13 =	vadd.f32 $1.000000000e+00, v26;
	v20 =	vld.idx.msk [tilespmem:v7+s6+$0x0 ss:$0x1], $0xffff  }
0x3e7: {  	v30 =	vadd.f32 v31, v31;
	v26 =	vmul.f32 v28, v29;
	v29 =	vmul.f32 v18, v23  }
0x3e8: {  	s8 =	sshra.s32 s10, $0x2;
	s10 =	sadd.s32 $0x40, s10;
	vm1 =	vmand vm1, vm3;
	v28 =	vmul.f32 v33, v27;
	v27 =	vnsel vm2, $0x0, v13;
	v23 =	vld.idx.msk [tilespmem:v8+s5+$0x0 ss:$0x1], $0xffff;
	s5 =	smov.u32 s0  }
0x3e9: {  	_ =	sdelay $0x3  }
0x3ea: {  	v31 =	vld.idx.msk [tilespmem:v6+s8+$0x0 ss:$0x1], $0xffff;
	_ =	sdelay $0x1  }
0x3eb: {  	v6 =	vlaneseq.u32;
	s0 =	sadd.s32 $0x0, s7;
	v30 =	vmul.f32 $1.442695020e+00, v30  }
0x3ec: {  	v13 =	vor.u32 s0, v6  }
0x3ed: {  	vm2 =	vlt.s32 v13, $0x309;
	(erf) = vpow2.f32 v30  }
0x3ee: {  	v32 =	vnsel vm2, $0x309, v13;
	v2 =	vmul.f32 v31, v2;
	_ =	sdelay $0x1  }
0x3ef: {  	v11 =	vld.idx.msk [tilespmem:v11+s8+$0x0 ss:$0x1], $0xffff;
	v30 =	vpop (erf);
	v33 =	vadd.s32 $0x30A, v32;
	v2 =	vadd.f32 v2, v2  }
0x3f0: {  	v25 =	vadd.f32 v29, v25;
	v29 =	vld.idx.msk [tilespmem:v16+s2+$0x0], $0xffff;
	v30 =	vadd.f32 $1.000000000e+00, v30  }
0x3f1: {  	s0 =	simm.s32 $0x11900;
	v17 =	vmul.f32 v24, v17;
	v24 =	vld.idx.msk [tilespmem:v16+s4+$0x0], $0xffff;
	v2 =	vmul.f32 $1.442695020e+00, v2  }
0x3f2: {  	v34 =	vsel vm1, $0x3F800000, v5;
	v14 =	vadd.f32 v27, v14;
	(erf) = vrcp.f32 v30;
	v30 =	vld.idx.msk [tilespmem:v32+s0+$0x0], $0xffff  }
0x3f3: {  	s9 =	sadd.s32 $0x10, s9;
	vm10 =	vmmov vm0;
	v26 =	vadd.f32 v28, v26;
	v16 =	vld.idx.msk [tilespmem:v16+s3+$0x0], $0xffff;
	v28 =	vpop (erf);
	(erf) = vpow2.f32 v2  }
0x3f4: {  	v15 =	vadd.f32 v34, v15;
	v28 =	vadd.f32 v28, v28;
	v27 =	vld.idx.msk [tilespmem:v33+s0+$0x0], $0xffff;
	v2 =	vmov s9  }
0x3f5: {  	v10 =	vld.idx.msk [tilespmem:v10+s8+$0x0 ss:$0x1], $0xffff;
	v17 =	vadd.f32 v17, v26;
	vm11 =	vlt.u32 v2, v12;
	v12 =	vmul.f32 v29, v22;
	v22 =	vpop (erf)  }
0x3f6: {  	v9 =	vld.idx.msk [tilespmem:v9+s8+$0x0 ss:$0x1], $0xffff;
	v23 =	vcvt.s32.f32 v23;
	v26 =	vsub.f32 $1.000000000e+00, v28;
	v22 =	vadd.f32 $1.000000000e+00, v22  }
0x3f7: {  	vm3 =	vlt.f32 v31, $9.999999770e-03;
	v21 =	vmul.f32 v24, v21;
	v24 =	vld.idx.msk [tilespmem:v8+s5+$0x0 ss:$0x1], $0xffff;
	v2 =	vadd.f32 $1.000000000e+00, v17  }
0x3f8: {  	v17 =	vmul.f32 v23, v26;
	v26 =	vld.idx.msk [tilespmem:v11+s2+$0x0], $0xffff;
	vm0 =	vmand vm11, vm3;
	(erf) = vrcp.f32 v22  }
0x3f9: {  	v18 =	vadd.f32 v18, v19;
	v16 =	vmul.f32 v16, v20;
	v20 =	vld.idx.msk [tilespmem:v11+s4+$0x0], $0xffff;
	s2 =	simm.s32 $0xA200;
	v19 =	vsel vm0, $0x3F800000, v5  }
0x3fa: {  	v2 =	vnsel vm10, $0x0, v2;
	v12 =	vadd.f32 v21, v12;
	v21 =	vld.idx.msk [tilespmem:v30+s2+$0x0], $0xffff  }
0x3fb: {  	vm12 =	vmmov vm1;
	v7 =	vld.idx.msk [tilespmem:v7+s8+$0x0 ss:$0x1], $0xffff;
	v14 =	vadd.f32 v2, v14;
	v2 =	vadd.f32 v19, v15;
	v15 =	vpop (erf)  }
0x3fc: {  	vm1 =	vmmov vm12;
	v18 =	vadd.f32 v23, v18;
	v12 =	vadd.f32 v16, v12;
	v22 =	vld.idx.msk [tilespmem:v27+s2+$0x0], $0xffff;
	v19 =	vpop (erf)  }
0x3fd: {  	v11 =	vld.idx.msk [tilespmem:v11+s3+$0x0], $0xffff;
	v15 =	vadd.f32 v15, v15;
	v10 =	vmul.f32 v26, v10;
	v16 =	vadd.f32 $1.000000000e+00, v19  }
0x3fe: {  	v9 =	vmul.f32 v20, v9;
	v17 =	vadd.f32 v17, v25;
	v19 =	vcvt.s32.f32 v24  }
0x3ff: {  	v15 =	vsub.f32 $1.000000000e+00, v15;
	(erf) = vrcp.f32 v16;
	v16 =	vmul.f32 v21, v0  }
0x400: {  	vm0 =	vmmov vm0;
	v12 =	vadd.f32 $1.000000000e+00, v12;
	v9 =	vadd.f32 v9, v10  }
0x401: {  	v20 =	vld.idx.msk [tilespmem:v8+s6+$0x0 ss:$0x1], $0xffff;
	v23 =	vmul.f32 v22, v0;
	v15 =	vmul.f32 v19, v15;
	v10 =	vpop (erf);
	v16 =	vadd.f32 v16, v16  }
0x402: {  	v7 =	vmul.f32 v11, v7;
	v12 =	vnsel vm1, $0x0, v12;
	v10 =	vadd.f32 v10, v10  }
0x403: {  	v11 =	vadd.f32 v23, v23;
	v15 =	vadd.f32 v15, v17;
	v16 =	vmul.f32 $1.442695020e+00, v16  }
0x404: {  	v17 =	vmul.f32 v21, v1;
	v21 =	vmul.f32 v22, v1;
	v10 =	vsub.f32 $1.000000000e+00, v10  }
0x405: {  	v7 =	vadd.f32 v7, v9;
	v9 =	vmul.f32 $1.442695020e+00, v11;
	(erf) = vpow2.f32 v16  }
0x406: {  	s31 =	sadd.s32 $0x10, s7;
	v8 =	vld.idx.msk [tilespmem:v8+s8+$0x0 ss:$0x1], $0xffff;
	v12 =	vadd.f32 v12, v14;
	v11 =	vcvt.s32.f32 v20;
	v16 =	vadd.f32 v21, v21  }
0x407: {  	v7 =	vadd.f32 $1.000000000e+00, v7;
	v20 =	vor.u32 s31, v6;
	(erf) = vpow2.f32 v9  }
0x408: {  	v17 =	vadd.f32 v17, v17;
	v9 =	vmul.f32 v11, v10;
	v16 =	vmul.f32 $1.442695020e+00, v16;
	v10 =	vpop (erf)  }
0x409: {  	v14 =	vadd.f32 v19, v18;
	vm13 =	vlt.s32 v20, $0x309;
	v10 =	vadd.f32 v10, v10  }
0x40a: {  	s3 =	simm.s32 $0xF300;
	v17 =	vmul.f32 $1.442695020e+00, v17;
	(erf) = vpow2.f32 v16;
	v16 =	vnsel vm13, $0x309, v20  }
0x40b: {  	s4 =	simm.s32 $0x11F80;
	v21 =	vcvt.s32.f32 v8;
	v22 =	vadd.s32 $0x30A, v16;
	v8 =	vsub.f32 $1.000000000e+00, v10;
	v10 =	vld.idx.msk [tilespmem:v30+s3+$0x0], $0xffff  }
0x40c: {  	vm0 =	vmmov vm0;
	v18 =	vld.idx.msk [tilespmem:v32+s4+$0x0], $0xffff;
	(erf) = vpow2.f32 v17  }
0x40d: {  	v7 =	vnsel vm0, $0x0, v7;
	v9 =	vadd.f32 v9, v15;
	v17 =	vld.idx.msk [tilespmem:v33+s4+$0x0], $0xffff;
	v15 =	vmul.f32 v21, v8  }
0x40e: {  	v8 =	vadd.f32 v7, v12;
	v7 =	vadd.f32 v11, v14;
	v12 =	vld.idx.msk [tilespmem:v27+s3+$0x0], $0xffff;
	v14 =	vpop (erf)  }
0x40f: {  	v11 =	vadd.f32 v15, v9;
	v15 =	vld.idx.msk [tilespmem:v16+s0+$0x0], $0xffff;
	v9 =	vadd.f32 $1.000000000e+00, v14  }
0x410: {  	vm14 =	vlt.u32 v13, $0x30A;
	v7 =	vadd.f32 v21, v7;
	v23 =	vld.idx.msk [tilespmem:v22+s0+$0x0], $0xffff;
	v21 =	vcvt.s32.f32 v10;
	v10 =	vpop (erf)  }
0x411: {  	vm15 =	vlt.u32 v20, $0x30A;
	v16 =	vld.idx.msk [tilespmem:v16+s4+$0x0], $0xffff;
	v10 =	vadd.f32 $1.000000000e+00, v10;
	(erf) = vrcp.f32 v9  }
0x412: {  	v14 =	vimm.f32 $0.0e+00;
	v17 =	vsub.f32 $1.000000000e+00, v17;
	v9 =	vsub.f32 $1.000000000e+00, v18  }
0x413: {  	v18 =	vld.idx.msk [tilespmem:v22+s4+$0x0], $0xffff;
	v13 =	vsub.f32 $1.000000000e+00, v21;
	v12 =	vcvt.s32.f32 v12;
	v19 =	vpop (erf);
	(erf) = vrcp.f32 v10  }
0x414: {  	v24 =	vsel vm14, $0x3F800000, v14;
	v10 =	vmul.f32 $1.000000010e-01, v17;
	v17 =	vadd.f32 $1.000000000e+00, v19  }
0x415: {  	v19 =	vpop (erf);
	v22 =	vmul.f32 $1.000000010e-01, v9;
	v13 =	vmul.f32 v13, v24;
	v25 =	vsub.f32 $1.000000000e+00, v12  }
0x416: {  	v26 =	vadd.f32 $1.000000000e+00, v19;
	v19 =	vmul.f32 v12, v24;
	v16 =	vsub.f32 $1.000000000e+00, v16  }
0x417: {  	(erf) = vrcp.f32 v17;
	v10 =	vadd.f32 $8.999999760e-01, v10;
	v17 =	vmul.f32 v25, v24;
	v25 =	vld.idx.msk [tilespmem:v15+s2+$0x0], $0xffff  }
0x418: {  	v28 =	vadd.f32 $8.999999760e-01, v22;
	(erf) = vrcp.f32 v26;
	v18 =	vsub.f32 $1.000000000e+00, v18;
	v26 =	vld.idx.msk [tilespmem:v23+s2+$0x0], $0xffff  }
0x419: {  	v9 =	vadd.f32 v13, v5;
	v12 =	vadd.f32 v19, v5;
	v27 =	vld.idx.msk [tilespmem:v15+s3+$0x0], $0xffff;
	v15 =	vmul.f32 $1.000000010e-01, v16  }
0x41a: {  	v20 =	vmul.f32 v10, v17;
	v10 =	vadd.f32 v17, v5;
	v22 =	vmul.f32 $1.000000010e-01, v18;
	v17 =	vld.idx.msk [tilespmem:v23+s3+$0x0], $0xffff;
	v16 =	vpop (erf)  }
0x41b: {  	v18 =	vmul.f32 v21, v24;
	v24 =	vmul.f32 v28, v13;
	v23 =	vadd.f32 v16, v16  }
0x41c: {  	v16 =	vsel vm15, $0x3F800000, v14;
	v13 =	vmul.f32 v25, v0;
	v30 =	vmul.f32 v25, v1;
	v21 =	vpop (erf)  }
0x41d: {  	v29 =	vmul.f32 v26, v0;
	v31 =	vmul.f32 v26, v1;
	v26 =	vadd.f32 v21, v21  }
0x41e: {  	v21 =	vcvt.s32.f32 v27;
	v23 =	vsub.f32 $1.000000000e+00, v23;
	v27 =	vadd.f32 v13, v13  }
0x41f: {  	v25 =	vcvt.s32.f32 v17;
	v17 =	vadd.f32 v29, v29;
	v13 =	vadd.f32 v18, v5  }
0x420: {  	v28 =	vpop (erf);
	v33 =	vadd.f32 v31, v31;
	v29 =	vsub.f32 $1.000000000e+00, v21;
	v34 =	vmul.f32 $1.442695020e+00, v27  }
0x421: {  	v31 =	vpop (erf);
	v32 =	vmul.f32 $1.442695020e+00, v17;
	v27 =	vmul.f32 v23, v18;
	v23 =	vimm.f32 $0.0e+00  }
0x422: {  	s5 =	simm.s32 $0x20;
	v18 =	vimm.f32 $0.0e+00;
	v17 =	vimm.f32 $0.0e+00;
	v31 =	vadd.f32 v31, v31  }
.LBB2_16:
0x423: {  	p1 =	sne.s32 s5, $0x30;
	v30 =	vadd.f32 v30, v30;
	(erf) = vpow2.f32 v34;
	v28 =	vadd.f32 v28, v28;
	s6 =	smov.u32 s5;
	s5 =	sadd.s32 $0x10, s5  }
0x424: {  	v33 =	vmul.f32 $1.442695020e+00, v33;
	v26 =	vsub.f32 $1.000000000e+00, v26;
	s6 =	sadd.s32 s6, s7;
	v31 =	vsub.f32 $1.000000000e+00, v31  }
0x425: {  	v29 =	vmul.f32 v29, v16;
	v34 =	vor.u32 s6, v6;
	(erf) = vpow2.f32 v32  }
0x426: {  	v19 =	vmul.f32 v26, v19;
	vm0 =	vlt.s32 v34, $0x309;
	(erf) = vpow2.f32 v33  }
0x427: {  	v30 =	vmul.f32 $1.442695020e+00, v30;
	v28 =	vsub.f32 $1.000000000e+00, v28;
	v26 =	vnsel vm0, $0x309, v34  }
0x428: {  	v5 =	vadd.f32 v27, v5;
	v24 =	vmul.f32 v31, v24;
	v32 =	vadd.s32 $0x30A, v26  }
0x429: {  	v23 =	vadd.f32 v19, v23;
	v19 =	vmul.f32 v28, v20;
	(erf) = vpow2.f32 v30  }
0x42a: {  	v9 =	vadd.f32 v29, v9;
	vm0 =	vlt.u32 v34, $0x30A;
	v18 =	vadd.f32 v24, v18  }
0x42b: {  	v31 =	vsub.f32 $1.000000000e+00, v25;
	v17 =	vadd.f32 v19, v17  }
0x42c: {  	v19 =	vmul.f32 v25, v16;
	v24 =	vld.idx.msk [tilespmem:v26+s0+$0x0], $0xffff;
	v25 =	vpop (erf)  }
0x42d: {  	v33 =	vadd.f32 $8.999999760e-01, v22;
	v28 =	vmul.f32 v31, v16;
	v27 =	vld.idx.msk [tilespmem:v32+s0+$0x0], $0xffff;
	v25 =	vadd.f32 $1.000000000e+00, v25  }
0x42e: {  	v12 =	vadd.f32 v19, v12;
	v30 =	vld.idx.msk [tilespmem:v32+s4+$0x0], $0xffff;
	v20 =	vpop (erf)  }
0x42f: {  	v26 =	vld.idx.msk [tilespmem:v26+s4+$0x0], $0xffff;
	v31 =	vadd.f32 $1.000000000e+00, v20;
	v20 =	vmul.f32 v33, v28;
	(erf) = vrcp.f32 v25;
	v22 =	vpop (erf)  }
0x430: {  	v10 =	vadd.f32 v28, v10;
	v22 =	vadd.f32 $1.000000000e+00, v22  }
0x431: {  	(erf) = vrcp.f32 v31  }
0x432: {  	v25 =	vpop (erf);
	(erf) = vrcp.f32 v22  }
0x433: {  	v22 =	vadd.f32 $1.000000000e+00, v25  }
0x434: {  	v28 =	vsub.f32 $1.000000000e+00, v30;
	v25 =	vld.idx.msk [tilespmem:v24+s2+$0x0], $0xffff  }
0x435: {  	v30 =	vsub.f32 $1.000000000e+00, v26;
	v31 =	vld.idx.msk [tilespmem:v27+s2+$0x0], $0xffff;
	(erf) = vrcp.f32 v22  }
0x436: {  	v22 =	vmul.f32 $1.000000010e-01, v28;
	v32 =	vld.idx.msk [tilespmem:v24+s3+$0x0], $0xffff  }
0x437: {  	v24 =	vadd.f32 $8.999999760e-01, v15;
	v15 =	vmul.f32 $1.000000010e-01, v30;
	v27 =	vld.idx.msk [tilespmem:v27+s3+$0x0], $0xffff  }
0x438: {  	v26 =	vpop (erf)  }
0x439: {  	v35 =	vmul.f32 v21, v16;
	v24 =	vmul.f32 v24, v29;
	v33 =	vadd.f32 v26, v26  }
0x43a: {  	v16 =	vsel vm0, $0x3F800000, v14;
	v29 =	vmul.f32 v25, v0;
	v30 =	vmul.f32 v25, v1;
	v21 =	vpop (erf)  }
.Ltmp8:
0x43b: {  	v34 =	vmul.f32 v31, v0;
	v37 =	vmul.f32 v31, v1;
	v26 =	vadd.f32 v21, v21;
	v28 =	vpop (erf);
	(pc) =	sbr.rel @p1 .LBB2_16-.Ltmp8, $4  }
0x43c: {  	v21 =	vcvt.s32.f32 v32;
	v29 =	vadd.f32 v29, v29;
	v36 =	vsub.f32 $1.000000000e+00, v33  }
0x43d: {  	v13 =	vadd.f32 v35, v13;
	v25 =	vcvt.s32.f32 v27;
	v27 =	vadd.f32 v34, v34  }
0x43e: {  	v33 =	vadd.f32 v37, v37;
	v34 =	vmul.f32 $1.442695020e+00, v29;
	v29 =	vsub.f32 $1.000000000e+00, v21;
	v31 =	vpop (erf)  }
0x43f: {  	v32 =	vmul.f32 $1.442695020e+00, v27;
	v27 =	vmul.f32 v36, v35;
	v31 =	vadd.f32 v31, v31  }
0x440: {  	v0 =	vadd.f32 v30, v30  }
0x441: {  	(erf) = vpow2.f32 v34;
	v1 =	vmul.f32 $1.442695020e+00, v33  }
0x442: {  	(erf) = vpow2.f32 v32;
	v0 =	vmul.f32 $1.442695020e+00, v0  }
0x443: {  	(erf) = vpow2.f32 v1  }
0x444: {  	(erf) = vpow2.f32 v0;
	_ =	sdelay $0x5  }
0x445: {  	v48 =	vpop (erf)  }
0x446: {  	v0 =	vadd.f32 $1.000000000e+00, v48;
	v49 =	vpop (erf)  }
0x447: {  	v1 =	vadd.f32 $1.000000000e+00, v49;
	v6 =	vpop (erf)  }
0x448: {  	(erf) = vrcp.f32 v0;
	v50 =	vadd.f32 $1.000000000e+00, v6;
	v51 =	vpop (erf)  }
0x449: {  	(erf) = vrcp.f32 v1;
	v52 =	vadd.f32 $1.000000000e+00, v51  }
0x44a: {  	(erf) = vrcp.f32 v50  }
0x44b: {  	(erf) = vrcp.f32 v52;
	_ =	sdelay $0x3  }
0x44c: {  	v53 =	vsub.f32 $1.000000000e+00, v26  }
0x44d: {  	v54 =	vadd.f32 v28, v28;
	v14 =	vmul.f32 v29, v16;
	v57 =	vsub.f32 $1.000000000e+00, v25  }
0x44e: {  	v59 =	vadd.f32 $8.999999760e-01, v22;
	v61 =	vmul.f32 v25, v16;
	v15 =	vadd.f32 $8.999999760e-01, v15;
	v56 =	vpop (erf)  }
0x44f: {  	v21 =	vmul.f32 v21, v16;
	v55 =	vsub.f32 $1.000000000e+00, v31;
	v5 =	vadd.f32 v27, v5;
	v58 =	vpop (erf)  }
0x450: {  	v63 =	vmul.f32 v57, v16;
	v0 =	vmul.f32 v53, v19;
	v19 =	vadd.f32 v56, v56;
	v60 =	vpop (erf)  }
0x451: {  	v6 =	vmul.f32 v55, v24;
	v1 =	vsub.f32 $1.000000000e+00, v54;
	v24 =	vadd.f32 v58, v58;
	v62 =	vpop (erf)  }
0x452: {  	v15 =	vmul.f32 v15, v14;
	v19 =	vsub.f32 $1.000000000e+00, v19;
	v26 =	vadd.f32 v62, v62  }
0x453: {  	v30 =	vmul.f32 v59, v63;
	v22 =	vadd.f32 v60, v60;
	v28 =	vsub.f32 $1.000000000e+00, v24  }
0x454: {  	(xrf2) =	vadd.scan.msk.f32 $0xffff, v11;
	v0 =	vadd.f32 v0, v23;
	v19 =	vmul.f32 v19, v21;
	v29 =	vsub.f32 $1.000000000e+00, v26  }
0x455: {  	v1 =	vmul.f32 v1, v20;
	v22 =	vsub.f32 $1.000000000e+00, v22;
	v31 =	vmul.f32 v28, v61  }
0x456: {  	(xrf2) =	vadd.scan.msk.f32 $0xffff, v8;
	v6 =	vadd.f32 v6, v18;
	v5 =	vadd.f32 v19, v5;
	v15 =	vmul.f32 v29, v15  }
0x457: {  	(xrf2) =	vadd.scan.msk.f32 $0xffff, v4;
	v1 =	vadd.f32 v1, v17;
	v32 =	vmul.f32 v22, v30;
	v0 =	vadd.f32 v31, v0  }
0x458: {  	(xrf2) =	vadd.scan.msk.f32 $0xffff, v5;
	v33 =	vadd.f32 v15, v6  }
0x459: {  	v1 =	vadd.f32 v32, v1;
	(xrf2) =	vadd.scan.msk.f32 $0xffff, v0  }
0x45a: {  	(xrf2) =	vadd.scan.msk.f32 $0xffff, v33  }
0x45b: {  	(xrf2) =	vadd.scan.msk.f32 $0xffff, v1  }
0x45c: {  	(xrf2) =	vadd.scan.msk.f32 $0xffff, v7;
	_ =	sdelay $0x1  }
0x45d: {  	v34, _, _ =	vpop (xrf2);
	(xrf2) =	vadd.scan.msk.f32 $0xffff, v2;
	_ =	sdelay $0x1  }
0x45e: {  	v35 =	vadd.f32 v21, v13;
	v36, _, _ =	vpop (xrf2);
	v0 =	vbroadcast v34, $0xF;
	(xrf2) =	vadd.scan.msk.f32 $0xffff, v3  }
0x45f: {  	vm2 =	vmmov $0x1;
	v37, _, _ =	vpop (xrf2)  }
0x460: {  	v38 =	vadd.f32 v61, v12;
	v0 =	vnsel vm2, $0x0, v0;
	v2 =	vbroadcast v36, $0xF;
	(xrf2) =	vadd.scan.msk.f32 $0xffff, v35;
	v5, _, _ =	vpop (xrf2)  }
0x461: {  	vm0 =	vcmask $0x704;
	v0 =	vadd.f32 $0.0e+00, v0;
	v39, _, _ =	vpop (xrf2)  }
0x462: {  	v40 =	vadd.f32 v14, v9;
	v3 =	vbroadcast v37, $0xF;
	v2 =	vnsel vm0, $0x0, v2;
	(xrf2) =	vadd.scan.msk.f32 $0xffff, v38;
	v41, _, _ =	vpop (xrf2)  }
0x463: {  	vm1 =	vcmask $0xB08;
	v0 =	vadd.f32 v2, v0;
	v42, _, _ =	vpop (xrf2)  }
0x464: {  	v44 =	vadd.f32 v63, v10;
	v3 =	vnsel vm1, $0x0, v3;
	v43 =	vbroadcast v5, $0xF;
	(xrf2) =	vadd.scan.msk.f32 $0xffff, v40;
	v45, _, _ =	vpop (xrf2)  }
0x465: {  	vm3 =	vcmask $0xF0C;
	v0 =	vadd.f32 v0, v3;
	v3 =	vbroadcast v45, $0xF  }
0x466: {  	v1 =	vbroadcast v39, $0xF;
	v4 =	vnsel vm3, $0x0, v43;
	v46, _, _ =	vpop (xrf2);
	(xrf2) =	vadd.scan.msk.f32 $0xffff, v44  }
0x467: {  	v0 =	vadd.f32 v4, v0;
	v4 =	vbroadcast v46, $0xF;
	v3 =	vnsel vm2, $0x0, v3  }
0x468: {  	vm4 =	vcmask $0x1310;
	vm5 =	vcmask $0x1B18;
	v47, _, _ =	vpop (xrf2);
	v3 =	vadd.f32 $0.0e+00, v3  }
0x469: {  	v1 =	vnsel vm4, $0x0, v1;
	v5 =	vbroadcast v47, $0xF;
	v4 =	vnsel vm0, $0x0, v4  }
0x46a: {  	v48 =	vbroadcast v41, $0xF;
	v0 =	vadd.f32 v1, v0;
	v49, _, _ =	vpop (xrf2);
	v3 =	vadd.f32 v4, v3  }
0x46b: {  	vm2 =	vcmask $0x1714;
	v52 =	vbroadcast v49, $0xF;
	v51 =	vnsel vm1, $0x0, v5  }
0x46c: {  	v2 =	vbroadcast v42, $0xF;
	v50 =	vnsel vm2, $0x0, v48;
	v53, _, _ =	vpop (xrf2);
	v54 =	vadd.f32 v3, v51  }
0x46d: {  	v0 =	vadd.f32 v0, v50;
	v56 =	vbroadcast v53, $0xF;
	v55 =	vnsel vm3, $0x0, v52  }
0x46e: {  	v2 =	vnsel vm5, $0x0, v2;
	v57, _, _ =	vpop (xrf2);
	v1 =	vadd.f32 v55, v54  }
0x46f: {  	v59 =	vbroadcast v57, $0xF;
	v0 =	vadd.f32 v2, v0;
	v58 =	vnsel vm4, $0x0, v56  }
0x470: {  	v60, _, _ =	vpop (xrf2);
	v1 =	vadd.f32 v58, v1  }
0x471: {  	s2 =	simm.s32 $0x14780;
	s0 =	simm.s32 $0x2;
	v61 =	vnsel vm2, $0x0, v59;
	[tilespmem:$0x14780] =	vst v0;
	v62 =	vbroadcast v60, $0xF  }
0x472: {  	[spmem:s29] =	stream.linear.scatter [tilespmem:s2], [sflag:$0x2], $0x10, $0x38;
	v0 =	vadd.f32 v1, v61;
	[tilespmem:$0x1A260] =	vst v63  }
0x473: {  	_ =	swait.ge [sflag:s0], $0x10;
	v63 =	vnsel vm5, $0x0, v62  }
0x474: {  	[sflag:s0] =	ssyncset.done $0x0;
	v0 =	vadd.f32 v63, v0  }
0x475: {  	[sflag:s0] =	ssyncadd.s32 $0xFFFFFFF0  }
0x476: {  	[tilespmem:$0x14780] =	vst v0  }
0x477: {  	[spmem:s30] =	stream.linear.scatter [tilespmem:s2], [sflag:$0x2], $0x10, $0x38;
	[tilespmem:$0x1A260] =	vst v63  }
0x478: {  	_ =	swait.ge [sflag:s0], $0x10  }
.Ltmp9:
0x479: {  	[sflag:s0] =	ssyncset.done $0x0;
	(pc) =	sbr.rel @p0 .LBB2_19-.Ltmp9, $4  }
0x47a: {  	[sflag:s0] =	ssyncadd.s32 $0xFFFFFFF0  }
0x47b: {  	[bflag:$0x0] =	sbarrier.arrive $0xFFFF  }
0x47c: {  	s6 =	rddreg [dreg:$0xc]  }
0x47d: {  	s5 =	rddreg [dreg:$0x3]  }
0x47e: {  	s3 =	simm.s32 $0x14800  }
0x47f: {  	[tilespmem:s3], [sflag:$0x2] =	stream.linear.gather [spmem:s20], $0x200, $0x38;
	[tilespmem:$0x1A260] =	vst v63  }
0x480: {  	_ =	swait.ge [sflag:s0], $0x200  }
0x481: {  	[sflag:s0] =	ssyncset.done $0x0  }
0x482: {  	[sflag:s0] =	ssyncadd.s32 $0xFFFFFE00  }
0x483: {  	v0 =	vld [tilespmem:$0x14810];
	_ =	sdelay $0x1  }
0x484: {  	v1 =	vld [tilespmem:$0x14830];
	_ =	sdelay $0x1  }
0x485: {  	v2 =	vld [tilespmem:$0x14850]  }
0x486: {  	v0 =	vadd.f32 $0.0e+00, v0  }
0x487: {  	v3 =	vld [tilespmem:$0x14870]  }
0x488: {  	v0 =	vadd.f32 v1, v0  }
0x489: {  	v33 =	vld [tilespmem:$0x14890]  }
0x48a: {  	v0 =	vadd.f32 v2, v0  }
0x48b: {  	v34 =	vld [tilespmem:$0x148B0]  }
0x48c: {  	v4 =	vld [tilespmem:$0x14800];
	v0 =	vadd.f32 v3, v0  }
0x48d: {  	v35 =	vld [tilespmem:$0x148D0]  }
0x48e: {  	v5 =	vld [tilespmem:$0x14820];
	v0 =	vadd.f32 v33, v0  }
0x48f: {  	v36 =	vld [tilespmem:$0x148F0]  }
0x490: {  	v6 =	vld [tilespmem:$0x14840];
	v0 =	vadd.f32 v34, v0  }
0x491: {  	v38 =	vld [tilespmem:$0x14910];
	v37 =	vadd.f32 $0.0e+00, v4  }
0x492: {  	v39 =	vld [tilespmem:$0x14860];
	v0 =	vadd.f32 v35, v0  }
0x493: {  	v40 =	vld [tilespmem:$0x14930];
	v2 =	vadd.f32 v5, v37  }
0x494: {  	v41 =	vld [tilespmem:$0x14880];
	v0 =	vadd.f32 v36, v0  }
0x495: {  	v42 =	vld [tilespmem:$0x14950];
	v2 =	vadd.f32 v6, v2  }
0x496: {  	v43 =	vld [tilespmem:$0x148A0];
	v0 =	vadd.f32 v38, v0  }
0x497: {  	v44 =	vld [tilespmem:$0x14970];
	v2 =	vadd.f32 v39, v2  }
0x498: {  	v45 =	vld [tilespmem:$0x148C0];
	v0 =	vadd.f32 v40, v0  }
0x499: {  	v46 =	vld [tilespmem:$0x14990];
	v1 =	vadd.f32 v41, v2  }
0x49a: {  	v47 =	vld [tilespmem:$0x148E0];
	v0 =	vadd.f32 v42, v0  }
0x49b: {  	v48 =	vld [tilespmem:$0x149B0];
	v1 =	vadd.f32 v43, v1  }
0x49c: {  	v49 =	vld [tilespmem:$0x14900];
	v0 =	vadd.f32 v44, v0  }
0x49d: {  	v50 =	vld [tilespmem:$0x149D0];
	v1 =	vadd.f32 v45, v1  }
0x49e: {  	v51 =	vld [tilespmem:$0x14920];
	v0 =	vadd.f32 v46, v0  }
0x49f: {  	v52 =	vld [tilespmem:$0x149F0];
	v1 =	vadd.f32 v47, v1  }
0x4a0: {  	v53 =	vld [tilespmem:$0x14940];
	v0 =	vadd.f32 v48, v0  }
0x4a1: {  	v1 =	vadd.f32 v49, v1  }
0x4a2: {  	v54 =	vld [tilespmem:$0x14960];
	v0 =	vadd.f32 v50, v0  }
0x4a3: {  	v1 =	vadd.f32 v51, v1  }
0x4a4: {  	v55 =	vld [tilespmem:$0x14980];
	v0 =	vadd.f32 v52, v0  }
0x4a5: {  	v1 =	vadd.f32 v53, v1  }
0x4a6: {  	v56 =	vld [tilespmem:$0x149A0];
	v0 =	vmax.f32 v0, $1.000000000e+00  }
0x4a7: {  	v1 =	vadd.f32 v54, v1;
	(erf) = vrcp.f32 v0  }
0x4a8: {  	v57 =	vld [tilespmem:$0x149C0]  }
0x4a9: {  	v1 =	vadd.f32 v55, v1  }
0x4aa: {  	v58 =	vld [tilespmem:$0x149E0]  }
0x4ab: {  	v1 =	vadd.f32 v56, v1;
	_ =	sdelay $0x1  }
0x4ac: {  	vm2 =	vcmask $0x300;
	v59 =	vimm.f32 $0.0e+00;
	v0 =	vadd.f32 v57, v1  }
0x4ad: {  	v1 =	vsel vm2, $0x3D0F5C29, v59  }
0x4ae: {  	v1 =	vsel vm0, $0x3A83126F, v1;
	v0 =	vadd.f32 v58, v0  }
0x4af: {  	vm14 =	vcmask $0x130C;
	v1 =	vsel vm1, $0x40A00000, v1;
	v60 =	vpop (erf)  }
0x4b0: {  	vm15 =	vcmask $0x1B14;
	v61 =	vld [tilespmem:$0x14A00];
	v1 =	vsel vm14, $0x3B16BB99, v1;
	v0 =	vmul.f32 v60, v0  }
0x4b1: {  	v1 =	vsel vm15, $0x3A83126F, v1  }
0x4b2: {  	v0 =	vmul.f32 v1, v0;
	_ =	sdelay $0x1  }
0x4b3: {  	(xrf2) =	vadd.scan.msk.f32 $0xffff, v0  }
0x4b4: {  	(xrf2) =	vadd.scan.msk.f32 $0xffff, v61;
	_ =	sdelay $0x8  }
0x4b5: {  	v0, _, _ =	vpop (xrf2)  }
0x4b6: {  	(v2sf) =	vpush v0, $0xF;
	v62, _, _ =	vpop (xrf2)  }
0x4b7: {  	(v2sf) =	vpush v62, $0xF;
	_ =	sdelay $0xd  }
0x4b8: {  	s28 =	spop (v2sf)  }
0x4b9: {  	s4 =	spop (v2sf)  }
0x4ba: {  	s3 =	sadd.f32 s28, s4;
	_ =	sdelay $0x1  }
0x4bb: {  	v63 =	vmov s3  }
0x4bc: {  	v0 =	vnsel vm2, $0x0, v63  }
0x4bd: {  	s29 =	simm.s32 $0x0;
	[tilespmem:$0x14780] =	vst v0  }
0x4be: {  	[hbm4b:s5+s29] =	stream.linear.scatter [tilespmem:s2], [sflag:$0x2], $0x80, $0x38;
	[tilespmem:$0x1A260] =	vst v63  }
0x4bf: {  	_ =	swait.ge [sflag:s0], $0x80  }
0x4c0: {  	s1 =	sshrl.u32 s1, $0x3;
	[sflag:s0] =	ssyncset.done $0x0  }
0x4c1: {  	s30 =	simm.s32 $0x1C02;
	s31 =	rddreg [dreg:$0xd];
	[sflag:s0] =	ssyncadd.s32 $0xFFFFFF80  }
0x4c2: {  	[hbm:s31], [sflag:s30] =	dma.local [spmem:s1], $0x360  }
0x4c3: {  	_ =	swait.ge [sflag:s0], $0x360  }
0x4c4: {  	[sflag:s0] =	ssyncset.done $0x0  }
0x4c5: {  	[sflag:s0] =	ssyncadd.s32 $0xFFFFFCA0  }
.LBB2_19:
0x4c6: {  	_ =	sfence.sel $0x180000  }
0x4c7: {  	[bflag:$0x0] =	sbarrier.arrive $0xFFFF  }
0x4c8: {  	_ =	strace $0x90000047  }
0x4c9: {  	s0 =	sadd.s32 @!p0 $0x100000, s6;
	[bflag:$0x2] =	sbarrier.arrive $0xFFFF  }
0x4ca: {  	[sflag:s0] =	ssyncadd.tile.s32 @!p0 $0x1;
	_ =	shalt  }
.Lfunc_end2:
_tile_overlayer_lowered:
.L_overlay_start_2:
0x4cb: {  	(tag) =	ssettag $0x2  }
0x4cc: {  	s0 =	rddreg [dreg:$0x0];
	s2 =	stileid.u32  }
0x4cd: {  	s1 =	rddreg [dreg:$0x1];
	p0 =	sne.s32 s2, $0x0  }
0x4ce: {  	s3 =	rddreg [dreg:$0x2];
	[bflag:$0x3] =	sbarrier.arrive $0xFFFF;
	s2 =	simm.s32 @!p0 $0x1C02  }
0x4cf: {  	[timem:s3], [sflag:s2] =	dma.local @!p0 [hbm:s0], s1  }
0x4d0: {  	s0 =	simm.s32 @!p0 $0x2  }
0x4d1: {  	_ =	swait.ge @!p0 [sflag:s0], s1  }
0x4d2: {  	s1 =	ssub.s32 @!p0 $0x0, s1;
	[sflag:s0] =	ssyncset.done @!p0 $0x0  }
0x4d3: {  	[sflag:s0] =	ssyncadd.s32 @!p0 s1  }
0x4d4: {  	[bflag:$0x3] =	sbarrier.arrive $0xFFFF  }
0x4d5: {  	_ =	shalt  }

</sc_bundles>
